<compile_context>
chip_gen: v7x
topology: tpu7x:2x2x1
jax: 0.10.2.dev20260603
libtpu: 0.0.44.dev20260713+nightly
codegen_flags: <defaults>
</compile_context>

<pallas_src>
import dataclasses
import functools

import jax
import jax.numpy as jnp
from jax import lax
from jax.experimental import pallas as pl
from jax.experimental.pallas import tpu as pltpu
from jax.experimental.pallas import tpu_sc as plsc

_BATCH = 16384
_GOAL_DIM = 16
_NODES = 1_000_000
_NUM_WORKERS = 32
_B_PER_W = _BATCH // _NUM_WORKERS
_CHUNK = 128
_LANES = 16
_GROUPS = _NODES // 8
_SLABS = (_NODES + 127) // 128
_SLABS_PER_W = (_SLABS + _NUM_WORKERS - 1) // _NUM_WORKERS


def _mesh_and_params():
    mesh = plsc.VectorSubcoreMesh(core_axis_name="c", subcore_axis_name="s")
    cp = pltpu.CompilerParams()
    if "needs_layout_passes" in pltpu.CompilerParams.__dataclass_fields__:
        cp = dataclasses.replace(cp, needs_layout_passes=False)
    return mesh, cp


def kernel(node_ids, weight):
    idx = node_ids.astype(jnp.int32)
    w_t = weight.T
    mesh, cp = _mesh_and_params()

    @functools.partial(
        pl.kernel,
        mesh=mesh,
        compiler_params=cp,
        out_type=jax.ShapeDtypeStruct((_GROUPS, 128), jnp.float32),
        scratch_types=[
            pltpu.VMEM((_GOAL_DIM, 128), jnp.float32),
            pltpu.VMEM((_GOAL_DIM, 128), jnp.float32),
            pltpu.VMEM((_GOAL_DIM, 128), jnp.float32),
            pltpu.VMEM((_GOAL_DIM, 128), jnp.float32),
            pltpu.SemaphoreType.DMA,
            pltpu.SemaphoreType.DMA,
            pltpu.SemaphoreType.DMA,
            pltpu.SemaphoreType.DMA,
        ],
    )
    def _relayout(w_hbm, g_hbm, in0, in1, out0, out1, sem_i0, sem_i1,
                  sem_o0, sem_o1):
        wid = lax.axis_index("c") * 16 + lax.axis_index("s")
        k0 = wid * _SLABS_PER_W
        n_full = jnp.minimum(
            jnp.maximum(_SLABS - 1 - k0, 0), _SLABS_PER_W
        )
        lane = lax.iota(jnp.int32, _LANES)
        ins = (in0, in1)
        outs = (out0, out1)
        sem_ins = (sem_i0, sem_i1)
        sem_outs = (sem_o0, sem_o1)

        def start_in(k, p):
            pltpu.async_copy(
                w_hbm.at[:, pl.ds((k0 + k) * 128, 128)], ins[p], sem_ins[p]
            )

        def wait_in(k, p):
            pltpu.make_async_copy(
                w_hbm.at[:, pl.ds((k0 + k) * 128, 128)], ins[p], sem_ins[p]
            ).wait()

        def start_out(k, p):
            pltpu.async_copy(
                outs[p], g_hbm.at[pl.ds((k0 + k) * 16, 16), :], sem_outs[p]
            )

        def wait_out(k, p):
            pltpu.make_async_copy(
                outs[p], g_hbm.at[pl.ds((k0 + k) * 16, 16), :], sem_outs[p]
            ).wait()

        def transpose_slab(buf, out_b):
            for g in range(16):
                for s in range(8):
                    out_b[g, pl.ds(s * _LANES, _LANES)] = plsc.load_gather(
                        buf, [lane, jnp.full((_LANES,), 8 * g + s, jnp.int32)]
                    )

        def step(k, p):
            @pl.when(k < n_full)
            def _():
                wait_in(k, p)

                @pl.when(k >= 2)
                def _():
                    wait_out(k - 2, p)

                transpose_slab(ins[p], outs[p])
                start_out(k, p)

                @pl.when(k + 2 < n_full)
                def _():
                    start_in(k + 2, p)

        @pl.when(n_full > 0)
        def _():
            start_in(0, 0)

            @pl.when(n_full > 1)
            def _():
                start_in(1, 1)

            @pl.loop(0, _SLABS_PER_W, step=2)
            def _(k):
                step(k, 0)
                step(k + 1, 1)

            @pl.when(n_full >= 2)
            def _():
                wait_out(n_full - 2, 1)

            @pl.when(n_full >= 1)
            def _():
                wait_out(n_full - 1, 0)


    @functools.partial(
        pl.kernel,
        mesh=mesh,
        compiler_params=cp,
        out_type=jax.ShapeDtypeStruct((_GOAL_DIM, _BATCH), jnp.float32),
        scratch_types=[
            pltpu.VMEM((_B_PER_W,), jnp.int32),
            pltpu.VMEM((_B_PER_W,), jnp.int32),
            pltpu.VMEM((_B_PER_W, 128), jnp.float32),
            pltpu.VMEM((_GOAL_DIM, _B_PER_W), jnp.float32),
            pltpu.VMEM((8, 128), jnp.float32),
            pltpu.SemaphoreType.DMA,
        ],
    )
    def _gather(g_hbm, t_hbm, i_hbm, o_hbm, idx_v, grp_v, blk_v, out_v,
                tail_sp, sem):
        wid = lax.axis_index("c") * 16 + lax.axis_index("s")
        base = wid * _B_PER_W

        pltpu.sync_copy(t_hbm, tail_sp)
        pltpu.sync_copy(i_hbm.at[pl.ds(base, _B_PER_W)], idx_v)

        @pl.loop(0, _B_PER_W, step=_LANES)
        def _(c):
            grp_v[pl.ds(c, _LANES)] = idx_v[pl.ds(c, _LANES)] >> 3

        @pl.loop(0, _B_PER_W, step=_CHUNK)
        def _(c):
            pltpu.async_copy(
                g_hbm.at[grp_v.at[pl.ds(c, _CHUNK)]],
                blk_v.at[pl.ds(c, _CHUNK), :],
                sem,
            )

        @pl.loop(0, _B_PER_W, step=_CHUNK)
        def _(c):
            pltpu.make_async_copy(
                g_hbm.at[grp_v.at[pl.ds(c, _CHUNK)]],
                blk_v.at[pl.ds(c, _CHUNK), :],
                sem,
            ).wait()

        lane = lax.iota(jnp.int32, _LANES)

        @pl.loop(0, _B_PER_W, step=_LANES)
        def _(c):
            b_vec = c + lane
            grp_c = grp_v[pl.ds(c, _LANES)]
            is_tail = grp_c >= _GROUPS - 8
            tg = jnp.where(is_tail, grp_c - (_GROUPS - 8), 0)
            sub16 = (idx_v[pl.ds(c, _LANES)] & 7) * 16
            for l in range(_LANES):
                main = plsc.load_gather(blk_v, [b_vec, sub16 + l])
                tailv = plsc.load_gather(tail_sp, [tg, sub16 + l])
                out_v[l, pl.ds(c, _LANES)] = jnp.where(is_tail, tailv, main)

        pltpu.sync_copy(out_v, o_hbm.at[:, pl.ds(base, _B_PER_W)])

    tail_tbl = weight[_NODES - 64:].reshape(8, 128)
    grouped = _relayout(w_t)
    out_t = _gather(grouped, tail_tbl, idx)
    return out_t.T

# --- scband reference (transcript-rebuilt; emitter-appended) ---
"""Pipeline reference for scband-goal-embedding-79525614453026 (READ-ONLY COPY).

The authoritative reference and input builder live on the scoring server;
editing this copy changes nothing except your own understanding.
"""

import jax, jax.numpy as jnp
import numpy as np

NUM_NODES = 1000000
GOAL_DIM = 16
BATCH = 16384

def setup_inputs(seed: int = 0) -> dict:
    key = jax.random.key(seed)
    k_idx, k_w = jax.random.split(key)
    node_ids = jax.random.randint(k_idx, (BATCH,), 0, NUM_NODES, dtype=jnp.int64 if jax.config.jax_enable_x64 else jnp.int32)
    # nn.Embedding default init: N(0, 1)
    weight = jax.random.normal(k_w, (NUM_NODES, GOAL_DIM), dtype=jnp.float32)
    return {"node_ids": node_ids, "weight": weight}

def reference(node_ids, weight):
    # Embedding lookup: gather rows of the table
    return jnp.take(weight, node_ids, axis=0)

if __name__ == "__main__":
    import jax
    _d = setup_inputs()
    print(jax.jit(kernel)(*tuple(_d.values())))

</pallas_src>

<mosaic_0001>
#map = affine_map<(d0, d1) -> (0, 0)>
#map1 = affine_map<(d0, d1) -> (0)>
module attributes {stable_mosaic.version = 14 : i64} {
  func.func @_gather(%arg0: i32, %arg1: i32, %arg2: memref<125000x128xf32, #tpu.memory_space<hbm>>, %arg3: memref<8x128xf32, #tpu.memory_space<hbm>>, %arg4: memref<16384xi32, #tpu.memory_space<hbm>>, %arg5: memref<16x16384xf32, #tpu.memory_space<hbm>>, %arg6: memref<512xi32, #tpu.memory_space<vmem>>, %arg7: memref<512xi32, #tpu.memory_space<vmem>>, %arg8: memref<512x128xf32, #tpu.memory_space<vmem>>, %arg9: memref<16x512xf32, #tpu.memory_space<vmem>>, %arg10: memref<8x128xf32, #tpu.memory_space<vmem>>, %arg11: memref<!tpu.dma_semaphore, #tpu.memory_space<semaphore_mem>>) attributes {dimension_semantics = [#tpu.dimension_semantics<core_parallel>, #tpu.dimension_semantics<subcore_parallel>], iteration_bounds = array<i64: 2, 16>, scalar_prefetch = 0 : i64, scratch_operands = 6 : i64, tpu.core_type = #tpu.core_type<sc_vector_subcore>, window_params = [{transform_indices = #map}, {transform_indices = #map}, {transform_indices = #map1}, {transform_indices = #map}]} {
    %mul3A = arith.constant 16 : i32
    %mul3A_0 = arith.muli %arg0, %mul3A : i32
    %add3A = arith.addi %mul3A_0, %arg1 : i32
    %mul3A_1 = arith.constant 512 : i32
    %mul3A_2 = arith.muli %add3A, %mul3A_1 : i32
    "tpu.region"() ({
      %run_scoped3A = tpu.sem_alloc : memref<!tpu.dma_semaphore, #tpu.memory_space<semaphore_mem>>
      tpu.enqueue_dma source(%arg3 : memref<8x128xf32, #tpu.memory_space<hbm>>) target(%arg10 : memref<8x128xf32, #tpu.memory_space<vmem>>) target_semaphore(%run_scoped3A : memref<!tpu.dma_semaphore, #tpu.memory_space<semaphore_mem>>)
      tpu.wait_dma2 semaphore(%run_scoped3A : memref<!tpu.dma_semaphore, #tpu.memory_space<semaphore_mem>>) src(%arg3 : memref<8x128xf32, #tpu.memory_space<hbm>>) dst(%arg10 : memref<8x128xf32, #tpu.memory_space<vmem>>)
      tpu.yield
    }) : () -> ()
    "tpu.region"() ({
      %run_scoped3A = tpu.sem_alloc : memref<!tpu.dma_semaphore, #tpu.memory_space<semaphore_mem>>
      %dma_start3A = tpu.memref_slice %arg4[%mul3A_2] : memref<16384xi32, #tpu.memory_space<hbm>> -> memref<512xi32, #tpu.memory_space<hbm>>
      %dma_start3A_22 = tpu.memref_slice %arg4[%mul3A_2] : memref<16384xi32, #tpu.memory_space<hbm>> -> memref<512xi32, #tpu.memory_space<hbm>>
      tpu.enqueue_dma source(%dma_start3A_22 : memref<512xi32, #tpu.memory_space<hbm>>) target(%arg6 : memref<512xi32, #tpu.memory_space<vmem>>) target_semaphore(%run_scoped3A : memref<!tpu.dma_semaphore, #tpu.memory_space<semaphore_mem>>)
      %dma_wait3A = tpu.memref_slice %arg4[%mul3A_2] : memref<16384xi32, #tpu.memory_space<hbm>> -> memref<512xi32, #tpu.memory_space<hbm>>
      %dma_wait3A_23 = tpu.memref_slice %arg4[%mul3A_2] : memref<16384xi32, #tpu.memory_space<hbm>> -> memref<512xi32, #tpu.memory_space<hbm>>
      tpu.wait_dma2 semaphore(%run_scoped3A : memref<!tpu.dma_semaphore, #tpu.memory_space<semaphore_mem>>) src(%dma_wait3A_23 : memref<512xi32, #tpu.memory_space<hbm>>) dst(%arg6 : memref<512xi32, #tpu.memory_space<vmem>>)
      tpu.yield
    }) : () -> ()
    %scan3A = arith.constant 0 : i32
    %scan3A_3 = arith.constant 32 : i32
    %scan3A_4 = arith.addi %scan3A, %scan3A_3 : i32
    %scan3A_5 = arith.constant 1 : i32
    scf.for %scan3A_22 = %scan3A to %scan3A_4 step %scan3A_5  : i32 {
      %mul3A_23 = arith.constant 16 : i32
      %mul3A_24 = arith.muli %scan3A_22, %mul3A_23 : i32
      %add3A_25 = arith.constant 0 : i32
      %add3A_26 = arith.addi %add3A_25, %mul3A_24 : i32
      %get3A = arith.index_cast %add3A_26 : i32 to index
      %get3A_27 = tpu.vector_load %arg6[%get3A] {strides = array<i32>} : memref<512xi32, #tpu.memory_space<vmem>>, vector<16xi32>,
      %shift_right_arithmetic3A = arith.constant 3 : i32
      %shift_right_arithmetic3A_28 = vector.broadcast %shift_right_arithmetic3A : i32 to vector<16xi32>
      %shift_right_arithmetic3A_29 = arith.shrsi %get3A_27, %shift_right_arithmetic3A_28 : vector<16xi32>
      %swap3A = arith.index_cast %add3A_26 : i32 to index
      %swap3A_30 = tpu.vector_load %arg7[%swap3A] {strides = array<i32>} : memref<512xi32, #tpu.memory_space<vmem>>, vector<16xi32>,
      tpu.vector_store %arg7[%swap3A], %shift_right_arithmetic3A_29 {strides = array<i32>} : memref<512xi32, #tpu.memory_space<vmem>>, vector<16xi32>,
    }
    %scan3A_6 = arith.constant 32 : i32
    %scan3A_7 = arith.constant 0 : i32
    %scan3A_8 = arith.constant 4 : i32
    %scan3A_9 = arith.addi %scan3A_7, %scan3A_8 : i32
    %scan3A_10 = arith.constant 1 : i32
    scf.for %scan3A_22 = %scan3A_7 to %scan3A_9 step %scan3A_10  : i32 {
      %mul3A_23 = arith.constant 128 : i32
      %mul3A_24 = arith.muli %scan3A_22, %mul3A_23 : i32
      %add3A_25 = arith.constant 0 : i32
      %add3A_26 = arith.addi %add3A_25, %mul3A_24 : i32
      %dma_start3A = arith.constant 0 : i32
      %dma_start3A_27 = tpu.memref_slice %arg8[%add3A_26, %dma_start3A] : memref<512x128xf32, #tpu.memory_space<vmem>> -> memref<128x128xf32, #tpu.memory_space<vmem>>
      %dma_start3A_28 = tpu.memref_slice %arg7[%add3A_26] : memref<512xi32, #tpu.memory_space<vmem>> -> memref<128xi32, #tpu.memory_space<vmem>>
      %dma_start3A_29 = arith.constant 0 : i32
      %dma_start3A_30 = arith.constant 0 : i32
      %dma_start3A_31 = tpu.memref_slice %arg2[%dma_start3A_29, %dma_start3A_30] : memref<125000x128xf32, #tpu.memory_space<hbm>> -> memref<125000x128xf32, #tpu.memory_space<hbm>>
      tpu.enqueue_indirect_dma source(%dma_start3A_31 : memref<125000x128xf32, #tpu.memory_space<hbm>>) target(%dma_start3A_27 : memref<128x128xf32, #tpu.memory_space<vmem>>) offsets(%dma_start3A_28 : memref<128xi32, #tpu.memory_space<vmem>>) semaphore(%arg11 : memref<!tpu.dma_semaphore, #tpu.memory_space<semaphore_mem>>)
    }
    %scan3A_11 = arith.constant 4 : i32
    %scan3A_12 = arith.constant 0 : i32
    %scan3A_13 = arith.constant 4 : i32
    %scan3A_14 = arith.addi %scan3A_12, %scan3A_13 : i32
    %scan3A_15 = arith.constant 1 : i32
    scf.for %scan3A_22 = %scan3A_12 to %scan3A_14 step %scan3A_15  : i32 {
      %mul3A_23 = arith.constant 128 : i32
      %mul3A_24 = arith.muli %scan3A_22, %mul3A_23 : i32
      %add3A_25 = arith.constant 0 : i32
      %add3A_26 = arith.addi %add3A_25, %mul3A_24 : i32
      %dma_wait3A = arith.constant 0 : i32
      %dma_wait3A_27 = tpu.memref_slice %arg8[%add3A_26, %dma_wait3A] : memref<512x128xf32, #tpu.memory_space<vmem>> -> memref<128x128xf32, #tpu.memory_space<vmem>>
      %dma_wait3A_28 = tpu.memref_slice %arg7[%add3A_26] : memref<512xi32, #tpu.memory_space<vmem>> -> memref<128xi32, #tpu.memory_space<vmem>>
      %dma_wait3A_29 = arith.constant 0 : i32
      %dma_wait3A_30 = arith.constant 0 : i32
      %dma_wait3A_31 = tpu.memref_slice %arg2[%dma_wait3A_29, %dma_wait3A_30] : memref<125000x128xf32, #tpu.memory_space<hbm>> -> memref<125000x128xf32, #tpu.memory_space<hbm>>
      tpu.wait_indirect_dma semaphore(%arg11 : memref<!tpu.dma_semaphore, #tpu.memory_space<semaphore_mem>>) src(%dma_wait3A_31 : memref<125000x128xf32, #tpu.memory_space<hbm>>) dst(%dma_wait3A_27 : memref<128x128xf32, #tpu.memory_space<vmem>>)
    }
    %scan3A_16 = arith.constant 4 : i32
    %iota3A = tpu.iota {dimensions = array<i32: 0>} : vector<16xi32>
    %scan3A_17 = arith.constant 0 : i32
    %scan3A_18 = arith.constant 32 : i32
    %scan3A_19 = arith.addi %scan3A_17, %scan3A_18 : i32
    %scan3A_20 = arith.constant 1 : i32
    scf.for %scan3A_22 = %scan3A_17 to %scan3A_19 step %scan3A_20  : i32 {
      %mul3A_23 = arith.constant 16 : i32
      %mul3A_24 = arith.muli %scan3A_22, %mul3A_23 : i32
      %add3A_25 = arith.constant 0 : i32
      %add3A_26 = arith.addi %add3A_25, %mul3A_24 : i32
      %add3A_27 = vector.broadcast %add3A_26 : i32 to vector<16xi32>
      %add3A_28 = arith.addi %add3A_27, %iota3A : vector<16xi32>
      %get3A = arith.index_cast %add3A_26 : i32 to index
      %get3A_29 = tpu.vector_load %arg7[%get3A] {strides = array<i32>} : memref<512xi32, #tpu.memory_space<vmem>>, vector<16xi32>,
      %ge3A = arith.constant 124992 : i32
      %ge3A_30 = vector.broadcast %ge3A : i32 to vector<16xi32>
      %ge3A_31 = arith.cmpi sge, %get3A_29, %ge3A_30 : vector<16xi32>
      %sub3A = arith.constant 124992 : i32
      %sub3A_32 = vector.broadcast %sub3A : i32 to vector<16xi32>
      %sub3A_33 = arith.subi %get3A_29, %sub3A_32 : vector<16xi32>
      %jit3A = arith.constant 0 : i32
      %broadcast_in_dim3A = vector.broadcast %jit3A : i32 to vector<16xi32>
      %select_n3A = arith.select %ge3A_31, %sub3A_33, %broadcast_in_dim3A : vector<16xi1>, vector<16xi32>
      %get3A_34 = arith.index_cast %add3A_26 : i32 to index
      %get3A_35 = tpu.vector_load %arg6[%get3A_34] {strides = array<i32>} : memref<512xi32, #tpu.memory_space<vmem>>, vector<16xi32>,
      %and3A = arith.constant 7 : i32
      %and3A_36 = vector.broadcast %and3A : i32 to vector<16xi32>
      %and3A_37 = arith.andi %get3A_35, %and3A_36 : vector<16xi32>
      %mul3A_38 = arith.constant 16 : i32
      %mul3A_39 = vector.broadcast %mul3A_38 : i32 to vector<16xi32>
      %mul3A_40 = arith.muli %and3A_37, %mul3A_39 : vector<16xi32>
      %add3A_41 = arith.constant 0 : i32
      %add3A_42 = vector.broadcast %add3A_41 : i32 to vector<16xi32>
      %add3A_43 = arith.addi %mul3A_40, %add3A_42 : vector<16xi32>
      %gather3A = tpu.vector_load_idx %arg8[%add3A_28, %add3A_43] : memref<512x128xf32, #tpu.memory_space<vmem>>[vector<16xi32>, vector<16xi32>], vector<16xf32>,
      %add3A_44 = arith.constant 0 : i32
      %add3A_45 = vector.broadcast %add3A_44 : i32 to vector<16xi32>
      %add3A_46 = arith.addi %mul3A_40, %add3A_45 : vector<16xi32>
      %gather3A_47 = tpu.vector_load_idx %arg10[%select_n3A, %add3A_46] : memref<8x128xf32, #tpu.memory_space<vmem>>[vector<16xi32>, vector<16xi32>], vector<16xf32>,
      %select_n3A_48 = arith.select %ge3A_31, %gather3A_47, %gather3A : vector<16xi1>, vector<16xf32>
      %swap3A = arith.constant 0 : i32
      %swap3A_49 = arith.index_cast %swap3A : i32 to index
      %swap3A_50 = arith.index_cast %add3A_26 : i32 to index
      %swap3A_51 = tpu.vector_load %arg9[%swap3A_49, %swap3A_50] {strides = array<i32>} : memref<16x512xf32, #tpu.memory_space<vmem>>, vector<16xf32>,
      tpu.vector_store %arg9[%swap3A_49, %swap3A_50], %select_n3A_48 {strides = array<i32>} : memref<16x512xf32, #tpu.memory_space<vmem>>, vector<16xf32>,
      %add3A_52 = arith.constant 1 : i32
      %add3A_53 = vector.broadcast %add3A_52 : i32 to vector<16xi32>
      %add3A_54 = arith.addi %mul3A_40, %add3A_53 : vector<16xi32>
      %gather3A_55 = tpu.vector_load_idx %arg8[%add3A_28, %add3A_54] : memref<512x128xf32, #tpu.memory_space<vmem>>[vector<16xi32>, vector<16xi32>], vector<16xf32>,
      %add3A_56 = arith.constant 1 : i32
      %add3A_57 = vector.broadcast %add3A_56 : i32 to vector<16xi32>
      %add3A_58 = arith.addi %mul3A_40, %add3A_57 : vector<16xi32>
      %gather3A_59 = tpu.vector_load_idx %arg10[%select_n3A, %add3A_58] : memref<8x128xf32, #tpu.memory_space<vmem>>[vector<16xi32>, vector<16xi32>], vector<16xf32>,
      %select_n3A_60 = arith.select %ge3A_31, %gather3A_59, %gather3A_55 : vector<16xi1>, vector<16xf32>
      %swap3A_61 = arith.constant 1 : i32
      %swap3A_62 = arith.index_cast %swap3A_61 : i32 to index
      %swap3A_63 = arith.index_cast %add3A_26 : i32 to index
      %swap3A_64 = tpu.vector_load %arg9[%swap3A_62, %swap3A_63] {strides = array<i32>} : memref<16x512xf32, #tpu.memory_space<vmem>>, vector<16xf32>,
      tpu.vector_store %arg9[%swap3A_62, %swap3A_63], %select_n3A_60 {strides = array<i32>} : memref<16x512xf32, #tpu.memory_space<vmem>>, vector<16xf32>,
      %add3A_65 = arith.constant 2 : i32
      %add3A_66 = vector.broadcast %add3A_65 : i32 to vector<16xi32>
      %add3A_67 = arith.addi %mul3A_40, %add3A_66 : vector<16xi32>
      %gather3A_68 = tpu.vector_load_idx %arg8[%add3A_28, %add3A_67] : memref<512x128xf32, #tpu.memory_space<vmem>>[vector<16xi32>, vector<16xi32>], vector<16xf32>,
      %add3A_69 = arith.constant 2 : i32
      %add3A_70 = vector.broadcast %add3A_69 : i32 to vector<16xi32>
      %add3A_71 = arith.addi %mul3A_40, %add3A_70 : vector<16xi32>
      %gather3A_72 = tpu.vector_load_idx %arg10[%select_n3A, %add3A_71] : memref<8x128xf32, #tpu.memory_space<vmem>>[vector<16xi32>, vector<16xi32>], vector<16xf32>,
      %select_n3A_73 = arith.select %ge3A_31, %gather3A_72, %gather3A_68 : vector<16xi1>, vector<16xf32>
      %swap3A_74 = arith.constant 2 : i32
      %swap3A_75 = arith.index_cast %swap3A_74 : i32 to index
      %swap3A_76 = arith.index_cast %add3A_26 : i32 to index
      %swap3A_77 = tpu.vector_load %arg9[%swap3A_75, %swap3A_76] {strides = array<i32>} : memref<16x512xf32, #tpu.memory_space<vmem>>, vector<16xf32>,
      tpu.vector_store %arg9[%swap3A_75, %swap3A_76], %select_n3A_73 {strides = array<i32>} : memref<16x512xf32, #tpu.memory_space<vmem>>, vector<16xf32>,
      %add3A_78 = arith.constant 3 : i32
      %add3A_79 = vector.broadcast %add3A_78 : i32 to vector<16xi32>
      %add3A_80 = arith.addi %mul3A_40, %add3A_79 : vector<16xi32>
      %gather3A_81 = tpu.vector_load_idx %arg8[%add3A_28, %add3A_80] : memref<512x128xf32, #tpu.memory_space<vmem>>[vector<16xi32>, vector<16xi32>], vector<16xf32>,
      %add3A_82 = arith.constant 3 : i32
      %add3A_83 = vector.broadcast %add3A_82 : i32 to vector<16xi32>
      %add3A_84 = arith.addi %mul3A_40, %add3A_83 : vector<16xi32>
      %gather3A_85 = tpu.vector_load_idx %arg10[%select_n3A, %add3A_84] : memref<8x128xf32, #tpu.memory_space<vmem>>[vector<16xi32>, vector<16xi32>], vector<16xf32>,
      %select_n3A_86 = arith.select %ge3A_31, %gather3A_85, %gather3A_81 : vector<16xi1>, vector<16xf32>
      %swap3A_87 = arith.constant 3 : i32
      %swap3A_88 = arith.index_cast %swap3A_87 : i32 to index
      %swap3A_89 = arith.index_cast %add3A_26 : i32 to index
      %swap3A_90 = tpu.vector_load %arg9[%swap3A_88, %swap3A_89] {strides = array<i32>} : memref<16x512xf32, #tpu.memory_space<vmem>>, vector<16xf32>,
      tpu.vector_store %arg9[%swap3A_88, %swap3A_89], %select_n3A_86 {strides = array<i32>} : memref<16x512xf32, #tpu.memory_space<vmem>>, vector<16xf32>,
      %add3A_91 = arith.constant 4 : i32
      %add3A_92 = vector.broadcast %add3A_91 : i32 to vector<16xi32>
      %add3A_93 = arith.addi %mul3A_40, %add3A_92 : vector<16xi32>
      %gather3A_94 = tpu.vector_load_idx %arg8[%add3A_28, %add3A_93] : memref<512x128xf32, #tpu.memory_space<vmem>>[vector<16xi32>, vector<16xi32>], vector<16xf32>,
      %add3A_95 = arith.constant 4 : i32
      %add3A_96 = vector.broadcast %add3A_95 : i32 to vector<16xi32>
      %add3A_97 = arith.addi %mul3A_40, %add3A_96 : vector<16xi32>
      %gather3A_98 = tpu.vector_load_idx %arg10[%select_n3A, %add3A_97] : memref<8x128xf32, #tpu.memory_space<vmem>>[vector<16xi32>, vector<16xi32>], vector<16xf32>,
      %select_n3A_99 = arith.select %ge3A_31, %gather3A_98, %gather3A_94 : vector<16xi1>, vector<16xf32>
      %swap3A_100 = arith.constant 4 : i32
      %swap3A_101 = arith.index_cast %swap3A_100 : i32 to index
      %swap3A_102 = arith.index_cast %add3A_26 : i32 to index
      %swap3A_103 = tpu.vector_load %arg9[%swap3A_101, %swap3A_102] {strides = array<i32>} : memref<16x512xf32, #tpu.memory_space<vmem>>, vector<16xf32>,
      tpu.vector_store %arg9[%swap3A_101, %swap3A_102], %select_n3A_99 {strides = array<i32>} : memref<16x512xf32, #tpu.memory_space<vmem>>, vector<16xf32>,
      %add3A_104 = arith.constant 5 : i32
      %add3A_105 = vector.broadcast %add3A_104 : i32 to vector<16xi32>
      %add3A_106 = arith.addi %mul3A_40, %add3A_105 : vector<16xi32>
      %gather3A_107 = tpu.vector_load_idx %arg8[%add3A_28, %add3A_106] : memref<512x128xf32, #tpu.memory_space<vmem>>[vector<16xi32>, vector<16xi32>], vector<16xf32>,
      %add3A_108 = arith.constant 5 : i32
      %add3A_109 = vector.broadcast %add3A_108 : i32 to vector<16xi32>
      %add3A_110 = arith.addi %mul3A_40, %add3A_109 : vector<16xi32>
      %gather3A_111 = tpu.vector_load_idx %arg10[%select_n3A, %add3A_110] : memref<8x128xf32, #tpu.memory_space<vmem>>[vector<16xi32>, vector<16xi32>], vector<16xf32>,
      %select_n3A_112 = arith.select %ge3A_31, %gather3A_111, %gather3A_107 : vector<16xi1>, vector<16xf32>
      %swap3A_113 = arith.constant 5 : i32
      %swap3A_114 = arith.index_cast %swap3A_113 : i32 to index
      %swap3A_115 = arith.index_cast %add3A_26 : i32 to index
      %swap3A_116 = tpu.vector_load %arg9[%swap3A_114, %swap3A_115] {strides = array<i32>} : memref<16x512xf32, #tpu.memory_space<vmem>>, vector<16xf32>,
      tpu.vector_store %arg9[%swap3A_114, %swap3A_115], %select_n3A_112 {strides = array<i32>} : memref<16x512xf32, #tpu.memory_space<vmem>>, vector<16xf32>,
      %add3A_117 = arith.constant 6 : i32
      %add3A_118 = vector.broadcast %add3A_117 : i32 to vector<16xi32>
      %add3A_119 = arith.addi %mul3A_40, %add3A_118 : vector<16xi32>
      %gather3A_120 = tpu.vector_load_idx %arg8[%add3A_28, %add3A_119] : memref<512x128xf32, #tpu.memory_space<vmem>>[vector<16xi32>, vector<16xi32>], vector<16xf32>,
      %add3A_121 = arith.constant 6 : i32
      %add3A_122 = vector.broadcast %add3A_121 : i32 to vector<16xi32>
      %add3A_123 = arith.addi %mul3A_40, %add3A_122 : vector<16xi32>
      %gather3A_124 = tpu.vector_load_idx %arg10[%select_n3A, %add3A_123] : memref<8x128xf32, #tpu.memory_space<vmem>>[vector<16xi32>, vector<16xi32>], vector<16xf32>,
      %select_n3A_125 = arith.select %ge3A_31, %gather3A_124, %gather3A_120 : vector<16xi1>, vector<16xf32>
      %swap3A_126 = arith.constant 6 : i32
      %swap3A_127 = arith.index_cast %swap3A_126 : i32 to index
      %swap3A_128 = arith.index_cast %add3A_26 : i32 to index
      %swap3A_129 = tpu.vector_load %arg9[%swap3A_127, %swap3A_128] {strides = array<i32>} : memref<16x512xf32, #tpu.memory_space<vmem>>, vector<16xf32>,
      tpu.vector_store %arg9[%swap3A_127, %swap3A_128], %select_n3A_125 {strides = array<i32>} : memref<16x512xf32, #tpu.memory_space<vmem>>, vector<16xf32>,
      %add3A_130 = arith.constant 7 : i32
      %add3A_131 = vector.broadcast %add3A_130 : i32 to vector<16xi32>
      %add3A_132 = arith.addi %mul3A_40, %add3A_131 : vector<16xi32>
      %gather3A_133 = tpu.vector_load_idx %arg8[%add3A_28, %add3A_132] : memref<512x128xf32, #tpu.memory_space<vmem>>[vector<16xi32>, vector<16xi32>], vector<16xf32>,
      %add3A_134 = arith.constant 7 : i32
      %add3A_135 = vector.broadcast %add3A_134 : i32 to vector<16xi32>
      %add3A_136 = arith.addi %mul3A_40, %add3A_135 : vector<16xi32>
      %gather3A_137 = tpu.vector_load_idx %arg10[%select_n3A, %add3A_136] : memref<8x128xf32, #tpu.memory_space<vmem>>[vector<16xi32>, vector<16xi32>], vector<16xf32>,
      %select_n3A_138 = arith.select %ge3A_31, %gather3A_137, %gather3A_133 : vector<16xi1>, vector<16xf32>
      %swap3A_139 = arith.constant 7 : i32
      %swap3A_140 = arith.index_cast %swap3A_139 : i32 to index
      %swap3A_141 = arith.index_cast %add3A_26 : i32 to index
      %swap3A_142 = tpu.vector_load %arg9[%swap3A_140, %swap3A_141] {strides = array<i32>} : memref<16x512xf32, #tpu.memory_space<vmem>>, vector<16xf32>,
      tpu.vector_store %arg9[%swap3A_140, %swap3A_141], %select_n3A_138 {strides = array<i32>} : memref<16x512xf32, #tpu.memory_space<vmem>>, vector<16xf32>,
      %add3A_143 = arith.constant 8 : i32
      %add3A_144 = vector.broadcast %add3A_143 : i32 to vector<16xi32>
      %add3A_145 = arith.addi %mul3A_40, %add3A_144 : vector<16xi32>
      %gather3A_146 = tpu.vector_load_idx %arg8[%add3A_28, %add3A_145] : memref<512x128xf32, #tpu.memory_space<vmem>>[vector<16xi32>, vector<16xi32>], vector<16xf32>,
      %add3A_147 = arith.constant 8 : i32
      %add3A_148 = vector.broadcast %add3A_147 : i32 to vector<16xi32>
      %add3A_149 = arith.addi %mul3A_40, %add3A_148 : vector<16xi32>
      %gather3A_150 = tpu.vector_load_idx %arg10[%select_n3A, %add3A_149] : memref<8x128xf32, #tpu.memory_space<vmem>>[vector<16xi32>, vector<16xi32>], vector<16xf32>,
      %select_n3A_151 = arith.select %ge3A_31, %gather3A_150, %gather3A_146 : vector<16xi1>, vector<16xf32>
      %swap3A_152 = arith.constant 8 : i32
      %swap3A_153 = arith.index_cast %swap3A_152 : i32 to index
      %swap3A_154 = arith.index_cast %add3A_26 : i32 to index
      %swap3A_155 = tpu.vector_load %arg9[%swap3A_153, %swap3A_154] {strides = array<i32>} : memref<16x512xf32, #tpu.memory_space<vmem>>, vector<16xf32>,
      tpu.vector_store %arg9[%swap3A_153, %swap3A_154], %select_n3A_151 {strides = array<i32>} : memref<16x512xf32, #tpu.memory_space<vmem>>, vector<16xf32>,
      %add3A_156 = arith.constant 9 : i32
      %add3A_157 = vector.broadcast %add3A_156 : i32 to vector<16xi32>
      %add3A_158 = arith.addi %mul3A_40, %add3A_157 : vector<16xi32>
      %gather3A_159 = tpu.vector_load_idx %arg8[%add3A_28, %add3A_158] : memref<512x128xf32, #tpu.memory_space<vmem>>[vector<16xi32>, vector<16xi32>], vector<16xf32>,
      %add3A_160 = arith.constant 9 : i32
      %add3A_161 = vector.broadcast %add3A_160 : i32 to vector<16xi32>
      %add3A_162 = arith.addi %mul3A_40, %add3A_161 : vector<16xi32>
      %gather3A_163 = tpu.vector_load_idx %arg10[%select_n3A, %add3A_162] : memref<8x128xf32, #tpu.memory_space<vmem>>[vector<16xi32>, vector<16xi32>], vector<16xf32>,
      %select_n3A_164 = arith.select %ge3A_31, %gather3A_163, %gather3A_159 : vector<16xi1>, vector<16xf32>
      %swap3A_165 = arith.constant 9 : i32
      %swap3A_166 = arith.index_cast %swap3A_165 : i32 to index
      %swap3A_167 = arith.index_cast %add3A_26 : i32 to index
      %swap3A_168 = tpu.vector_load %arg9[%swap3A_166, %swap3A_167] {strides = array<i32>} : memref<16x512xf32, #tpu.memory_space<vmem>>, vector<16xf32>,
      tpu.vector_store %arg9[%swap3A_166, %swap3A_167], %select_n3A_164 {strides = array<i32>} : memref<16x512xf32, #tpu.memory_space<vmem>>, vector<16xf32>,
      %add3A_169 = arith.constant 10 : i32
      %add3A_170 = vector.broadcast %add3A_169 : i32 to vector<16xi32>
      %add3A_171 = arith.addi %mul3A_40, %add3A_170 : vector<16xi32>
      %gather3A_172 = tpu.vector_load_idx %arg8[%add3A_28, %add3A_171] : memref<512x128xf32, #tpu.memory_space<vmem>>[vector<16xi32>, vector<16xi32>], vector<16xf32>,
      %add3A_173 = arith.constant 10 : i32
      %add3A_174 = vector.broadcast %add3A_173 : i32 to vector<16xi32>
      %add3A_175 = arith.addi %mul3A_40, %add3A_174 : vector<16xi32>
      %gather3A_176 = tpu.vector_load_idx %arg10[%select_n3A, %add3A_175] : memref<8x128xf32, #tpu.memory_space<vmem>>[vector<16xi32>, vector<16xi32>], vector<16xf32>,
      %select_n3A_177 = arith.select %ge3A_31, %gather3A_176, %gather3A_172 : vector<16xi1>, vector<16xf32>
      %swap3A_178 = arith.constant 10 : i32
      %swap3A_179 = arith.index_cast %swap3A_178 : i32 to index
      %swap3A_180 = arith.index_cast %add3A_26 : i32 to index
      %swap3A_181 = tpu.vector_load %arg9[%swap3A_179, %swap3A_180] {strides = array<i32>} : memref<16x512xf32, #tpu.memory_space<vmem>>, vector<16xf32>,
      tpu.vector_store %arg9[%swap3A_179, %swap3A_180], %select_n3A_177 {strides = array<i32>} : memref<16x512xf32, #tpu.memory_space<vmem>>, vector<16xf32>,
      %add3A_182 = arith.constant 11 : i32
      %add3A_183 = vector.broadcast %add3A_182 : i32 to vector<16xi32>
      %add3A_184 = arith.addi %mul3A_40, %add3A_183 : vector<16xi32>
      %gather3A_185 = tpu.vector_load_idx %arg8[%add3A_28, %add3A_184] : memref<512x128xf32, #tpu.memory_space<vmem>>[vector<16xi32>, vector<16xi32>], vector<16xf32>,
      %add3A_186 = arith.constant 11 : i32
      %add3A_187 = vector.broadcast %add3A_186 : i32 to vector<16xi32>
      %add3A_188 = arith.addi %mul3A_40, %add3A_187 : vector<16xi32>
      %gather3A_189 = tpu.vector_load_idx %arg10[%select_n3A, %add3A_188] : memref<8x128xf32, #tpu.memory_space<vmem>>[vector<16xi32>, vector<16xi32>], vector<16xf32>,
      %select_n3A_190 = arith.select %ge3A_31, %gather3A_189, %gather3A_185 : vector<16xi1>, vector<16xf32>
      %swap3A_191 = arith.constant 11 : i32
      %swap3A_192 = arith.index_cast %swap3A_191 : i32 to index
      %swap3A_193 = arith.index_cast %add3A_26 : i32 to index
      %swap3A_194 = tpu.vector_load %arg9[%swap3A_192, %swap3A_193] {strides = array<i32>} : memref<16x512xf32, #tpu.memory_space<vmem>>, vector<16xf32>,
      tpu.vector_store %arg9[%swap3A_192, %swap3A_193], %select_n3A_190 {strides = array<i32>} : memref<16x512xf32, #tpu.memory_space<vmem>>, vector<16xf32>,
      %add3A_195 = arith.constant 12 : i32
      %add3A_196 = vector.broadcast %add3A_195 : i32 to vector<16xi32>
      %add3A_197 = arith.addi %mul3A_40, %add3A_196 : vector<16xi32>
      %gather3A_198 = tpu.vector_load_idx %arg8[%add3A_28, %add3A_197] : memref<512x128xf32, #tpu.memory_space<vmem>>[vector<16xi32>, vector<16xi32>], vector<16xf32>,
      %add3A_199 = arith.constant 12 : i32
      %add3A_200 = vector.broadcast %add3A_199 : i32 to vector<16xi32>
      %add3A_201 = arith.addi %mul3A_40, %add3A_200 : vector<16xi32>
      %gather3A_202 = tpu.vector_load_idx %arg10[%select_n3A, %add3A_201] : memref<8x128xf32, #tpu.memory_space<vmem>>[vector<16xi32>, vector<16xi32>], vector<16xf32>,
      %select_n3A_203 = arith.select %ge3A_31, %gather3A_202, %gather3A_198 : vector<16xi1>, vector<16xf32>
      %swap3A_204 = arith.constant 12 : i32
      %swap3A_205 = arith.index_cast %swap3A_204 : i32 to index
      %swap3A_206 = arith.index_cast %add3A_26 : i32 to index
      %swap3A_207 = tpu.vector_load %arg9[%swap3A_205, %swap3A_206] {strides = array<i32>} : memref<16x512xf32, #tpu.memory_space<vmem>>, vector<16xf32>,
      tpu.vector_store %arg9[%swap3A_205, %swap3A_206], %select_n3A_203 {strides = array<i32>} : memref<16x512xf32, #tpu.memory_space<vmem>>, vector<16xf32>,
      %add3A_208 = arith.constant 13 : i32
      %add3A_209 = vector.broadcast %add3A_208 : i32 to vector<16xi32>
      %add3A_210 = arith.addi %mul3A_40, %add3A_209 : vector<16xi32>
      %gather3A_211 = tpu.vector_load_idx %arg8[%add3A_28, %add3A_210] : memref<512x128xf32, #tpu.memory_space<vmem>>[vector<16xi32>, vector<16xi32>], vector<16xf32>,
      %add3A_212 = arith.constant 13 : i32
      %add3A_213 = vector.broadcast %add3A_212 : i32 to vector<16xi32>
      %add3A_214 = arith.addi %mul3A_40, %add3A_213 : vector<16xi32>
      %gather3A_215 = tpu.vector_load_idx %arg10[%select_n3A, %add3A_214] : memref<8x128xf32, #tpu.memory_space<vmem>>[vector<16xi32>, vector<16xi32>], vector<16xf32>,
      %select_n3A_216 = arith.select %ge3A_31, %gather3A_215, %gather3A_211 : vector<16xi1>, vector<16xf32>
      %swap3A_217 = arith.constant 13 : i32
      %swap3A_218 = arith.index_cast %swap3A_217 : i32 to index
      %swap3A_219 = arith.index_cast %add3A_26 : i32 to index
      %swap3A_220 = tpu.vector_load %arg9[%swap3A_218, %swap3A_219] {strides = array<i32>} : memref<16x512xf32, #tpu.memory_space<vmem>>, vector<16xf32>,
      tpu.vector_store %arg9[%swap3A_218, %swap3A_219], %select_n3A_216 {strides = array<i32>} : memref<16x512xf32, #tpu.memory_space<vmem>>, vector<16xf32>,
      %add3A_221 = arith.constant 14 : i32
      %add3A_222 = vector.broadcast %add3A_221 : i32 to vector<16xi32>
      %add3A_223 = arith.addi %mul3A_40, %add3A_222 : vector<16xi32>
      %gather3A_224 = tpu.vector_load_idx %arg8[%add3A_28, %add3A_223] : memref<512x128xf32, #tpu.memory_space<vmem>>[vector<16xi32>, vector<16xi32>], vector<16xf32>,
      %add3A_225 = arith.constant 14 : i32
      %add3A_226 = vector.broadcast %add3A_225 : i32 to vector<16xi32>
      %add3A_227 = arith.addi %mul3A_40, %add3A_226 : vector<16xi32>
      %gather3A_228 = tpu.vector_load_idx %arg10[%select_n3A, %add3A_227] : memref<8x128xf32, #tpu.memory_space<vmem>>[vector<16xi32>, vector<16xi32>], vector<16xf32>,
      %select_n3A_229 = arith.select %ge3A_31, %gather3A_228, %gather3A_224 : vector<16xi1>, vector<16xf32>
      %swap3A_230 = arith.constant 14 : i32
      %swap3A_231 = arith.index_cast %swap3A_230 : i32 to index
      %swap3A_232 = arith.index_cast %add3A_26 : i32 to index
      %swap3A_233 = tpu.vector_load %arg9[%swap3A_231, %swap3A_232] {strides = array<i32>} : memref<16x512xf32, #tpu.memory_space<vmem>>, vector<16xf32>,
      tpu.vector_store %arg9[%swap3A_231, %swap3A_232], %select_n3A_229 {strides = array<i32>} : memref<16x512xf32, #tpu.memory_space<vmem>>, vector<16xf32>,
      %add3A_234 = arith.constant 15 : i32
      %add3A_235 = vector.broadcast %add3A_234 : i32 to vector<16xi32>
      %add3A_236 = arith.addi %mul3A_40, %add3A_235 : vector<16xi32>
      %gather3A_237 = tpu.vector_load_idx %arg8[%add3A_28, %add3A_236] : memref<512x128xf32, #tpu.memory_space<vmem>>[vector<16xi32>, vector<16xi32>], vector<16xf32>,
      %add3A_238 = arith.constant 15 : i32
      %add3A_239 = vector.broadcast %add3A_238 : i32 to vector<16xi32>
      %add3A_240 = arith.addi %mul3A_40, %add3A_239 : vector<16xi32>
      %gather3A_241 = tpu.vector_load_idx %arg10[%select_n3A, %add3A_240] : memref<8x128xf32, #tpu.memory_space<vmem>>[vector<16xi32>, vector<16xi32>], vector<16xf32>,
      %select_n3A_242 = arith.select %ge3A_31, %gather3A_241, %gather3A_237 : vector<16xi1>, vector<16xf32>
      %swap3A_243 = arith.constant 15 : i32
      %swap3A_244 = arith.index_cast %swap3A_243 : i32 to index
      %swap3A_245 = arith.index_cast %add3A_26 : i32 to index
      %swap3A_246 = tpu.vector_load %arg9[%swap3A_244, %swap3A_245] {strides = array<i32>} : memref<16x512xf32, #tpu.memory_space<vmem>>, vector<16xf32>,
      tpu.vector_store %arg9[%swap3A_244, %swap3A_245], %select_n3A_242 {strides = array<i32>} : memref<16x512xf32, #tpu.memory_space<vmem>>, vector<16xf32>,
    }
    %scan3A_21 = arith.constant 32 : i32
    "tpu.region"() ({
      %run_scoped3A = tpu.sem_alloc : memref<!tpu.dma_semaphore, #tpu.memory_space<semaphore_mem>>
      %dma_start3A = arith.constant 0 : i32
      %dma_start3A_22 = tpu.memref_slice %arg5[%dma_start3A, %mul3A_2] : memref<16x16384xf32, #tpu.memory_space<hbm>> -> memref<16x512xf32, #tpu.memory_space<hbm>>
      %dma_start3A_23 = arith.constant 0 : i32
      %dma_start3A_24 = tpu.memref_slice %arg5[%dma_start3A_23, %mul3A_2] : memref<16x16384xf32, #tpu.memory_space<hbm>> -> memref<16x512xf32, #tpu.memory_space<hbm>>
      tpu.enqueue_dma source(%arg9 : memref<16x512xf32, #tpu.memory_space<vmem>>) target(%dma_start3A_24 : memref<16x512xf32, #tpu.memory_space<hbm>>) target_semaphore(%run_scoped3A : memref<!tpu.dma_semaphore, #tpu.memory_space<semaphore_mem>>)
      %dma_wait3A = arith.constant 0 : i32
      %dma_wait3A_25 = tpu.memref_slice %arg5[%dma_wait3A, %mul3A_2] : memref<16x16384xf32, #tpu.memory_space<hbm>> -> memref<16x512xf32, #tpu.memory_space<hbm>>
      %dma_wait3A_26 = arith.constant 0 : i32
      %dma_wait3A_27 = tpu.memref_slice %arg5[%dma_wait3A_26, %mul3A_2] : memref<16x16384xf32, #tpu.memory_space<hbm>> -> memref<16x512xf32, #tpu.memory_space<hbm>>
      tpu.wait_dma2 semaphore(%run_scoped3A : memref<!tpu.dma_semaphore, #tpu.memory_space<semaphore_mem>>) src(%arg9 : memref<16x512xf32, #tpu.memory_space<vmem>>) dst(%dma_wait3A_27 : memref<16x512xf32, #tpu.memory_space<hbm>>)
      tpu.yield
    }) : () -> ()
    return
  }
}

#map = affine_map<(d0, d1) -> (0, 0)>
module attributes {stable_mosaic.version = 14 : i64} {
  func.func @_relayout(%arg0: i32, %arg1: i32, %arg2: memref<16x1000000xf32, #tpu.memory_space<hbm>>, %arg3: memref<125000x128xf32, #tpu.memory_space<hbm>>, %arg4: memref<16x128xf32, #tpu.memory_space<vmem>>, %arg5: memref<16x128xf32, #tpu.memory_space<vmem>>, %arg6: memref<16x128xf32, #tpu.memory_space<vmem>>, %arg7: memref<16x128xf32, #tpu.memory_space<vmem>>, %arg8: memref<!tpu.dma_semaphore, #tpu.memory_space<semaphore_mem>>, %arg9: memref<!tpu.dma_semaphore, #tpu.memory_space<semaphore_mem>>, %arg10: memref<!tpu.dma_semaphore, #tpu.memory_space<semaphore_mem>>, %arg11: memref<!tpu.dma_semaphore, #tpu.memory_space<semaphore_mem>>) attributes {dimension_semantics = [#tpu.dimension_semantics<core_parallel>, #tpu.dimension_semantics<subcore_parallel>], iteration_bounds = array<i64: 2, 16>, scalar_prefetch = 0 : i64, scratch_operands = 8 : i64, tpu.core_type = #tpu.core_type<sc_vector_subcore>, window_params = [{transform_indices = #map}, {transform_indices = #map}]} {
    %mul3A = arith.constant 16 : i32
    %mul3A_0 = arith.muli %arg0, %mul3A : i32
    %add3A = arith.addi %mul3A_0, %arg1 : i32
    %mul3A_1 = arith.constant 245 : i32
    %mul3A_2 = arith.muli %add3A, %mul3A_1 : i32
    %sub3A = arith.constant 7812 : i32
    %sub3A_3 = arith.subi %sub3A, %mul3A_2 : i32
    %max3A = arith.constant 0 : i32
    %max3A_4 = arith.maxsi %sub3A_3, %max3A : i32
    %min3A = arith.constant 245 : i32
    %min3A_5 = arith.minsi %max3A_4, %min3A : i32
    %iota3A = tpu.iota {dimensions = array<i32: 0>} : vector<16xi32>
    %gt3A = arith.constant 0 : i32
    %gt3A_6 = arith.cmpi sgt, %min3A_5, %gt3A : i32
    %convert_element_type3A = arith.extui %gt3A_6 : i1 to i32
    %cond3A = arith.constant 0 : i32
    %cond3A_7 = arith.cmpi ne, %convert_element_type3A, %cond3A : i32
    scf.if %cond3A_7 {
      %add3A_8 = arith.constant 0 : i32
      %add3A_9 = arith.addi %mul3A_2, %add3A_8 : i32
      %mul3A_10 = arith.constant 128 : i32
      %mul3A_11 = arith.muli %add3A_9, %mul3A_10 : i32
      %dma_start3A = arith.constant 0 : i32
      %dma_start3A_12 = tpu.memref_slice %arg2[%dma_start3A, %mul3A_11] : memref<16x1000000xf32, #tpu.memory_space<hbm>> -> memref<16x128xf32, #tpu.memory_space<hbm>>
      %dma_start3A_13 = arith.constant 0 : i32
      %dma_start3A_14 = tpu.memref_slice %arg2[%dma_start3A_13, %mul3A_11] : memref<16x1000000xf32, #tpu.memory_space<hbm>> -> memref<16x128xf32, #tpu.memory_space<hbm>>
      tpu.enqueue_dma source(%dma_start3A_14 : memref<16x128xf32, #tpu.memory_space<hbm>>) target(%arg4 : memref<16x128xf32, #tpu.memory_space<vmem>>) target_semaphore(%arg8 : memref<!tpu.dma_semaphore, #tpu.memory_space<semaphore_mem>>)
      %gt3A_15 = arith.constant 1 : i32
      %gt3A_16 = arith.cmpi sgt, %min3A_5, %gt3A_15 : i32
      %convert_element_type3A_17 = arith.extui %gt3A_16 : i1 to i32
      %cond3A_18 = arith.constant 0 : i32
      %cond3A_19 = arith.cmpi ne, %convert_element_type3A_17, %cond3A_18 : i32
      scf.if %cond3A_19 {
        %add3A_33 = arith.constant 1 : i32
        %add3A_34 = arith.addi %mul3A_2, %add3A_33 : i32
        %mul3A_35 = arith.constant 128 : i32
        %mul3A_36 = arith.muli %add3A_34, %mul3A_35 : i32
        %dma_start3A_37 = arith.constant 0 : i32
        %dma_start3A_38 = tpu.memref_slice %arg2[%dma_start3A_37, %mul3A_36] : memref<16x1000000xf32, #tpu.memory_space<hbm>> -> memref<16x128xf32, #tpu.memory_space<hbm>>
        %dma_start3A_39 = arith.constant 0 : i32
        %dma_start3A_40 = tpu.memref_slice %arg2[%dma_start3A_39, %mul3A_36] : memref<16x1000000xf32, #tpu.memory_space<hbm>> -> memref<16x128xf32, #tpu.memory_space<hbm>>
        tpu.enqueue_dma source(%dma_start3A_40 : memref<16x128xf32, #tpu.memory_space<hbm>>) target(%arg5 : memref<16x128xf32, #tpu.memory_space<vmem>>) target_semaphore(%arg9 : memref<!tpu.dma_semaphore, #tpu.memory_space<semaphore_mem>>)
      } else {
      }
      %scan3A = arith.constant 0 : i32
      %scan3A_20 = arith.constant 123 : i32
      %scan3A_21 = arith.addi %scan3A, %scan3A_20 : i32
      %scan3A_22 = arith.constant 1 : i32
      scf.for %scan3A_33 = %scan3A to %scan3A_21 step %scan3A_22  : i32 {
        %mul3A_34 = arith.constant 2 : i32
        %mul3A_35 = arith.muli %scan3A_33, %mul3A_34 : i32
        %add3A_36 = arith.constant 0 : i32
        %add3A_37 = arith.addi %add3A_36, %mul3A_35 : i32
        %lt3A = arith.cmpi slt, %add3A_37, %min3A_5 : i32
        %convert_element_type3A_38 = arith.extui %lt3A : i1 to i32
        %cond3A_39 = arith.constant 0 : i32
        %cond3A_40 = arith.cmpi ne, %convert_element_type3A_38, %cond3A_39 : i32
        scf.if %cond3A_40 {
          %add3A_47 = arith.addi %mul3A_2, %add3A_37 : i32
          %mul3A_48 = arith.constant 128 : i32
          %mul3A_49 = arith.muli %add3A_47, %mul3A_48 : i32
          %dma_wait3A = arith.constant 0 : i32
          %dma_wait3A_50 = tpu.memref_slice %arg2[%dma_wait3A, %mul3A_49] : memref<16x1000000xf32, #tpu.memory_space<hbm>> -> memref<16x128xf32, #tpu.memory_space<hbm>>
          %dma_wait3A_51 = arith.constant 0 : i32
          %dma_wait3A_52 = tpu.memref_slice %arg2[%dma_wait3A_51, %mul3A_49] : memref<16x1000000xf32, #tpu.memory_space<hbm>> -> memref<16x128xf32, #tpu.memory_space<hbm>>
          tpu.wait_dma2 semaphore(%arg8 : memref<!tpu.dma_semaphore, #tpu.memory_space<semaphore_mem>>) src(%dma_wait3A_52 : memref<16x128xf32, #tpu.memory_space<hbm>>) dst(%arg4 : memref<16x128xf32, #tpu.memory_space<vmem>>)
          %ge3A_53 = arith.constant 2 : i32
          %ge3A_54 = arith.cmpi sge, %add3A_37, %ge3A_53 : i32
          %convert_element_type3A_55 = arith.extui %ge3A_54 : i1 to i32
          %cond3A_56 = arith.constant 0 : i32
          %cond3A_57 = arith.cmpi ne, %convert_element_type3A_55, %cond3A_56 : i32
          scf.if %cond3A_57 {
            %sub3A_964 = arith.constant 2 : i32
            %sub3A_965 = arith.subi %add3A_37, %sub3A_964 : i32
            %add3A_966 = arith.addi %mul3A_2, %sub3A_965 : i32
            %mul3A_967 = arith.constant 16 : i32
            %mul3A_968 = arith.muli %add3A_966, %mul3A_967 : i32
            %dma_wait3A_969 = arith.constant 0 : i32
            %dma_wait3A_970 = tpu.memref_slice %arg3[%mul3A_968, %dma_wait3A_969] : memref<125000x128xf32, #tpu.memory_space<hbm>> -> memref<16x128xf32, #tpu.memory_space<hbm>>
            %dma_wait3A_971 = arith.constant 0 : i32
            %dma_wait3A_972 = tpu.memref_slice %arg3[%mul3A_968, %dma_wait3A_971] : memref<125000x128xf32, #tpu.memory_space<hbm>> -> memref<16x128xf32, #tpu.memory_space<hbm>>
            tpu.wait_dma2 semaphore(%arg10 : memref<!tpu.dma_semaphore, #tpu.memory_space<semaphore_mem>>) src(%arg6 : memref<16x128xf32, #tpu.memory_space<vmem>>) dst(%dma_wait3A_972 : memref<16x128xf32, #tpu.memory_space<hbm>>)
          } else {
          }
          %broadcast_in_dim3A = arith.constant 0 : i32
          %broadcast_in_dim3A_58 = vector.broadcast %broadcast_in_dim3A : i32 to vector<16xi32>
          %gather3A = tpu.vector_load_idx %arg4[%iota3A, %broadcast_in_dim3A_58] : memref<16x128xf32, #tpu.memory_space<vmem>>[vector<16xi32>, vector<16xi32>], vector<16xf32>,
          %swap3A = arith.constant 0 : i32
          %swap3A_59 = arith.index_cast %swap3A : i32 to index
          %swap3A_60 = arith.constant 0 : index
          %swap3A_61 = tpu.vector_load %arg6[%swap3A_59, %swap3A_60] {strides = array<i32>} : memref<16x128xf32, #tpu.memory_space<vmem>>, vector<16xf32>,
          tpu.vector_store %arg6[%swap3A_59, %swap3A_60], %gather3A {strides = array<i32>} : memref<16x128xf32, #tpu.memory_space<vmem>>, vector<16xf32>,
          %broadcast_in_dim3A_62 = arith.constant 1 : i32
          %broadcast_in_dim3A_63 = vector.broadcast %broadcast_in_dim3A_62 : i32 to vector<16xi32>
          %gather3A_64 = tpu.vector_load_idx %arg4[%iota3A, %broadcast_in_dim3A_63] : memref<16x128xf32, #tpu.memory_space<vmem>>[vector<16xi32>, vector<16xi32>], vector<16xf32>,
          %swap3A_65 = arith.constant 0 : i32
          %swap3A_66 = arith.index_cast %swap3A_65 : i32 to index
          %swap3A_67 = arith.constant 16 : index
          %swap3A_68 = tpu.vector_load %arg6[%swap3A_66, %swap3A_67] {strides = array<i32>} : memref<16x128xf32, #tpu.memory_space<vmem>>, vector<16xf32>,
          tpu.vector_store %arg6[%swap3A_66, %swap3A_67], %gather3A_64 {strides = array<i32>} : memref<16x128xf32, #tpu.memory_space<vmem>>, vector<16xf32>,
          %broadcast_in_dim3A_69 = arith.constant 2 : i32
          %broadcast_in_dim3A_70 = vector.broadcast %broadcast_in_dim3A_69 : i32 to vector<16xi32>
          %gather3A_71 = tpu.vector_load_idx %arg4[%iota3A, %broadcast_in_dim3A_70] : memref<16x128xf32, #tpu.memory_space<vmem>>[vector<16xi32>, vector<16xi32>], vector<16xf32>,
          %swap3A_72 = arith.constant 0 : i32
          %swap3A_73 = arith.index_cast %swap3A_72 : i32 to index
          %swap3A_74 = arith.constant 32 : index
          %swap3A_75 = tpu.vector_load %arg6[%swap3A_73, %swap3A_74] {strides = array<i32>} : memref<16x128xf32, #tpu.memory_space<vmem>>, vector<16xf32>,
          tpu.vector_store %arg6[%swap3A_73, %swap3A_74], %gather3A_71 {strides = array<i32>} : memref<16x128xf32, #tpu.memory_space<vmem>>, vector<16xf32>,
          %broadcast_in_dim3A_76 = arith.constant 3 : i32
          %broadcast_in_dim3A_77 = vector.broadcast %broadcast_in_dim3A_76 : i32 to vector<16xi32>
          %gather3A_78 = tpu.vector_load_idx %arg4[%iota3A, %broadcast_in_dim3A_77] : memref<16x128xf32, #tpu.memory_space<vmem>>[vector<16xi32>, vector<16xi32>], vector<16xf32>,
          %swap3A_79 = arith.constant 0 : i32
          %swap3A_80 = arith.index_cast %swap3A_79 : i32 to index
          %swap3A_81 = arith.constant 48 : index
          %swap3A_82 = tpu.vector_load %arg6[%swap3A_80, %swap3A_81] {strides = array<i32>} : memref<16x128xf32, #tpu.memory_space<vmem>>, vector<16xf32>,
          tpu.vector_store %arg6[%swap3A_80, %swap3A_81], %gather3A_78 {strides = array<i32>} : memref<16x128xf32, #tpu.memory_space<vmem>>, vector<16xf32>,
          %broadcast_in_dim3A_83 = arith.constant 4 : i32
          %broadcast_in_dim3A_84 = vector.broadcast %broadcast_in_dim3A_83 : i32 to vector<16xi32>
          %gather3A_85 = tpu.vector_load_idx %arg4[%iota3A, %broadcast_in_dim3A_84] : memref<16x128xf32, #tpu.memory_space<vmem>>[vector<16xi32>, vector<16xi32>], vector<16xf32>,
          %swap3A_86 = arith.constant 0 : i32
          %swap3A_87 = arith.index_cast %swap3A_86 : i32 to index
          %swap3A_88 = arith.constant 64 : index
          %swap3A_89 = tpu.vector_load %arg6[%swap3A_87, %swap3A_88] {strides = array<i32>} : memref<16x128xf32, #tpu.memory_space<vmem>>, vector<16xf32>,
          tpu.vector_store %arg6[%swap3A_87, %swap3A_88], %gather3A_85 {strides = array<i32>} : memref<16x128xf32, #tpu.memory_space<vmem>>, vector<16xf32>,
          %broadcast_in_dim3A_90 = arith.constant 5 : i32
          %broadcast_in_dim3A_91 = vector.broadcast %broadcast_in_dim3A_90 : i32 to vector<16xi32>
          %gather3A_92 = tpu.vector_load_idx %arg4[%iota3A, %broadcast_in_dim3A_91] : memref<16x128xf32, #tpu.memory_space<vmem>>[vector<16xi32>, vector<16xi32>], vector<16xf32>,
          %swap3A_93 = arith.constant 0 : i32
          %swap3A_94 = arith.index_cast %swap3A_93 : i32 to index
          %swap3A_95 = arith.constant 80 : index
          %swap3A_96 = tpu.vector_load %arg6[%swap3A_94, %swap3A_95] {strides = array<i32>} : memref<16x128xf32, #tpu.memory_space<vmem>>, vector<16xf32>,
          tpu.vector_store %arg6[%swap3A_94, %swap3A_95], %gather3A_92 {strides = array<i32>} : memref<16x128xf32, #tpu.memory_space<vmem>>, vector<16xf32>,
          %broadcast_in_dim3A_97 = arith.constant 6 : i32
          %broadcast_in_dim3A_98 = vector.broadcast %broadcast_in_dim3A_97 : i32 to vector<16xi32>
          %gather3A_99 = tpu.vector_load_idx %arg4[%iota3A, %broadcast_in_dim3A_98] : memref<16x128xf32, #tpu.memory_space<vmem>>[vector<16xi32>, vector<16xi32>], vector<16xf32>,
          %swap3A_100 = arith.constant 0 : i32
          %swap3A_101 = arith.index_cast %swap3A_100 : i32 to index
          %swap3A_102 = arith.constant 96 : index
          %swap3A_103 = tpu.vector_load %arg6[%swap3A_101, %swap3A_102] {strides = array<i32>} : memref<16x128xf32, #tpu.memory_space<vmem>>, vector<16xf32>,
          tpu.vector_store %arg6[%swap3A_101, %swap3A_102], %gather3A_99 {strides = array<i32>} : memref<16x128xf32, #tpu.memory_space<vmem>>, vector<16xf32>,
          %broadcast_in_dim3A_104 = arith.constant 7 : i32
          %broadcast_in_dim3A_105 = vector.broadcast %broadcast_in_dim3A_104 : i32 to vector<16xi32>
          %gather3A_106 = tpu.vector_load_idx %arg4[%iota3A, %broadcast_in_dim3A_105] : memref<16x128xf32, #tpu.memory_space<vmem>>[vector<16xi32>, vector<16xi32>], vector<16xf32>,
          %swap3A_107 = arith.constant 0 : i32
          %swap3A_108 = arith.index_cast %swap3A_107 : i32 to index
          %swap3A_109 = arith.constant 112 : index
          %swap3A_110 = tpu.vector_load %arg6[%swap3A_108, %swap3A_109] {strides = array<i32>} : memref<16x128xf32, #tpu.memory_space<vmem>>, vector<16xf32>,
          tpu.vector_store %arg6[%swap3A_108, %swap3A_109], %gather3A_106 {strides = array<i32>} : memref<16x128xf32, #tpu.memory_space<vmem>>, vector<16xf32>,
          %broadcast_in_dim3A_111 = arith.constant 8 : i32
          %broadcast_in_dim3A_112 = vector.broadcast %broadcast_in_dim3A_111 : i32 to vector<16xi32>
          %gather3A_113 = tpu.vector_load_idx %arg4[%iota3A, %broadcast_in_dim3A_112] : memref<16x128xf32, #tpu.memory_space<vmem>>[vector<16xi32>, vector<16xi32>], vector<16xf32>,
          %swap3A_114 = arith.constant 1 : i32
          %swap3A_115 = arith.index_cast %swap3A_114 : i32 to index
          %swap3A_116 = arith.constant 0 : index
          %swap3A_117 = tpu.vector_load %arg6[%swap3A_115, %swap3A_116] {strides = array<i32>} : memref<16x128xf32, #tpu.memory_space<vmem>>, vector<16xf32>,
          tpu.vector_store %arg6[%swap3A_115, %swap3A_116], %gather3A_113 {strides = array<i32>} : memref<16x128xf32, #tpu.memory_space<vmem>>, vector<16xf32>,
          %broadcast_in_dim3A_118 = arith.constant 9 : i32
          %broadcast_in_dim3A_119 = vector.broadcast %broadcast_in_dim3A_118 : i32 to vector<16xi32>
          %gather3A_120 = tpu.vector_load_idx %arg4[%iota3A, %broadcast_in_dim3A_119] : memref<16x128xf32, #tpu.memory_space<vmem>>[vector<16xi32>, vector<16xi32>], vector<16xf32>,
          %swap3A_121 = arith.constant 1 : i32
          %swap3A_122 = arith.index_cast %swap3A_121 : i32 to index
          %swap3A_123 = arith.constant 16 : index
          %swap3A_124 = tpu.vector_load %arg6[%swap3A_122, %swap3A_123] {strides = array<i32>} : memref<16x128xf32, #tpu.memory_space<vmem>>, vector<16xf32>,
          tpu.vector_store %arg6[%swap3A_122, %swap3A_123], %gather3A_120 {strides = array<i32>} : memref<16x128xf32, #tpu.memory_space<vmem>>, vector<16xf32>,
          %broadcast_in_dim3A_125 = arith.constant 10 : i32
          %broadcast_in_dim3A_126 = vector.broadcast %broadcast_in_dim3A_125 : i32 to vector<16xi32>
          %gather3A_127 = tpu.vector_load_idx %arg4[%iota3A, %broadcast_in_dim3A_126] : memref<16x128xf32, #tpu.memory_space<vmem>>[vector<16xi32>, vector<16xi32>], vector<16xf32>,
          %swap3A_128 = arith.constant 1 : i32
          %swap3A_129 = arith.index_cast %swap3A_128 : i32 to index
          %swap3A_130 = arith.constant 32 : index
          %swap3A_131 = tpu.vector_load %arg6[%swap3A_129, %swap3A_130] {strides = array<i32>} : memref<16x128xf32, #tpu.memory_space<vmem>>, vector<16xf32>,
          tpu.vector_store %arg6[%swap3A_129, %swap3A_130], %gather3A_127 {strides = array<i32>} : memref<16x128xf32, #tpu.memory_space<vmem>>, vector<16xf32>,
          %broadcast_in_dim3A_132 = arith.constant 11 : i32
          %broadcast_in_dim3A_133 = vector.broadcast %broadcast_in_dim3A_132 : i32 to vector<16xi32>
          %gather3A_134 = tpu.vector_load_idx %arg4[%iota3A, %broadcast_in_dim3A_133] : memref<16x128xf32, #tpu.memory_space<vmem>>[vector<16xi32>, vector<16xi32>], vector<16xf32>,
          %swap3A_135 = arith.constant 1 : i32
          %swap3A_136 = arith.index_cast %swap3A_135 : i32 to index
          %swap3A_137 = arith.constant 48 : index
          %swap3A_138 = tpu.vector_load %arg6[%swap3A_136, %swap3A_137] {strides = array<i32>} : memref<16x128xf32, #tpu.memory_space<vmem>>, vector<16xf32>,
          tpu.vector_store %arg6[%swap3A_136, %swap3A_137], %gather3A_134 {strides = array<i32>} : memref<16x128xf32, #tpu.memory_space<vmem>>, vector<16xf32>,
          %broadcast_in_dim3A_139 = arith.constant 12 : i32
          %broadcast_in_dim3A_140 = vector.broadcast %broadcast_in_dim3A_139 : i32 to vector<16xi32>
          %gather3A_141 = tpu.vector_load_idx %arg4[%iota3A, %broadcast_in_dim3A_140] : memref<16x128xf32, #tpu.memory_space<vmem>>[vector<16xi32>, vector<16xi32>], vector<16xf32>,
          %swap3A_142 = arith.constant 1 : i32
          %swap3A_143 = arith.index_cast %swap3A_142 : i32 to index
          %swap3A_144 = arith.constant 64 : index
          %swap3A_145 = tpu.vector_load %arg6[%swap3A_143, %swap3A_144] {strides = array<i32>} : memref<16x128xf32, #tpu.memory_space<vmem>>, vector<16xf32>,
          tpu.vector_store %arg6[%swap3A_143, %swap3A_144], %gather3A_141 {strides = array<i32>} : memref<16x128xf32, #tpu.memory_space<vmem>>, vector<16xf32>,
          %broadcast_in_dim3A_146 = arith.constant 13 : i32
          %broadcast_in_dim3A_147 = vector.broadcast %broadcast_in_dim3A_146 : i32 to vector<16xi32>
          %gather3A_148 = tpu.vector_load_idx %arg4[%iota3A, %broadcast_in_dim3A_147] : memref<16x128xf32, #tpu.memory_space<vmem>>[vector<16xi32>, vector<16xi32>], vector<16xf32>,
          %swap3A_149 = arith.constant 1 : i32
          %swap3A_150 = arith.index_cast %swap3A_149 : i32 to index
          %swap3A_151 = arith.constant 80 : index
          %swap3A_152 = tpu.vector_load %arg6[%swap3A_150, %swap3A_151] {strides = array<i32>} : memref<16x128xf32, #tpu.memory_space<vmem>>, vector<16xf32>,
          tpu.vector_store %arg6[%swap3A_150, %swap3A_151], %gather3A_148 {strides = array<i32>} : memref<16x128xf32, #tpu.memory_space<vmem>>, vector<16xf32>,
          %broadcast_in_dim3A_153 = arith.constant 14 : i32
          %broadcast_in_dim3A_154 = vector.broadcast %broadcast_in_dim3A_153 : i32 to vector<16xi32>
          %gather3A_155 = tpu.vector_load_idx %arg4[%iota3A, %broadcast_in_dim3A_154] : memref<16x128xf32, #tpu.memory_space<vmem>>[vector<16xi32>, vector<16xi32>], vector<16xf32>,
          %swap3A_156 = arith.constant 1 : i32
          %swap3A_157 = arith.index_cast %swap3A_156 : i32 to index
          %swap3A_158 = arith.constant 96 : index
          %swap3A_159 = tpu.vector_load %arg6[%swap3A_157, %swap3A_158] {strides = array<i32>} : memref<16x128xf32, #tpu.memory_space<vmem>>, vector<16xf32>,
          tpu.vector_store %arg6[%swap3A_157, %swap3A_158], %gather3A_155 {strides = array<i32>} : memref<16x128xf32, #tpu.memory_space<vmem>>, vector<16xf32>,
          %broadcast_in_dim3A_160 = arith.constant 15 : i32
          %broadcast_in_dim3A_161 = vector.broadcast %broadcast_in_dim3A_160 : i32 to vector<16xi32>
          %gather3A_162 = tpu.vector_load_idx %arg4[%iota3A, %broadcast_in_dim3A_161] : memref<16x128xf32, #tpu.memory_space<vmem>>[vector<16xi32>, vector<16xi32>], vector<16xf32>,
          %swap3A_163 = arith.constant 1 : i32
          %swap3A_164 = arith.index_cast %swap3A_163 : i32 to index
          %swap3A_165 = arith.constant 112 : index
          %swap3A_166 = tpu.vector_load %arg6[%swap3A_164, %swap3A_165] {strides = array<i32>} : memref<16x128xf32, #tpu.memory_space<vmem>>, vector<16xf32>,
          tpu.vector_store %arg6[%swap3A_164, %swap3A_165], %gather3A_162 {strides = array<i32>} : memref<16x128xf32, #tpu.memory_space<vmem>>, vector<16xf32>,
          %broadcast_in_dim3A_167 = arith.constant 16 : i32
          %broadcast_in_dim3A_168 = vector.broadcast %broadcast_in_dim3A_167 : i32 to vector<16xi32>
          %gather3A_169 = tpu.vector_load_idx %arg4[%iota3A, %broadcast_in_dim3A_168] : memref<16x128xf32, #tpu.memory_space<vmem>>[vector<16xi32>, vector<16xi32>], vector<16xf32>,
          %swap3A_170 = arith.constant 2 : i32
          %swap3A_171 = arith.index_cast %swap3A_170 : i32 to index
          %swap3A_172 = arith.constant 0 : index
          %swap3A_173 = tpu.vector_load %arg6[%swap3A_171, %swap3A_172] {strides = array<i32>} : memref<16x128xf32, #tpu.memory_space<vmem>>, vector<16xf32>,
          tpu.vector_store %arg6[%swap3A_171, %swap3A_172], %gather3A_169 {strides = array<i32>} : memref<16x128xf32, #tpu.memory_space<vmem>>, vector<16xf32>,
          %broadcast_in_dim3A_174 = arith.constant 17 : i32
          %broadcast_in_dim3A_175 = vector.broadcast %broadcast_in_dim3A_174 : i32 to vector<16xi32>
          %gather3A_176 = tpu.vector_load_idx %arg4[%iota3A, %broadcast_in_dim3A_175] : memref<16x128xf32, #tpu.memory_space<vmem>>[vector<16xi32>, vector<16xi32>], vector<16xf32>,
          %swap3A_177 = arith.constant 2 : i32
          %swap3A_178 = arith.index_cast %swap3A_177 : i32 to index
          %swap3A_179 = arith.constant 16 : index
          %swap3A_180 = tpu.vector_load %arg6[%swap3A_178, %swap3A_179] {strides = array<i32>} : memref<16x128xf32, #tpu.memory_space<vmem>>, vector<16xf32>,
          tpu.vector_store %arg6[%swap3A_178, %swap3A_179], %gather3A_176 {strides = array<i32>} : memref<16x128xf32, #tpu.memory_space<vmem>>, vector<16xf32>,
          %broadcast_in_dim3A_181 = arith.constant 18 : i32
          %broadcast_in_dim3A_182 = vector.broadcast %broadcast_in_dim3A_181 : i32 to vector<16xi32>
          %gather3A_183 = tpu.vector_load_idx %arg4[%iota3A, %broadcast_in_dim3A_182] : memref<16x128xf32, #tpu.memory_space<vmem>>[vector<16xi32>, vector<16xi32>], vector<16xf32>,
          %swap3A_184 = arith.constant 2 : i32
          %swap3A_185 = arith.index_cast %swap3A_184 : i32 to index
          %swap3A_186 = arith.constant 32 : index
          %swap3A_187 = tpu.vector_load %arg6[%swap3A_185, %swap3A_186] {strides = array<i32>} : memref<16x128xf32, #tpu.memory_space<vmem>>, vector<16xf32>,
          tpu.vector_store %arg6[%swap3A_185, %swap3A_186], %gather3A_183 {strides = array<i32>} : memref<16x128xf32, #tpu.memory_space<vmem>>, vector<16xf32>,
          %broadcast_in_dim3A_188 = arith.constant 19 : i32
          %broadcast_in_dim3A_189 = vector.broadcast %broadcast_in_dim3A_188 : i32 to vector<16xi32>
          %gather3A_190 = tpu.vector_load_idx %arg4[%iota3A, %broadcast_in_dim3A_189] : memref<16x128xf32, #tpu.memory_space<vmem>>[vector<16xi32>, vector<16xi32>], vector<16xf32>,
          %swap3A_191 = arith.constant 2 : i32
          %swap3A_192 = arith.index_cast %swap3A_191 : i32 to index
          %swap3A_193 = arith.constant 48 : index
          %swap3A_194 = tpu.vector_load %arg6[%swap3A_192, %swap3A_193] {strides = array<i32>} : memref<16x128xf32, #tpu.memory_space<vmem>>, vector<16xf32>,
          tpu.vector_store %arg6[%swap3A_192, %swap3A_193], %gather3A_190 {strides = array<i32>} : memref<16x128xf32, #tpu.memory_space<vmem>>, vector<16xf32>,
          %broadcast_in_dim3A_195 = arith.constant 20 : i32
          %broadcast_in_dim3A_196 = vector.broadcast %broadcast_in_dim3A_195 : i32 to vector<16xi32>
          %gather3A_197 = tpu.vector_load_idx %arg4[%iota3A, %broadcast_in_dim3A_196] : memref<16x128xf32, #tpu.memory_space<vmem>>[vector<16xi32>, vector<16xi32>], vector<16xf32>,
          %swap3A_198 = arith.constant 2 : i32
          %swap3A_199 = arith.index_cast %swap3A_198 : i32 to index
          %swap3A_200 = arith.constant 64 : index
          %swap3A_201 = tpu.vector_load %arg6[%swap3A_199, %swap3A_200] {strides = array<i32>} : memref<16x128xf32, #tpu.memory_space<vmem>>, vector<16xf32>,
          tpu.vector_store %arg6[%swap3A_199, %swap3A_200], %gather3A_197 {strides = array<i32>} : memref<16x128xf32, #tpu.memory_space<vmem>>, vector<16xf32>,
          %broadcast_in_dim3A_202 = arith.constant 21 : i32
          %broadcast_in_dim3A_203 = vector.broadcast %broadcast_in_dim3A_202 : i32 to vector<16xi32>
          %gather3A_204 = tpu.vector_load_idx %arg4[%iota3A, %broadcast_in_dim3A_203] : memref<16x128xf32, #tpu.memory_space<vmem>>[vector<16xi32>, vector<16xi32>], vector<16xf32>,
          %swap3A_205 = arith.constant 2 : i32
          %swap3A_206 = arith.index_cast %swap3A_205 : i32 to index
          %swap3A_207 = arith.constant 80 : index
          %swap3A_208 = tpu.vector_load %arg6[%swap3A_206, %swap3A_207] {strides = array<i32>} : memref<16x128xf32, #tpu.memory_space<vmem>>, vector<16xf32>,
          tpu.vector_store %arg6[%swap3A_206, %swap3A_207], %gather3A_204 {strides = array<i32>} : memref<16x128xf32, #tpu.memory_space<vmem>>, vector<16xf32>,
          %broadcast_in_dim3A_209 = arith.constant 22 : i32
          %broadcast_in_dim3A_210 = vector.broadcast %broadcast_in_dim3A_209 : i32 to vector<16xi32>
          %gather3A_211 = tpu.vector_load_idx %arg4[%iota3A, %broadcast_in_dim3A_210] : memref<16x128xf32, #tpu.memory_space<vmem>>[vector<16xi32>, vector<16xi32>], vector<16xf32>,
          %swap3A_212 = arith.constant 2 : i32
          %swap3A_213 = arith.index_cast %swap3A_212 : i32 to index
          %swap3A_214 = arith.constant 96 : index
          %swap3A_215 = tpu.vector_load %arg6[%swap3A_213, %swap3A_214] {strides = array<i32>} : memref<16x128xf32, #tpu.memory_space<vmem>>, vector<16xf32>,
          tpu.vector_store %arg6[%swap3A_213, %swap3A_214], %gather3A_211 {strides = array<i32>} : memref<16x128xf32, #tpu.memory_space<vmem>>, vector<16xf32>,
          %broadcast_in_dim3A_216 = arith.constant 23 : i32
          %broadcast_in_dim3A_217 = vector.broadcast %broadcast_in_dim3A_216 : i32 to vector<16xi32>
          %gather3A_218 = tpu.vector_load_idx %arg4[%iota3A, %broadcast_in_dim3A_217] : memref<16x128xf32, #tpu.memory_space<vmem>>[vector<16xi32>, vector<16xi32>], vector<16xf32>,
          %swap3A_219 = arith.constant 2 : i32
          %swap3A_220 = arith.index_cast %swap3A_219 : i32 to index
          %swap3A_221 = arith.constant 112 : index
          %swap3A_222 = tpu.vector_load %arg6[%swap3A_220, %swap3A_221] {strides = array<i32>} : memref<16x128xf32, #tpu.memory_space<vmem>>, vector<16xf32>,
          tpu.vector_store %arg6[%swap3A_220, %swap3A_221], %gather3A_218 {strides = array<i32>} : memref<16x128xf32, #tpu.memory_space<vmem>>, vector<16xf32>,
          %broadcast_in_dim3A_223 = arith.constant 24 : i32
          %broadcast_in_dim3A_224 = vector.broadcast %broadcast_in_dim3A_223 : i32 to vector<16xi32>
          %gather3A_225 = tpu.vector_load_idx %arg4[%iota3A, %broadcast_in_dim3A_224] : memref<16x128xf32, #tpu.memory_space<vmem>>[vector<16xi32>, vector<16xi32>], vector<16xf32>,
          %swap3A_226 = arith.constant 3 : i32
          %swap3A_227 = arith.index_cast %swap3A_226 : i32 to index
          %swap3A_228 = arith.constant 0 : index
          %swap3A_229 = tpu.vector_load %arg6[%swap3A_227, %swap3A_228] {strides = array<i32>} : memref<16x128xf32, #tpu.memory_space<vmem>>, vector<16xf32>,
          tpu.vector_store %arg6[%swap3A_227, %swap3A_228], %gather3A_225 {strides = array<i32>} : memref<16x128xf32, #tpu.memory_space<vmem>>, vector<16xf32>,
          %broadcast_in_dim3A_230 = arith.constant 25 : i32
          %broadcast_in_dim3A_231 = vector.broadcast %broadcast_in_dim3A_230 : i32 to vector<16xi32>
          %gather3A_232 = tpu.vector_load_idx %arg4[%iota3A, %broadcast_in_dim3A_231] : memref<16x128xf32, #tpu.memory_space<vmem>>[vector<16xi32>, vector<16xi32>], vector<16xf32>,
          %swap3A_233 = arith.constant 3 : i32
          %swap3A_234 = arith.index_cast %swap3A_233 : i32 to index
          %swap3A_235 = arith.constant 16 : index
          %swap3A_236 = tpu.vector_load %arg6[%swap3A_234, %swap3A_235] {strides = array<i32>} : memref<16x128xf32, #tpu.memory_space<vmem>>, vector<16xf32>,
          tpu.vector_store %arg6[%swap3A_234, %swap3A_235], %gather3A_232 {strides = array<i32>} : memref<16x128xf32, #tpu.memory_space<vmem>>, vector<16xf32>,
          %broadcast_in_dim3A_237 = arith.constant 26 : i32
          %broadcast_in_dim3A_238 = vector.broadcast %broadcast_in_dim3A_237 : i32 to vector<16xi32>
          %gather3A_239 = tpu.vector_load_idx %arg4[%iota3A, %broadcast_in_dim3A_238] : memref<16x128xf32, #tpu.memory_space<vmem>>[vector<16xi32>, vector<16xi32>], vector<16xf32>,
          %swap3A_240 = arith.constant 3 : i32
          %swap3A_241 = arith.index_cast %swap3A_240 : i32 to index
          %swap3A_242 = arith.constant 32 : index
          %swap3A_243 = tpu.vector_load %arg6[%swap3A_241, %swap3A_242] {strides = array<i32>} : memref<16x128xf32, #tpu.memory_space<vmem>>, vector<16xf32>,
          tpu.vector_store %arg6[%swap3A_241, %swap3A_242], %gather3A_239 {strides = array<i32>} : memref<16x128xf32, #tpu.memory_space<vmem>>, vector<16xf32>,
          %broadcast_in_dim3A_244 = arith.constant 27 : i32
          %broadcast_in_dim3A_245 = vector.broadcast %broadcast_in_dim3A_244 : i32 to vector<16xi32>
          %gather3A_246 = tpu.vector_load_idx %arg4[%iota3A, %broadcast_in_dim3A_245] : memref<16x128xf32, #tpu.memory_space<vmem>>[vector<16xi32>, vector<16xi32>], vector<16xf32>,
          %swap3A_247 = arith.constant 3 : i32
          %swap3A_248 = arith.index_cast %swap3A_247 : i32 to index
          %swap3A_249 = arith.constant 48 : index
          %swap3A_250 = tpu.vector_load %arg6[%swap3A_248, %swap3A_249] {strides = array<i32>} : memref<16x128xf32, #tpu.memory_space<vmem>>, vector<16xf32>,
          tpu.vector_store %arg6[%swap3A_248, %swap3A_249], %gather3A_246 {strides = array<i32>} : memref<16x128xf32, #tpu.memory_space<vmem>>, vector<16xf32>,
          %broadcast_in_dim3A_251 = arith.constant 28 : i32
          %broadcast_in_dim3A_252 = vector.broadcast %broadcast_in_dim3A_251 : i32 to vector<16xi32>
          %gather3A_253 = tpu.vector_load_idx %arg4[%iota3A, %broadcast_in_dim3A_252] : memref<16x128xf32, #tpu.memory_space<vmem>>[vector<16xi32>, vector<16xi32>], vector<16xf32>,
          %swap3A_254 = arith.constant 3 : i32
          %swap3A_255 = arith.index_cast %swap3A_254 : i32 to index
          %swap3A_256 = arith.constant 64 : index
          %swap3A_257 = tpu.vector_load %arg6[%swap3A_255, %swap3A_256] {strides = array<i32>} : memref<16x128xf32, #tpu.memory_space<vmem>>, vector<16xf32>,
          tpu.vector_store %arg6[%swap3A_255, %swap3A_256], %gather3A_253 {strides = array<i32>} : memref<16x128xf32, #tpu.memory_space<vmem>>, vector<16xf32>,
          %broadcast_in_dim3A_258 = arith.constant 29 : i32
          %broadcast_in_dim3A_259 = vector.broadcast %broadcast_in_dim3A_258 : i32 to vector<16xi32>
          %gather3A_260 = tpu.vector_load_idx %arg4[%iota3A, %broadcast_in_dim3A_259] : memref<16x128xf32, #tpu.memory_space<vmem>>[vector<16xi32>, vector<16xi32>], vector<16xf32>,
          %swap3A_261 = arith.constant 3 : i32
          %swap3A_262 = arith.index_cast %swap3A_261 : i32 to index
          %swap3A_263 = arith.constant 80 : index
          %swap3A_264 = tpu.vector_load %arg6[%swap3A_262, %swap3A_263] {strides = array<i32>} : memref<16x128xf32, #tpu.memory_space<vmem>>, vector<16xf32>,
          tpu.vector_store %arg6[%swap3A_262, %swap3A_263], %gather3A_260 {strides = array<i32>} : memref<16x128xf32, #tpu.memory_space<vmem>>, vector<16xf32>,
          %broadcast_in_dim3A_265 = arith.constant 30 : i32
          %broadcast_in_dim3A_266 = vector.broadcast %broadcast_in_dim3A_265 : i32 to vector<16xi32>
          %gather3A_267 = tpu.vector_load_idx %arg4[%iota3A, %broadcast_in_dim3A_266] : memref<16x128xf32, #tpu.memory_space<vmem>>[vector<16xi32>, vector<16xi32>], vector<16xf32>,
          %swap3A_268 = arith.constant 3 : i32
          %swap3A_269 = arith.index_cast %swap3A_268 : i32 to index
          %swap3A_270 = arith.constant 96 : index
          %swap3A_271 = tpu.vector_load %arg6[%swap3A_269, %swap3A_270] {strides = array<i32>} : memref<16x128xf32, #tpu.memory_space<vmem>>, vector<16xf32>,
          tpu.vector_store %arg6[%swap3A_269, %swap3A_270], %gather3A_267 {strides = array<i32>} : memref<16x128xf32, #tpu.memory_space<vmem>>, vector<16xf32>,
          %broadcast_in_dim3A_272 = arith.constant 31 : i32
          %broadcast_in_dim3A_273 = vector.broadcast %broadcast_in_dim3A_272 : i32 to vector<16xi32>
          %gather3A_274 = tpu.vector_load_idx %arg4[%iota3A, %broadcast_in_dim3A_273] : memref<16x128xf32, #tpu.memory_space<vmem>>[vector<16xi32>, vector<16xi32>], vector<16xf32>,
          %swap3A_275 = arith.constant 3 : i32
          %swap3A_276 = arith.index_cast %swap3A_275 : i32 to index
          %swap3A_277 = arith.constant 112 : index
          %swap3A_278 = tpu.vector_load %arg6[%swap3A_276, %swap3A_277] {strides = array<i32>} : memref<16x128xf32, #tpu.memory_space<vmem>>, vector<16xf32>,
          tpu.vector_store %arg6[%swap3A_276, %swap3A_277], %gather3A_274 {strides = array<i32>} : memref<16x128xf32, #tpu.memory_space<vmem>>, vector<16xf32>,
          %broadcast_in_dim3A_279 = arith.constant 32 : i32
          %broadcast_in_dim3A_280 = vector.broadcast %broadcast_in_dim3A_279 : i32 to vector<16xi32>
          %gather3A_281 = tpu.vector_load_idx %arg4[%iota3A, %broadcast_in_dim3A_280] : memref<16x128xf32, #tpu.memory_space<vmem>>[vector<16xi32>, vector<16xi32>], vector<16xf32>,
          %swap3A_282 = arith.constant 4 : i32
          %swap3A_283 = arith.index_cast %swap3A_282 : i32 to index
          %swap3A_284 = arith.constant 0 : index
          %swap3A_285 = tpu.vector_load %arg6[%swap3A_283, %swap3A_284] {strides = array<i32>} : memref<16x128xf32, #tpu.memory_space<vmem>>, vector<16xf32>,
          tpu.vector_store %arg6[%swap3A_283, %swap3A_284], %gather3A_281 {strides = array<i32>} : memref<16x128xf32, #tpu.memory_space<vmem>>, vector<16xf32>,
          %broadcast_in_dim3A_286 = arith.constant 33 : i32
          %broadcast_in_dim3A_287 = vector.broadcast %broadcast_in_dim3A_286 : i32 to vector<16xi32>
          %gather3A_288 = tpu.vector_load_idx %arg4[%iota3A, %broadcast_in_dim3A_287] : memref<16x128xf32, #tpu.memory_space<vmem>>[vector<16xi32>, vector<16xi32>], vector<16xf32>,
          %swap3A_289 = arith.constant 4 : i32
          %swap3A_290 = arith.index_cast %swap3A_289 : i32 to index
          %swap3A_291 = arith.constant 16 : index
          %swap3A_292 = tpu.vector_load %arg6[%swap3A_290, %swap3A_291] {strides = array<i32>} : memref<16x128xf32, #tpu.memory_space<vmem>>, vector<16xf32>,
          tpu.vector_store %arg6[%swap3A_290, %swap3A_291], %gather3A_288 {strides = array<i32>} : memref<16x128xf32, #tpu.memory_space<vmem>>, vector<16xf32>,
          %broadcast_in_dim3A_293 = arith.constant 34 : i32
          %broadcast_in_dim3A_294 = vector.broadcast %broadcast_in_dim3A_293 : i32 to vector<16xi32>
          %gather3A_295 = tpu.vector_load_idx %arg4[%iota3A, %broadcast_in_dim3A_294] : memref<16x128xf32, #tpu.memory_space<vmem>>[vector<16xi32>, vector<16xi32>], vector<16xf32>,
          %swap3A_296 = arith.constant 4 : i32
          %swap3A_297 = arith.index_cast %swap3A_296 : i32 to index
          %swap3A_298 = arith.constant 32 : index
          %swap3A_299 = tpu.vector_load %arg6[%swap3A_297, %swap3A_298] {strides = array<i32>} : memref<16x128xf32, #tpu.memory_space<vmem>>, vector<16xf32>,
          tpu.vector_store %arg6[%swap3A_297, %swap3A_298], %gather3A_295 {strides = array<i32>} : memref<16x128xf32, #tpu.memory_space<vmem>>, vector<16xf32>,
          %broadcast_in_dim3A_300 = arith.constant 35 : i32
          %broadcast_in_dim3A_301 = vector.broadcast %broadcast_in_dim3A_300 : i32 to vector<16xi32>
          %gather3A_302 = tpu.vector_load_idx %arg4[%iota3A, %broadcast_in_dim3A_301] : memref<16x128xf32, #tpu.memory_space<vmem>>[vector<16xi32>, vector<16xi32>], vector<16xf32>,
          %swap3A_303 = arith.constant 4 : i32
          %swap3A_304 = arith.index_cast %swap3A_303 : i32 to index
          %swap3A_305 = arith.constant 48 : index
          %swap3A_306 = tpu.vector_load %arg6[%swap3A_304, %swap3A_305] {strides = array<i32>} : memref<16x128xf32, #tpu.memory_space<vmem>>, vector<16xf32>,
          tpu.vector_store %arg6[%swap3A_304, %swap3A_305], %gather3A_302 {strides = array<i32>} : memref<16x128xf32, #tpu.memory_space<vmem>>, vector<16xf32>,
          %broadcast_in_dim3A_307 = arith.constant 36 : i32
          %broadcast_in_dim3A_308 = vector.broadcast %broadcast_in_dim3A_307 : i32 to vector<16xi32>
          %gather3A_309 = tpu.vector_load_idx %arg4[%iota3A, %broadcast_in_dim3A_308] : memref<16x128xf32, #tpu.memory_space<vmem>>[vector<16xi32>, vector<16xi32>], vector<16xf32>,
          %swap3A_310 = arith.constant 4 : i32
          %swap3A_311 = arith.index_cast %swap3A_310 : i32 to index
          %swap3A_312 = arith.constant 64 : index
          %swap3A_313 = tpu.vector_load %arg6[%swap3A_311, %swap3A_312] {strides = array<i32>} : memref<16x128xf32, #tpu.memory_space<vmem>>, vector<16xf32>,
          tpu.vector_store %arg6[%swap3A_311, %swap3A_312], %gather3A_309 {strides = array<i32>} : memref<16x128xf32, #tpu.memory_space<vmem>>, vector<16xf32>,
          %broadcast_in_dim3A_314 = arith.constant 37 : i32
          %broadcast_in_dim3A_315 = vector.broadcast %broadcast_in_dim3A_314 : i32 to vector<16xi32>
          %gather3A_316 = tpu.vector_load_idx %arg4[%iota3A, %broadcast_in_dim3A_315] : memref<16x128xf32, #tpu.memory_space<vmem>>[vector<16xi32>, vector<16xi32>], vector<16xf32>,
          %swap3A_317 = arith.constant 4 : i32
          %swap3A_318 = arith.index_cast %swap3A_317 : i32 to index
          %swap3A_319 = arith.constant 80 : index
          %swap3A_320 = tpu.vector_load %arg6[%swap3A_318, %swap3A_319] {strides = array<i32>} : memref<16x128xf32, #tpu.memory_space<vmem>>, vector<16xf32>,
          tpu.vector_store %arg6[%swap3A_318, %swap3A_319], %gather3A_316 {strides = array<i32>} : memref<16x128xf32, #tpu.memory_space<vmem>>, vector<16xf32>,
          %broadcast_in_dim3A_321 = arith.constant 38 : i32
          %broadcast_in_dim3A_322 = vector.broadcast %broadcast_in_dim3A_321 : i32 to vector<16xi32>
          %gather3A_323 = tpu.vector_load_idx %arg4[%iota3A, %broadcast_in_dim3A_322] : memref<16x128xf32, #tpu.memory_space<vmem>>[vector<16xi32>, vector<16xi32>], vector<16xf32>,
          %swap3A_324 = arith.constant 4 : i32
          %swap3A_325 = arith.index_cast %swap3A_324 : i32 to index
          %swap3A_326 = arith.constant 96 : index
          %swap3A_327 = tpu.vector_load %arg6[%swap3A_325, %swap3A_326] {strides = array<i32>} : memref<16x128xf32, #tpu.memory_space<vmem>>, vector<16xf32>,
          tpu.vector_store %arg6[%swap3A_325, %swap3A_326], %gather3A_323 {strides = array<i32>} : memref<16x128xf32, #tpu.memory_space<vmem>>, vector<16xf32>,
          %broadcast_in_dim3A_328 = arith.constant 39 : i32
          %broadcast_in_dim3A_329 = vector.broadcast %broadcast_in_dim3A_328 : i32 to vector<16xi32>
          %gather3A_330 = tpu.vector_load_idx %arg4[%iota3A, %broadcast_in_dim3A_329] : memref<16x128xf32, #tpu.memory_space<vmem>>[vector<16xi32>, vector<16xi32>], vector<16xf32>,
          %swap3A_331 = arith.constant 4 : i32
          %swap3A_332 = arith.index_cast %swap3A_331 : i32 to index
          %swap3A_333 = arith.constant 112 : index
          %swap3A_334 = tpu.vector_load %arg6[%swap3A_332, %swap3A_333] {strides = array<i32>} : memref<16x128xf32, #tpu.memory_space<vmem>>, vector<16xf32>,
          tpu.vector_store %arg6[%swap3A_332, %swap3A_333], %gather3A_330 {strides = array<i32>} : memref<16x128xf32, #tpu.memory_space<vmem>>, vector<16xf32>,
          %broadcast_in_dim3A_335 = arith.constant 40 : i32
          %broadcast_in_dim3A_336 = vector.broadcast %broadcast_in_dim3A_335 : i32 to vector<16xi32>
          %gather3A_337 = tpu.vector_load_idx %arg4[%iota3A, %broadcast_in_dim3A_336] : memref<16x128xf32, #tpu.memory_space<vmem>>[vector<16xi32>, vector<16xi32>], vector<16xf32>,
          %swap3A_338 = arith.constant 5 : i32
          %swap3A_339 = arith.index_cast %swap3A_338 : i32 to index
          %swap3A_340 = arith.constant 0 : index
          %swap3A_341 = tpu.vector_load %arg6[%swap3A_339, %swap3A_340] {strides = array<i32>} : memref<16x128xf32, #tpu.memory_space<vmem>>, vector<16xf32>,
          tpu.vector_store %arg6[%swap3A_339, %swap3A_340], %gather3A_337 {strides = array<i32>} : memref<16x128xf32, #tpu.memory_space<vmem>>, vector<16xf32>,
          %broadcast_in_dim3A_342 = arith.constant 41 : i32
          %broadcast_in_dim3A_343 = vector.broadcast %broadcast_in_dim3A_342 : i32 to vector<16xi32>
          %gather3A_344 = tpu.vector_load_idx %arg4[%iota3A, %broadcast_in_dim3A_343] : memref<16x128xf32, #tpu.memory_space<vmem>>[vector<16xi32>, vector<16xi32>], vector<16xf32>,
          %swap3A_345 = arith.constant 5 : i32
          %swap3A_346 = arith.index_cast %swap3A_345 : i32 to index
          %swap3A_347 = arith.constant 16 : index
          %swap3A_348 = tpu.vector_load %arg6[%swap3A_346, %swap3A_347] {strides = array<i32>} : memref<16x128xf32, #tpu.memory_space<vmem>>, vector<16xf32>,
          tpu.vector_store %arg6[%swap3A_346, %swap3A_347], %gather3A_344 {strides = array<i32>} : memref<16x128xf32, #tpu.memory_space<vmem>>, vector<16xf32>,
          %broadcast_in_dim3A_349 = arith.constant 42 : i32
          %broadcast_in_dim3A_350 = vector.broadcast %broadcast_in_dim3A_349 : i32 to vector<16xi32>
          %gather3A_351 = tpu.vector_load_idx %arg4[%iota3A, %broadcast_in_dim3A_350] : memref<16x128xf32, #tpu.memory_space<vmem>>[vector<16xi32>, vector<16xi32>], vector<16xf32>,
          %swap3A_352 = arith.constant 5 : i32
          %swap3A_353 = arith.index_cast %swap3A_352 : i32 to index
          %swap3A_354 = arith.constant 32 : index
          %swap3A_355 = tpu.vector_load %arg6[%swap3A_353, %swap3A_354] {strides = array<i32>} : memref<16x128xf32, #tpu.memory_space<vmem>>, vector<16xf32>,
          tpu.vector_store %arg6[%swap3A_353, %swap3A_354], %gather3A_351 {strides = array<i32>} : memref<16x128xf32, #tpu.memory_space<vmem>>, vector<16xf32>,
          %broadcast_in_dim3A_356 = arith.constant 43 : i32
          %broadcast_in_dim3A_357 = vector.broadcast %broadcast_in_dim3A_356 : i32 to vector<16xi32>
          %gather3A_358 = tpu.vector_load_idx %arg4[%iota3A, %broadcast_in_dim3A_357] : memref<16x128xf32, #tpu.memory_space<vmem>>[vector<16xi32>, vector<16xi32>], vector<16xf32>,
          %swap3A_359 = arith.constant 5 : i32
          %swap3A_360 = arith.index_cast %swap3A_359 : i32 to index
          %swap3A_361 = arith.constant 48 : index
          %swap3A_362 = tpu.vector_load %arg6[%swap3A_360, %swap3A_361] {strides = array<i32>} : memref<16x128xf32, #tpu.memory_space<vmem>>, vector<16xf32>,
          tpu.vector_store %arg6[%swap3A_360, %swap3A_361], %gather3A_358 {strides = array<i32>} : memref<16x128xf32, #tpu.memory_space<vmem>>, vector<16xf32>,
          %broadcast_in_dim3A_363 = arith.constant 44 : i32
          %broadcast_in_dim3A_364 = vector.broadcast %broadcast_in_dim3A_363 : i32 to vector<16xi32>
          %gather3A_365 = tpu.vector_load_idx %arg4[%iota3A, %broadcast_in_dim3A_364] : memref<16x128xf32, #tpu.memory_space<vmem>>[vector<16xi32>, vector<16xi32>], vector<16xf32>,
          %swap3A_366 = arith.constant 5 : i32
          %swap3A_367 = arith.index_cast %swap3A_366 : i32 to index
          %swap3A_368 = arith.constant 64 : index
          %swap3A_369 = tpu.vector_load %arg6[%swap3A_367, %swap3A_368] {strides = array<i32>} : memref<16x128xf32, #tpu.memory_space<vmem>>, vector<16xf32>,
          tpu.vector_store %arg6[%swap3A_367, %swap3A_368], %gather3A_365 {strides = array<i32>} : memref<16x128xf32, #tpu.memory_space<vmem>>, vector<16xf32>,
          %broadcast_in_dim3A_370 = arith.constant 45 : i32
          %broadcast_in_dim3A_371 = vector.broadcast %broadcast_in_dim3A_370 : i32 to vector<16xi32>
          %gather3A_372 = tpu.vector_load_idx %arg4[%iota3A, %broadcast_in_dim3A_371] : memref<16x128xf32, #tpu.memory_space<vmem>>[vector<16xi32>, vector<16xi32>], vector<16xf32>,
          %swap3A_373 = arith.constant 5 : i32
          %swap3A_374 = arith.index_cast %swap3A_373 : i32 to index
          %swap3A_375 = arith.constant 80 : index
          %swap3A_376 = tpu.vector_load %arg6[%swap3A_374, %swap3A_375] {strides = array<i32>} : memref<16x128xf32, #tpu.memory_space<vmem>>, vector<16xf32>,
          tpu.vector_store %arg6[%swap3A_374, %swap3A_375], %gather3A_372 {strides = array<i32>} : memref<16x128xf32, #tpu.memory_space<vmem>>, vector<16xf32>,
          %broadcast_in_dim3A_377 = arith.constant 46 : i32
          %broadcast_in_dim3A_378 = vector.broadcast %broadcast_in_dim3A_377 : i32 to vector<16xi32>
          %gather3A_379 = tpu.vector_load_idx %arg4[%iota3A, %broadcast_in_dim3A_378] : memref<16x128xf32, #tpu.memory_space<vmem>>[vector<16xi32>, vector<16xi32>], vector<16xf32>,
          %swap3A_380 = arith.constant 5 : i32
          %swap3A_381 = arith.index_cast %swap3A_380 : i32 to index
          %swap3A_382 = arith.constant 96 : index
          %swap3A_383 = tpu.vector_load %arg6[%swap3A_381, %swap3A_382] {strides = array<i32>} : memref<16x128xf32, #tpu.memory_space<vmem>>, vector<16xf32>,
          tpu.vector_store %arg6[%swap3A_381, %swap3A_382], %gather3A_379 {strides = array<i32>} : memref<16x128xf32, #tpu.memory_space<vmem>>, vector<16xf32>,
          %broadcast_in_dim3A_384 = arith.constant 47 : i32
          %broadcast_in_dim3A_385 = vector.broadcast %broadcast_in_dim3A_384 : i32 to vector<16xi32>
          %gather3A_386 = tpu.vector_load_idx %arg4[%iota3A, %broadcast_in_dim3A_385] : memref<16x128xf32, #tpu.memory_space<vmem>>[vector<16xi32>, vector<16xi32>], vector<16xf32>,
          %swap3A_387 = arith.constant 5 : i32
          %swap3A_388 = arith.index_cast %swap3A_387 : i32 to index
          %swap3A_389 = arith.constant 112 : index
          %swap3A_390 = tpu.vector_load %arg6[%swap3A_388, %swap3A_389] {strides = array<i32>} : memref<16x128xf32, #tpu.memory_space<vmem>>, vector<16xf32>,
          tpu.vector_store %arg6[%swap3A_388, %swap3A_389], %gather3A_386 {strides = array<i32>} : memref<16x128xf32, #tpu.memory_space<vmem>>, vector<16xf32>,
          %broadcast_in_dim3A_391 = arith.constant 48 : i32
          %broadcast_in_dim3A_392 = vector.broadcast %broadcast_in_dim3A_391 : i32 to vector<16xi32>
          %gather3A_393 = tpu.vector_load_idx %arg4[%iota3A, %broadcast_in_dim3A_392] : memref<16x128xf32, #tpu.memory_space<vmem>>[vector<16xi32>, vector<16xi32>], vector<16xf32>,
          %swap3A_394 = arith.constant 6 : i32
          %swap3A_395 = arith.index_cast %swap3A_394 : i32 to index
          %swap3A_396 = arith.constant 0 : index
          %swap3A_397 = tpu.vector_load %arg6[%swap3A_395, %swap3A_396] {strides = array<i32>} : memref<16x128xf32, #tpu.memory_space<vmem>>, vector<16xf32>,
          tpu.vector_store %arg6[%swap3A_395, %swap3A_396], %gather3A_393 {strides = array<i32>} : memref<16x128xf32, #tpu.memory_space<vmem>>, vector<16xf32>,
          %broadcast_in_dim3A_398 = arith.constant 49 : i32
          %broadcast_in_dim3A_399 = vector.broadcast %broadcast_in_dim3A_398 : i32 to vector<16xi32>
          %gather3A_400 = tpu.vector_load_idx %arg4[%iota3A, %broadcast_in_dim3A_399] : memref<16x128xf32, #tpu.memory_space<vmem>>[vector<16xi32>, vector<16xi32>], vector<16xf32>,
          %swap3A_401 = arith.constant 6 : i32
          %swap3A_402 = arith.index_cast %swap3A_401 : i32 to index
          %swap3A_403 = arith.constant 16 : index
          %swap3A_404 = tpu.vector_load %arg6[%swap3A_402, %swap3A_403] {strides = array<i32>} : memref<16x128xf32, #tpu.memory_space<vmem>>, vector<16xf32>,
          tpu.vector_store %arg6[%swap3A_402, %swap3A_403], %gather3A_400 {strides = array<i32>} : memref<16x128xf32, #tpu.memory_space<vmem>>, vector<16xf32>,
          %broadcast_in_dim3A_405 = arith.constant 50 : i32
          %broadcast_in_dim3A_406 = vector.broadcast %broadcast_in_dim3A_405 : i32 to vector<16xi32>
          %gather3A_407 = tpu.vector_load_idx %arg4[%iota3A, %broadcast_in_dim3A_406] : memref<16x128xf32, #tpu.memory_space<vmem>>[vector<16xi32>, vector<16xi32>], vector<16xf32>,
          %swap3A_408 = arith.constant 6 : i32
          %swap3A_409 = arith.index_cast %swap3A_408 : i32 to index
          %swap3A_410 = arith.constant 32 : index
          %swap3A_411 = tpu.vector_load %arg6[%swap3A_409, %swap3A_410] {strides = array<i32>} : memref<16x128xf32, #tpu.memory_space<vmem>>, vector<16xf32>,
          tpu.vector_store %arg6[%swap3A_409, %swap3A_410], %gather3A_407 {strides = array<i32>} : memref<16x128xf32, #tpu.memory_space<vmem>>, vector<16xf32>,
          %broadcast_in_dim3A_412 = arith.constant 51 : i32
          %broadcast_in_dim3A_413 = vector.broadcast %broadcast_in_dim3A_412 : i32 to vector<16xi32>
          %gather3A_414 = tpu.vector_load_idx %arg4[%iota3A, %broadcast_in_dim3A_413] : memref<16x128xf32, #tpu.memory_space<vmem>>[vector<16xi32>, vector<16xi32>], vector<16xf32>,
          %swap3A_415 = arith.constant 6 : i32
          %swap3A_416 = arith.index_cast %swap3A_415 : i32 to index
          %swap3A_417 = arith.constant 48 : index
          %swap3A_418 = tpu.vector_load %arg6[%swap3A_416, %swap3A_417] {strides = array<i32>} : memref<16x128xf32, #tpu.memory_space<vmem>>, vector<16xf32>,
          tpu.vector_store %arg6[%swap3A_416, %swap3A_417], %gather3A_414 {strides = array<i32>} : memref<16x128xf32, #tpu.memory_space<vmem>>, vector<16xf32>,
          %broadcast_in_dim3A_419 = arith.constant 52 : i32
          %broadcast_in_dim3A_420 = vector.broadcast %broadcast_in_dim3A_419 : i32 to vector<16xi32>
          %gather3A_421 = tpu.vector_load_idx %arg4[%iota3A, %broadcast_in_dim3A_420] : memref<16x128xf32, #tpu.memory_space<vmem>>[vector<16xi32>, vector<16xi32>], vector<16xf32>,
          %swap3A_422 = arith.constant 6 : i32
          %swap3A_423 = arith.index_cast %swap3A_422 : i32 to index
          %swap3A_424 = arith.constant 64 : index
          %swap3A_425 = tpu.vector_load %arg6[%swap3A_423, %swap3A_424] {strides = array<i32>} : memref<16x128xf32, #tpu.memory_space<vmem>>, vector<16xf32>,
          tpu.vector_store %arg6[%swap3A_423, %swap3A_424], %gather3A_421 {strides = array<i32>} : memref<16x128xf32, #tpu.memory_space<vmem>>, vector<16xf32>,
          %broadcast_in_dim3A_426 = arith.constant 53 : i32
          %broadcast_in_dim3A_427 = vector.broadcast %broadcast_in_dim3A_426 : i32 to vector<16xi32>
          %gather3A_428 = tpu.vector_load_idx %arg4[%iota3A, %broadcast_in_dim3A_427] : memref<16x128xf32, #tpu.memory_space<vmem>>[vector<16xi32>, vector<16xi32>], vector<16xf32>,
          %swap3A_429 = arith.constant 6 : i32
          %swap3A_430 = arith.index_cast %swap3A_429 : i32 to index
          %swap3A_431 = arith.constant 80 : index
          %swap3A_432 = tpu.vector_load %arg6[%swap3A_430, %swap3A_431] {strides = array<i32>} : memref<16x128xf32, #tpu.memory_space<vmem>>, vector<16xf32>,
          tpu.vector_store %arg6[%swap3A_430, %swap3A_431], %gather3A_428 {strides = array<i32>} : memref<16x128xf32, #tpu.memory_space<vmem>>, vector<16xf32>,
          %broadcast_in_dim3A_433 = arith.constant 54 : i32
          %broadcast_in_dim3A_434 = vector.broadcast %broadcast_in_dim3A_433 : i32 to vector<16xi32>
          %gather3A_435 = tpu.vector_load_idx %arg4[%iota3A, %broadcast_in_dim3A_434] : memref<16x128xf32, #tpu.memory_space<vmem>>[vector<16xi32>, vector<16xi32>], vector<16xf32>,
          %swap3A_436 = arith.constant 6 : i32
          %swap3A_437 = arith.index_cast %swap3A_436 : i32 to index
          %swap3A_438 = arith.constant 96 : index
          %swap3A_439 = tpu.vector_load %arg6[%swap3A_437, %swap3A_438] {strides = array<i32>} : memref<16x128xf32, #tpu.memory_space<vmem>>, vector<16xf32>,
          tpu.vector_store %arg6[%swap3A_437, %swap3A_438], %gather3A_435 {strides = array<i32>} : memref<16x128xf32, #tpu.memory_space<vmem>>, vector<16xf32>,
          %broadcast_in_dim3A_440 = arith.constant 55 : i32
          %broadcast_in_dim3A_441 = vector.broadcast %broadcast_in_dim3A_440 : i32 to vector<16xi32>
          %gather3A_442 = tpu.vector_load_idx %arg4[%iota3A, %broadcast_in_dim3A_441] : memref<16x128xf32, #tpu.memory_space<vmem>>[vector<16xi32>, vector<16xi32>], vector<16xf32>,
          %swap3A_443 = arith.constant 6 : i32
          %swap3A_444 = arith.index_cast %swap3A_443 : i32 to index
          %swap3A_445 = arith.constant 112 : index
          %swap3A_446 = tpu.vector_load %arg6[%swap3A_444, %swap3A_445] {strides = array<i32>} : memref<16x128xf32, #tpu.memory_space<vmem>>, vector<16xf32>,
          tpu.vector_store %arg6[%swap3A_444, %swap3A_445], %gather3A_442 {strides = array<i32>} : memref<16x128xf32, #tpu.memory_space<vmem>>, vector<16xf32>,
          %broadcast_in_dim3A_447 = arith.constant 56 : i32
          %broadcast_in_dim3A_448 = vector.broadcast %broadcast_in_dim3A_447 : i32 to vector<16xi32>
          %gather3A_449 = tpu.vector_load_idx %arg4[%iota3A, %broadcast_in_dim3A_448] : memref<16x128xf32, #tpu.memory_space<vmem>>[vector<16xi32>, vector<16xi32>], vector<16xf32>,
          %swap3A_450 = arith.constant 7 : i32
          %swap3A_451 = arith.index_cast %swap3A_450 : i32 to index
          %swap3A_452 = arith.constant 0 : index
          %swap3A_453 = tpu.vector_load %arg6[%swap3A_451, %swap3A_452] {strides = array<i32>} : memref<16x128xf32, #tpu.memory_space<vmem>>, vector<16xf32>,
          tpu.vector_store %arg6[%swap3A_451, %swap3A_452], %gather3A_449 {strides = array<i32>} : memref<16x128xf32, #tpu.memory_space<vmem>>, vector<16xf32>,
          %broadcast_in_dim3A_454 = arith.constant 57 : i32
          %broadcast_in_dim3A_455 = vector.broadcast %broadcast_in_dim3A_454 : i32 to vector<16xi32>
          %gather3A_456 = tpu.vector_load_idx %arg4[%iota3A, %broadcast_in_dim3A_455] : memref<16x128xf32, #tpu.memory_space<vmem>>[vector<16xi32>, vector<16xi32>], vector<16xf32>,
          %swap3A_457 = arith.constant 7 : i32
          %swap3A_458 = arith.index_cast %swap3A_457 : i32 to index
          %swap3A_459 = arith.constant 16 : index
          %swap3A_460 = tpu.vector_load %arg6[%swap3A_458, %swap3A_459] {strides = array<i32>} : memref<16x128xf32, #tpu.memory_space<vmem>>, vector<16xf32>,
          tpu.vector_store %arg6[%swap3A_458, %swap3A_459], %gather3A_456 {strides = array<i32>} : memref<16x128xf32, #tpu.memory_space<vmem>>, vector<16xf32>,
          %broadcast_in_dim3A_461 = arith.constant 58 : i32
          %broadcast_in_dim3A_462 = vector.broadcast %broadcast_in_dim3A_461 : i32 to vector<16xi32>
          %gather3A_463 = tpu.vector_load_idx %arg4[%iota3A, %broadcast_in_dim3A_462] : memref<16x128xf32, #tpu.memory_space<vmem>>[vector<16xi32>, vector<16xi32>], vector<16xf32>,
          %swap3A_464 = arith.constant 7 : i32
          %swap3A_465 = arith.index_cast %swap3A_464 : i32 to index
          %swap3A_466 = arith.constant 32 : index
          %swap3A_467 = tpu.vector_load %arg6[%swap3A_465, %swap3A_466] {strides = array<i32>} : memref<16x128xf32, #tpu.memory_space<vmem>>, vector<16xf32>,
          tpu.vector_store %arg6[%swap3A_465, %swap3A_466], %gather3A_463 {strides = array<i32>} : memref<16x128xf32, #tpu.memory_space<vmem>>, vector<16xf32>,
          %broadcast_in_dim3A_468 = arith.constant 59 : i32
          %broadcast_in_dim3A_469 = vector.broadcast %broadcast_in_dim3A_468 : i32 to vector<16xi32>
          %gather3A_470 = tpu.vector_load_idx %arg4[%iota3A, %broadcast_in_dim3A_469] : memref<16x128xf32, #tpu.memory_space<vmem>>[vector<16xi32>, vector<16xi32>], vector<16xf32>,
          %swap3A_471 = arith.constant 7 : i32
          %swap3A_472 = arith.index_cast %swap3A_471 : i32 to index
          %swap3A_473 = arith.constant 48 : index
          %swap3A_474 = tpu.vector_load %arg6[%swap3A_472, %swap3A_473] {strides = array<i32>} : memref<16x128xf32, #tpu.memory_space<vmem>>, vector<16xf32>,
          tpu.vector_store %arg6[%swap3A_472, %swap3A_473], %gather3A_470 {strides = array<i32>} : memref<16x128xf32, #tpu.memory_space<vmem>>, vector<16xf32>,
          %broadcast_in_dim3A_475 = arith.constant 60 : i32
          %broadcast_in_dim3A_476 = vector.broadcast %broadcast_in_dim3A_475 : i32 to vector<16xi32>
          %gather3A_477 = tpu.vector_load_idx %arg4[%iota3A, %broadcast_in_dim3A_476] : memref<16x128xf32, #tpu.memory_space<vmem>>[vector<16xi32>, vector<16xi32>], vector<16xf32>,
          %swap3A_478 = arith.constant 7 : i32
          %swap3A_479 = arith.index_cast %swap3A_478 : i32 to index
          %swap3A_480 = arith.constant 64 : index
          %swap3A_481 = tpu.vector_load %arg6[%swap3A_479, %swap3A_480] {strides = array<i32>} : memref<16x128xf32, #tpu.memory_space<vmem>>, vector<16xf32>,
          tpu.vector_store %arg6[%swap3A_479, %swap3A_480], %gather3A_477 {strides = array<i32>} : memref<16x128xf32, #tpu.memory_space<vmem>>, vector<16xf32>,
          %broadcast_in_dim3A_482 = arith.constant 61 : i32
          %broadcast_in_dim3A_483 = vector.broadcast %broadcast_in_dim3A_482 : i32 to vector<16xi32>
          %gather3A_484 = tpu.vector_load_idx %arg4[%iota3A, %broadcast_in_dim3A_483] : memref<16x128xf32, #tpu.memory_space<vmem>>[vector<16xi32>, vector<16xi32>], vector<16xf32>,
          %swap3A_485 = arith.constant 7 : i32
          %swap3A_486 = arith.index_cast %swap3A_485 : i32 to index
          %swap3A_487 = arith.constant 80 : index
          %swap3A_488 = tpu.vector_load %arg6[%swap3A_486, %swap3A_487] {strides = array<i32>} : memref<16x128xf32, #tpu.memory_space<vmem>>, vector<16xf32>,
          tpu.vector_store %arg6[%swap3A_486, %swap3A_487], %gather3A_484 {strides = array<i32>} : memref<16x128xf32, #tpu.memory_space<vmem>>, vector<16xf32>,
          %broadcast_in_dim3A_489 = arith.constant 62 : i32
          %broadcast_in_dim3A_490 = vector.broadcast %broadcast_in_dim3A_489 : i32 to vector<16xi32>
          %gather3A_491 = tpu.vector_load_idx %arg4[%iota3A, %broadcast_in_dim3A_490] : memref<16x128xf32, #tpu.memory_space<vmem>>[vector<16xi32>, vector<16xi32>], vector<16xf32>,
          %swap3A_492 = arith.constant 7 : i32
          %swap3A_493 = arith.index_cast %swap3A_492 : i32 to index
          %swap3A_494 = arith.constant 96 : index
          %swap3A_495 = tpu.vector_load %arg6[%swap3A_493, %swap3A_494] {strides = array<i32>} : memref<16x128xf32, #tpu.memory_space<vmem>>, vector<16xf32>,
          tpu.vector_store %arg6[%swap3A_493, %swap3A_494], %gather3A_491 {strides = array<i32>} : memref<16x128xf32, #tpu.memory_space<vmem>>, vector<16xf32>,
          %broadcast_in_dim3A_496 = arith.constant 63 : i32
          %broadcast_in_dim3A_497 = vector.broadcast %broadcast_in_dim3A_496 : i32 to vector<16xi32>
          %gather3A_498 = tpu.vector_load_idx %arg4[%iota3A, %broadcast_in_dim3A_497] : memref<16x128xf32, #tpu.memory_space<vmem>>[vector<16xi32>, vector<16xi32>], vector<16xf32>,
          %swap3A_499 = arith.constant 7 : i32
          %swap3A_500 = arith.index_cast %swap3A_499 : i32 to index
          %swap3A_501 = arith.constant 112 : index
          %swap3A_502 = tpu.vector_load %arg6[%swap3A_500, %swap3A_501] {strides = array<i32>} : memref<16x128xf32, #tpu.memory_space<vmem>>, vector<16xf32>,
          tpu.vector_store %arg6[%swap3A_500, %swap3A_501], %gather3A_498 {strides = array<i32>} : memref<16x128xf32, #tpu.memory_space<vmem>>, vector<16xf32>,
          %broadcast_in_dim3A_503 = arith.constant 64 : i32
          %broadcast_in_dim3A_504 = vector.broadcast %broadcast_in_dim3A_503 : i32 to vector<16xi32>
          %gather3A_505 = tpu.vector_load_idx %arg4[%iota3A, %broadcast_in_dim3A_504] : memref<16x128xf32, #tpu.memory_space<vmem>>[vector<16xi32>, vector<16xi32>], vector<16xf32>,
          %swap3A_506 = arith.constant 8 : i32
          %swap3A_507 = arith.index_cast %swap3A_506 : i32 to index
          %swap3A_508 = arith.constant 0 : index
          %swap3A_509 = tpu.vector_load %arg6[%swap3A_507, %swap3A_508] {strides = array<i32>} : memref<16x128xf32, #tpu.memory_space<vmem>>, vector<16xf32>,
          tpu.vector_store %arg6[%swap3A_507, %swap3A_508], %gather3A_505 {strides = array<i32>} : memref<16x128xf32, #tpu.memory_space<vmem>>, vector<16xf32>,
          %broadcast_in_dim3A_510 = arith.constant 65 : i32
          %broadcast_in_dim3A_511 = vector.broadcast %broadcast_in_dim3A_510 : i32 to vector<16xi32>
          %gather3A_512 = tpu.vector_load_idx %arg4[%iota3A, %broadcast_in_dim3A_511] : memref<16x128xf32, #tpu.memory_space<vmem>>[vector<16xi32>, vector<16xi32>], vector<16xf32>,
          %swap3A_513 = arith.constant 8 : i32
          %swap3A_514 = arith.index_cast %swap3A_513 : i32 to index
          %swap3A_515 = arith.constant 16 : index
          %swap3A_516 = tpu.vector_load %arg6[%swap3A_514, %swap3A_515] {strides = array<i32>} : memref<16x128xf32, #tpu.memory_space<vmem>>, vector<16xf32>,
          tpu.vector_store %arg6[%swap3A_514, %swap3A_515], %gather3A_512 {strides = array<i32>} : memref<16x128xf32, #tpu.memory_space<vmem>>, vector<16xf32>,
          %broadcast_in_dim3A_517 = arith.constant 66 : i32
          %broadcast_in_dim3A_518 = vector.broadcast %broadcast_in_dim3A_517 : i32 to vector<16xi32>
          %gather3A_519 = tpu.vector_load_idx %arg4[%iota3A, %broadcast_in_dim3A_518] : memref<16x128xf32, #tpu.memory_space<vmem>>[vector<16xi32>, vector<16xi32>], vector<16xf32>,
          %swap3A_520 = arith.constant 8 : i32
          %swap3A_521 = arith.index_cast %swap3A_520 : i32 to index
          %swap3A_522 = arith.constant 32 : index
          %swap3A_523 = tpu.vector_load %arg6[%swap3A_521, %swap3A_522] {strides = array<i32>} : memref<16x128xf32, #tpu.memory_space<vmem>>, vector<16xf32>,
          tpu.vector_store %arg6[%swap3A_521, %swap3A_522], %gather3A_519 {strides = array<i32>} : memref<16x128xf32, #tpu.memory_space<vmem>>, vector<16xf32>,
          %broadcast_in_dim3A_524 = arith.constant 67 : i32
          %broadcast_in_dim3A_525 = vector.broadcast %broadcast_in_dim3A_524 : i32 to vector<16xi32>
          %gather3A_526 = tpu.vector_load_idx %arg4[%iota3A, %broadcast_in_dim3A_525] : memref<16x128xf32, #tpu.memory_space<vmem>>[vector<16xi32>, vector<16xi32>], vector<16xf32>,
          %swap3A_527 = arith.constant 8 : i32
          %swap3A_528 = arith.index_cast %swap3A_527 : i32 to index
          %swap3A_529 = arith.constant 48 : index
          %swap3A_530 = tpu.vector_load %arg6[%swap3A_528, %swap3A_529] {strides = array<i32>} : memref<16x128xf32, #tpu.memory_space<vmem>>, vector<16xf32>,
          tpu.vector_store %arg6[%swap3A_528, %swap3A_529], %gather3A_526 {strides = array<i32>} : memref<16x128xf32, #tpu.memory_space<vmem>>, vector<16xf32>,
          %broadcast_in_dim3A_531 = arith.constant 68 : i32
          %broadcast_in_dim3A_532 = vector.broadcast %broadcast_in_dim3A_531 : i32 to vector<16xi32>
          %gather3A_533 = tpu.vector_load_idx %arg4[%iota3A, %broadcast_in_dim3A_532] : memref<16x128xf32, #tpu.memory_space<vmem>>[vector<16xi32>, vector<16xi32>], vector<16xf32>,
          %swap3A_534 = arith.constant 8 : i32
          %swap3A_535 = arith.index_cast %swap3A_534 : i32 to index
          %swap3A_536 = arith.constant 64 : index
          %swap3A_537 = tpu.vector_load %arg6[%swap3A_535, %swap3A_536] {strides = array<i32>} : memref<16x128xf32, #tpu.memory_space<vmem>>, vector<16xf32>,
          tpu.vector_store %arg6[%swap3A_535, %swap3A_536], %gather3A_533 {strides = array<i32>} : memref<16x128xf32, #tpu.memory_space<vmem>>, vector<16xf32>,
          %broadcast_in_dim3A_538 = arith.constant 69 : i32
          %broadcast_in_dim3A_539 = vector.broadcast %broadcast_in_dim3A_538 : i32 to vector<16xi32>
          %gather3A_540 = tpu.vector_load_idx %arg4[%iota3A, %broadcast_in_dim3A_539] : memref<16x128xf32, #tpu.memory_space<vmem>>[vector<16xi32>, vector<16xi32>], vector<16xf32>,
          %swap3A_541 = arith.constant 8 : i32
          %swap3A_542 = arith.index_cast %swap3A_541 : i32 to index
          %swap3A_543 = arith.constant 80 : index
          %swap3A_544 = tpu.vector_load %arg6[%swap3A_542, %swap3A_543] {strides = array<i32>} : memref<16x128xf32, #tpu.memory_space<vmem>>, vector<16xf32>,
          tpu.vector_store %arg6[%swap3A_542, %swap3A_543], %gather3A_540 {strides = array<i32>} : memref<16x128xf32, #tpu.memory_space<vmem>>, vector<16xf32>,
          %broadcast_in_dim3A_545 = arith.constant 70 : i32
          %broadcast_in_dim3A_546 = vector.broadcast %broadcast_in_dim3A_545 : i32 to vector<16xi32>
          %gather3A_547 = tpu.vector_load_idx %arg4[%iota3A, %broadcast_in_dim3A_546] : memref<16x128xf32, #tpu.memory_space<vmem>>[vector<16xi32>, vector<16xi32>], vector<16xf32>,
          %swap3A_548 = arith.constant 8 : i32
          %swap3A_549 = arith.index_cast %swap3A_548 : i32 to index
          %swap3A_550 = arith.constant 96 : index
          %swap3A_551 = tpu.vector_load %arg6[%swap3A_549, %swap3A_550] {strides = array<i32>} : memref<16x128xf32, #tpu.memory_space<vmem>>, vector<16xf32>,
          tpu.vector_store %arg6[%swap3A_549, %swap3A_550], %gather3A_547 {strides = array<i32>} : memref<16x128xf32, #tpu.memory_space<vmem>>, vector<16xf32>,
          %broadcast_in_dim3A_552 = arith.constant 71 : i32
          %broadcast_in_dim3A_553 = vector.broadcast %broadcast_in_dim3A_552 : i32 to vector<16xi32>
          %gather3A_554 = tpu.vector_load_idx %arg4[%iota3A, %broadcast_in_dim3A_553] : memref<16x128xf32, #tpu.memory_space<vmem>>[vector<16xi32>, vector<16xi32>], vector<16xf32>,
          %swap3A_555 = arith.constant 8 : i32
          %swap3A_556 = arith.index_cast %swap3A_555 : i32 to index
          %swap3A_557 = arith.constant 112 : index
          %swap3A_558 = tpu.vector_load %arg6[%swap3A_556, %swap3A_557] {strides = array<i32>} : memref<16x128xf32, #tpu.memory_space<vmem>>, vector<16xf32>,
          tpu.vector_store %arg6[%swap3A_556, %swap3A_557], %gather3A_554 {strides = array<i32>} : memref<16x128xf32, #tpu.memory_space<vmem>>, vector<16xf32>,
          %broadcast_in_dim3A_559 = arith.constant 72 : i32
          %broadcast_in_dim3A_560 = vector.broadcast %broadcast_in_dim3A_559 : i32 to vector<16xi32>
          %gather3A_561 = tpu.vector_load_idx %arg4[%iota3A, %broadcast_in_dim3A_560] : memref<16x128xf32, #tpu.memory_space<vmem>>[vector<16xi32>, vector<16xi32>], vector<16xf32>,
          %swap3A_562 = arith.constant 9 : i32
          %swap3A_563 = arith.index_cast %swap3A_562 : i32 to index
          %swap3A_564 = arith.constant 0 : index
          %swap3A_565 = tpu.vector_load %arg6[%swap3A_563, %swap3A_564] {strides = array<i32>} : memref<16x128xf32, #tpu.memory_space<vmem>>, vector<16xf32>,
          tpu.vector_store %arg6[%swap3A_563, %swap3A_564], %gather3A_561 {strides = array<i32>} : memref<16x128xf32, #tpu.memory_space<vmem>>, vector<16xf32>,
          %broadcast_in_dim3A_566 = arith.constant 73 : i32
          %broadcast_in_dim3A_567 = vector.broadcast %broadcast_in_dim3A_566 : i32 to vector<16xi32>
          %gather3A_568 = tpu.vector_load_idx %arg4[%iota3A, %broadcast_in_dim3A_567] : memref<16x128xf32, #tpu.memory_space<vmem>>[vector<16xi32>, vector<16xi32>], vector<16xf32>,
          %swap3A_569 = arith.constant 9 : i32
          %swap3A_570 = arith.index_cast %swap3A_569 : i32 to index
          %swap3A_571 = arith.constant 16 : index
          %swap3A_572 = tpu.vector_load %arg6[%swap3A_570, %swap3A_571] {strides = array<i32>} : memref<16x128xf32, #tpu.memory_space<vmem>>, vector<16xf32>,
          tpu.vector_store %arg6[%swap3A_570, %swap3A_571], %gather3A_568 {strides = array<i32>} : memref<16x128xf32, #tpu.memory_space<vmem>>, vector<16xf32>,
          %broadcast_in_dim3A_573 = arith.constant 74 : i32
          %broadcast_in_dim3A_574 = vector.broadcast %broadcast_in_dim3A_573 : i32 to vector<16xi32>
          %gather3A_575 = tpu.vector_load_idx %arg4[%iota3A, %broadcast_in_dim3A_574] : memref<16x128xf32, #tpu.memory_space<vmem>>[vector<16xi32>, vector<16xi32>], vector<16xf32>,
          %swap3A_576 = arith.constant 9 : i32
          %swap3A_577 = arith.index_cast %swap3A_576 : i32 to index
          %swap3A_578 = arith.constant 32 : index
          %swap3A_579 = tpu.vector_load %arg6[%swap3A_577, %swap3A_578] {strides = array<i32>} : memref<16x128xf32, #tpu.memory_space<vmem>>, vector<16xf32>,
          tpu.vector_store %arg6[%swap3A_577, %swap3A_578], %gather3A_575 {strides = array<i32>} : memref<16x128xf32, #tpu.memory_space<vmem>>, vector<16xf32>,
          %broadcast_in_dim3A_580 = arith.constant 75 : i32
          %broadcast_in_dim3A_581 = vector.broadcast %broadcast_in_dim3A_580 : i32 to vector<16xi32>
          %gather3A_582 = tpu.vector_load_idx %arg4[%iota3A, %broadcast_in_dim3A_581] : memref<16x128xf32, #tpu.memory_space<vmem>>[vector<16xi32>, vector<16xi32>], vector<16xf32>,
          %swap3A_583 = arith.constant 9 : i32
          %swap3A_584 = arith.index_cast %swap3A_583 : i32 to index
          %swap3A_585 = arith.constant 48 : index
          %swap3A_586 = tpu.vector_load %arg6[%swap3A_584, %swap3A_585] {strides = array<i32>} : memref<16x128xf32, #tpu.memory_space<vmem>>, vector<16xf32>,
          tpu.vector_store %arg6[%swap3A_584, %swap3A_585], %gather3A_582 {strides = array<i32>} : memref<16x128xf32, #tpu.memory_space<vmem>>, vector<16xf32>,
          %broadcast_in_dim3A_587 = arith.constant 76 : i32
          %broadcast_in_dim3A_588 = vector.broadcast %broadcast_in_dim3A_587 : i32 to vector<16xi32>
          %gather3A_589 = tpu.vector_load_idx %arg4[%iota3A, %broadcast_in_dim3A_588] : memref<16x128xf32, #tpu.memory_space<vmem>>[vector<16xi32>, vector<16xi32>], vector<16xf32>,
          %swap3A_590 = arith.constant 9 : i32
          %swap3A_591 = arith.index_cast %swap3A_590 : i32 to index
          %swap3A_592 = arith.constant 64 : index
          %swap3A_593 = tpu.vector_load %arg6[%swap3A_591, %swap3A_592] {strides = array<i32>} : memref<16x128xf32, #tpu.memory_space<vmem>>, vector<16xf32>,
          tpu.vector_store %arg6[%swap3A_591, %swap3A_592], %gather3A_589 {strides = array<i32>} : memref<16x128xf32, #tpu.memory_space<vmem>>, vector<16xf32>,
          %broadcast_in_dim3A_594 = arith.constant 77 : i32
          %broadcast_in_dim3A_595 = vector.broadcast %broadcast_in_dim3A_594 : i32 to vector<16xi32>
          %gather3A_596 = tpu.vector_load_idx %arg4[%iota3A, %broadcast_in_dim3A_595] : memref<16x128xf32, #tpu.memory_space<vmem>>[vector<16xi32>, vector<16xi32>], vector<16xf32>,
          %swap3A_597 = arith.constant 9 : i32
          %swap3A_598 = arith.index_cast %swap3A_597 : i32 to index
          %swap3A_599 = arith.constant 80 : index
          %swap3A_600 = tpu.vector_load %arg6[%swap3A_598, %swap3A_599] {strides = array<i32>} : memref<16x128xf32, #tpu.memory_space<vmem>>, vector<16xf32>,
          tpu.vector_store %arg6[%swap3A_598, %swap3A_599], %gather3A_596 {strides = array<i32>} : memref<16x128xf32, #tpu.memory_space<vmem>>, vector<16xf32>,
          %broadcast_in_dim3A_601 = arith.constant 78 : i32
          %broadcast_in_dim3A_602 = vector.broadcast %broadcast_in_dim3A_601 : i32 to vector<16xi32>
          %gather3A_603 = tpu.vector_load_idx %arg4[%iota3A, %broadcast_in_dim3A_602] : memref<16x128xf32, #tpu.memory_space<vmem>>[vector<16xi32>, vector<16xi32>], vector<16xf32>,
          %swap3A_604 = arith.constant 9 : i32
          %swap3A_605 = arith.index_cast %swap3A_604 : i32 to index
          %swap3A_606 = arith.constant 96 : index
          %swap3A_607 = tpu.vector_load %arg6[%swap3A_605, %swap3A_606] {strides = array<i32>} : memref<16x128xf32, #tpu.memory_space<vmem>>, vector<16xf32>,
          tpu.vector_store %arg6[%swap3A_605, %swap3A_606], %gather3A_603 {strides = array<i32>} : memref<16x128xf32, #tpu.memory_space<vmem>>, vector<16xf32>,
          %broadcast_in_dim3A_608 = arith.constant 79 : i32
          %broadcast_in_dim3A_609 = vector.broadcast %broadcast_in_dim3A_608 : i32 to vector<16xi32>
          %gather3A_610 = tpu.vector_load_idx %arg4[%iota3A, %broadcast_in_dim3A_609] : memref<16x128xf32, #tpu.memory_space<vmem>>[vector<16xi32>, vector<16xi32>], vector<16xf32>,
          %swap3A_611 = arith.constant 9 : i32
          %swap3A_612 = arith.index_cast %swap3A_611 : i32 to index
          %swap3A_613 = arith.constant 112 : index
          %swap3A_614 = tpu.vector_load %arg6[%swap3A_612, %swap3A_613] {strides = array<i32>} : memref<16x128xf32, #tpu.memory_space<vmem>>, vector<16xf32>,
          tpu.vector_store %arg6[%swap3A_612, %swap3A_613], %gather3A_610 {strides = array<i32>} : memref<16x128xf32, #tpu.memory_space<vmem>>, vector<16xf32>,
          %broadcast_in_dim3A_615 = arith.constant 80 : i32
          %broadcast_in_dim3A_616 = vector.broadcast %broadcast_in_dim3A_615 : i32 to vector<16xi32>
          %gather3A_617 = tpu.vector_load_idx %arg4[%iota3A, %broadcast_in_dim3A_616] : memref<16x128xf32, #tpu.memory_space<vmem>>[vector<16xi32>, vector<16xi32>], vector<16xf32>,
          %swap3A_618 = arith.constant 10 : i32
          %swap3A_619 = arith.index_cast %swap3A_618 : i32 to index
          %swap3A_620 = arith.constant 0 : index
          %swap3A_621 = tpu.vector_load %arg6[%swap3A_619, %swap3A_620] {strides = array<i32>} : memref<16x128xf32, #tpu.memory_space<vmem>>, vector<16xf32>,
          tpu.vector_store %arg6[%swap3A_619, %swap3A_620], %gather3A_617 {strides = array<i32>} : memref<16x128xf32, #tpu.memory_space<vmem>>, vector<16xf32>,
          %broadcast_in_dim3A_622 = arith.constant 81 : i32
          %broadcast_in_dim3A_623 = vector.broadcast %broadcast_in_dim3A_622 : i32 to vector<16xi32>
          %gather3A_624 = tpu.vector_load_idx %arg4[%iota3A, %broadcast_in_dim3A_623] : memref<16x128xf32, #tpu.memory_space<vmem>>[vector<16xi32>, vector<16xi32>], vector<16xf32>,
          %swap3A_625 = arith.constant 10 : i32
          %swap3A_626 = arith.index_cast %swap3A_625 : i32 to index
          %swap3A_627 = arith.constant 16 : index
          %swap3A_628 = tpu.vector_load %arg6[%swap3A_626, %swap3A_627] {strides = array<i32>} : memref<16x128xf32, #tpu.memory_space<vmem>>, vector<16xf32>,
          tpu.vector_store %arg6[%swap3A_626, %swap3A_627], %gather3A_624 {strides = array<i32>} : memref<16x128xf32, #tpu.memory_space<vmem>>, vector<16xf32>,
          %broadcast_in_dim3A_629 = arith.constant 82 : i32
          %broadcast_in_dim3A_630 = vector.broadcast %broadcast_in_dim3A_629 : i32 to vector<16xi32>
          %gather3A_631 = tpu.vector_load_idx %arg4[%iota3A, %broadcast_in_dim3A_630] : memref<16x128xf32, #tpu.memory_space<vmem>>[vector<16xi32>, vector<16xi32>], vector<16xf32>,
          %swap3A_632 = arith.constant 10 : i32
          %swap3A_633 = arith.index_cast %swap3A_632 : i32 to index
          %swap3A_634 = arith.constant 32 : index
          %swap3A_635 = tpu.vector_load %arg6[%swap3A_633, %swap3A_634] {strides = array<i32>} : memref<16x128xf32, #tpu.memory_space<vmem>>, vector<16xf32>,
          tpu.vector_store %arg6[%swap3A_633, %swap3A_634], %gather3A_631 {strides = array<i32>} : memref<16x128xf32, #tpu.memory_space<vmem>>, vector<16xf32>,
          %broadcast_in_dim3A_636 = arith.constant 83 : i32
          %broadcast_in_dim3A_637 = vector.broadcast %broadcast_in_dim3A_636 : i32 to vector<16xi32>
          %gather3A_638 = tpu.vector_load_idx %arg4[%iota3A, %broadcast_in_dim3A_637] : memref<16x128xf32, #tpu.memory_space<vmem>>[vector<16xi32>, vector<16xi32>], vector<16xf32>,
          %swap3A_639 = arith.constant 10 : i32
          %swap3A_640 = arith.index_cast %swap3A_639 : i32 to index
          %swap3A_641 = arith.constant 48 : index
          %swap3A_642 = tpu.vector_load %arg6[%swap3A_640, %swap3A_641] {strides = array<i32>} : memref<16x128xf32, #tpu.memory_space<vmem>>, vector<16xf32>,
          tpu.vector_store %arg6[%swap3A_640, %swap3A_641], %gather3A_638 {strides = array<i32>} : memref<16x128xf32, #tpu.memory_space<vmem>>, vector<16xf32>,
          %broadcast_in_dim3A_643 = arith.constant 84 : i32
          %broadcast_in_dim3A_644 = vector.broadcast %broadcast_in_dim3A_643 : i32 to vector<16xi32>
          %gather3A_645 = tpu.vector_load_idx %arg4[%iota3A, %broadcast_in_dim3A_644] : memref<16x128xf32, #tpu.memory_space<vmem>>[vector<16xi32>, vector<16xi32>], vector<16xf32>,
          %swap3A_646 = arith.constant 10 : i32
          %swap3A_647 = arith.index_cast %swap3A_646 : i32 to index
          %swap3A_648 = arith.constant 64 : index
          %swap3A_649 = tpu.vector_load %arg6[%swap3A_647, %swap3A_648] {strides = array<i32>} : memref<16x128xf32, #tpu.memory_space<vmem>>, vector<16xf32>,
          tpu.vector_store %arg6[%swap3A_647, %swap3A_648], %gather3A_645 {strides = array<i32>} : memref<16x128xf32, #tpu.memory_space<vmem>>, vector<16xf32>,
          %broadcast_in_dim3A_650 = arith.constant 85 : i32
          %broadcast_in_dim3A_651 = vector.broadcast %broadcast_in_dim3A_650 : i32 to vector<16xi32>
          %gather3A_652 = tpu.vector_load_idx %arg4[%iota3A, %broadcast_in_dim3A_651] : memref<16x128xf32, #tpu.memory_space<vmem>>[vector<16xi32>, vector<16xi32>], vector<16xf32>,
          %swap3A_653 = arith.constant 10 : i32
          %swap3A_654 = arith.index_cast %swap3A_653 : i32 to index
          %swap3A_655 = arith.constant 80 : index
          %swap3A_656 = tpu.vector_load %arg6[%swap3A_654, %swap3A_655] {strides = array<i32>} : memref<16x128xf32, #tpu.memory_space<vmem>>, vector<16xf32>,
          tpu.vector_store %arg6[%swap3A_654, %swap3A_655], %gather3A_652 {strides = array<i32>} : memref<16x128xf32, #tpu.memory_space<vmem>>, vector<16xf32>,
          %broadcast_in_dim3A_657 = arith.constant 86 : i32
          %broadcast_in_dim3A_658 = vector.broadcast %broadcast_in_dim3A_657 : i32 to vector<16xi32>
          %gather3A_659 = tpu.vector_load_idx %arg4[%iota3A, %broadcast_in_dim3A_658] : memref<16x128xf32, #tpu.memory_space<vmem>>[vector<16xi32>, vector<16xi32>], vector<16xf32>,
          %swap3A_660 = arith.constant 10 : i32
          %swap3A_661 = arith.index_cast %swap3A_660 : i32 to index
          %swap3A_662 = arith.constant 96 : index
          %swap3A_663 = tpu.vector_load %arg6[%swap3A_661, %swap3A_662] {strides = array<i32>} : memref<16x128xf32, #tpu.memory_space<vmem>>, vector<16xf32>,
          tpu.vector_store %arg6[%swap3A_661, %swap3A_662], %gather3A_659 {strides = array<i32>} : memref<16x128xf32, #tpu.memory_space<vmem>>, vector<16xf32>,
          %broadcast_in_dim3A_664 = arith.constant 87 : i32
          %broadcast_in_dim3A_665 = vector.broadcast %broadcast_in_dim3A_664 : i32 to vector<16xi32>
          %gather3A_666 = tpu.vector_load_idx %arg4[%iota3A, %broadcast_in_dim3A_665] : memref<16x128xf32, #tpu.memory_space<vmem>>[vector<16xi32>, vector<16xi32>], vector<16xf32>,
          %swap3A_667 = arith.constant 10 : i32
          %swap3A_668 = arith.index_cast %swap3A_667 : i32 to index
          %swap3A_669 = arith.constant 112 : index
          %swap3A_670 = tpu.vector_load %arg6[%swap3A_668, %swap3A_669] {strides = array<i32>} : memref<16x128xf32, #tpu.memory_space<vmem>>, vector<16xf32>,
          tpu.vector_store %arg6[%swap3A_668, %swap3A_669], %gather3A_666 {strides = array<i32>} : memref<16x128xf32, #tpu.memory_space<vmem>>, vector<16xf32>,
          %broadcast_in_dim3A_671 = arith.constant 88 : i32
          %broadcast_in_dim3A_672 = vector.broadcast %broadcast_in_dim3A_671 : i32 to vector<16xi32>
          %gather3A_673 = tpu.vector_load_idx %arg4[%iota3A, %broadcast_in_dim3A_672] : memref<16x128xf32, #tpu.memory_space<vmem>>[vector<16xi32>, vector<16xi32>], vector<16xf32>,
          %swap3A_674 = arith.constant 11 : i32
          %swap3A_675 = arith.index_cast %swap3A_674 : i32 to index
          %swap3A_676 = arith.constant 0 : index
          %swap3A_677 = tpu.vector_load %arg6[%swap3A_675, %swap3A_676] {strides = array<i32>} : memref<16x128xf32, #tpu.memory_space<vmem>>, vector<16xf32>,
          tpu.vector_store %arg6[%swap3A_675, %swap3A_676], %gather3A_673 {strides = array<i32>} : memref<16x128xf32, #tpu.memory_space<vmem>>, vector<16xf32>,
          %broadcast_in_dim3A_678 = arith.constant 89 : i32
          %broadcast_in_dim3A_679 = vector.broadcast %broadcast_in_dim3A_678 : i32 to vector<16xi32>
          %gather3A_680 = tpu.vector_load_idx %arg4[%iota3A, %broadcast_in_dim3A_679] : memref<16x128xf32, #tpu.memory_space<vmem>>[vector<16xi32>, vector<16xi32>], vector<16xf32>,
          %swap3A_681 = arith.constant 11 : i32
          %swap3A_682 = arith.index_cast %swap3A_681 : i32 to index
          %swap3A_683 = arith.constant 16 : index
          %swap3A_684 = tpu.vector_load %arg6[%swap3A_682, %swap3A_683] {strides = array<i32>} : memref<16x128xf32, #tpu.memory_space<vmem>>, vector<16xf32>,
          tpu.vector_store %arg6[%swap3A_682, %swap3A_683], %gather3A_680 {strides = array<i32>} : memref<16x128xf32, #tpu.memory_space<vmem>>, vector<16xf32>,
          %broadcast_in_dim3A_685 = arith.constant 90 : i32
          %broadcast_in_dim3A_686 = vector.broadcast %broadcast_in_dim3A_685 : i32 to vector<16xi32>
          %gather3A_687 = tpu.vector_load_idx %arg4[%iota3A, %broadcast_in_dim3A_686] : memref<16x128xf32, #tpu.memory_space<vmem>>[vector<16xi32>, vector<16xi32>], vector<16xf32>,
          %swap3A_688 = arith.constant 11 : i32
          %swap3A_689 = arith.index_cast %swap3A_688 : i32 to index
          %swap3A_690 = arith.constant 32 : index
          %swap3A_691 = tpu.vector_load %arg6[%swap3A_689, %swap3A_690] {strides = array<i32>} : memref<16x128xf32, #tpu.memory_space<vmem>>, vector<16xf32>,
          tpu.vector_store %arg6[%swap3A_689, %swap3A_690], %gather3A_687 {strides = array<i32>} : memref<16x128xf32, #tpu.memory_space<vmem>>, vector<16xf32>,
          %broadcast_in_dim3A_692 = arith.constant 91 : i32
          %broadcast_in_dim3A_693 = vector.broadcast %broadcast_in_dim3A_692 : i32 to vector<16xi32>
          %gather3A_694 = tpu.vector_load_idx %arg4[%iota3A, %broadcast_in_dim3A_693] : memref<16x128xf32, #tpu.memory_space<vmem>>[vector<16xi32>, vector<16xi32>], vector<16xf32>,
          %swap3A_695 = arith.constant 11 : i32
          %swap3A_696 = arith.index_cast %swap3A_695 : i32 to index
          %swap3A_697 = arith.constant 48 : index
          %swap3A_698 = tpu.vector_load %arg6[%swap3A_696, %swap3A_697] {strides = array<i32>} : memref<16x128xf32, #tpu.memory_space<vmem>>, vector<16xf32>,
          tpu.vector_store %arg6[%swap3A_696, %swap3A_697], %gather3A_694 {strides = array<i32>} : memref<16x128xf32, #tpu.memory_space<vmem>>, vector<16xf32>,
          %broadcast_in_dim3A_699 = arith.constant 92 : i32
          %broadcast_in_dim3A_700 = vector.broadcast %broadcast_in_dim3A_699 : i32 to vector<16xi32>
          %gather3A_701 = tpu.vector_load_idx %arg4[%iota3A, %broadcast_in_dim3A_700] : memref<16x128xf32, #tpu.memory_space<vmem>>[vector<16xi32>, vector<16xi32>], vector<16xf32>,
          %swap3A_702 = arith.constant 11 : i32
          %swap3A_703 = arith.index_cast %swap3A_702 : i32 to index
          %swap3A_704 = arith.constant 64 : index
          %swap3A_705 = tpu.vector_load %arg6[%swap3A_703, %swap3A_704] {strides = array<i32>} : memref<16x128xf32, #tpu.memory_space<vmem>>, vector<16xf32>,
          tpu.vector_store %arg6[%swap3A_703, %swap3A_704], %gather3A_701 {strides = array<i32>} : memref<16x128xf32, #tpu.memory_space<vmem>>, vector<16xf32>,
          %broadcast_in_dim3A_706 = arith.constant 93 : i32
          %broadcast_in_dim3A_707 = vector.broadcast %broadcast_in_dim3A_706 : i32 to vector<16xi32>
          %gather3A_708 = tpu.vector_load_idx %arg4[%iota3A, %broadcast_in_dim3A_707] : memref<16x128xf32, #tpu.memory_space<vmem>>[vector<16xi32>, vector<16xi32>], vector<16xf32>,
          %swap3A_709 = arith.constant 11 : i32
          %swap3A_710 = arith.index_cast %swap3A_709 : i32 to index
          %swap3A_711 = arith.constant 80 : index
          %swap3A_712 = tpu.vector_load %arg6[%swap3A_710, %swap3A_711] {strides = array<i32>} : memref<16x128xf32, #tpu.memory_space<vmem>>, vector<16xf32>,
          tpu.vector_store %arg6[%swap3A_710, %swap3A_711], %gather3A_708 {strides = array<i32>} : memref<16x128xf32, #tpu.memory_space<vmem>>, vector<16xf32>,
          %broadcast_in_dim3A_713 = arith.constant 94 : i32
          %broadcast_in_dim3A_714 = vector.broadcast %broadcast_in_dim3A_713 : i32 to vector<16xi32>
          %gather3A_715 = tpu.vector_load_idx %arg4[%iota3A, %broadcast_in_dim3A_714] : memref<16x128xf32, #tpu.memory_space<vmem>>[vector<16xi32>, vector<16xi32>], vector<16xf32>,
          %swap3A_716 = arith.constant 11 : i32
          %swap3A_717 = arith.index_cast %swap3A_716 : i32 to index
          %swap3A_718 = arith.constant 96 : index
          %swap3A_719 = tpu.vector_load %arg6[%swap3A_717, %swap3A_718] {strides = array<i32>} : memref<16x128xf32, #tpu.memory_space<vmem>>, vector<16xf32>,
          tpu.vector_store %arg6[%swap3A_717, %swap3A_718], %gather3A_715 {strides = array<i32>} : memref<16x128xf32, #tpu.memory_space<vmem>>, vector<16xf32>,
          %broadcast_in_dim3A_720 = arith.constant 95 : i32
          %broadcast_in_dim3A_721 = vector.broadcast %broadcast_in_dim3A_720 : i32 to vector<16xi32>
          %gather3A_722 = tpu.vector_load_idx %arg4[%iota3A, %broadcast_in_dim3A_721] : memref<16x128xf32, #tpu.memory_space<vmem>>[vector<16xi32>, vector<16xi32>], vector<16xf32>,
          %swap3A_723 = arith.constant 11 : i32
          %swap3A_724 = arith.index_cast %swap3A_723 : i32 to index
          %swap3A_725 = arith.constant 112 : index
          %swap3A_726 = tpu.vector_load %arg6[%swap3A_724, %swap3A_725] {strides = array<i32>} : memref<16x128xf32, #tpu.memory_space<vmem>>, vector<16xf32>,
          tpu.vector_store %arg6[%swap3A_724, %swap3A_725], %gather3A_722 {strides = array<i32>} : memref<16x128xf32, #tpu.memory_space<vmem>>, vector<16xf32>,
          %broadcast_in_dim3A_727 = arith.constant 96 : i32
          %broadcast_in_dim3A_728 = vector.broadcast %broadcast_in_dim3A_727 : i32 to vector<16xi32>
          %gather3A_729 = tpu.vector_load_idx %arg4[%iota3A, %broadcast_in_dim3A_728] : memref<16x128xf32, #tpu.memory_space<vmem>>[vector<16xi32>, vector<16xi32>], vector<16xf32>,
          %swap3A_730 = arith.constant 12 : i32
          %swap3A_731 = arith.index_cast %swap3A_730 : i32 to index
          %swap3A_732 = arith.constant 0 : index
          %swap3A_733 = tpu.vector_load %arg6[%swap3A_731, %swap3A_732] {strides = array<i32>} : memref<16x128xf32, #tpu.memory_space<vmem>>, vector<16xf32>,
          tpu.vector_store %arg6[%swap3A_731, %swap3A_732], %gather3A_729 {strides = array<i32>} : memref<16x128xf32, #tpu.memory_space<vmem>>, vector<16xf32>,
          %broadcast_in_dim3A_734 = arith.constant 97 : i32
          %broadcast_in_dim3A_735 = vector.broadcast %broadcast_in_dim3A_734 : i32 to vector<16xi32>
          %gather3A_736 = tpu.vector_load_idx %arg4[%iota3A, %broadcast_in_dim3A_735] : memref<16x128xf32, #tpu.memory_space<vmem>>[vector<16xi32>, vector<16xi32>], vector<16xf32>,
          %swap3A_737 = arith.constant 12 : i32
          %swap3A_738 = arith.index_cast %swap3A_737 : i32 to index
          %swap3A_739 = arith.constant 16 : index
          %swap3A_740 = tpu.vector_load %arg6[%swap3A_738, %swap3A_739] {strides = array<i32>} : memref<16x128xf32, #tpu.memory_space<vmem>>, vector<16xf32>,
          tpu.vector_store %arg6[%swap3A_738, %swap3A_739], %gather3A_736 {strides = array<i32>} : memref<16x128xf32, #tpu.memory_space<vmem>>, vector<16xf32>,
          %broadcast_in_dim3A_741 = arith.constant 98 : i32
          %broadcast_in_dim3A_742 = vector.broadcast %broadcast_in_dim3A_741 : i32 to vector<16xi32>
          %gather3A_743 = tpu.vector_load_idx %arg4[%iota3A, %broadcast_in_dim3A_742] : memref<16x128xf32, #tpu.memory_space<vmem>>[vector<16xi32>, vector<16xi32>], vector<16xf32>,
          %swap3A_744 = arith.constant 12 : i32
          %swap3A_745 = arith.index_cast %swap3A_744 : i32 to index
          %swap3A_746 = arith.constant 32 : index
          %swap3A_747 = tpu.vector_load %arg6[%swap3A_745, %swap3A_746] {strides = array<i32>} : memref<16x128xf32, #tpu.memory_space<vmem>>, vector<16xf32>,
          tpu.vector_store %arg6[%swap3A_745, %swap3A_746], %gather3A_743 {strides = array<i32>} : memref<16x128xf32, #tpu.memory_space<vmem>>, vector<16xf32>,
          %broadcast_in_dim3A_748 = arith.constant 99 : i32
          %broadcast_in_dim3A_749 = vector.broadcast %broadcast_in_dim3A_748 : i32 to vector<16xi32>
          %gather3A_750 = tpu.vector_load_idx %arg4[%iota3A, %broadcast_in_dim3A_749] : memref<16x128xf32, #tpu.memory_space<vmem>>[vector<16xi32>, vector<16xi32>], vector<16xf32>,
          %swap3A_751 = arith.constant 12 : i32
          %swap3A_752 = arith.index_cast %swap3A_751 : i32 to index
          %swap3A_753 = arith.constant 48 : index
          %swap3A_754 = tpu.vector_load %arg6[%swap3A_752, %swap3A_753] {strides = array<i32>} : memref<16x128xf32, #tpu.memory_space<vmem>>, vector<16xf32>,
          tpu.vector_store %arg6[%swap3A_752, %swap3A_753], %gather3A_750 {strides = array<i32>} : memref<16x128xf32, #tpu.memory_space<vmem>>, vector<16xf32>,
          %broadcast_in_dim3A_755 = arith.constant 100 : i32
          %broadcast_in_dim3A_756 = vector.broadcast %broadcast_in_dim3A_755 : i32 to vector<16xi32>
          %gather3A_757 = tpu.vector_load_idx %arg4[%iota3A, %broadcast_in_dim3A_756] : memref<16x128xf32, #tpu.memory_space<vmem>>[vector<16xi32>, vector<16xi32>], vector<16xf32>,
          %swap3A_758 = arith.constant 12 : i32
          %swap3A_759 = arith.index_cast %swap3A_758 : i32 to index
          %swap3A_760 = arith.constant 64 : index
          %swap3A_761 = tpu.vector_load %arg6[%swap3A_759, %swap3A_760] {strides = array<i32>} : memref<16x128xf32, #tpu.memory_space<vmem>>, vector<16xf32>,
          tpu.vector_store %arg6[%swap3A_759, %swap3A_760], %gather3A_757 {strides = array<i32>} : memref<16x128xf32, #tpu.memory_space<vmem>>, vector<16xf32>,
          %broadcast_in_dim3A_762 = arith.constant 101 : i32
          %broadcast_in_dim3A_763 = vector.broadcast %broadcast_in_dim3A_762 : i32 to vector<16xi32>
          %gather3A_764 = tpu.vector_load_idx %arg4[%iota3A, %broadcast_in_dim3A_763] : memref<16x128xf32, #tpu.memory_space<vmem>>[vector<16xi32>, vector<16xi32>], vector<16xf32>,
          %swap3A_765 = arith.constant 12 : i32
          %swap3A_766 = arith.index_cast %swap3A_765 : i32 to index
          %swap3A_767 = arith.constant 80 : index
          %swap3A_768 = tpu.vector_load %arg6[%swap3A_766, %swap3A_767] {strides = array<i32>} : memref<16x128xf32, #tpu.memory_space<vmem>>, vector<16xf32>,
          tpu.vector_store %arg6[%swap3A_766, %swap3A_767], %gather3A_764 {strides = array<i32>} : memref<16x128xf32, #tpu.memory_space<vmem>>, vector<16xf32>,
          %broadcast_in_dim3A_769 = arith.constant 102 : i32
          %broadcast_in_dim3A_770 = vector.broadcast %broadcast_in_dim3A_769 : i32 to vector<16xi32>
          %gather3A_771 = tpu.vector_load_idx %arg4[%iota3A, %broadcast_in_dim3A_770] : memref<16x128xf32, #tpu.memory_space<vmem>>[vector<16xi32>, vector<16xi32>], vector<16xf32>,
          %swap3A_772 = arith.constant 12 : i32
          %swap3A_773 = arith.index_cast %swap3A_772 : i32 to index
          %swap3A_774 = arith.constant 96 : index
          %swap3A_775 = tpu.vector_load %arg6[%swap3A_773, %swap3A_774] {strides = array<i32>} : memref<16x128xf32, #tpu.memory_space<vmem>>, vector<16xf32>,
          tpu.vector_store %arg6[%swap3A_773, %swap3A_774], %gather3A_771 {strides = array<i32>} : memref<16x128xf32, #tpu.memory_space<vmem>>, vector<16xf32>,
          %broadcast_in_dim3A_776 = arith.constant 103 : i32
          %broadcast_in_dim3A_777 = vector.broadcast %broadcast_in_dim3A_776 : i32 to vector<16xi32>
          %gather3A_778 = tpu.vector_load_idx %arg4[%iota3A, %broadcast_in_dim3A_777] : memref<16x128xf32, #tpu.memory_space<vmem>>[vector<16xi32>, vector<16xi32>], vector<16xf32>,
          %swap3A_779 = arith.constant 12 : i32
          %swap3A_780 = arith.index_cast %swap3A_779 : i32 to index
          %swap3A_781 = arith.constant 112 : index
          %swap3A_782 = tpu.vector_load %arg6[%swap3A_780, %swap3A_781] {strides = array<i32>} : memref<16x128xf32, #tpu.memory_space<vmem>>, vector<16xf32>,
          tpu.vector_store %arg6[%swap3A_780, %swap3A_781], %gather3A_778 {strides = array<i32>} : memref<16x128xf32, #tpu.memory_space<vmem>>, vector<16xf32>,
          %broadcast_in_dim3A_783 = arith.constant 104 : i32
          %broadcast_in_dim3A_784 = vector.broadcast %broadcast_in_dim3A_783 : i32 to vector<16xi32>
          %gather3A_785 = tpu.vector_load_idx %arg4[%iota3A, %broadcast_in_dim3A_784] : memref<16x128xf32, #tpu.memory_space<vmem>>[vector<16xi32>, vector<16xi32>], vector<16xf32>,
          %swap3A_786 = arith.constant 13 : i32
          %swap3A_787 = arith.index_cast %swap3A_786 : i32 to index
          %swap3A_788 = arith.constant 0 : index
          %swap3A_789 = tpu.vector_load %arg6[%swap3A_787, %swap3A_788] {strides = array<i32>} : memref<16x128xf32, #tpu.memory_space<vmem>>, vector<16xf32>,
          tpu.vector_store %arg6[%swap3A_787, %swap3A_788], %gather3A_785 {strides = array<i32>} : memref<16x128xf32, #tpu.memory_space<vmem>>, vector<16xf32>,
          %broadcast_in_dim3A_790 = arith.constant 105 : i32
          %broadcast_in_dim3A_791 = vector.broadcast %broadcast_in_dim3A_790 : i32 to vector<16xi32>
          %gather3A_792 = tpu.vector_load_idx %arg4[%iota3A, %broadcast_in_dim3A_791] : memref<16x128xf32, #tpu.memory_space<vmem>>[vector<16xi32>, vector<16xi32>], vector<16xf32>,
          %swap3A_793 = arith.constant 13 : i32
          %swap3A_794 = arith.index_cast %swap3A_793 : i32 to index
          %swap3A_795 = arith.constant 16 : index
          %swap3A_796 = tpu.vector_load %arg6[%swap3A_794, %swap3A_795] {strides = array<i32>} : memref<16x128xf32, #tpu.memory_space<vmem>>, vector<16xf32>,
          tpu.vector_store %arg6[%swap3A_794, %swap3A_795], %gather3A_792 {strides = array<i32>} : memref<16x128xf32, #tpu.memory_space<vmem>>, vector<16xf32>,
          %broadcast_in_dim3A_797 = arith.constant 106 : i32
          %broadcast_in_dim3A_798 = vector.broadcast %broadcast_in_dim3A_797 : i32 to vector<16xi32>
          %gather3A_799 = tpu.vector_load_idx %arg4[%iota3A, %broadcast_in_dim3A_798] : memref<16x128xf32, #tpu.memory_space<vmem>>[vector<16xi32>, vector<16xi32>], vector<16xf32>,
          %swap3A_800 = arith.constant 13 : i32
          %swap3A_801 = arith.index_cast %swap3A_800 : i32 to index
          %swap3A_802 = arith.constant 32 : index
          %swap3A_803 = tpu.vector_load %arg6[%swap3A_801, %swap3A_802] {strides = array<i32>} : memref<16x128xf32, #tpu.memory_space<vmem>>, vector<16xf32>,
          tpu.vector_store %arg6[%swap3A_801, %swap3A_802], %gather3A_799 {strides = array<i32>} : memref<16x128xf32, #tpu.memory_space<vmem>>, vector<16xf32>,
          %broadcast_in_dim3A_804 = arith.constant 107 : i32
          %broadcast_in_dim3A_805 = vector.broadcast %broadcast_in_dim3A_804 : i32 to vector<16xi32>
          %gather3A_806 = tpu.vector_load_idx %arg4[%iota3A, %broadcast_in_dim3A_805] : memref<16x128xf32, #tpu.memory_space<vmem>>[vector<16xi32>, vector<16xi32>], vector<16xf32>,
          %swap3A_807 = arith.constant 13 : i32
          %swap3A_808 = arith.index_cast %swap3A_807 : i32 to index
          %swap3A_809 = arith.constant 48 : index
          %swap3A_810 = tpu.vector_load %arg6[%swap3A_808, %swap3A_809] {strides = array<i32>} : memref<16x128xf32, #tpu.memory_space<vmem>>, vector<16xf32>,
          tpu.vector_store %arg6[%swap3A_808, %swap3A_809], %gather3A_806 {strides = array<i32>} : memref<16x128xf32, #tpu.memory_space<vmem>>, vector<16xf32>,
          %broadcast_in_dim3A_811 = arith.constant 108 : i32
          %broadcast_in_dim3A_812 = vector.broadcast %broadcast_in_dim3A_811 : i32 to vector<16xi32>
          %gather3A_813 = tpu.vector_load_idx %arg4[%iota3A, %broadcast_in_dim3A_812] : memref<16x128xf32, #tpu.memory_space<vmem>>[vector<16xi32>, vector<16xi32>], vector<16xf32>,
          %swap3A_814 = arith.constant 13 : i32
          %swap3A_815 = arith.index_cast %swap3A_814 : i32 to index
          %swap3A_816 = arith.constant 64 : index
          %swap3A_817 = tpu.vector_load %arg6[%swap3A_815, %swap3A_816] {strides = array<i32>} : memref<16x128xf32, #tpu.memory_space<vmem>>, vector<16xf32>,
          tpu.vector_store %arg6[%swap3A_815, %swap3A_816], %gather3A_813 {strides = array<i32>} : memref<16x128xf32, #tpu.memory_space<vmem>>, vector<16xf32>,
          %broadcast_in_dim3A_818 = arith.constant 109 : i32
          %broadcast_in_dim3A_819 = vector.broadcast %broadcast_in_dim3A_818 : i32 to vector<16xi32>
          %gather3A_820 = tpu.vector_load_idx %arg4[%iota3A, %broadcast_in_dim3A_819] : memref<16x128xf32, #tpu.memory_space<vmem>>[vector<16xi32>, vector<16xi32>], vector<16xf32>,
          %swap3A_821 = arith.constant 13 : i32
          %swap3A_822 = arith.index_cast %swap3A_821 : i32 to index
          %swap3A_823 = arith.constant 80 : index
          %swap3A_824 = tpu.vector_load %arg6[%swap3A_822, %swap3A_823] {strides = array<i32>} : memref<16x128xf32, #tpu.memory_space<vmem>>, vector<16xf32>,
          tpu.vector_store %arg6[%swap3A_822, %swap3A_823], %gather3A_820 {strides = array<i32>} : memref<16x128xf32, #tpu.memory_space<vmem>>, vector<16xf32>,
          %broadcast_in_dim3A_825 = arith.constant 110 : i32
          %broadcast_in_dim3A_826 = vector.broadcast %broadcast_in_dim3A_825 : i32 to vector<16xi32>
          %gather3A_827 = tpu.vector_load_idx %arg4[%iota3A, %broadcast_in_dim3A_826] : memref<16x128xf32, #tpu.memory_space<vmem>>[vector<16xi32>, vector<16xi32>], vector<16xf32>,
          %swap3A_828 = arith.constant 13 : i32
          %swap3A_829 = arith.index_cast %swap3A_828 : i32 to index
          %swap3A_830 = arith.constant 96 : index
          %swap3A_831 = tpu.vector_load %arg6[%swap3A_829, %swap3A_830] {strides = array<i32>} : memref<16x128xf32, #tpu.memory_space<vmem>>, vector<16xf32>,
          tpu.vector_store %arg6[%swap3A_829, %swap3A_830], %gather3A_827 {strides = array<i32>} : memref<16x128xf32, #tpu.memory_space<vmem>>, vector<16xf32>,
          %broadcast_in_dim3A_832 = arith.constant 111 : i32
          %broadcast_in_dim3A_833 = vector.broadcast %broadcast_in_dim3A_832 : i32 to vector<16xi32>
          %gather3A_834 = tpu.vector_load_idx %arg4[%iota3A, %broadcast_in_dim3A_833] : memref<16x128xf32, #tpu.memory_space<vmem>>[vector<16xi32>, vector<16xi32>], vector<16xf32>,
          %swap3A_835 = arith.constant 13 : i32
          %swap3A_836 = arith.index_cast %swap3A_835 : i32 to index
          %swap3A_837 = arith.constant 112 : index
          %swap3A_838 = tpu.vector_load %arg6[%swap3A_836, %swap3A_837] {strides = array<i32>} : memref<16x128xf32, #tpu.memory_space<vmem>>, vector<16xf32>,
          tpu.vector_store %arg6[%swap3A_836, %swap3A_837], %gather3A_834 {strides = array<i32>} : memref<16x128xf32, #tpu.memory_space<vmem>>, vector<16xf32>,
          %broadcast_in_dim3A_839 = arith.constant 112 : i32
          %broadcast_in_dim3A_840 = vector.broadcast %broadcast_in_dim3A_839 : i32 to vector<16xi32>
          %gather3A_841 = tpu.vector_load_idx %arg4[%iota3A, %broadcast_in_dim3A_840] : memref<16x128xf32, #tpu.memory_space<vmem>>[vector<16xi32>, vector<16xi32>], vector<16xf32>,
          %swap3A_842 = arith.constant 14 : i32
          %swap3A_843 = arith.index_cast %swap3A_842 : i32 to index
          %swap3A_844 = arith.constant 0 : index
          %swap3A_845 = tpu.vector_load %arg6[%swap3A_843, %swap3A_844] {strides = array<i32>} : memref<16x128xf32, #tpu.memory_space<vmem>>, vector<16xf32>,
          tpu.vector_store %arg6[%swap3A_843, %swap3A_844], %gather3A_841 {strides = array<i32>} : memref<16x128xf32, #tpu.memory_space<vmem>>, vector<16xf32>,
          %broadcast_in_dim3A_846 = arith.constant 113 : i32
          %broadcast_in_dim3A_847 = vector.broadcast %broadcast_in_dim3A_846 : i32 to vector<16xi32>
          %gather3A_848 = tpu.vector_load_idx %arg4[%iota3A, %broadcast_in_dim3A_847] : memref<16x128xf32, #tpu.memory_space<vmem>>[vector<16xi32>, vector<16xi32>], vector<16xf32>,
          %swap3A_849 = arith.constant 14 : i32
          %swap3A_850 = arith.index_cast %swap3A_849 : i32 to index
          %swap3A_851 = arith.constant 16 : index
          %swap3A_852 = tpu.vector_load %arg6[%swap3A_850, %swap3A_851] {strides = array<i32>} : memref<16x128xf32, #tpu.memory_space<vmem>>, vector<16xf32>,
          tpu.vector_store %arg6[%swap3A_850, %swap3A_851], %gather3A_848 {strides = array<i32>} : memref<16x128xf32, #tpu.memory_space<vmem>>, vector<16xf32>,
          %broadcast_in_dim3A_853 = arith.constant 114 : i32
          %broadcast_in_dim3A_854 = vector.broadcast %broadcast_in_dim3A_853 : i32 to vector<16xi32>
          %gather3A_855 = tpu.vector_load_idx %arg4[%iota3A, %broadcast_in_dim3A_854] : memref<16x128xf32, #tpu.memory_space<vmem>>[vector<16xi32>, vector<16xi32>], vector<16xf32>,
          %swap3A_856 = arith.constant 14 : i32
          %swap3A_857 = arith.index_cast %swap3A_856 : i32 to index
          %swap3A_858 = arith.constant 32 : index
          %swap3A_859 = tpu.vector_load %arg6[%swap3A_857, %swap3A_858] {strides = array<i32>} : memref<16x128xf32, #tpu.memory_space<vmem>>, vector<16xf32>,
          tpu.vector_store %arg6[%swap3A_857, %swap3A_858], %gather3A_855 {strides = array<i32>} : memref<16x128xf32, #tpu.memory_space<vmem>>, vector<16xf32>,
          %broadcast_in_dim3A_860 = arith.constant 115 : i32
          %broadcast_in_dim3A_861 = vector.broadcast %broadcast_in_dim3A_860 : i32 to vector<16xi32>
          %gather3A_862 = tpu.vector_load_idx %arg4[%iota3A, %broadcast_in_dim3A_861] : memref<16x128xf32, #tpu.memory_space<vmem>>[vector<16xi32>, vector<16xi32>], vector<16xf32>,
          %swap3A_863 = arith.constant 14 : i32
          %swap3A_864 = arith.index_cast %swap3A_863 : i32 to index
          %swap3A_865 = arith.constant 48 : index
          %swap3A_866 = tpu.vector_load %arg6[%swap3A_864, %swap3A_865] {strides = array<i32>} : memref<16x128xf32, #tpu.memory_space<vmem>>, vector<16xf32>,
          tpu.vector_store %arg6[%swap3A_864, %swap3A_865], %gather3A_862 {strides = array<i32>} : memref<16x128xf32, #tpu.memory_space<vmem>>, vector<16xf32>,
          %broadcast_in_dim3A_867 = arith.constant 116 : i32
          %broadcast_in_dim3A_868 = vector.broadcast %broadcast_in_dim3A_867 : i32 to vector<16xi32>
          %gather3A_869 = tpu.vector_load_idx %arg4[%iota3A, %broadcast_in_dim3A_868] : memref<16x128xf32, #tpu.memory_space<vmem>>[vector<16xi32>, vector<16xi32>], vector<16xf32>,
          %swap3A_870 = arith.constant 14 : i32
          %swap3A_871 = arith.index_cast %swap3A_870 : i32 to index
          %swap3A_872 = arith.constant 64 : index
          %swap3A_873 = tpu.vector_load %arg6[%swap3A_871, %swap3A_872] {strides = array<i32>} : memref<16x128xf32, #tpu.memory_space<vmem>>, vector<16xf32>,
          tpu.vector_store %arg6[%swap3A_871, %swap3A_872], %gather3A_869 {strides = array<i32>} : memref<16x128xf32, #tpu.memory_space<vmem>>, vector<16xf32>,
          %broadcast_in_dim3A_874 = arith.constant 117 : i32
          %broadcast_in_dim3A_875 = vector.broadcast %broadcast_in_dim3A_874 : i32 to vector<16xi32>
          %gather3A_876 = tpu.vector_load_idx %arg4[%iota3A, %broadcast_in_dim3A_875] : memref<16x128xf32, #tpu.memory_space<vmem>>[vector<16xi32>, vector<16xi32>], vector<16xf32>,
          %swap3A_877 = arith.constant 14 : i32
          %swap3A_878 = arith.index_cast %swap3A_877 : i32 to index
          %swap3A_879 = arith.constant 80 : index
          %swap3A_880 = tpu.vector_load %arg6[%swap3A_878, %swap3A_879] {strides = array<i32>} : memref<16x128xf32, #tpu.memory_space<vmem>>, vector<16xf32>,
          tpu.vector_store %arg6[%swap3A_878, %swap3A_879], %gather3A_876 {strides = array<i32>} : memref<16x128xf32, #tpu.memory_space<vmem>>, vector<16xf32>,
          %broadcast_in_dim3A_881 = arith.constant 118 : i32
          %broadcast_in_dim3A_882 = vector.broadcast %broadcast_in_dim3A_881 : i32 to vector<16xi32>
          %gather3A_883 = tpu.vector_load_idx %arg4[%iota3A, %broadcast_in_dim3A_882] : memref<16x128xf32, #tpu.memory_space<vmem>>[vector<16xi32>, vector<16xi32>], vector<16xf32>,
          %swap3A_884 = arith.constant 14 : i32
          %swap3A_885 = arith.index_cast %swap3A_884 : i32 to index
          %swap3A_886 = arith.constant 96 : index
          %swap3A_887 = tpu.vector_load %arg6[%swap3A_885, %swap3A_886] {strides = array<i32>} : memref<16x128xf32, #tpu.memory_space<vmem>>, vector<16xf32>,
          tpu.vector_store %arg6[%swap3A_885, %swap3A_886], %gather3A_883 {strides = array<i32>} : memref<16x128xf32, #tpu.memory_space<vmem>>, vector<16xf32>,
          %broadcast_in_dim3A_888 = arith.constant 119 : i32
          %broadcast_in_dim3A_889 = vector.broadcast %broadcast_in_dim3A_888 : i32 to vector<16xi32>
          %gather3A_890 = tpu.vector_load_idx %arg4[%iota3A, %broadcast_in_dim3A_889] : memref<16x128xf32, #tpu.memory_space<vmem>>[vector<16xi32>, vector<16xi32>], vector<16xf32>,
          %swap3A_891 = arith.constant 14 : i32
          %swap3A_892 = arith.index_cast %swap3A_891 : i32 to index
          %swap3A_893 = arith.constant 112 : index
          %swap3A_894 = tpu.vector_load %arg6[%swap3A_892, %swap3A_893] {strides = array<i32>} : memref<16x128xf32, #tpu.memory_space<vmem>>, vector<16xf32>,
          tpu.vector_store %arg6[%swap3A_892, %swap3A_893], %gather3A_890 {strides = array<i32>} : memref<16x128xf32, #tpu.memory_space<vmem>>, vector<16xf32>,
          %broadcast_in_dim3A_895 = arith.constant 120 : i32
          %broadcast_in_dim3A_896 = vector.broadcast %broadcast_in_dim3A_895 : i32 to vector<16xi32>
          %gather3A_897 = tpu.vector_load_idx %arg4[%iota3A, %broadcast_in_dim3A_896] : memref<16x128xf32, #tpu.memory_space<vmem>>[vector<16xi32>, vector<16xi32>], vector<16xf32>,
          %swap3A_898 = arith.constant 15 : i32
          %swap3A_899 = arith.index_cast %swap3A_898 : i32 to index
          %swap3A_900 = arith.constant 0 : index
          %swap3A_901 = tpu.vector_load %arg6[%swap3A_899, %swap3A_900] {strides = array<i32>} : memref<16x128xf32, #tpu.memory_space<vmem>>, vector<16xf32>,
          tpu.vector_store %arg6[%swap3A_899, %swap3A_900], %gather3A_897 {strides = array<i32>} : memref<16x128xf32, #tpu.memory_space<vmem>>, vector<16xf32>,
          %broadcast_in_dim3A_902 = arith.constant 121 : i32
          %broadcast_in_dim3A_903 = vector.broadcast %broadcast_in_dim3A_902 : i32 to vector<16xi32>
          %gather3A_904 = tpu.vector_load_idx %arg4[%iota3A, %broadcast_in_dim3A_903] : memref<16x128xf32, #tpu.memory_space<vmem>>[vector<16xi32>, vector<16xi32>], vector<16xf32>,
          %swap3A_905 = arith.constant 15 : i32
          %swap3A_906 = arith.index_cast %swap3A_905 : i32 to index
          %swap3A_907 = arith.constant 16 : index
          %swap3A_908 = tpu.vector_load %arg6[%swap3A_906, %swap3A_907] {strides = array<i32>} : memref<16x128xf32, #tpu.memory_space<vmem>>, vector<16xf32>,
          tpu.vector_store %arg6[%swap3A_906, %swap3A_907], %gather3A_904 {strides = array<i32>} : memref<16x128xf32, #tpu.memory_space<vmem>>, vector<16xf32>,
          %broadcast_in_dim3A_909 = arith.constant 122 : i32
          %broadcast_in_dim3A_910 = vector.broadcast %broadcast_in_dim3A_909 : i32 to vector<16xi32>
          %gather3A_911 = tpu.vector_load_idx %arg4[%iota3A, %broadcast_in_dim3A_910] : memref<16x128xf32, #tpu.memory_space<vmem>>[vector<16xi32>, vector<16xi32>], vector<16xf32>,
          %swap3A_912 = arith.constant 15 : i32
          %swap3A_913 = arith.index_cast %swap3A_912 : i32 to index
          %swap3A_914 = arith.constant 32 : index
          %swap3A_915 = tpu.vector_load %arg6[%swap3A_913, %swap3A_914] {strides = array<i32>} : memref<16x128xf32, #tpu.memory_space<vmem>>, vector<16xf32>,
          tpu.vector_store %arg6[%swap3A_913, %swap3A_914], %gather3A_911 {strides = array<i32>} : memref<16x128xf32, #tpu.memory_space<vmem>>, vector<16xf32>,
          %broadcast_in_dim3A_916 = arith.constant 123 : i32
          %broadcast_in_dim3A_917 = vector.broadcast %broadcast_in_dim3A_916 : i32 to vector<16xi32>
          %gather3A_918 = tpu.vector_load_idx %arg4[%iota3A, %broadcast_in_dim3A_917] : memref<16x128xf32, #tpu.memory_space<vmem>>[vector<16xi32>, vector<16xi32>], vector<16xf32>,
          %swap3A_919 = arith.constant 15 : i32
          %swap3A_920 = arith.index_cast %swap3A_919 : i32 to index
          %swap3A_921 = arith.constant 48 : index
          %swap3A_922 = tpu.vector_load %arg6[%swap3A_920, %swap3A_921] {strides = array<i32>} : memref<16x128xf32, #tpu.memory_space<vmem>>, vector<16xf32>,
          tpu.vector_store %arg6[%swap3A_920, %swap3A_921], %gather3A_918 {strides = array<i32>} : memref<16x128xf32, #tpu.memory_space<vmem>>, vector<16xf32>,
          %broadcast_in_dim3A_923 = arith.constant 124 : i32
          %broadcast_in_dim3A_924 = vector.broadcast %broadcast_in_dim3A_923 : i32 to vector<16xi32>
          %gather3A_925 = tpu.vector_load_idx %arg4[%iota3A, %broadcast_in_dim3A_924] : memref<16x128xf32, #tpu.memory_space<vmem>>[vector<16xi32>, vector<16xi32>], vector<16xf32>,
          %swap3A_926 = arith.constant 15 : i32
          %swap3A_927 = arith.index_cast %swap3A_926 : i32 to index
          %swap3A_928 = arith.constant 64 : index
          %swap3A_929 = tpu.vector_load %arg6[%swap3A_927, %swap3A_928] {strides = array<i32>} : memref<16x128xf32, #tpu.memory_space<vmem>>, vector<16xf32>,
          tpu.vector_store %arg6[%swap3A_927, %swap3A_928], %gather3A_925 {strides = array<i32>} : memref<16x128xf32, #tpu.memory_space<vmem>>, vector<16xf32>,
          %broadcast_in_dim3A_930 = arith.constant 125 : i32
          %broadcast_in_dim3A_931 = vector.broadcast %broadcast_in_dim3A_930 : i32 to vector<16xi32>
          %gather3A_932 = tpu.vector_load_idx %arg4[%iota3A, %broadcast_in_dim3A_931] : memref<16x128xf32, #tpu.memory_space<vmem>>[vector<16xi32>, vector<16xi32>], vector<16xf32>,
          %swap3A_933 = arith.constant 15 : i32
          %swap3A_934 = arith.index_cast %swap3A_933 : i32 to index
          %swap3A_935 = arith.constant 80 : index
          %swap3A_936 = tpu.vector_load %arg6[%swap3A_934, %swap3A_935] {strides = array<i32>} : memref<16x128xf32, #tpu.memory_space<vmem>>, vector<16xf32>,
          tpu.vector_store %arg6[%swap3A_934, %swap3A_935], %gather3A_932 {strides = array<i32>} : memref<16x128xf32, #tpu.memory_space<vmem>>, vector<16xf32>,
          %broadcast_in_dim3A_937 = arith.constant 126 : i32
          %broadcast_in_dim3A_938 = vector.broadcast %broadcast_in_dim3A_937 : i32 to vector<16xi32>
          %gather3A_939 = tpu.vector_load_idx %arg4[%iota3A, %broadcast_in_dim3A_938] : memref<16x128xf32, #tpu.memory_space<vmem>>[vector<16xi32>, vector<16xi32>], vector<16xf32>,
          %swap3A_940 = arith.constant 15 : i32
          %swap3A_941 = arith.index_cast %swap3A_940 : i32 to index
          %swap3A_942 = arith.constant 96 : index
          %swap3A_943 = tpu.vector_load %arg6[%swap3A_941, %swap3A_942] {strides = array<i32>} : memref<16x128xf32, #tpu.memory_space<vmem>>, vector<16xf32>,
          tpu.vector_store %arg6[%swap3A_941, %swap3A_942], %gather3A_939 {strides = array<i32>} : memref<16x128xf32, #tpu.memory_space<vmem>>, vector<16xf32>,
          %broadcast_in_dim3A_944 = arith.constant 127 : i32
          %broadcast_in_dim3A_945 = vector.broadcast %broadcast_in_dim3A_944 : i32 to vector<16xi32>
          %gather3A_946 = tpu.vector_load_idx %arg4[%iota3A, %broadcast_in_dim3A_945] : memref<16x128xf32, #tpu.memory_space<vmem>>[vector<16xi32>, vector<16xi32>], vector<16xf32>,
          %swap3A_947 = arith.constant 15 : i32
          %swap3A_948 = arith.index_cast %swap3A_947 : i32 to index
          %swap3A_949 = arith.constant 112 : index
          %swap3A_950 = tpu.vector_load %arg6[%swap3A_948, %swap3A_949] {strides = array<i32>} : memref<16x128xf32, #tpu.memory_space<vmem>>, vector<16xf32>,
          tpu.vector_store %arg6[%swap3A_948, %swap3A_949], %gather3A_946 {strides = array<i32>} : memref<16x128xf32, #tpu.memory_space<vmem>>, vector<16xf32>,
          %add3A_951 = arith.addi %mul3A_2, %add3A_37 : i32
          %mul3A_952 = arith.constant 16 : i32
          %mul3A_953 = arith.muli %add3A_951, %mul3A_952 : i32
          %dma_start3A_954 = arith.constant 0 : i32
          %dma_start3A_955 = tpu.memref_slice %arg3[%mul3A_953, %dma_start3A_954] : memref<125000x128xf32, #tpu.memory_space<hbm>> -> memref<16x128xf32, #tpu.memory_space<hbm>>
          %dma_start3A_956 = arith.constant 0 : i32
          %dma_start3A_957 = tpu.memref_slice %arg3[%mul3A_953, %dma_start3A_956] : memref<125000x128xf32, #tpu.memory_space<hbm>> -> memref<16x128xf32, #tpu.memory_space<hbm>>
          tpu.enqueue_dma source(%arg6 : memref<16x128xf32, #tpu.memory_space<vmem>>) target(%dma_start3A_957 : memref<16x128xf32, #tpu.memory_space<hbm>>) target_semaphore(%arg10 : memref<!tpu.dma_semaphore, #tpu.memory_space<semaphore_mem>>)
          %add3A_958 = arith.constant 2 : i32
          %add3A_959 = arith.addi %add3A_37, %add3A_958 : i32
          %lt3A_960 = arith.cmpi slt, %add3A_959, %min3A_5 : i32
          %convert_element_type3A_961 = arith.extui %lt3A_960 : i1 to i32
          %cond3A_962 = arith.constant 0 : i32
          %cond3A_963 = arith.cmpi ne, %convert_element_type3A_961, %cond3A_962 : i32
          scf.if %cond3A_963 {
            %add3A_964 = arith.constant 2 : i32
            %add3A_965 = arith.addi %add3A_37, %add3A_964 : i32
            %add3A_966 = arith.addi %mul3A_2, %add3A_965 : i32
            %mul3A_967 = arith.constant 128 : i32
            %mul3A_968 = arith.muli %add3A_966, %mul3A_967 : i32
            %dma_start3A_969 = arith.constant 0 : i32
            %dma_start3A_970 = tpu.memref_slice %arg2[%dma_start3A_969, %mul3A_968] : memref<16x1000000xf32, #tpu.memory_space<hbm>> -> memref<16x128xf32, #tpu.memory_space<hbm>>
            %dma_start3A_971 = arith.constant 0 : i32
            %dma_start3A_972 = tpu.memref_slice %arg2[%dma_start3A_971, %mul3A_968] : memref<16x1000000xf32, #tpu.memory_space<hbm>> -> memref<16x128xf32, #tpu.memory_space<hbm>>
            tpu.enqueue_dma source(%dma_start3A_972 : memref<16x128xf32, #tpu.memory_space<hbm>>) target(%arg4 : memref<16x128xf32, #tpu.memory_space<vmem>>) target_semaphore(%arg8 : memref<!tpu.dma_semaphore, #tpu.memory_space<semaphore_mem>>)
          } else {
          }
        } else {
        }
        %add3A_41 = arith.constant 1 : i32
        %add3A_42 = arith.addi %add3A_37, %add3A_41 : i32
        %lt3A_43 = arith.cmpi slt, %add3A_42, %min3A_5 : i32
        %convert_element_type3A_44 = arith.extui %lt3A_43 : i1 to i32
        %cond3A_45 = arith.constant 0 : i32
        %cond3A_46 = arith.cmpi ne, %convert_element_type3A_44, %cond3A_45 : i32
        scf.if %cond3A_46 {
          %add3A_47 = arith.addi %mul3A_2, %add3A_42 : i32
          %mul3A_48 = arith.constant 128 : i32
          %mul3A_49 = arith.muli %add3A_47, %mul3A_48 : i32
          %dma_wait3A = arith.constant 0 : i32
          %dma_wait3A_50 = tpu.memref_slice %arg2[%dma_wait3A, %mul3A_49] : memref<16x1000000xf32, #tpu.memory_space<hbm>> -> memref<16x128xf32, #tpu.memory_space<hbm>>
          %dma_wait3A_51 = arith.constant 0 : i32
          %dma_wait3A_52 = tpu.memref_slice %arg2[%dma_wait3A_51, %mul3A_49] : memref<16x1000000xf32, #tpu.memory_space<hbm>> -> memref<16x128xf32, #tpu.memory_space<hbm>>
          tpu.wait_dma2 semaphore(%arg9 : memref<!tpu.dma_semaphore, #tpu.memory_space<semaphore_mem>>) src(%dma_wait3A_52 : memref<16x128xf32, #tpu.memory_space<hbm>>) dst(%arg5 : memref<16x128xf32, #tpu.memory_space<vmem>>)
          %ge3A_53 = arith.constant 2 : i32
          %ge3A_54 = arith.cmpi sge, %add3A_42, %ge3A_53 : i32
          %convert_element_type3A_55 = arith.extui %ge3A_54 : i1 to i32
          %cond3A_56 = arith.constant 0 : i32
          %cond3A_57 = arith.cmpi ne, %convert_element_type3A_55, %cond3A_56 : i32
          scf.if %cond3A_57 {
            %sub3A_964 = arith.constant 2 : i32
            %sub3A_965 = arith.subi %add3A_42, %sub3A_964 : i32
            %add3A_966 = arith.addi %mul3A_2, %sub3A_965 : i32
            %mul3A_967 = arith.constant 16 : i32
            %mul3A_968 = arith.muli %add3A_966, %mul3A_967 : i32
            %dma_wait3A_969 = arith.constant 0 : i32
            %dma_wait3A_970 = tpu.memref_slice %arg3[%mul3A_968, %dma_wait3A_969] : memref<125000x128xf32, #tpu.memory_space<hbm>> -> memref<16x128xf32, #tpu.memory_space<hbm>>
            %dma_wait3A_971 = arith.constant 0 : i32
            %dma_wait3A_972 = tpu.memref_slice %arg3[%mul3A_968, %dma_wait3A_971] : memref<125000x128xf32, #tpu.memory_space<hbm>> -> memref<16x128xf32, #tpu.memory_space<hbm>>
            tpu.wait_dma2 semaphore(%arg11 : memref<!tpu.dma_semaphore, #tpu.memory_space<semaphore_mem>>) src(%arg7 : memref<16x128xf32, #tpu.memory_space<vmem>>) dst(%dma_wait3A_972 : memref<16x128xf32, #tpu.memory_space<hbm>>)
          } else {
          }
          %broadcast_in_dim3A = arith.constant 0 : i32
          %broadcast_in_dim3A_58 = vector.broadcast %broadcast_in_dim3A : i32 to vector<16xi32>
          %gather3A = tpu.vector_load_idx %arg5[%iota3A, %broadcast_in_dim3A_58] : memref<16x128xf32, #tpu.memory_space<vmem>>[vector<16xi32>, vector<16xi32>], vector<16xf32>,
          %swap3A = arith.constant 0 : i32
          %swap3A_59 = arith.index_cast %swap3A : i32 to index
          %swap3A_60 = arith.constant 0 : index
          %swap3A_61 = tpu.vector_load %arg7[%swap3A_59, %swap3A_60] {strides = array<i32>} : memref<16x128xf32, #tpu.memory_space<vmem>>, vector<16xf32>,
          tpu.vector_store %arg7[%swap3A_59, %swap3A_60], %gather3A {strides = array<i32>} : memref<16x128xf32, #tpu.memory_space<vmem>>, vector<16xf32>,
          %broadcast_in_dim3A_62 = arith.constant 1 : i32
          %broadcast_in_dim3A_63 = vector.broadcast %broadcast_in_dim3A_62 : i32 to vector<16xi32>
          %gather3A_64 = tpu.vector_load_idx %arg5[%iota3A, %broadcast_in_dim3A_63] : memref<16x128xf32, #tpu.memory_space<vmem>>[vector<16xi32>, vector<16xi32>], vector<16xf32>,
          %swap3A_65 = arith.constant 0 : i32
          %swap3A_66 = arith.index_cast %swap3A_65 : i32 to index
          %swap3A_67 = arith.constant 16 : index
          %swap3A_68 = tpu.vector_load %arg7[%swap3A_66, %swap3A_67] {strides = array<i32>} : memref<16x128xf32, #tpu.memory_space<vmem>>, vector<16xf32>,
          tpu.vector_store %arg7[%swap3A_66, %swap3A_67], %gather3A_64 {strides = array<i32>} : memref<16x128xf32, #tpu.memory_space<vmem>>, vector<16xf32>,
          %broadcast_in_dim3A_69 = arith.constant 2 : i32
          %broadcast_in_dim3A_70 = vector.broadcast %broadcast_in_dim3A_69 : i32 to vector<16xi32>
          %gather3A_71 = tpu.vector_load_idx %arg5[%iota3A, %broadcast_in_dim3A_70] : memref<16x128xf32, #tpu.memory_space<vmem>>[vector<16xi32>, vector<16xi32>], vector<16xf32>,
          %swap3A_72 = arith.constant 0 : i32
          %swap3A_73 = arith.index_cast %swap3A_72 : i32 to index
          %swap3A_74 = arith.constant 32 : index
          %swap3A_75 = tpu.vector_load %arg7[%swap3A_73, %swap3A_74] {strides = array<i32>} : memref<16x128xf32, #tpu.memory_space<vmem>>, vector<16xf32>,
          tpu.vector_store %arg7[%swap3A_73, %swap3A_74], %gather3A_71 {strides = array<i32>} : memref<16x128xf32, #tpu.memory_space<vmem>>, vector<16xf32>,
          %broadcast_in_dim3A_76 = arith.constant 3 : i32
          %broadcast_in_dim3A_77 = vector.broadcast %broadcast_in_dim3A_76 : i32 to vector<16xi32>
          %gather3A_78 = tpu.vector_load_idx %arg5[%iota3A, %broadcast_in_dim3A_77] : memref<16x128xf32, #tpu.memory_space<vmem>>[vector<16xi32>, vector<16xi32>], vector<16xf32>,
          %swap3A_79 = arith.constant 0 : i32
          %swap3A_80 = arith.index_cast %swap3A_79 : i32 to index
          %swap3A_81 = arith.constant 48 : index
          %swap3A_82 = tpu.vector_load %arg7[%swap3A_80, %swap3A_81] {strides = array<i32>} : memref<16x128xf32, #tpu.memory_space<vmem>>, vector<16xf32>,
          tpu.vector_store %arg7[%swap3A_80, %swap3A_81], %gather3A_78 {strides = array<i32>} : memref<16x128xf32, #tpu.memory_space<vmem>>, vector<16xf32>,
          %broadcast_in_dim3A_83 = arith.constant 4 : i32
          %broadcast_in_dim3A_84 = vector.broadcast %broadcast_in_dim3A_83 : i32 to vector<16xi32>
          %gather3A_85 = tpu.vector_load_idx %arg5[%iota3A, %broadcast_in_dim3A_84] : memref<16x128xf32, #tpu.memory_space<vmem>>[vector<16xi32>, vector<16xi32>], vector<16xf32>,
          %swap3A_86 = arith.constant 0 : i32
          %swap3A_87 = arith.index_cast %swap3A_86 : i32 to index
          %swap3A_88 = arith.constant 64 : index
          %swap3A_89 = tpu.vector_load %arg7[%swap3A_87, %swap3A_88] {strides = array<i32>} : memref<16x128xf32, #tpu.memory_space<vmem>>, vector<16xf32>,
          tpu.vector_store %arg7[%swap3A_87, %swap3A_88], %gather3A_85 {strides = array<i32>} : memref<16x128xf32, #tpu.memory_space<vmem>>, vector<16xf32>,
          %broadcast_in_dim3A_90 = arith.constant 5 : i32
          %broadcast_in_dim3A_91 = vector.broadcast %broadcast_in_dim3A_90 : i32 to vector<16xi32>
          %gather3A_92 = tpu.vector_load_idx %arg5[%iota3A, %broadcast_in_dim3A_91] : memref<16x128xf32, #tpu.memory_space<vmem>>[vector<16xi32>, vector<16xi32>], vector<16xf32>,
          %swap3A_93 = arith.constant 0 : i32
          %swap3A_94 = arith.index_cast %swap3A_93 : i32 to index
          %swap3A_95 = arith.constant 80 : index
          %swap3A_96 = tpu.vector_load %arg7[%swap3A_94, %swap3A_95] {strides = array<i32>} : memref<16x128xf32, #tpu.memory_space<vmem>>, vector<16xf32>,
          tpu.vector_store %arg7[%swap3A_94, %swap3A_95], %gather3A_92 {strides = array<i32>} : memref<16x128xf32, #tpu.memory_space<vmem>>, vector<16xf32>,
          %broadcast_in_dim3A_97 = arith.constant 6 : i32
          %broadcast_in_dim3A_98 = vector.broadcast %broadcast_in_dim3A_97 : i32 to vector<16xi32>
          %gather3A_99 = tpu.vector_load_idx %arg5[%iota3A, %broadcast_in_dim3A_98] : memref<16x128xf32, #tpu.memory_space<vmem>>[vector<16xi32>, vector<16xi32>], vector<16xf32>,
          %swap3A_100 = arith.constant 0 : i32
          %swap3A_101 = arith.index_cast %swap3A_100 : i32 to index
          %swap3A_102 = arith.constant 96 : index
          %swap3A_103 = tpu.vector_load %arg7[%swap3A_101, %swap3A_102] {strides = array<i32>} : memref<16x128xf32, #tpu.memory_space<vmem>>, vector<16xf32>,
          tpu.vector_store %arg7[%swap3A_101, %swap3A_102], %gather3A_99 {strides = array<i32>} : memref<16x128xf32, #tpu.memory_space<vmem>>, vector<16xf32>,
          %broadcast_in_dim3A_104 = arith.constant 7 : i32
          %broadcast_in_dim3A_105 = vector.broadcast %broadcast_in_dim3A_104 : i32 to vector<16xi32>
          %gather3A_106 = tpu.vector_load_idx %arg5[%iota3A, %broadcast_in_dim3A_105] : memref<16x128xf32, #tpu.memory_space<vmem>>[vector<16xi32>, vector<16xi32>], vector<16xf32>,
          %swap3A_107 = arith.constant 0 : i32
          %swap3A_108 = arith.index_cast %swap3A_107 : i32 to index
          %swap3A_109 = arith.constant 112 : index
          %swap3A_110 = tpu.vector_load %arg7[%swap3A_108, %swap3A_109] {strides = array<i32>} : memref<16x128xf32, #tpu.memory_space<vmem>>, vector<16xf32>,
          tpu.vector_store %arg7[%swap3A_108, %swap3A_109], %gather3A_106 {strides = array<i32>} : memref<16x128xf32, #tpu.memory_space<vmem>>, vector<16xf32>,
          %broadcast_in_dim3A_111 = arith.constant 8 : i32
          %broadcast_in_dim3A_112 = vector.broadcast %broadcast_in_dim3A_111 : i32 to vector<16xi32>
          %gather3A_113 = tpu.vector_load_idx %arg5[%iota3A, %broadcast_in_dim3A_112] : memref<16x128xf32, #tpu.memory_space<vmem>>[vector<16xi32>, vector<16xi32>], vector<16xf32>,
          %swap3A_114 = arith.constant 1 : i32
          %swap3A_115 = arith.index_cast %swap3A_114 : i32 to index
          %swap3A_116 = arith.constant 0 : index
          %swap3A_117 = tpu.vector_load %arg7[%swap3A_115, %swap3A_116] {strides = array<i32>} : memref<16x128xf32, #tpu.memory_space<vmem>>, vector<16xf32>,
          tpu.vector_store %arg7[%swap3A_115, %swap3A_116], %gather3A_113 {strides = array<i32>} : memref<16x128xf32, #tpu.memory_space<vmem>>, vector<16xf32>,
          %broadcast_in_dim3A_118 = arith.constant 9 : i32
          %broadcast_in_dim3A_119 = vector.broadcast %broadcast_in_dim3A_118 : i32 to vector<16xi32>
          %gather3A_120 = tpu.vector_load_idx %arg5[%iota3A, %broadcast_in_dim3A_119] : memref<16x128xf32, #tpu.memory_space<vmem>>[vector<16xi32>, vector<16xi32>], vector<16xf32>,
          %swap3A_121 = arith.constant 1 : i32
          %swap3A_122 = arith.index_cast %swap3A_121 : i32 to index
          %swap3A_123 = arith.constant 16 : index
          %swap3A_124 = tpu.vector_load %arg7[%swap3A_122, %swap3A_123] {strides = array<i32>} : memref<16x128xf32, #tpu.memory_space<vmem>>, vector<16xf32>,
          tpu.vector_store %arg7[%swap3A_122, %swap3A_123], %gather3A_120 {strides = array<i32>} : memref<16x128xf32, #tpu.memory_space<vmem>>, vector<16xf32>,
          %broadcast_in_dim3A_125 = arith.constant 10 : i32
          %broadcast_in_dim3A_126 = vector.broadcast %broadcast_in_dim3A_125 : i32 to vector<16xi32>
          %gather3A_127 = tpu.vector_load_idx %arg5[%iota3A, %broadcast_in_dim3A_126] : memref<16x128xf32, #tpu.memory_space<vmem>>[vector<16xi32>, vector<16xi32>], vector<16xf32>,
          %swap3A_128 = arith.constant 1 : i32
          %swap3A_129 = arith.index_cast %swap3A_128 : i32 to index
          %swap3A_130 = arith.constant 32 : index
          %swap3A_131 = tpu.vector_load %arg7[%swap3A_129, %swap3A_130] {strides = array<i32>} : memref<16x128xf32, #tpu.memory_space<vmem>>, vector<16xf32>,
          tpu.vector_store %arg7[%swap3A_129, %swap3A_130], %gather3A_127 {strides = array<i32>} : memref<16x128xf32, #tpu.memory_space<vmem>>, vector<16xf32>,
          %broadcast_in_dim3A_132 = arith.constant 11 : i32
          %broadcast_in_dim3A_133 = vector.broadcast %broadcast_in_dim3A_132 : i32 to vector<16xi32>
          %gather3A_134 = tpu.vector_load_idx %arg5[%iota3A, %broadcast_in_dim3A_133] : memref<16x128xf32, #tpu.memory_space<vmem>>[vector<16xi32>, vector<16xi32>], vector<16xf32>,
          %swap3A_135 = arith.constant 1 : i32
          %swap3A_136 = arith.index_cast %swap3A_135 : i32 to index
          %swap3A_137 = arith.constant 48 : index
          %swap3A_138 = tpu.vector_load %arg7[%swap3A_136, %swap3A_137] {strides = array<i32>} : memref<16x128xf32, #tpu.memory_space<vmem>>, vector<16xf32>,
          tpu.vector_store %arg7[%swap3A_136, %swap3A_137], %gather3A_134 {strides = array<i32>} : memref<16x128xf32, #tpu.memory_space<vmem>>, vector<16xf32>,
          %broadcast_in_dim3A_139 = arith.constant 12 : i32
          %broadcast_in_dim3A_140 = vector.broadcast %broadcast_in_dim3A_139 : i32 to vector<16xi32>
          %gather3A_141 = tpu.vector_load_idx %arg5[%iota3A, %broadcast_in_dim3A_140] : memref<16x128xf32, #tpu.memory_space<vmem>>[vector<16xi32>, vector<16xi32>], vector<16xf32>,
          %swap3A_142 = arith.constant 1 : i32
          %swap3A_143 = arith.index_cast %swap3A_142 : i32 to index
          %swap3A_144 = arith.constant 64 : index
          %swap3A_145 = tpu.vector_load %arg7[%swap3A_143, %swap3A_144] {strides = array<i32>} : memref<16x128xf32, #tpu.memory_space<vmem>>, vector<16xf32>,
          tpu.vector_store %arg7[%swap3A_143, %swap3A_144], %gather3A_141 {strides = array<i32>} : memref<16x128xf32, #tpu.memory_space<vmem>>, vector<16xf32>,
          %broadcast_in_dim3A_146 = arith.constant 13 : i32
          %broadcast_in_dim3A_147 = vector.broadcast %broadcast_in_dim3A_146 : i32 to vector<16xi32>
          %gather3A_148 = tpu.vector_load_idx %arg5[%iota3A, %broadcast_in_dim3A_147] : memref<16x128xf32, #tpu.memory_space<vmem>>[vector<16xi32>, vector<16xi32>], vector<16xf32>,
          %swap3A_149 = arith.constant 1 : i32
          %swap3A_150 = arith.index_cast %swap3A_149 : i32 to index
          %swap3A_151 = arith.constant 80 : index
          %swap3A_152 = tpu.vector_load %arg7[%swap3A_150, %swap3A_151] {strides = array<i32>} : memref<16x128xf32, #tpu.memory_space<vmem>>, vector<16xf32>,
          tpu.vector_store %arg7[%swap3A_150, %swap3A_151], %gather3A_148 {strides = array<i32>} : memref<16x128xf32, #tpu.memory_space<vmem>>, vector<16xf32>,
          %broadcast_in_dim3A_153 = arith.constant 14 : i32
          %broadcast_in_dim3A_154 = vector.broadcast %broadcast_in_dim3A_153 : i32 to vector<16xi32>
          %gather3A_155 = tpu.vector_load_idx %arg5[%iota3A, %broadcast_in_dim3A_154] : memref<16x128xf32, #tpu.memory_space<vmem>>[vector<16xi32>, vector<16xi32>], vector<16xf32>,
          %swap3A_156 = arith.constant 1 : i32
          %swap3A_157 = arith.index_cast %swap3A_156 : i32 to index
          %swap3A_158 = arith.constant 96 : index
          %swap3A_159 = tpu.vector_load %arg7[%swap3A_157, %swap3A_158] {strides = array<i32>} : memref<16x128xf32, #tpu.memory_space<vmem>>, vector<16xf32>,
          tpu.vector_store %arg7[%swap3A_157, %swap3A_158], %gather3A_155 {strides = array<i32>} : memref<16x128xf32, #tpu.memory_space<vmem>>, vector<16xf32>,
          %broadcast_in_dim3A_160 = arith.constant 15 : i32
          %broadcast_in_dim3A_161 = vector.broadcast %broadcast_in_dim3A_160 : i32 to vector<16xi32>
          %gather3A_162 = tpu.vector_load_idx %arg5[%iota3A, %broadcast_in_dim3A_161] : memref<16x128xf32, #tpu.memory_space<vmem>>[vector<16xi32>, vector<16xi32>], vector<16xf32>,
          %swap3A_163 = arith.constant 1 : i32
          %swap3A_164 = arith.index_cast %swap3A_163 : i32 to index
          %swap3A_165 = arith.constant 112 : index
          %swap3A_166 = tpu.vector_load %arg7[%swap3A_164, %swap3A_165] {strides = array<i32>} : memref<16x128xf32, #tpu.memory_space<vmem>>, vector<16xf32>,
          tpu.vector_store %arg7[%swap3A_164, %swap3A_165], %gather3A_162 {strides = array<i32>} : memref<16x128xf32, #tpu.memory_space<vmem>>, vector<16xf32>,
          %broadcast_in_dim3A_167 = arith.constant 16 : i32
          %broadcast_in_dim3A_168 = vector.broadcast %broadcast_in_dim3A_167 : i32 to vector<16xi32>
          %gather3A_169 = tpu.vector_load_idx %arg5[%iota3A, %broadcast_in_dim3A_168] : memref<16x128xf32, #tpu.memory_space<vmem>>[vector<16xi32>, vector<16xi32>], vector<16xf32>,
          %swap3A_170 = arith.constant 2 : i32
          %swap3A_171 = arith.index_cast %swap3A_170 : i32 to index
          %swap3A_172 = arith.constant 0 : index
          %swap3A_173 = tpu.vector_load %arg7[%swap3A_171, %swap3A_172] {strides = array<i32>} : memref<16x128xf32, #tpu.memory_space<vmem>>, vector<16xf32>,
          tpu.vector_store %arg7[%swap3A_171, %swap3A_172], %gather3A_169 {strides = array<i32>} : memref<16x128xf32, #tpu.memory_space<vmem>>, vector<16xf32>,
          %broadcast_in_dim3A_174 = arith.constant 17 : i32
          %broadcast_in_dim3A_175 = vector.broadcast %broadcast_in_dim3A_174 : i32 to vector<16xi32>
          %gather3A_176 = tpu.vector_load_idx %arg5[%iota3A, %broadcast_in_dim3A_175] : memref<16x128xf32, #tpu.memory_space<vmem>>[vector<16xi32>, vector<16xi32>], vector<16xf32>,
          %swap3A_177 = arith.constant 2 : i32
          %swap3A_178 = arith.index_cast %swap3A_177 : i32 to index
          %swap3A_179 = arith.constant 16 : index
          %swap3A_180 = tpu.vector_load %arg7[%swap3A_178, %swap3A_179] {strides = array<i32>} : memref<16x128xf32, #tpu.memory_space<vmem>>, vector<16xf32>,
          tpu.vector_store %arg7[%swap3A_178, %swap3A_179], %gather3A_176 {strides = array<i32>} : memref<16x128xf32, #tpu.memory_space<vmem>>, vector<16xf32>,
          %broadcast_in_dim3A_181 = arith.constant 18 : i32
          %broadcast_in_dim3A_182 = vector.broadcast %broadcast_in_dim3A_181 : i32 to vector<16xi32>
          %gather3A_183 = tpu.vector_load_idx %arg5[%iota3A, %broadcast_in_dim3A_182] : memref<16x128xf32, #tpu.memory_space<vmem>>[vector<16xi32>, vector<16xi32>], vector<16xf32>,
          %swap3A_184 = arith.constant 2 : i32
          %swap3A_185 = arith.index_cast %swap3A_184 : i32 to index
          %swap3A_186 = arith.constant 32 : index
          %swap3A_187 = tpu.vector_load %arg7[%swap3A_185, %swap3A_186] {strides = array<i32>} : memref<16x128xf32, #tpu.memory_space<vmem>>, vector<16xf32>,
          tpu.vector_store %arg7[%swap3A_185, %swap3A_186], %gather3A_183 {strides = array<i32>} : memref<16x128xf32, #tpu.memory_space<vmem>>, vector<16xf32>,
          %broadcast_in_dim3A_188 = arith.constant 19 : i32
          %broadcast_in_dim3A_189 = vector.broadcast %broadcast_in_dim3A_188 : i32 to vector<16xi32>
          %gather3A_190 = tpu.vector_load_idx %arg5[%iota3A, %broadcast_in_dim3A_189] : memref<16x128xf32, #tpu.memory_space<vmem>>[vector<16xi32>, vector<16xi32>], vector<16xf32>,
          %swap3A_191 = arith.constant 2 : i32
          %swap3A_192 = arith.index_cast %swap3A_191 : i32 to index
          %swap3A_193 = arith.constant 48 : index
          %swap3A_194 = tpu.vector_load %arg7[%swap3A_192, %swap3A_193] {strides = array<i32>} : memref<16x128xf32, #tpu.memory_space<vmem>>, vector<16xf32>,
          tpu.vector_store %arg7[%swap3A_192, %swap3A_193], %gather3A_190 {strides = array<i32>} : memref<16x128xf32, #tpu.memory_space<vmem>>, vector<16xf32>,
          %broadcast_in_dim3A_195 = arith.constant 20 : i32
          %broadcast_in_dim3A_196 = vector.broadcast %broadcast_in_dim3A_195 : i32 to vector<16xi32>
          %gather3A_197 = tpu.vector_load_idx %arg5[%iota3A, %broadcast_in_dim3A_196] : memref<16x128xf32, #tpu.memory_space<vmem>>[vector<16xi32>, vector<16xi32>], vector<16xf32>,
          %swap3A_198 = arith.constant 2 : i32
          %swap3A_199 = arith.index_cast %swap3A_198 : i32 to index
          %swap3A_200 = arith.constant 64 : index
          %swap3A_201 = tpu.vector_load %arg7[%swap3A_199, %swap3A_200] {strides = array<i32>} : memref<16x128xf32, #tpu.memory_space<vmem>>, vector<16xf32>,
          tpu.vector_store %arg7[%swap3A_199, %swap3A_200], %gather3A_197 {strides = array<i32>} : memref<16x128xf32, #tpu.memory_space<vmem>>, vector<16xf32>,
          %broadcast_in_dim3A_202 = arith.constant 21 : i32
          %broadcast_in_dim3A_203 = vector.broadcast %broadcast_in_dim3A_202 : i32 to vector<16xi32>
          %gather3A_204 = tpu.vector_load_idx %arg5[%iota3A, %broadcast_in_dim3A_203] : memref<16x128xf32, #tpu.memory_space<vmem>>[vector<16xi32>, vector<16xi32>], vector<16xf32>,
          %swap3A_205 = arith.constant 2 : i32
          %swap3A_206 = arith.index_cast %swap3A_205 : i32 to index
          %swap3A_207 = arith.constant 80 : index
          %swap3A_208 = tpu.vector_load %arg7[%swap3A_206, %swap3A_207] {strides = array<i32>} : memref<16x128xf32, #tpu.memory_space<vmem>>, vector<16xf32>,
          tpu.vector_store %arg7[%swap3A_206, %swap3A_207], %gather3A_204 {strides = array<i32>} : memref<16x128xf32, #tpu.memory_space<vmem>>, vector<16xf32>,
          %broadcast_in_dim3A_209 = arith.constant 22 : i32
          %broadcast_in_dim3A_210 = vector.broadcast %broadcast_in_dim3A_209 : i32 to vector<16xi32>
          %gather3A_211 = tpu.vector_load_idx %arg5[%iota3A, %broadcast_in_dim3A_210] : memref<16x128xf32, #tpu.memory_space<vmem>>[vector<16xi32>, vector<16xi32>], vector<16xf32>,
          %swap3A_212 = arith.constant 2 : i32
          %swap3A_213 = arith.index_cast %swap3A_212 : i32 to index
          %swap3A_214 = arith.constant 96 : index
          %swap3A_215 = tpu.vector_load %arg7[%swap3A_213, %swap3A_214] {strides = array<i32>} : memref<16x128xf32, #tpu.memory_space<vmem>>, vector<16xf32>,
          tpu.vector_store %arg7[%swap3A_213, %swap3A_214], %gather3A_211 {strides = array<i32>} : memref<16x128xf32, #tpu.memory_space<vmem>>, vector<16xf32>,
          %broadcast_in_dim3A_216 = arith.constant 23 : i32
          %broadcast_in_dim3A_217 = vector.broadcast %broadcast_in_dim3A_216 : i32 to vector<16xi32>
          %gather3A_218 = tpu.vector_load_idx %arg5[%iota3A, %broadcast_in_dim3A_217] : memref<16x128xf32, #tpu.memory_space<vmem>>[vector<16xi32>, vector<16xi32>], vector<16xf32>,
          %swap3A_219 = arith.constant 2 : i32
          %swap3A_220 = arith.index_cast %swap3A_219 : i32 to index
          %swap3A_221 = arith.constant 112 : index
          %swap3A_222 = tpu.vector_load %arg7[%swap3A_220, %swap3A_221] {strides = array<i32>} : memref<16x128xf32, #tpu.memory_space<vmem>>, vector<16xf32>,
          tpu.vector_store %arg7[%swap3A_220, %swap3A_221], %gather3A_218 {strides = array<i32>} : memref<16x128xf32, #tpu.memory_space<vmem>>, vector<16xf32>,
          %broadcast_in_dim3A_223 = arith.constant 24 : i32
          %broadcast_in_dim3A_224 = vector.broadcast %broadcast_in_dim3A_223 : i32 to vector<16xi32>
          %gather3A_225 = tpu.vector_load_idx %arg5[%iota3A, %broadcast_in_dim3A_224] : memref<16x128xf32, #tpu.memory_space<vmem>>[vector<16xi32>, vector<16xi32>], vector<16xf32>,
          %swap3A_226 = arith.constant 3 : i32
          %swap3A_227 = arith.index_cast %swap3A_226 : i32 to index
          %swap3A_228 = arith.constant 0 : index
          %swap3A_229 = tpu.vector_load %arg7[%swap3A_227, %swap3A_228] {strides = array<i32>} : memref<16x128xf32, #tpu.memory_space<vmem>>, vector<16xf32>,
          tpu.vector_store %arg7[%swap3A_227, %swap3A_228], %gather3A_225 {strides = array<i32>} : memref<16x128xf32, #tpu.memory_space<vmem>>, vector<16xf32>,
          %broadcast_in_dim3A_230 = arith.constant 25 : i32
          %broadcast_in_dim3A_231 = vector.broadcast %broadcast_in_dim3A_230 : i32 to vector<16xi32>
          %gather3A_232 = tpu.vector_load_idx %arg5[%iota3A, %broadcast_in_dim3A_231] : memref<16x128xf32, #tpu.memory_space<vmem>>[vector<16xi32>, vector<16xi32>], vector<16xf32>,
          %swap3A_233 = arith.constant 3 : i32
          %swap3A_234 = arith.index_cast %swap3A_233 : i32 to index
          %swap3A_235 = arith.constant 16 : index
          %swap3A_236 = tpu.vector_load %arg7[%swap3A_234, %swap3A_235] {strides = array<i32>} : memref<16x128xf32, #tpu.memory_space<vmem>>, vector<16xf32>,
          tpu.vector_store %arg7[%swap3A_234, %swap3A_235], %gather3A_232 {strides = array<i32>} : memref<16x128xf32, #tpu.memory_space<vmem>>, vector<16xf32>,
          %broadcast_in_dim3A_237 = arith.constant 26 : i32
          %broadcast_in_dim3A_238 = vector.broadcast %broadcast_in_dim3A_237 : i32 to vector<16xi32>
          %gather3A_239 = tpu.vector_load_idx %arg5[%iota3A, %broadcast_in_dim3A_238] : memref<16x128xf32, #tpu.memory_space<vmem>>[vector<16xi32>, vector<16xi32>], vector<16xf32>,
          %swap3A_240 = arith.constant 3 : i32
          %swap3A_241 = arith.index_cast %swap3A_240 : i32 to index
          %swap3A_242 = arith.constant 32 : index
          %swap3A_243 = tpu.vector_load %arg7[%swap3A_241, %swap3A_242] {strides = array<i32>} : memref<16x128xf32, #tpu.memory_space<vmem>>, vector<16xf32>,
          tpu.vector_store %arg7[%swap3A_241, %swap3A_242], %gather3A_239 {strides = array<i32>} : memref<16x128xf32, #tpu.memory_space<vmem>>, vector<16xf32>,
          %broadcast_in_dim3A_244 = arith.constant 27 : i32
          %broadcast_in_dim3A_245 = vector.broadcast %broadcast_in_dim3A_244 : i32 to vector<16xi32>
          %gather3A_246 = tpu.vector_load_idx %arg5[%iota3A, %broadcast_in_dim3A_245] : memref<16x128xf32, #tpu.memory_space<vmem>>[vector<16xi32>, vector<16xi32>], vector<16xf32>,
          %swap3A_247 = arith.constant 3 : i32
          %swap3A_248 = arith.index_cast %swap3A_247 : i32 to index
          %swap3A_249 = arith.constant 48 : index
          %swap3A_250 = tpu.vector_load %arg7[%swap3A_248, %swap3A_249] {strides = array<i32>} : memref<16x128xf32, #tpu.memory_space<vmem>>, vector<16xf32>,
          tpu.vector_store %arg7[%swap3A_248, %swap3A_249], %gather3A_246 {strides = array<i32>} : memref<16x128xf32, #tpu.memory_space<vmem>>, vector<16xf32>,
          %broadcast_in_dim3A_251 = arith.constant 28 : i32
          %broadcast_in_dim3A_252 = vector.broadcast %broadcast_in_dim3A_251 : i32 to vector<16xi32>
          %gather3A_253 = tpu.vector_load_idx %arg5[%iota3A, %broadcast_in_dim3A_252] : memref<16x128xf32, #tpu.memory_space<vmem>>[vector<16xi32>, vector<16xi32>], vector<16xf32>,
          %swap3A_254 = arith.constant 3 : i32
          %swap3A_255 = arith.index_cast %swap3A_254 : i32 to index
          %swap3A_256 = arith.constant 64 : index
          %swap3A_257 = tpu.vector_load %arg7[%swap3A_255, %swap3A_256] {strides = array<i32>} : memref<16x128xf32, #tpu.memory_space<vmem>>, vector<16xf32>,
          tpu.vector_store %arg7[%swap3A_255, %swap3A_256], %gather3A_253 {strides = array<i32>} : memref<16x128xf32, #tpu.memory_space<vmem>>, vector<16xf32>,
          %broadcast_in_dim3A_258 = arith.constant 29 : i32
          %broadcast_in_dim3A_259 = vector.broadcast %broadcast_in_dim3A_258 : i32 to vector<16xi32>
          %gather3A_260 = tpu.vector_load_idx %arg5[%iota3A, %broadcast_in_dim3A_259] : memref<16x128xf32, #tpu.memory_space<vmem>>[vector<16xi32>, vector<16xi32>], vector<16xf32>,
          %swap3A_261 = arith.constant 3 : i32
          %swap3A_262 = arith.index_cast %swap3A_261 : i32 to index
          %swap3A_263 = arith.constant 80 : index
          %swap3A_264 = tpu.vector_load %arg7[%swap3A_262, %swap3A_263] {strides = array<i32>} : memref<16x128xf32, #tpu.memory_space<vmem>>, vector<16xf32>,
          tpu.vector_store %arg7[%swap3A_262, %swap3A_263], %gather3A_260 {strides = array<i32>} : memref<16x128xf32, #tpu.memory_space<vmem>>, vector<16xf32>,
          %broadcast_in_dim3A_265 = arith.constant 30 : i32
          %broadcast_in_dim3A_266 = vector.broadcast %broadcast_in_dim3A_265 : i32 to vector<16xi32>
          %gather3A_267 = tpu.vector_load_idx %arg5[%iota3A, %broadcast_in_dim3A_266] : memref<16x128xf32, #tpu.memory_space<vmem>>[vector<16xi32>, vector<16xi32>], vector<16xf32>,
          %swap3A_268 = arith.constant 3 : i32
          %swap3A_269 = arith.index_cast %swap3A_268 : i32 to index
          %swap3A_270 = arith.constant 96 : index
          %swap3A_271 = tpu.vector_load %arg7[%swap3A_269, %swap3A_270] {strides = array<i32>} : memref<16x128xf32, #tpu.memory_space<vmem>>, vector<16xf32>,
          tpu.vector_store %arg7[%swap3A_269, %swap3A_270], %gather3A_267 {strides = array<i32>} : memref<16x128xf32, #tpu.memory_space<vmem>>, vector<16xf32>,
          %broadcast_in_dim3A_272 = arith.constant 31 : i32
          %broadcast_in_dim3A_273 = vector.broadcast %broadcast_in_dim3A_272 : i32 to vector<16xi32>
          %gather3A_274 = tpu.vector_load_idx %arg5[%iota3A, %broadcast_in_dim3A_273] : memref<16x128xf32, #tpu.memory_space<vmem>>[vector<16xi32>, vector<16xi32>], vector<16xf32>,
          %swap3A_275 = arith.constant 3 : i32
          %swap3A_276 = arith.index_cast %swap3A_275 : i32 to index
          %swap3A_277 = arith.constant 112 : index
          %swap3A_278 = tpu.vector_load %arg7[%swap3A_276, %swap3A_277] {strides = array<i32>} : memref<16x128xf32, #tpu.memory_space<vmem>>, vector<16xf32>,
          tpu.vector_store %arg7[%swap3A_276, %swap3A_277], %gather3A_274 {strides = array<i32>} : memref<16x128xf32, #tpu.memory_space<vmem>>, vector<16xf32>,
          %broadcast_in_dim3A_279 = arith.constant 32 : i32
          %broadcast_in_dim3A_280 = vector.broadcast %broadcast_in_dim3A_279 : i32 to vector<16xi32>
          %gather3A_281 = tpu.vector_load_idx %arg5[%iota3A, %broadcast_in_dim3A_280] : memref<16x128xf32, #tpu.memory_space<vmem>>[vector<16xi32>, vector<16xi32>], vector<16xf32>,
          %swap3A_282 = arith.constant 4 : i32
          %swap3A_283 = arith.index_cast %swap3A_282 : i32 to index
          %swap3A_284 = arith.constant 0 : index
          %swap3A_285 = tpu.vector_load %arg7[%swap3A_283, %swap3A_284] {strides = array<i32>} : memref<16x128xf32, #tpu.memory_space<vmem>>, vector<16xf32>,
          tpu.vector_store %arg7[%swap3A_283, %swap3A_284], %gather3A_281 {strides = array<i32>} : memref<16x128xf32, #tpu.memory_space<vmem>>, vector<16xf32>,
          %broadcast_in_dim3A_286 = arith.constant 33 : i32
          %broadcast_in_dim3A_287 = vector.broadcast %broadcast_in_dim3A_286 : i32 to vector<16xi32>
          %gather3A_288 = tpu.vector_load_idx %arg5[%iota3A, %broadcast_in_dim3A_287] : memref<16x128xf32, #tpu.memory_space<vmem>>[vector<16xi32>, vector<16xi32>], vector<16xf32>,
          %swap3A_289 = arith.constant 4 : i32
          %swap3A_290 = arith.index_cast %swap3A_289 : i32 to index
          %swap3A_291 = arith.constant 16 : index
          %swap3A_292 = tpu.vector_load %arg7[%swap3A_290, %swap3A_291] {strides = array<i32>} : memref<16x128xf32, #tpu.memory_space<vmem>>, vector<16xf32>,
          tpu.vector_store %arg7[%swap3A_290, %swap3A_291], %gather3A_288 {strides = array<i32>} : memref<16x128xf32, #tpu.memory_space<vmem>>, vector<16xf32>,
          %broadcast_in_dim3A_293 = arith.constant 34 : i32
          %broadcast_in_dim3A_294 = vector.broadcast %broadcast_in_dim3A_293 : i32 to vector<16xi32>
          %gather3A_295 = tpu.vector_load_idx %arg5[%iota3A, %broadcast_in_dim3A_294] : memref<16x128xf32, #tpu.memory_space<vmem>>[vector<16xi32>, vector<16xi32>], vector<16xf32>,
          %swap3A_296 = arith.constant 4 : i32
          %swap3A_297 = arith.index_cast %swap3A_296 : i32 to index
          %swap3A_298 = arith.constant 32 : index
          %swap3A_299 = tpu.vector_load %arg7[%swap3A_297, %swap3A_298] {strides = array<i32>} : memref<16x128xf32, #tpu.memory_space<vmem>>, vector<16xf32>,
          tpu.vector_store %arg7[%swap3A_297, %swap3A_298], %gather3A_295 {strides = array<i32>} : memref<16x128xf32, #tpu.memory_space<vmem>>, vector<16xf32>,
          %broadcast_in_dim3A_300 = arith.constant 35 : i32
          %broadcast_in_dim3A_301 = vector.broadcast %broadcast_in_dim3A_300 : i32 to vector<16xi32>
          %gather3A_302 = tpu.vector_load_idx %arg5[%iota3A, %broadcast_in_dim3A_301] : memref<16x128xf32, #tpu.memory_space<vmem>>[vector<16xi32>, vector<16xi32>], vector<16xf32>,
          %swap3A_303 = arith.constant 4 : i32
          %swap3A_304 = arith.index_cast %swap3A_303 : i32 to index
          %swap3A_305 = arith.constant 48 : index
          %swap3A_306 = tpu.vector_load %arg7[%swap3A_304, %swap3A_305] {strides = array<i32>} : memref<16x128xf32, #tpu.memory_space<vmem>>, vector<16xf32>,
          tpu.vector_store %arg7[%swap3A_304, %swap3A_305], %gather3A_302 {strides = array<i32>} : memref<16x128xf32, #tpu.memory_space<vmem>>, vector<16xf32>,
          %broadcast_in_dim3A_307 = arith.constant 36 : i32
          %broadcast_in_dim3A_308 = vector.broadcast %broadcast_in_dim3A_307 : i32 to vector<16xi32>
          %gather3A_309 = tpu.vector_load_idx %arg5[%iota3A, %broadcast_in_dim3A_308] : memref<16x128xf32, #tpu.memory_space<vmem>>[vector<16xi32>, vector<16xi32>], vector<16xf32>,
          %swap3A_310 = arith.constant 4 : i32
          %swap3A_311 = arith.index_cast %swap3A_310 : i32 to index
          %swap3A_312 = arith.constant 64 : index
          %swap3A_313 = tpu.vector_load %arg7[%swap3A_311, %swap3A_312] {strides = array<i32>} : memref<16x128xf32, #tpu.memory_space<vmem>>, vector<16xf32>,
          tpu.vector_store %arg7[%swap3A_311, %swap3A_312], %gather3A_309 {strides = array<i32>} : memref<16x128xf32, #tpu.memory_space<vmem>>, vector<16xf32>,
          %broadcast_in_dim3A_314 = arith.constant 37 : i32
          %broadcast_in_dim3A_315 = vector.broadcast %broadcast_in_dim3A_314 : i32 to vector<16xi32>
          %gather3A_316 = tpu.vector_load_idx %arg5[%iota3A, %broadcast_in_dim3A_315] : memref<16x128xf32, #tpu.memory_space<vmem>>[vector<16xi32>, vector<16xi32>], vector<16xf32>,
          %swap3A_317 = arith.constant 4 : i32
          %swap3A_318 = arith.index_cast %swap3A_317 : i32 to index
          %swap3A_319 = arith.constant 80 : index
          %swap3A_320 = tpu.vector_load %arg7[%swap3A_318, %swap3A_319] {strides = array<i32>} : memref<16x128xf32, #tpu.memory_space<vmem>>, vector<16xf32>,
          tpu.vector_store %arg7[%swap3A_318, %swap3A_319], %gather3A_316 {strides = array<i32>} : memref<16x128xf32, #tpu.memory_space<vmem>>, vector<16xf32>,
          %broadcast_in_dim3A_321 = arith.constant 38 : i32
          %broadcast_in_dim3A_322 = vector.broadcast %broadcast_in_dim3A_321 : i32 to vector<16xi32>
          %gather3A_323 = tpu.vector_load_idx %arg5[%iota3A, %broadcast_in_dim3A_322] : memref<16x128xf32, #tpu.memory_space<vmem>>[vector<16xi32>, vector<16xi32>], vector<16xf32>,
          %swap3A_324 = arith.constant 4 : i32
          %swap3A_325 = arith.index_cast %swap3A_324 : i32 to index
          %swap3A_326 = arith.constant 96 : index
          %swap3A_327 = tpu.vector_load %arg7[%swap3A_325, %swap3A_326] {strides = array<i32>} : memref<16x128xf32, #tpu.memory_space<vmem>>, vector<16xf32>,
          tpu.vector_store %arg7[%swap3A_325, %swap3A_326], %gather3A_323 {strides = array<i32>} : memref<16x128xf32, #tpu.memory_space<vmem>>, vector<16xf32>,
          %broadcast_in_dim3A_328 = arith.constant 39 : i32
          %broadcast_in_dim3A_329 = vector.broadcast %broadcast_in_dim3A_328 : i32 to vector<16xi32>
          %gather3A_330 = tpu.vector_load_idx %arg5[%iota3A, %broadcast_in_dim3A_329] : memref<16x128xf32, #tpu.memory_space<vmem>>[vector<16xi32>, vector<16xi32>], vector<16xf32>,
          %swap3A_331 = arith.constant 4 : i32
          %swap3A_332 = arith.index_cast %swap3A_331 : i32 to index
          %swap3A_333 = arith.constant 112 : index
          %swap3A_334 = tpu.vector_load %arg7[%swap3A_332, %swap3A_333] {strides = array<i32>} : memref<16x128xf32, #tpu.memory_space<vmem>>, vector<16xf32>,
          tpu.vector_store %arg7[%swap3A_332, %swap3A_333], %gather3A_330 {strides = array<i32>} : memref<16x128xf32, #tpu.memory_space<vmem>>, vector<16xf32>,
          %broadcast_in_dim3A_335 = arith.constant 40 : i32
          %broadcast_in_dim3A_336 = vector.broadcast %broadcast_in_dim3A_335 : i32 to vector<16xi32>
          %gather3A_337 = tpu.vector_load_idx %arg5[%iota3A, %broadcast_in_dim3A_336] : memref<16x128xf32, #tpu.memory_space<vmem>>[vector<16xi32>, vector<16xi32>], vector<16xf32>,
          %swap3A_338 = arith.constant 5 : i32
          %swap3A_339 = arith.index_cast %swap3A_338 : i32 to index
          %swap3A_340 = arith.constant 0 : index
          %swap3A_341 = tpu.vector_load %arg7[%swap3A_339, %swap3A_340] {strides = array<i32>} : memref<16x128xf32, #tpu.memory_space<vmem>>, vector<16xf32>,
          tpu.vector_store %arg7[%swap3A_339, %swap3A_340], %gather3A_337 {strides = array<i32>} : memref<16x128xf32, #tpu.memory_space<vmem>>, vector<16xf32>,
          %broadcast_in_dim3A_342 = arith.constant 41 : i32
          %broadcast_in_dim3A_343 = vector.broadcast %broadcast_in_dim3A_342 : i32 to vector<16xi32>
          %gather3A_344 = tpu.vector_load_idx %arg5[%iota3A, %broadcast_in_dim3A_343] : memref<16x128xf32, #tpu.memory_space<vmem>>[vector<16xi32>, vector<16xi32>], vector<16xf32>,
          %swap3A_345 = arith.constant 5 : i32
          %swap3A_346 = arith.index_cast %swap3A_345 : i32 to index
          %swap3A_347 = arith.constant 16 : index
          %swap3A_348 = tpu.vector_load %arg7[%swap3A_346, %swap3A_347] {strides = array<i32>} : memref<16x128xf32, #tpu.memory_space<vmem>>, vector<16xf32>,
          tpu.vector_store %arg7[%swap3A_346, %swap3A_347], %gather3A_344 {strides = array<i32>} : memref<16x128xf32, #tpu.memory_space<vmem>>, vector<16xf32>,
          %broadcast_in_dim3A_349 = arith.constant 42 : i32
          %broadcast_in_dim3A_350 = vector.broadcast %broadcast_in_dim3A_349 : i32 to vector<16xi32>
          %gather3A_351 = tpu.vector_load_idx %arg5[%iota3A, %broadcast_in_dim3A_350] : memref<16x128xf32, #tpu.memory_space<vmem>>[vector<16xi32>, vector<16xi32>], vector<16xf32>,
          %swap3A_352 = arith.constant 5 : i32
          %swap3A_353 = arith.index_cast %swap3A_352 : i32 to index
          %swap3A_354 = arith.constant 32 : index
          %swap3A_355 = tpu.vector_load %arg7[%swap3A_353, %swap3A_354] {strides = array<i32>} : memref<16x128xf32, #tpu.memory_space<vmem>>, vector<16xf32>,
          tpu.vector_store %arg7[%swap3A_353, %swap3A_354], %gather3A_351 {strides = array<i32>} : memref<16x128xf32, #tpu.memory_space<vmem>>, vector<16xf32>,
          %broadcast_in_dim3A_356 = arith.constant 43 : i32
          %broadcast_in_dim3A_357 = vector.broadcast %broadcast_in_dim3A_356 : i32 to vector<16xi32>
          %gather3A_358 = tpu.vector_load_idx %arg5[%iota3A, %broadcast_in_dim3A_357] : memref<16x128xf32, #tpu.memory_space<vmem>>[vector<16xi32>, vector<16xi32>], vector<16xf32>,
          %swap3A_359 = arith.constant 5 : i32
          %swap3A_360 = arith.index_cast %swap3A_359 : i32 to index
          %swap3A_361 = arith.constant 48 : index
          %swap3A_362 = tpu.vector_load %arg7[%swap3A_360, %swap3A_361] {strides = array<i32>} : memref<16x128xf32, #tpu.memory_space<vmem>>, vector<16xf32>,
          tpu.vector_store %arg7[%swap3A_360, %swap3A_361], %gather3A_358 {strides = array<i32>} : memref<16x128xf32, #tpu.memory_space<vmem>>, vector<16xf32>,
          %broadcast_in_dim3A_363 = arith.constant 44 : i32
          %broadcast_in_dim3A_364 = vector.broadcast %broadcast_in_dim3A_363 : i32 to vector<16xi32>
          %gather3A_365 = tpu.vector_load_idx %arg5[%iota3A, %broadcast_in_dim3A_364] : memref<16x128xf32, #tpu.memory_space<vmem>>[vector<16xi32>, vector<16xi32>], vector<16xf32>,
          %swap3A_366 = arith.constant 5 : i32
          %swap3A_367 = arith.index_cast %swap3A_366 : i32 to index
          %swap3A_368 = arith.constant 64 : index
          %swap3A_369 = tpu.vector_load %arg7[%swap3A_367, %swap3A_368] {strides = array<i32>} : memref<16x128xf32, #tpu.memory_space<vmem>>, vector<16xf32>,
          tpu.vector_store %arg7[%swap3A_367, %swap3A_368], %gather3A_365 {strides = array<i32>} : memref<16x128xf32, #tpu.memory_space<vmem>>, vector<16xf32>,
          %broadcast_in_dim3A_370 = arith.constant 45 : i32
          %broadcast_in_dim3A_371 = vector.broadcast %broadcast_in_dim3A_370 : i32 to vector<16xi32>
          %gather3A_372 = tpu.vector_load_idx %arg5[%iota3A, %broadcast_in_dim3A_371] : memref<16x128xf32, #tpu.memory_space<vmem>>[vector<16xi32>, vector<16xi32>], vector<16xf32>,
          %swap3A_373 = arith.constant 5 : i32
          %swap3A_374 = arith.index_cast %swap3A_373 : i32 to index
          %swap3A_375 = arith.constant 80 : index
          %swap3A_376 = tpu.vector_load %arg7[%swap3A_374, %swap3A_375] {strides = array<i32>} : memref<16x128xf32, #tpu.memory_space<vmem>>, vector<16xf32>,
          tpu.vector_store %arg7[%swap3A_374, %swap3A_375], %gather3A_372 {strides = array<i32>} : memref<16x128xf32, #tpu.memory_space<vmem>>, vector<16xf32>,
          %broadcast_in_dim3A_377 = arith.constant 46 : i32
          %broadcast_in_dim3A_378 = vector.broadcast %broadcast_in_dim3A_377 : i32 to vector<16xi32>
          %gather3A_379 = tpu.vector_load_idx %arg5[%iota3A, %broadcast_in_dim3A_378] : memref<16x128xf32, #tpu.memory_space<vmem>>[vector<16xi32>, vector<16xi32>], vector<16xf32>,
          %swap3A_380 = arith.constant 5 : i32
          %swap3A_381 = arith.index_cast %swap3A_380 : i32 to index
          %swap3A_382 = arith.constant 96 : index
          %swap3A_383 = tpu.vector_load %arg7[%swap3A_381, %swap3A_382] {strides = array<i32>} : memref<16x128xf32, #tpu.memory_space<vmem>>, vector<16xf32>,
          tpu.vector_store %arg7[%swap3A_381, %swap3A_382], %gather3A_379 {strides = array<i32>} : memref<16x128xf32, #tpu.memory_space<vmem>>, vector<16xf32>,
          %broadcast_in_dim3A_384 = arith.constant 47 : i32
          %broadcast_in_dim3A_385 = vector.broadcast %broadcast_in_dim3A_384 : i32 to vector<16xi32>
          %gather3A_386 = tpu.vector_load_idx %arg5[%iota3A, %broadcast_in_dim3A_385] : memref<16x128xf32, #tpu.memory_space<vmem>>[vector<16xi32>, vector<16xi32>], vector<16xf32>,
          %swap3A_387 = arith.constant 5 : i32
          %swap3A_388 = arith.index_cast %swap3A_387 : i32 to index
          %swap3A_389 = arith.constant 112 : index
          %swap3A_390 = tpu.vector_load %arg7[%swap3A_388, %swap3A_389] {strides = array<i32>} : memref<16x128xf32, #tpu.memory_space<vmem>>, vector<16xf32>,
          tpu.vector_store %arg7[%swap3A_388, %swap3A_389], %gather3A_386 {strides = array<i32>} : memref<16x128xf32, #tpu.memory_space<vmem>>, vector<16xf32>,
          %broadcast_in_dim3A_391 = arith.constant 48 : i32
          %broadcast_in_dim3A_392 = vector.broadcast %broadcast_in_dim3A_391 : i32 to vector<16xi32>
          %gather3A_393 = tpu.vector_load_idx %arg5[%iota3A, %broadcast_in_dim3A_392] : memref<16x128xf32, #tpu.memory_space<vmem>>[vector<16xi32>, vector<16xi32>], vector<16xf32>,
          %swap3A_394 = arith.constant 6 : i32
          %swap3A_395 = arith.index_cast %swap3A_394 : i32 to index
          %swap3A_396 = arith.constant 0 : index
          %swap3A_397 = tpu.vector_load %arg7[%swap3A_395, %swap3A_396] {strides = array<i32>} : memref<16x128xf32, #tpu.memory_space<vmem>>, vector<16xf32>,
          tpu.vector_store %arg7[%swap3A_395, %swap3A_396], %gather3A_393 {strides = array<i32>} : memref<16x128xf32, #tpu.memory_space<vmem>>, vector<16xf32>,
          %broadcast_in_dim3A_398 = arith.constant 49 : i32
          %broadcast_in_dim3A_399 = vector.broadcast %broadcast_in_dim3A_398 : i32 to vector<16xi32>
          %gather3A_400 = tpu.vector_load_idx %arg5[%iota3A, %broadcast_in_dim3A_399] : memref<16x128xf32, #tpu.memory_space<vmem>>[vector<16xi32>, vector<16xi32>], vector<16xf32>,
          %swap3A_401 = arith.constant 6 : i32
          %swap3A_402 = arith.index_cast %swap3A_401 : i32 to index
          %swap3A_403 = arith.constant 16 : index
          %swap3A_404 = tpu.vector_load %arg7[%swap3A_402, %swap3A_403] {strides = array<i32>} : memref<16x128xf32, #tpu.memory_space<vmem>>, vector<16xf32>,
          tpu.vector_store %arg7[%swap3A_402, %swap3A_403], %gather3A_400 {strides = array<i32>} : memref<16x128xf32, #tpu.memory_space<vmem>>, vector<16xf32>,
          %broadcast_in_dim3A_405 = arith.constant 50 : i32
          %broadcast_in_dim3A_406 = vector.broadcast %broadcast_in_dim3A_405 : i32 to vector<16xi32>
          %gather3A_407 = tpu.vector_load_idx %arg5[%iota3A, %broadcast_in_dim3A_406] : memref<16x128xf32, #tpu.memory_space<vmem>>[vector<16xi32>, vector<16xi32>], vector<16xf32>,
          %swap3A_408 = arith.constant 6 : i32
          %swap3A_409 = arith.index_cast %swap3A_408 : i32 to index
          %swap3A_410 = arith.constant 32 : index
          %swap3A_411 = tpu.vector_load %arg7[%swap3A_409, %swap3A_410] {strides = array<i32>} : memref<16x128xf32, #tpu.memory_space<vmem>>, vector<16xf32>,
          tpu.vector_store %arg7[%swap3A_409, %swap3A_410], %gather3A_407 {strides = array<i32>} : memref<16x128xf32, #tpu.memory_space<vmem>>, vector<16xf32>,
          %broadcast_in_dim3A_412 = arith.constant 51 : i32
          %broadcast_in_dim3A_413 = vector.broadcast %broadcast_in_dim3A_412 : i32 to vector<16xi32>
          %gather3A_414 = tpu.vector_load_idx %arg5[%iota3A, %broadcast_in_dim3A_413] : memref<16x128xf32, #tpu.memory_space<vmem>>[vector<16xi32>, vector<16xi32>], vector<16xf32>,
          %swap3A_415 = arith.constant 6 : i32
          %swap3A_416 = arith.index_cast %swap3A_415 : i32 to index
          %swap3A_417 = arith.constant 48 : index
          %swap3A_418 = tpu.vector_load %arg7[%swap3A_416, %swap3A_417] {strides = array<i32>} : memref<16x128xf32, #tpu.memory_space<vmem>>, vector<16xf32>,
          tpu.vector_store %arg7[%swap3A_416, %swap3A_417], %gather3A_414 {strides = array<i32>} : memref<16x128xf32, #tpu.memory_space<vmem>>, vector<16xf32>,
          %broadcast_in_dim3A_419 = arith.constant 52 : i32
          %broadcast_in_dim3A_420 = vector.broadcast %broadcast_in_dim3A_419 : i32 to vector<16xi32>
          %gather3A_421 = tpu.vector_load_idx %arg5[%iota3A, %broadcast_in_dim3A_420] : memref<16x128xf32, #tpu.memory_space<vmem>>[vector<16xi32>, vector<16xi32>], vector<16xf32>,
          %swap3A_422 = arith.constant 6 : i32
          %swap3A_423 = arith.index_cast %swap3A_422 : i32 to index
          %swap3A_424 = arith.constant 64 : index
          %swap3A_425 = tpu.vector_load %arg7[%swap3A_423, %swap3A_424] {strides = array<i32>} : memref<16x128xf32, #tpu.memory_space<vmem>>, vector<16xf32>,
          tpu.vector_store %arg7[%swap3A_423, %swap3A_424], %gather3A_421 {strides = array<i32>} : memref<16x128xf32, #tpu.memory_space<vmem>>, vector<16xf32>,
          %broadcast_in_dim3A_426 = arith.constant 53 : i32
          %broadcast_in_dim3A_427 = vector.broadcast %broadcast_in_dim3A_426 : i32 to vector<16xi32>
          %gather3A_428 = tpu.vector_load_idx %arg5[%iota3A, %broadcast_in_dim3A_427] : memref<16x128xf32, #tpu.memory_space<vmem>>[vector<16xi32>, vector<16xi32>], vector<16xf32>,
          %swap3A_429 = arith.constant 6 : i32
          %swap3A_430 = arith.index_cast %swap3A_429 : i32 to index
          %swap3A_431 = arith.constant 80 : index
          %swap3A_432 = tpu.vector_load %arg7[%swap3A_430, %swap3A_431] {strides = array<i32>} : memref<16x128xf32, #tpu.memory_space<vmem>>, vector<16xf32>,
          tpu.vector_store %arg7[%swap3A_430, %swap3A_431], %gather3A_428 {strides = array<i32>} : memref<16x128xf32, #tpu.memory_space<vmem>>, vector<16xf32>,
          %broadcast_in_dim3A_433 = arith.constant 54 : i32
          %broadcast_in_dim3A_434 = vector.broadcast %broadcast_in_dim3A_433 : i32 to vector<16xi32>
          %gather3A_435 = tpu.vector_load_idx %arg5[%iota3A, %broadcast_in_dim3A_434] : memref<16x128xf32, #tpu.memory_space<vmem>>[vector<16xi32>, vector<16xi32>], vector<16xf32>,
          %swap3A_436 = arith.constant 6 : i32
          %swap3A_437 = arith.index_cast %swap3A_436 : i32 to index
          %swap3A_438 = arith.constant 96 : index
          %swap3A_439 = tpu.vector_load %arg7[%swap3A_437, %swap3A_438] {strides = array<i32>} : memref<16x128xf32, #tpu.memory_space<vmem>>, vector<16xf32>,
          tpu.vector_store %arg7[%swap3A_437, %swap3A_438], %gather3A_435 {strides = array<i32>} : memref<16x128xf32, #tpu.memory_space<vmem>>, vector<16xf32>,
          %broadcast_in_dim3A_440 = arith.constant 55 : i32
          %broadcast_in_dim3A_441 = vector.broadcast %broadcast_in_dim3A_440 : i32 to vector<16xi32>
          %gather3A_442 = tpu.vector_load_idx %arg5[%iota3A, %broadcast_in_dim3A_441] : memref<16x128xf32, #tpu.memory_space<vmem>>[vector<16xi32>, vector<16xi32>], vector<16xf32>,
          %swap3A_443 = arith.constant 6 : i32
          %swap3A_444 = arith.index_cast %swap3A_443 : i32 to index
          %swap3A_445 = arith.constant 112 : index
          %swap3A_446 = tpu.vector_load %arg7[%swap3A_444, %swap3A_445] {strides = array<i32>} : memref<16x128xf32, #tpu.memory_space<vmem>>, vector<16xf32>,
          tpu.vector_store %arg7[%swap3A_444, %swap3A_445], %gather3A_442 {strides = array<i32>} : memref<16x128xf32, #tpu.memory_space<vmem>>, vector<16xf32>,
          %broadcast_in_dim3A_447 = arith.constant 56 : i32
          %broadcast_in_dim3A_448 = vector.broadcast %broadcast_in_dim3A_447 : i32 to vector<16xi32>
          %gather3A_449 = tpu.vector_load_idx %arg5[%iota3A, %broadcast_in_dim3A_448] : memref<16x128xf32, #tpu.memory_space<vmem>>[vector<16xi32>, vector<16xi32>], vector<16xf32>,
          %swap3A_450 = arith.constant 7 : i32
          %swap3A_451 = arith.index_cast %swap3A_450 : i32 to index
          %swap3A_452 = arith.constant 0 : index
          %swap3A_453 = tpu.vector_load %arg7[%swap3A_451, %swap3A_452] {strides = array<i32>} : memref<16x128xf32, #tpu.memory_space<vmem>>, vector<16xf32>,
          tpu.vector_store %arg7[%swap3A_451, %swap3A_452], %gather3A_449 {strides = array<i32>} : memref<16x128xf32, #tpu.memory_space<vmem>>, vector<16xf32>,
          %broadcast_in_dim3A_454 = arith.constant 57 : i32
          %broadcast_in_dim3A_455 = vector.broadcast %broadcast_in_dim3A_454 : i32 to vector<16xi32>
          %gather3A_456 = tpu.vector_load_idx %arg5[%iota3A, %broadcast_in_dim3A_455] : memref<16x128xf32, #tpu.memory_space<vmem>>[vector<16xi32>, vector<16xi32>], vector<16xf32>,
          %swap3A_457 = arith.constant 7 : i32
          %swap3A_458 = arith.index_cast %swap3A_457 : i32 to index
          %swap3A_459 = arith.constant 16 : index
          %swap3A_460 = tpu.vector_load %arg7[%swap3A_458, %swap3A_459] {strides = array<i32>} : memref<16x128xf32, #tpu.memory_space<vmem>>, vector<16xf32>,
          tpu.vector_store %arg7[%swap3A_458, %swap3A_459], %gather3A_456 {strides = array<i32>} : memref<16x128xf32, #tpu.memory_space<vmem>>, vector<16xf32>,
          %broadcast_in_dim3A_461 = arith.constant 58 : i32
          %broadcast_in_dim3A_462 = vector.broadcast %broadcast_in_dim3A_461 : i32 to vector<16xi32>
          %gather3A_463 = tpu.vector_load_idx %arg5[%iota3A, %broadcast_in_dim3A_462] : memref<16x128xf32, #tpu.memory_space<vmem>>[vector<16xi32>, vector<16xi32>], vector<16xf32>,
          %swap3A_464 = arith.constant 7 : i32
          %swap3A_465 = arith.index_cast %swap3A_464 : i32 to index
          %swap3A_466 = arith.constant 32 : index
          %swap3A_467 = tpu.vector_load %arg7[%swap3A_465, %swap3A_466] {strides = array<i32>} : memref<16x128xf32, #tpu.memory_space<vmem>>, vector<16xf32>,
          tpu.vector_store %arg7[%swap3A_465, %swap3A_466], %gather3A_463 {strides = array<i32>} : memref<16x128xf32, #tpu.memory_space<vmem>>, vector<16xf32>,
          %broadcast_in_dim3A_468 = arith.constant 59 : i32
          %broadcast_in_dim3A_469 = vector.broadcast %broadcast_in_dim3A_468 : i32 to vector<16xi32>
          %gather3A_470 = tpu.vector_load_idx %arg5[%iota3A, %broadcast_in_dim3A_469] : memref<16x128xf32, #tpu.memory_space<vmem>>[vector<16xi32>, vector<16xi32>], vector<16xf32>,
          %swap3A_471 = arith.constant 7 : i32
          %swap3A_472 = arith.index_cast %swap3A_471 : i32 to index
          %swap3A_473 = arith.constant 48 : index
          %swap3A_474 = tpu.vector_load %arg7[%swap3A_472, %swap3A_473] {strides = array<i32>} : memref<16x128xf32, #tpu.memory_space<vmem>>, vector<16xf32>,
          tpu.vector_store %arg7[%swap3A_472, %swap3A_473], %gather3A_470 {strides = array<i32>} : memref<16x128xf32, #tpu.memory_space<vmem>>, vector<16xf32>,
          %broadcast_in_dim3A_475 = arith.constant 60 : i32
          %broadcast_in_dim3A_476 = vector.broadcast %broadcast_in_dim3A_475 : i32 to vector<16xi32>
          %gather3A_477 = tpu.vector_load_idx %arg5[%iota3A, %broadcast_in_dim3A_476] : memref<16x128xf32, #tpu.memory_space<vmem>>[vector<16xi32>, vector<16xi32>], vector<16xf32>,
          %swap3A_478 = arith.constant 7 : i32
          %swap3A_479 = arith.index_cast %swap3A_478 : i32 to index
          %swap3A_480 = arith.constant 64 : index
          %swap3A_481 = tpu.vector_load %arg7[%swap3A_479, %swap3A_480] {strides = array<i32>} : memref<16x128xf32, #tpu.memory_space<vmem>>, vector<16xf32>,
          tpu.vector_store %arg7[%swap3A_479, %swap3A_480], %gather3A_477 {strides = array<i32>} : memref<16x128xf32, #tpu.memory_space<vmem>>, vector<16xf32>,
          %broadcast_in_dim3A_482 = arith.constant 61 : i32
          %broadcast_in_dim3A_483 = vector.broadcast %broadcast_in_dim3A_482 : i32 to vector<16xi32>
          %gather3A_484 = tpu.vector_load_idx %arg5[%iota3A, %broadcast_in_dim3A_483] : memref<16x128xf32, #tpu.memory_space<vmem>>[vector<16xi32>, vector<16xi32>], vector<16xf32>,
          %swap3A_485 = arith.constant 7 : i32
          %swap3A_486 = arith.index_cast %swap3A_485 : i32 to index
          %swap3A_487 = arith.constant 80 : index
          %swap3A_488 = tpu.vector_load %arg7[%swap3A_486, %swap3A_487] {strides = array<i32>} : memref<16x128xf32, #tpu.memory_space<vmem>>, vector<16xf32>,
          tpu.vector_store %arg7[%swap3A_486, %swap3A_487], %gather3A_484 {strides = array<i32>} : memref<16x128xf32, #tpu.memory_space<vmem>>, vector<16xf32>,
          %broadcast_in_dim3A_489 = arith.constant 62 : i32
          %broadcast_in_dim3A_490 = vector.broadcast %broadcast_in_dim3A_489 : i32 to vector<16xi32>
          %gather3A_491 = tpu.vector_load_idx %arg5[%iota3A, %broadcast_in_dim3A_490] : memref<16x128xf32, #tpu.memory_space<vmem>>[vector<16xi32>, vector<16xi32>], vector<16xf32>,
          %swap3A_492 = arith.constant 7 : i32
          %swap3A_493 = arith.index_cast %swap3A_492 : i32 to index
          %swap3A_494 = arith.constant 96 : index
          %swap3A_495 = tpu.vector_load %arg7[%swap3A_493, %swap3A_494] {strides = array<i32>} : memref<16x128xf32, #tpu.memory_space<vmem>>, vector<16xf32>,
          tpu.vector_store %arg7[%swap3A_493, %swap3A_494], %gather3A_491 {strides = array<i32>} : memref<16x128xf32, #tpu.memory_space<vmem>>, vector<16xf32>,
          %broadcast_in_dim3A_496 = arith.constant 63 : i32
          %broadcast_in_dim3A_497 = vector.broadcast %broadcast_in_dim3A_496 : i32 to vector<16xi32>
          %gather3A_498 = tpu.vector_load_idx %arg5[%iota3A, %broadcast_in_dim3A_497] : memref<16x128xf32, #tpu.memory_space<vmem>>[vector<16xi32>, vector<16xi32>], vector<16xf32>,
          %swap3A_499 = arith.constant 7 : i32
          %swap3A_500 = arith.index_cast %swap3A_499 : i32 to index
          %swap3A_501 = arith.constant 112 : index
          %swap3A_502 = tpu.vector_load %arg7[%swap3A_500, %swap3A_501] {strides = array<i32>} : memref<16x128xf32, #tpu.memory_space<vmem>>, vector<16xf32>,
          tpu.vector_store %arg7[%swap3A_500, %swap3A_501], %gather3A_498 {strides = array<i32>} : memref<16x128xf32, #tpu.memory_space<vmem>>, vector<16xf32>,
          %broadcast_in_dim3A_503 = arith.constant 64 : i32
          %broadcast_in_dim3A_504 = vector.broadcast %broadcast_in_dim3A_503 : i32 to vector<16xi32>
          %gather3A_505 = tpu.vector_load_idx %arg5[%iota3A, %broadcast_in_dim3A_504] : memref<16x128xf32, #tpu.memory_space<vmem>>[vector<16xi32>, vector<16xi32>], vector<16xf32>,
          %swap3A_506 = arith.constant 8 : i32
          %swap3A_507 = arith.index_cast %swap3A_506 : i32 to index
          %swap3A_508 = arith.constant 0 : index
          %swap3A_509 = tpu.vector_load %arg7[%swap3A_507, %swap3A_508] {strides = array<i32>} : memref<16x128xf32, #tpu.memory_space<vmem>>, vector<16xf32>,
          tpu.vector_store %arg7[%swap3A_507, %swap3A_508], %gather3A_505 {strides = array<i32>} : memref<16x128xf32, #tpu.memory_space<vmem>>, vector<16xf32>,
          %broadcast_in_dim3A_510 = arith.constant 65 : i32
          %broadcast_in_dim3A_511 = vector.broadcast %broadcast_in_dim3A_510 : i32 to vector<16xi32>
          %gather3A_512 = tpu.vector_load_idx %arg5[%iota3A, %broadcast_in_dim3A_511] : memref<16x128xf32, #tpu.memory_space<vmem>>[vector<16xi32>, vector<16xi32>], vector<16xf32>,
          %swap3A_513 = arith.constant 8 : i32
          %swap3A_514 = arith.index_cast %swap3A_513 : i32 to index
          %swap3A_515 = arith.constant 16 : index
          %swap3A_516 = tpu.vector_load %arg7[%swap3A_514, %swap3A_515] {strides = array<i32>} : memref<16x128xf32, #tpu.memory_space<vmem>>, vector<16xf32>,
          tpu.vector_store %arg7[%swap3A_514, %swap3A_515], %gather3A_512 {strides = array<i32>} : memref<16x128xf32, #tpu.memory_space<vmem>>, vector<16xf32>,
          %broadcast_in_dim3A_517 = arith.constant 66 : i32
          %broadcast_in_dim3A_518 = vector.broadcast %broadcast_in_dim3A_517 : i32 to vector<16xi32>
          %gather3A_519 = tpu.vector_load_idx %arg5[%iota3A, %broadcast_in_dim3A_518] : memref<16x128xf32, #tpu.memory_space<vmem>>[vector<16xi32>, vector<16xi32>], vector<16xf32>,
          %swap3A_520 = arith.constant 8 : i32
          %swap3A_521 = arith.index_cast %swap3A_520 : i32 to index
          %swap3A_522 = arith.constant 32 : index
          %swap3A_523 = tpu.vector_load %arg7[%swap3A_521, %swap3A_522] {strides = array<i32>} : memref<16x128xf32, #tpu.memory_space<vmem>>, vector<16xf32>,
          tpu.vector_store %arg7[%swap3A_521, %swap3A_522], %gather3A_519 {strides = array<i32>} : memref<16x128xf32, #tpu.memory_space<vmem>>, vector<16xf32>,
          %broadcast_in_dim3A_524 = arith.constant 67 : i32
          %broadcast_in_dim3A_525 = vector.broadcast %broadcast_in_dim3A_524 : i32 to vector<16xi32>
          %gather3A_526 = tpu.vector_load_idx %arg5[%iota3A, %broadcast_in_dim3A_525] : memref<16x128xf32, #tpu.memory_space<vmem>>[vector<16xi32>, vector<16xi32>], vector<16xf32>,
          %swap3A_527 = arith.constant 8 : i32
          %swap3A_528 = arith.index_cast %swap3A_527 : i32 to index
          %swap3A_529 = arith.constant 48 : index
          %swap3A_530 = tpu.vector_load %arg7[%swap3A_528, %swap3A_529] {strides = array<i32>} : memref<16x128xf32, #tpu.memory_space<vmem>>, vector<16xf32>,
          tpu.vector_store %arg7[%swap3A_528, %swap3A_529], %gather3A_526 {strides = array<i32>} : memref<16x128xf32, #tpu.memory_space<vmem>>, vector<16xf32>,
          %broadcast_in_dim3A_531 = arith.constant 68 : i32
          %broadcast_in_dim3A_532 = vector.broadcast %broadcast_in_dim3A_531 : i32 to vector<16xi32>
          %gather3A_533 = tpu.vector_load_idx %arg5[%iota3A, %broadcast_in_dim3A_532] : memref<16x128xf32, #tpu.memory_space<vmem>>[vector<16xi32>, vector<16xi32>], vector<16xf32>,
          %swap3A_534 = arith.constant 8 : i32
          %swap3A_535 = arith.index_cast %swap3A_534 : i32 to index
          %swap3A_536 = arith.constant 64 : index
          %swap3A_537 = tpu.vector_load %arg7[%swap3A_535, %swap3A_536] {strides = array<i32>} : memref<16x128xf32, #tpu.memory_space<vmem>>, vector<16xf32>,
          tpu.vector_store %arg7[%swap3A_535, %swap3A_536], %gather3A_533 {strides = array<i32>} : memref<16x128xf32, #tpu.memory_space<vmem>>, vector<16xf32>,
          %broadcast_in_dim3A_538 = arith.constant 69 : i32
          %broadcast_in_dim3A_539 = vector.broadcast %broadcast_in_dim3A_538 : i32 to vector<16xi32>
          %gather3A_540 = tpu.vector_load_idx %arg5[%iota3A, %broadcast_in_dim3A_539] : memref<16x128xf32, #tpu.memory_space<vmem>>[vector<16xi32>, vector<16xi32>], vector<16xf32>,
          %swap3A_541 = arith.constant 8 : i32
          %swap3A_542 = arith.index_cast %swap3A_541 : i32 to index
          %swap3A_543 = arith.constant 80 : index
          %swap3A_544 = tpu.vector_load %arg7[%swap3A_542, %swap3A_543] {strides = array<i32>} : memref<16x128xf32, #tpu.memory_space<vmem>>, vector<16xf32>,
          tpu.vector_store %arg7[%swap3A_542, %swap3A_543], %gather3A_540 {strides = array<i32>} : memref<16x128xf32, #tpu.memory_space<vmem>>, vector<16xf32>,
          %broadcast_in_dim3A_545 = arith.constant 70 : i32
          %broadcast_in_dim3A_546 = vector.broadcast %broadcast_in_dim3A_545 : i32 to vector<16xi32>
          %gather3A_547 = tpu.vector_load_idx %arg5[%iota3A, %broadcast_in_dim3A_546] : memref<16x128xf32, #tpu.memory_space<vmem>>[vector<16xi32>, vector<16xi32>], vector<16xf32>,
          %swap3A_548 = arith.constant 8 : i32
          %swap3A_549 = arith.index_cast %swap3A_548 : i32 to index
          %swap3A_550 = arith.constant 96 : index
          %swap3A_551 = tpu.vector_load %arg7[%swap3A_549, %swap3A_550] {strides = array<i32>} : memref<16x128xf32, #tpu.memory_space<vmem>>, vector<16xf32>,
          tpu.vector_store %arg7[%swap3A_549, %swap3A_550], %gather3A_547 {strides = array<i32>} : memref<16x128xf32, #tpu.memory_space<vmem>>, vector<16xf32>,
          %broadcast_in_dim3A_552 = arith.constant 71 : i32
          %broadcast_in_dim3A_553 = vector.broadcast %broadcast_in_dim3A_552 : i32 to vector<16xi32>
          %gather3A_554 = tpu.vector_load_idx %arg5[%iota3A, %broadcast_in_dim3A_553] : memref<16x128xf32, #tpu.memory_space<vmem>>[vector<16xi32>, vector<16xi32>], vector<16xf32>,
          %swap3A_555 = arith.constant 8 : i32
          %swap3A_556 = arith.index_cast %swap3A_555 : i32 to index
          %swap3A_557 = arith.constant 112 : index
          %swap3A_558 = tpu.vector_load %arg7[%swap3A_556, %swap3A_557] {strides = array<i32>} : memref<16x128xf32, #tpu.memory_space<vmem>>, vector<16xf32>,
          tpu.vector_store %arg7[%swap3A_556, %swap3A_557], %gather3A_554 {strides = array<i32>} : memref<16x128xf32, #tpu.memory_space<vmem>>, vector<16xf32>,
          %broadcast_in_dim3A_559 = arith.constant 72 : i32
          %broadcast_in_dim3A_560 = vector.broadcast %broadcast_in_dim3A_559 : i32 to vector<16xi32>
          %gather3A_561 = tpu.vector_load_idx %arg5[%iota3A, %broadcast_in_dim3A_560] : memref<16x128xf32, #tpu.memory_space<vmem>>[vector<16xi32>, vector<16xi32>], vector<16xf32>,
          %swap3A_562 = arith.constant 9 : i32
          %swap3A_563 = arith.index_cast %swap3A_562 : i32 to index
          %swap3A_564 = arith.constant 0 : index
          %swap3A_565 = tpu.vector_load %arg7[%swap3A_563, %swap3A_564] {strides = array<i32>} : memref<16x128xf32, #tpu.memory_space<vmem>>, vector<16xf32>,
          tpu.vector_store %arg7[%swap3A_563, %swap3A_564], %gather3A_561 {strides = array<i32>} : memref<16x128xf32, #tpu.memory_space<vmem>>, vector<16xf32>,
          %broadcast_in_dim3A_566 = arith.constant 73 : i32
          %broadcast_in_dim3A_567 = vector.broadcast %broadcast_in_dim3A_566 : i32 to vector<16xi32>
          %gather3A_568 = tpu.vector_load_idx %arg5[%iota3A, %broadcast_in_dim3A_567] : memref<16x128xf32, #tpu.memory_space<vmem>>[vector<16xi32>, vector<16xi32>], vector<16xf32>,
          %swap3A_569 = arith.constant 9 : i32
          %swap3A_570 = arith.index_cast %swap3A_569 : i32 to index
          %swap3A_571 = arith.constant 16 : index
          %swap3A_572 = tpu.vector_load %arg7[%swap3A_570, %swap3A_571] {strides = array<i32>} : memref<16x128xf32, #tpu.memory_space<vmem>>, vector<16xf32>,
          tpu.vector_store %arg7[%swap3A_570, %swap3A_571], %gather3A_568 {strides = array<i32>} : memref<16x128xf32, #tpu.memory_space<vmem>>, vector<16xf32>,
          %broadcast_in_dim3A_573 = arith.constant 74 : i32
          %broadcast_in_dim3A_574 = vector.broadcast %broadcast_in_dim3A_573 : i32 to vector<16xi32>
          %gather3A_575 = tpu.vector_load_idx %arg5[%iota3A, %broadcast_in_dim3A_574] : memref<16x128xf32, #tpu.memory_space<vmem>>[vector<16xi32>, vector<16xi32>], vector<16xf32>,
          %swap3A_576 = arith.constant 9 : i32
          %swap3A_577 = arith.index_cast %swap3A_576 : i32 to index
          %swap3A_578 = arith.constant 32 : index
          %swap3A_579 = tpu.vector_load %arg7[%swap3A_577, %swap3A_578] {strides = array<i32>} : memref<16x128xf32, #tpu.memory_space<vmem>>, vector<16xf32>,
          tpu.vector_store %arg7[%swap3A_577, %swap3A_578], %gather3A_575 {strides = array<i32>} : memref<16x128xf32, #tpu.memory_space<vmem>>, vector<16xf32>,
          %broadcast_in_dim3A_580 = arith.constant 75 : i32
          %broadcast_in_dim3A_581 = vector.broadcast %broadcast_in_dim3A_580 : i32 to vector<16xi32>
          %gather3A_582 = tpu.vector_load_idx %arg5[%iota3A, %broadcast_in_dim3A_581] : memref<16x128xf32, #tpu.memory_space<vmem>>[vector<16xi32>, vector<16xi32>], vector<16xf32>,
          %swap3A_583 = arith.constant 9 : i32
          %swap3A_584 = arith.index_cast %swap3A_583 : i32 to index
          %swap3A_585 = arith.constant 48 : index
          %swap3A_586 = tpu.vector_load %arg7[%swap3A_584, %swap3A_585] {strides = array<i32>} : memref<16x128xf32, #tpu.memory_space<vmem>>, vector<16xf32>,
          tpu.vector_store %arg7[%swap3A_584, %swap3A_585], %gather3A_582 {strides = array<i32>} : memref<16x128xf32, #tpu.memory_space<vmem>>, vector<16xf32>,
          %broadcast_in_dim3A_587 = arith.constant 76 : i32
          %broadcast_in_dim3A_588 = vector.broadcast %broadcast_in_dim3A_587 : i32 to vector<16xi32>
          %gather3A_589 = tpu.vector_load_idx %arg5[%iota3A, %broadcast_in_dim3A_588] : memref<16x128xf32, #tpu.memory_space<vmem>>[vector<16xi32>, vector<16xi32>], vector<16xf32>,
          %swap3A_590 = arith.constant 9 : i32
          %swap3A_591 = arith.index_cast %swap3A_590 : i32 to index
          %swap3A_592 = arith.constant 64 : index
          %swap3A_593 = tpu.vector_load %arg7[%swap3A_591, %swap3A_592] {strides = array<i32>} : memref<16x128xf32, #tpu.memory_space<vmem>>, vector<16xf32>,
          tpu.vector_store %arg7[%swap3A_591, %swap3A_592], %gather3A_589 {strides = array<i32>} : memref<16x128xf32, #tpu.memory_space<vmem>>, vector<16xf32>,
          %broadcast_in_dim3A_594 = arith.constant 77 : i32
          %broadcast_in_dim3A_595 = vector.broadcast %broadcast_in_dim3A_594 : i32 to vector<16xi32>
          %gather3A_596 = tpu.vector_load_idx %arg5[%iota3A, %broadcast_in_dim3A_595] : memref<16x128xf32, #tpu.memory_space<vmem>>[vector<16xi32>, vector<16xi32>], vector<16xf32>,
          %swap3A_597 = arith.constant 9 : i32
          %swap3A_598 = arith.index_cast %swap3A_597 : i32 to index
          %swap3A_599 = arith.constant 80 : index
          %swap3A_600 = tpu.vector_load %arg7[%swap3A_598, %swap3A_599] {strides = array<i32>} : memref<16x128xf32, #tpu.memory_space<vmem>>, vector<16xf32>,
          tpu.vector_store %arg7[%swap3A_598, %swap3A_599], %gather3A_596 {strides = array<i32>} : memref<16x128xf32, #tpu.memory_space<vmem>>, vector<16xf32>,
          %broadcast_in_dim3A_601 = arith.constant 78 : i32
          %broadcast_in_dim3A_602 = vector.broadcast %broadcast_in_dim3A_601 : i32 to vector<16xi32>
          %gather3A_603 = tpu.vector_load_idx %arg5[%iota3A, %broadcast_in_dim3A_602] : memref<16x128xf32, #tpu.memory_space<vmem>>[vector<16xi32>, vector<16xi32>], vector<16xf32>,
          %swap3A_604 = arith.constant 9 : i32
          %swap3A_605 = arith.index_cast %swap3A_604 : i32 to index
          %swap3A_606 = arith.constant 96 : index
          %swap3A_607 = tpu.vector_load %arg7[%swap3A_605, %swap3A_606] {strides = array<i32>} : memref<16x128xf32, #tpu.memory_space<vmem>>, vector<16xf32>,
          tpu.vector_store %arg7[%swap3A_605, %swap3A_606], %gather3A_603 {strides = array<i32>} : memref<16x128xf32, #tpu.memory_space<vmem>>, vector<16xf32>,
          %broadcast_in_dim3A_608 = arith.constant 79 : i32
          %broadcast_in_dim3A_609 = vector.broadcast %broadcast_in_dim3A_608 : i32 to vector<16xi32>
          %gather3A_610 = tpu.vector_load_idx %arg5[%iota3A, %broadcast_in_dim3A_609] : memref<16x128xf32, #tpu.memory_space<vmem>>[vector<16xi32>, vector<16xi32>], vector<16xf32>,
          %swap3A_611 = arith.constant 9 : i32
          %swap3A_612 = arith.index_cast %swap3A_611 : i32 to index
          %swap3A_613 = arith.constant 112 : index
          %swap3A_614 = tpu.vector_load %arg7[%swap3A_612, %swap3A_613] {strides = array<i32>} : memref<16x128xf32, #tpu.memory_space<vmem>>, vector<16xf32>,
          tpu.vector_store %arg7[%swap3A_612, %swap3A_613], %gather3A_610 {strides = array<i32>} : memref<16x128xf32, #tpu.memory_space<vmem>>, vector<16xf32>,
          %broadcast_in_dim3A_615 = arith.constant 80 : i32
          %broadcast_in_dim3A_616 = vector.broadcast %broadcast_in_dim3A_615 : i32 to vector<16xi32>
          %gather3A_617 = tpu.vector_load_idx %arg5[%iota3A, %broadcast_in_dim3A_616] : memref<16x128xf32, #tpu.memory_space<vmem>>[vector<16xi32>, vector<16xi32>], vector<16xf32>,
          %swap3A_618 = arith.constant 10 : i32
          %swap3A_619 = arith.index_cast %swap3A_618 : i32 to index
          %swap3A_620 = arith.constant 0 : index
          %swap3A_621 = tpu.vector_load %arg7[%swap3A_619, %swap3A_620] {strides = array<i32>} : memref<16x128xf32, #tpu.memory_space<vmem>>, vector<16xf32>,
          tpu.vector_store %arg7[%swap3A_619, %swap3A_620], %gather3A_617 {strides = array<i32>} : memref<16x128xf32, #tpu.memory_space<vmem>>, vector<16xf32>,
          %broadcast_in_dim3A_622 = arith.constant 81 : i32
          %broadcast_in_dim3A_623 = vector.broadcast %broadcast_in_dim3A_622 : i32 to vector<16xi32>
          %gather3A_624 = tpu.vector_load_idx %arg5[%iota3A, %broadcast_in_dim3A_623] : memref<16x128xf32, #tpu.memory_space<vmem>>[vector<16xi32>, vector<16xi32>], vector<16xf32>,
          %swap3A_625 = arith.constant 10 : i32
          %swap3A_626 = arith.index_cast %swap3A_625 : i32 to index
          %swap3A_627 = arith.constant 16 : index
          %swap3A_628 = tpu.vector_load %arg7[%swap3A_626, %swap3A_627] {strides = array<i32>} : memref<16x128xf32, #tpu.memory_space<vmem>>, vector<16xf32>,
          tpu.vector_store %arg7[%swap3A_626, %swap3A_627], %gather3A_624 {strides = array<i32>} : memref<16x128xf32, #tpu.memory_space<vmem>>, vector<16xf32>,
          %broadcast_in_dim3A_629 = arith.constant 82 : i32
          %broadcast_in_dim3A_630 = vector.broadcast %broadcast_in_dim3A_629 : i32 to vector<16xi32>
          %gather3A_631 = tpu.vector_load_idx %arg5[%iota3A, %broadcast_in_dim3A_630] : memref<16x128xf32, #tpu.memory_space<vmem>>[vector<16xi32>, vector<16xi32>], vector<16xf32>,
          %swap3A_632 = arith.constant 10 : i32
          %swap3A_633 = arith.index_cast %swap3A_632 : i32 to index
          %swap3A_634 = arith.constant 32 : index
          %swap3A_635 = tpu.vector_load %arg7[%swap3A_633, %swap3A_634] {strides = array<i32>} : memref<16x128xf32, #tpu.memory_space<vmem>>, vector<16xf32>,
          tpu.vector_store %arg7[%swap3A_633, %swap3A_634], %gather3A_631 {strides = array<i32>} : memref<16x128xf32, #tpu.memory_space<vmem>>, vector<16xf32>,
          %broadcast_in_dim3A_636 = arith.constant 83 : i32
          %broadcast_in_dim3A_637 = vector.broadcast %broadcast_in_dim3A_636 : i32 to vector<16xi32>
          %gather3A_638 = tpu.vector_load_idx %arg5[%iota3A, %broadcast_in_dim3A_637] : memref<16x128xf32, #tpu.memory_space<vmem>>[vector<16xi32>, vector<16xi32>], vector<16xf32>,
          %swap3A_639 = arith.constant 10 : i32
          %swap3A_640 = arith.index_cast %swap3A_639 : i32 to index
          %swap3A_641 = arith.constant 48 : index
          %swap3A_642 = tpu.vector_load %arg7[%swap3A_640, %swap3A_641] {strides = array<i32>} : memref<16x128xf32, #tpu.memory_space<vmem>>, vector<16xf32>,
          tpu.vector_store %arg7[%swap3A_640, %swap3A_641], %gather3A_638 {strides = array<i32>} : memref<16x128xf32, #tpu.memory_space<vmem>>, vector<16xf32>,
          %broadcast_in_dim3A_643 = arith.constant 84 : i32
          %broadcast_in_dim3A_644 = vector.broadcast %broadcast_in_dim3A_643 : i32 to vector<16xi32>
          %gather3A_645 = tpu.vector_load_idx %arg5[%iota3A, %broadcast_in_dim3A_644] : memref<16x128xf32, #tpu.memory_space<vmem>>[vector<16xi32>, vector<16xi32>], vector<16xf32>,
          %swap3A_646 = arith.constant 10 : i32
          %swap3A_647 = arith.index_cast %swap3A_646 : i32 to index
          %swap3A_648 = arith.constant 64 : index
          %swap3A_649 = tpu.vector_load %arg7[%swap3A_647, %swap3A_648] {strides = array<i32>} : memref<16x128xf32, #tpu.memory_space<vmem>>, vector<16xf32>,
          tpu.vector_store %arg7[%swap3A_647, %swap3A_648], %gather3A_645 {strides = array<i32>} : memref<16x128xf32, #tpu.memory_space<vmem>>, vector<16xf32>,
          %broadcast_in_dim3A_650 = arith.constant 85 : i32
          %broadcast_in_dim3A_651 = vector.broadcast %broadcast_in_dim3A_650 : i32 to vector<16xi32>
          %gather3A_652 = tpu.vector_load_idx %arg5[%iota3A, %broadcast_in_dim3A_651] : memref<16x128xf32, #tpu.memory_space<vmem>>[vector<16xi32>, vector<16xi32>], vector<16xf32>,
          %swap3A_653 = arith.constant 10 : i32
          %swap3A_654 = arith.index_cast %swap3A_653 : i32 to index
          %swap3A_655 = arith.constant 80 : index
          %swap3A_656 = tpu.vector_load %arg7[%swap3A_654, %swap3A_655] {strides = array<i32>} : memref<16x128xf32, #tpu.memory_space<vmem>>, vector<16xf32>,
          tpu.vector_store %arg7[%swap3A_654, %swap3A_655], %gather3A_652 {strides = array<i32>} : memref<16x128xf32, #tpu.memory_space<vmem>>, vector<16xf32>,
          %broadcast_in_dim3A_657 = arith.constant 86 : i32
          %broadcast_in_dim3A_658 = vector.broadcast %broadcast_in_dim3A_657 : i32 to vector<16xi32>
          %gather3A_659 = tpu.vector_load_idx %arg5[%iota3A, %broadcast_in_dim3A_658] : memref<16x128xf32, #tpu.memory_space<vmem>>[vector<16xi32>, vector<16xi32>], vector<16xf32>,
          %swap3A_660 = arith.constant 10 : i32
          %swap3A_661 = arith.index_cast %swap3A_660 : i32 to index
          %swap3A_662 = arith.constant 96 : index
          %swap3A_663 = tpu.vector_load %arg7[%swap3A_661, %swap3A_662] {strides = array<i32>} : memref<16x128xf32, #tpu.memory_space<vmem>>, vector<16xf32>,
          tpu.vector_store %arg7[%swap3A_661, %swap3A_662], %gather3A_659 {strides = array<i32>} : memref<16x128xf32, #tpu.memory_space<vmem>>, vector<16xf32>,
          %broadcast_in_dim3A_664 = arith.constant 87 : i32
          %broadcast_in_dim3A_665 = vector.broadcast %broadcast_in_dim3A_664 : i32 to vector<16xi32>
          %gather3A_666 = tpu.vector_load_idx %arg5[%iota3A, %broadcast_in_dim3A_665] : memref<16x128xf32, #tpu.memory_space<vmem>>[vector<16xi32>, vector<16xi32>], vector<16xf32>,
          %swap3A_667 = arith.constant 10 : i32
          %swap3A_668 = arith.index_cast %swap3A_667 : i32 to index
          %swap3A_669 = arith.constant 112 : index
          %swap3A_670 = tpu.vector_load %arg7[%swap3A_668, %swap3A_669] {strides = array<i32>} : memref<16x128xf32, #tpu.memory_space<vmem>>, vector<16xf32>,
          tpu.vector_store %arg7[%swap3A_668, %swap3A_669], %gather3A_666 {strides = array<i32>} : memref<16x128xf32, #tpu.memory_space<vmem>>, vector<16xf32>,
          %broadcast_in_dim3A_671 = arith.constant 88 : i32
          %broadcast_in_dim3A_672 = vector.broadcast %broadcast_in_dim3A_671 : i32 to vector<16xi32>
          %gather3A_673 = tpu.vector_load_idx %arg5[%iota3A, %broadcast_in_dim3A_672] : memref<16x128xf32, #tpu.memory_space<vmem>>[vector<16xi32>, vector<16xi32>], vector<16xf32>,
          %swap3A_674 = arith.constant 11 : i32
          %swap3A_675 = arith.index_cast %swap3A_674 : i32 to index
          %swap3A_676 = arith.constant 0 : index
          %swap3A_677 = tpu.vector_load %arg7[%swap3A_675, %swap3A_676] {strides = array<i32>} : memref<16x128xf32, #tpu.memory_space<vmem>>, vector<16xf32>,
          tpu.vector_store %arg7[%swap3A_675, %swap3A_676], %gather3A_673 {strides = array<i32>} : memref<16x128xf32, #tpu.memory_space<vmem>>, vector<16xf32>,
          %broadcast_in_dim3A_678 = arith.constant 89 : i32
          %broadcast_in_dim3A_679 = vector.broadcast %broadcast_in_dim3A_678 : i32 to vector<16xi32>
          %gather3A_680 = tpu.vector_load_idx %arg5[%iota3A, %broadcast_in_dim3A_679] : memref<16x128xf32, #tpu.memory_space<vmem>>[vector<16xi32>, vector<16xi32>], vector<16xf32>,
          %swap3A_681 = arith.constant 11 : i32
          %swap3A_682 = arith.index_cast %swap3A_681 : i32 to index
          %swap3A_683 = arith.constant 16 : index
          %swap3A_684 = tpu.vector_load %arg7[%swap3A_682, %swap3A_683] {strides = array<i32>} : memref<16x128xf32, #tpu.memory_space<vmem>>, vector<16xf32>,
          tpu.vector_store %arg7[%swap3A_682, %swap3A_683], %gather3A_680 {strides = array<i32>} : memref<16x128xf32, #tpu.memory_space<vmem>>, vector<16xf32>,
          %broadcast_in_dim3A_685 = arith.constant 90 : i32
          %broadcast_in_dim3A_686 = vector.broadcast %broadcast_in_dim3A_685 : i32 to vector<16xi32>
          %gather3A_687 = tpu.vector_load_idx %arg5[%iota3A, %broadcast_in_dim3A_686] : memref<16x128xf32, #tpu.memory_space<vmem>>[vector<16xi32>, vector<16xi32>], vector<16xf32>,
          %swap3A_688 = arith.constant 11 : i32
          %swap3A_689 = arith.index_cast %swap3A_688 : i32 to index
          %swap3A_690 = arith.constant 32 : index
          %swap3A_691 = tpu.vector_load %arg7[%swap3A_689, %swap3A_690] {strides = array<i32>} : memref<16x128xf32, #tpu.memory_space<vmem>>, vector<16xf32>,
          tpu.vector_store %arg7[%swap3A_689, %swap3A_690], %gather3A_687 {strides = array<i32>} : memref<16x128xf32, #tpu.memory_space<vmem>>, vector<16xf32>,
          %broadcast_in_dim3A_692 = arith.constant 91 : i32
          %broadcast_in_dim3A_693 = vector.broadcast %broadcast_in_dim3A_692 : i32 to vector<16xi32>
          %gather3A_694 = tpu.vector_load_idx %arg5[%iota3A, %broadcast_in_dim3A_693] : memref<16x128xf32, #tpu.memory_space<vmem>>[vector<16xi32>, vector<16xi32>], vector<16xf32>,
          %swap3A_695 = arith.constant 11 : i32
          %swap3A_696 = arith.index_cast %swap3A_695 : i32 to index
          %swap3A_697 = arith.constant 48 : index
          %swap3A_698 = tpu.vector_load %arg7[%swap3A_696, %swap3A_697] {strides = array<i32>} : memref<16x128xf32, #tpu.memory_space<vmem>>, vector<16xf32>,
          tpu.vector_store %arg7[%swap3A_696, %swap3A_697], %gather3A_694 {strides = array<i32>} : memref<16x128xf32, #tpu.memory_space<vmem>>, vector<16xf32>,
          %broadcast_in_dim3A_699 = arith.constant 92 : i32
          %broadcast_in_dim3A_700 = vector.broadcast %broadcast_in_dim3A_699 : i32 to vector<16xi32>
          %gather3A_701 = tpu.vector_load_idx %arg5[%iota3A, %broadcast_in_dim3A_700] : memref<16x128xf32, #tpu.memory_space<vmem>>[vector<16xi32>, vector<16xi32>], vector<16xf32>,
          %swap3A_702 = arith.constant 11 : i32
          %swap3A_703 = arith.index_cast %swap3A_702 : i32 to index
          %swap3A_704 = arith.constant 64 : index
          %swap3A_705 = tpu.vector_load %arg7[%swap3A_703, %swap3A_704] {strides = array<i32>} : memref<16x128xf32, #tpu.memory_space<vmem>>, vector<16xf32>,
          tpu.vector_store %arg7[%swap3A_703, %swap3A_704], %gather3A_701 {strides = array<i32>} : memref<16x128xf32, #tpu.memory_space<vmem>>, vector<16xf32>,
          %broadcast_in_dim3A_706 = arith.constant 93 : i32
          %broadcast_in_dim3A_707 = vector.broadcast %broadcast_in_dim3A_706 : i32 to vector<16xi32>
          %gather3A_708 = tpu.vector_load_idx %arg5[%iota3A, %broadcast_in_dim3A_707] : memref<16x128xf32, #tpu.memory_space<vmem>>[vector<16xi32>, vector<16xi32>], vector<16xf32>,
          %swap3A_709 = arith.constant 11 : i32
          %swap3A_710 = arith.index_cast %swap3A_709 : i32 to index
          %swap3A_711 = arith.constant 80 : index
          %swap3A_712 = tpu.vector_load %arg7[%swap3A_710, %swap3A_711] {strides = array<i32>} : memref<16x128xf32, #tpu.memory_space<vmem>>, vector<16xf32>,
          tpu.vector_store %arg7[%swap3A_710, %swap3A_711], %gather3A_708 {strides = array<i32>} : memref<16x128xf32, #tpu.memory_space<vmem>>, vector<16xf32>,
          %broadcast_in_dim3A_713 = arith.constant 94 : i32
          %broadcast_in_dim3A_714 = vector.broadcast %broadcast_in_dim3A_713 : i32 to vector<16xi32>
          %gather3A_715 = tpu.vector_load_idx %arg5[%iota3A, %broadcast_in_dim3A_714] : memref<16x128xf32, #tpu.memory_space<vmem>>[vector<16xi32>, vector<16xi32>], vector<16xf32>,
          %swap3A_716 = arith.constant 11 : i32
          %swap3A_717 = arith.index_cast %swap3A_716 : i32 to index
          %swap3A_718 = arith.constant 96 : index
          %swap3A_719 = tpu.vector_load %arg7[%swap3A_717, %swap3A_718] {strides = array<i32>} : memref<16x128xf32, #tpu.memory_space<vmem>>, vector<16xf32>,
          tpu.vector_store %arg7[%swap3A_717, %swap3A_718], %gather3A_715 {strides = array<i32>} : memref<16x128xf32, #tpu.memory_space<vmem>>, vector<16xf32>,
          %broadcast_in_dim3A_720 = arith.constant 95 : i32
          %broadcast_in_dim3A_721 = vector.broadcast %broadcast_in_dim3A_720 : i32 to vector<16xi32>
          %gather3A_722 = tpu.vector_load_idx %arg5[%iota3A, %broadcast_in_dim3A_721] : memref<16x128xf32, #tpu.memory_space<vmem>>[vector<16xi32>, vector<16xi32>], vector<16xf32>,
          %swap3A_723 = arith.constant 11 : i32
          %swap3A_724 = arith.index_cast %swap3A_723 : i32 to index
          %swap3A_725 = arith.constant 112 : index
          %swap3A_726 = tpu.vector_load %arg7[%swap3A_724, %swap3A_725] {strides = array<i32>} : memref<16x128xf32, #tpu.memory_space<vmem>>, vector<16xf32>,
          tpu.vector_store %arg7[%swap3A_724, %swap3A_725], %gather3A_722 {strides = array<i32>} : memref<16x128xf32, #tpu.memory_space<vmem>>, vector<16xf32>,
          %broadcast_in_dim3A_727 = arith.constant 96 : i32
          %broadcast_in_dim3A_728 = vector.broadcast %broadcast_in_dim3A_727 : i32 to vector<16xi32>
          %gather3A_729 = tpu.vector_load_idx %arg5[%iota3A, %broadcast_in_dim3A_728] : memref<16x128xf32, #tpu.memory_space<vmem>>[vector<16xi32>, vector<16xi32>], vector<16xf32>,
          %swap3A_730 = arith.constant 12 : i32
          %swap3A_731 = arith.index_cast %swap3A_730 : i32 to index
          %swap3A_732 = arith.constant 0 : index
          %swap3A_733 = tpu.vector_load %arg7[%swap3A_731, %swap3A_732] {strides = array<i32>} : memref<16x128xf32, #tpu.memory_space<vmem>>, vector<16xf32>,
          tpu.vector_store %arg7[%swap3A_731, %swap3A_732], %gather3A_729 {strides = array<i32>} : memref<16x128xf32, #tpu.memory_space<vmem>>, vector<16xf32>,
          %broadcast_in_dim3A_734 = arith.constant 97 : i32
          %broadcast_in_dim3A_735 = vector.broadcast %broadcast_in_dim3A_734 : i32 to vector<16xi32>
          %gather3A_736 = tpu.vector_load_idx %arg5[%iota3A, %broadcast_in_dim3A_735] : memref<16x128xf32, #tpu.memory_space<vmem>>[vector<16xi32>, vector<16xi32>], vector<16xf32>,
          %swap3A_737 = arith.constant 12 : i32
          %swap3A_738 = arith.index_cast %swap3A_737 : i32 to index
          %swap3A_739 = arith.constant 16 : index
          %swap3A_740 = tpu.vector_load %arg7[%swap3A_738, %swap3A_739] {strides = array<i32>} : memref<16x128xf32, #tpu.memory_space<vmem>>, vector<16xf32>,
          tpu.vector_store %arg7[%swap3A_738, %swap3A_739], %gather3A_736 {strides = array<i32>} : memref<16x128xf32, #tpu.memory_space<vmem>>, vector<16xf32>,
          %broadcast_in_dim3A_741 = arith.constant 98 : i32
          %broadcast_in_dim3A_742 = vector.broadcast %broadcast_in_dim3A_741 : i32 to vector<16xi32>
          %gather3A_743 = tpu.vector_load_idx %arg5[%iota3A, %broadcast_in_dim3A_742] : memref<16x128xf32, #tpu.memory_space<vmem>>[vector<16xi32>, vector<16xi32>], vector<16xf32>,
          %swap3A_744 = arith.constant 12 : i32
          %swap3A_745 = arith.index_cast %swap3A_744 : i32 to index
          %swap3A_746 = arith.constant 32 : index
          %swap3A_747 = tpu.vector_load %arg7[%swap3A_745, %swap3A_746] {strides = array<i32>} : memref<16x128xf32, #tpu.memory_space<vmem>>, vector<16xf32>,
          tpu.vector_store %arg7[%swap3A_745, %swap3A_746], %gather3A_743 {strides = array<i32>} : memref<16x128xf32, #tpu.memory_space<vmem>>, vector<16xf32>,
          %broadcast_in_dim3A_748 = arith.constant 99 : i32
          %broadcast_in_dim3A_749 = vector.broadcast %broadcast_in_dim3A_748 : i32 to vector<16xi32>
          %gather3A_750 = tpu.vector_load_idx %arg5[%iota3A, %broadcast_in_dim3A_749] : memref<16x128xf32, #tpu.memory_space<vmem>>[vector<16xi32>, vector<16xi32>], vector<16xf32>,
          %swap3A_751 = arith.constant 12 : i32
          %swap3A_752 = arith.index_cast %swap3A_751 : i32 to index
          %swap3A_753 = arith.constant 48 : index
          %swap3A_754 = tpu.vector_load %arg7[%swap3A_752, %swap3A_753] {strides = array<i32>} : memref<16x128xf32, #tpu.memory_space<vmem>>, vector<16xf32>,
          tpu.vector_store %arg7[%swap3A_752, %swap3A_753], %gather3A_750 {strides = array<i32>} : memref<16x128xf32, #tpu.memory_space<vmem>>, vector<16xf32>,
          %broadcast_in_dim3A_755 = arith.constant 100 : i32
          %broadcast_in_dim3A_756 = vector.broadcast %broadcast_in_dim3A_755 : i32 to vector<16xi32>
          %gather3A_757 = tpu.vector_load_idx %arg5[%iota3A, %broadcast_in_dim3A_756] : memref<16x128xf32, #tpu.memory_space<vmem>>[vector<16xi32>, vector<16xi32>], vector<16xf32>,
          %swap3A_758 = arith.constant 12 : i32
          %swap3A_759 = arith.index_cast %swap3A_758 : i32 to index
          %swap3A_760 = arith.constant 64 : index
          %swap3A_761 = tpu.vector_load %arg7[%swap3A_759, %swap3A_760] {strides = array<i32>} : memref<16x128xf32, #tpu.memory_space<vmem>>, vector<16xf32>,
          tpu.vector_store %arg7[%swap3A_759, %swap3A_760], %gather3A_757 {strides = array<i32>} : memref<16x128xf32, #tpu.memory_space<vmem>>, vector<16xf32>,
          %broadcast_in_dim3A_762 = arith.constant 101 : i32
          %broadcast_in_dim3A_763 = vector.broadcast %broadcast_in_dim3A_762 : i32 to vector<16xi32>
          %gather3A_764 = tpu.vector_load_idx %arg5[%iota3A, %broadcast_in_dim3A_763] : memref<16x128xf32, #tpu.memory_space<vmem>>[vector<16xi32>, vector<16xi32>], vector<16xf32>,
          %swap3A_765 = arith.constant 12 : i32
          %swap3A_766 = arith.index_cast %swap3A_765 : i32 to index
          %swap3A_767 = arith.constant 80 : index
          %swap3A_768 = tpu.vector_load %arg7[%swap3A_766, %swap3A_767] {strides = array<i32>} : memref<16x128xf32, #tpu.memory_space<vmem>>, vector<16xf32>,
          tpu.vector_store %arg7[%swap3A_766, %swap3A_767], %gather3A_764 {strides = array<i32>} : memref<16x128xf32, #tpu.memory_space<vmem>>, vector<16xf32>,
          %broadcast_in_dim3A_769 = arith.constant 102 : i32
          %broadcast_in_dim3A_770 = vector.broadcast %broadcast_in_dim3A_769 : i32 to vector<16xi32>
          %gather3A_771 = tpu.vector_load_idx %arg5[%iota3A, %broadcast_in_dim3A_770] : memref<16x128xf32, #tpu.memory_space<vmem>>[vector<16xi32>, vector<16xi32>], vector<16xf32>,
          %swap3A_772 = arith.constant 12 : i32
          %swap3A_773 = arith.index_cast %swap3A_772 : i32 to index
          %swap3A_774 = arith.constant 96 : index
          %swap3A_775 = tpu.vector_load %arg7[%swap3A_773, %swap3A_774] {strides = array<i32>} : memref<16x128xf32, #tpu.memory_space<vmem>>, vector<16xf32>,
          tpu.vector_store %arg7[%swap3A_773, %swap3A_774], %gather3A_771 {strides = array<i32>} : memref<16x128xf32, #tpu.memory_space<vmem>>, vector<16xf32>,
          %broadcast_in_dim3A_776 = arith.constant 103 : i32
          %broadcast_in_dim3A_777 = vector.broadcast %broadcast_in_dim3A_776 : i32 to vector<16xi32>
          %gather3A_778 = tpu.vector_load_idx %arg5[%iota3A, %broadcast_in_dim3A_777] : memref<16x128xf32, #tpu.memory_space<vmem>>[vector<16xi32>, vector<16xi32>], vector<16xf32>,
          %swap3A_779 = arith.constant 12 : i32
          %swap3A_780 = arith.index_cast %swap3A_779 : i32 to index
          %swap3A_781 = arith.constant 112 : index
          %swap3A_782 = tpu.vector_load %arg7[%swap3A_780, %swap3A_781] {strides = array<i32>} : memref<16x128xf32, #tpu.memory_space<vmem>>, vector<16xf32>,
          tpu.vector_store %arg7[%swap3A_780, %swap3A_781], %gather3A_778 {strides = array<i32>} : memref<16x128xf32, #tpu.memory_space<vmem>>, vector<16xf32>,
          %broadcast_in_dim3A_783 = arith.constant 104 : i32
          %broadcast_in_dim3A_784 = vector.broadcast %broadcast_in_dim3A_783 : i32 to vector<16xi32>
          %gather3A_785 = tpu.vector_load_idx %arg5[%iota3A, %broadcast_in_dim3A_784] : memref<16x128xf32, #tpu.memory_space<vmem>>[vector<16xi32>, vector<16xi32>], vector<16xf32>,
          %swap3A_786 = arith.constant 13 : i32
          %swap3A_787 = arith.index_cast %swap3A_786 : i32 to index
          %swap3A_788 = arith.constant 0 : index
          %swap3A_789 = tpu.vector_load %arg7[%swap3A_787, %swap3A_788] {strides = array<i32>} : memref<16x128xf32, #tpu.memory_space<vmem>>, vector<16xf32>,
          tpu.vector_store %arg7[%swap3A_787, %swap3A_788], %gather3A_785 {strides = array<i32>} : memref<16x128xf32, #tpu.memory_space<vmem>>, vector<16xf32>,
          %broadcast_in_dim3A_790 = arith.constant 105 : i32
          %broadcast_in_dim3A_791 = vector.broadcast %broadcast_in_dim3A_790 : i32 to vector<16xi32>
          %gather3A_792 = tpu.vector_load_idx %arg5[%iota3A, %broadcast_in_dim3A_791] : memref<16x128xf32, #tpu.memory_space<vmem>>[vector<16xi32>, vector<16xi32>], vector<16xf32>,
          %swap3A_793 = arith.constant 13 : i32
          %swap3A_794 = arith.index_cast %swap3A_793 : i32 to index
          %swap3A_795 = arith.constant 16 : index
          %swap3A_796 = tpu.vector_load %arg7[%swap3A_794, %swap3A_795] {strides = array<i32>} : memref<16x128xf32, #tpu.memory_space<vmem>>, vector<16xf32>,
          tpu.vector_store %arg7[%swap3A_794, %swap3A_795], %gather3A_792 {strides = array<i32>} : memref<16x128xf32, #tpu.memory_space<vmem>>, vector<16xf32>,
          %broadcast_in_dim3A_797 = arith.constant 106 : i32
          %broadcast_in_dim3A_798 = vector.broadcast %broadcast_in_dim3A_797 : i32 to vector<16xi32>
          %gather3A_799 = tpu.vector_load_idx %arg5[%iota3A, %broadcast_in_dim3A_798] : memref<16x128xf32, #tpu.memory_space<vmem>>[vector<16xi32>, vector<16xi32>], vector<16xf32>,
          %swap3A_800 = arith.constant 13 : i32
          %swap3A_801 = arith.index_cast %swap3A_800 : i32 to index
          %swap3A_802 = arith.constant 32 : index
          %swap3A_803 = tpu.vector_load %arg7[%swap3A_801, %swap3A_802] {strides = array<i32>} : memref<16x128xf32, #tpu.memory_space<vmem>>, vector<16xf32>,
          tpu.vector_store %arg7[%swap3A_801, %swap3A_802], %gather3A_799 {strides = array<i32>} : memref<16x128xf32, #tpu.memory_space<vmem>>, vector<16xf32>,
          %broadcast_in_dim3A_804 = arith.constant 107 : i32
          %broadcast_in_dim3A_805 = vector.broadcast %broadcast_in_dim3A_804 : i32 to vector<16xi32>
          %gather3A_806 = tpu.vector_load_idx %arg5[%iota3A, %broadcast_in_dim3A_805] : memref<16x128xf32, #tpu.memory_space<vmem>>[vector<16xi32>, vector<16xi32>], vector<16xf32>,
          %swap3A_807 = arith.constant 13 : i32
          %swap3A_808 = arith.index_cast %swap3A_807 : i32 to index
          %swap3A_809 = arith.constant 48 : index
          %swap3A_810 = tpu.vector_load %arg7[%swap3A_808, %swap3A_809] {strides = array<i32>} : memref<16x128xf32, #tpu.memory_space<vmem>>, vector<16xf32>,
          tpu.vector_store %arg7[%swap3A_808, %swap3A_809], %gather3A_806 {strides = array<i32>} : memref<16x128xf32, #tpu.memory_space<vmem>>, vector<16xf32>,
          %broadcast_in_dim3A_811 = arith.constant 108 : i32
          %broadcast_in_dim3A_812 = vector.broadcast %broadcast_in_dim3A_811 : i32 to vector<16xi32>
          %gather3A_813 = tpu.vector_load_idx %arg5[%iota3A, %broadcast_in_dim3A_812] : memref<16x128xf32, #tpu.memory_space<vmem>>[vector<16xi32>, vector<16xi32>], vector<16xf32>,
          %swap3A_814 = arith.constant 13 : i32
          %swap3A_815 = arith.index_cast %swap3A_814 : i32 to index
          %swap3A_816 = arith.constant 64 : index
          %swap3A_817 = tpu.vector_load %arg7[%swap3A_815, %swap3A_816] {strides = array<i32>} : memref<16x128xf32, #tpu.memory_space<vmem>>, vector<16xf32>,
          tpu.vector_store %arg7[%swap3A_815, %swap3A_816], %gather3A_813 {strides = array<i32>} : memref<16x128xf32, #tpu.memory_space<vmem>>, vector<16xf32>,
          %broadcast_in_dim3A_818 = arith.constant 109 : i32
          %broadcast_in_dim3A_819 = vector.broadcast %broadcast_in_dim3A_818 : i32 to vector<16xi32>
          %gather3A_820 = tpu.vector_load_idx %arg5[%iota3A, %broadcast_in_dim3A_819] : memref<16x128xf32, #tpu.memory_space<vmem>>[vector<16xi32>, vector<16xi32>], vector<16xf32>,
          %swap3A_821 = arith.constant 13 : i32
          %swap3A_822 = arith.index_cast %swap3A_821 : i32 to index
          %swap3A_823 = arith.constant 80 : index
          %swap3A_824 = tpu.vector_load %arg7[%swap3A_822, %swap3A_823] {strides = array<i32>} : memref<16x128xf32, #tpu.memory_space<vmem>>, vector<16xf32>,
          tpu.vector_store %arg7[%swap3A_822, %swap3A_823], %gather3A_820 {strides = array<i32>} : memref<16x128xf32, #tpu.memory_space<vmem>>, vector<16xf32>,
          %broadcast_in_dim3A_825 = arith.constant 110 : i32
          %broadcast_in_dim3A_826 = vector.broadcast %broadcast_in_dim3A_825 : i32 to vector<16xi32>
          %gather3A_827 = tpu.vector_load_idx %arg5[%iota3A, %broadcast_in_dim3A_826] : memref<16x128xf32, #tpu.memory_space<vmem>>[vector<16xi32>, vector<16xi32>], vector<16xf32>,
          %swap3A_828 = arith.constant 13 : i32
          %swap3A_829 = arith.index_cast %swap3A_828 : i32 to index
          %swap3A_830 = arith.constant 96 : index
          %swap3A_831 = tpu.vector_load %arg7[%swap3A_829, %swap3A_830] {strides = array<i32>} : memref<16x128xf32, #tpu.memory_space<vmem>>, vector<16xf32>,
          tpu.vector_store %arg7[%swap3A_829, %swap3A_830], %gather3A_827 {strides = array<i32>} : memref<16x128xf32, #tpu.memory_space<vmem>>, vector<16xf32>,
          %broadcast_in_dim3A_832 = arith.constant 111 : i32
          %broadcast_in_dim3A_833 = vector.broadcast %broadcast_in_dim3A_832 : i32 to vector<16xi32>
          %gather3A_834 = tpu.vector_load_idx %arg5[%iota3A, %broadcast_in_dim3A_833] : memref<16x128xf32, #tpu.memory_space<vmem>>[vector<16xi32>, vector<16xi32>], vector<16xf32>,
          %swap3A_835 = arith.constant 13 : i32
          %swap3A_836 = arith.index_cast %swap3A_835 : i32 to index
          %swap3A_837 = arith.constant 112 : index
          %swap3A_838 = tpu.vector_load %arg7[%swap3A_836, %swap3A_837] {strides = array<i32>} : memref<16x128xf32, #tpu.memory_space<vmem>>, vector<16xf32>,
          tpu.vector_store %arg7[%swap3A_836, %swap3A_837], %gather3A_834 {strides = array<i32>} : memref<16x128xf32, #tpu.memory_space<vmem>>, vector<16xf32>,
          %broadcast_in_dim3A_839 = arith.constant 112 : i32
          %broadcast_in_dim3A_840 = vector.broadcast %broadcast_in_dim3A_839 : i32 to vector<16xi32>
          %gather3A_841 = tpu.vector_load_idx %arg5[%iota3A, %broadcast_in_dim3A_840] : memref<16x128xf32, #tpu.memory_space<vmem>>[vector<16xi32>, vector<16xi32>], vector<16xf32>,
          %swap3A_842 = arith.constant 14 : i32
          %swap3A_843 = arith.index_cast %swap3A_842 : i32 to index
          %swap3A_844 = arith.constant 0 : index
          %swap3A_845 = tpu.vector_load %arg7[%swap3A_843, %swap3A_844] {strides = array<i32>} : memref<16x128xf32, #tpu.memory_space<vmem>>, vector<16xf32>,
          tpu.vector_store %arg7[%swap3A_843, %swap3A_844], %gather3A_841 {strides = array<i32>} : memref<16x128xf32, #tpu.memory_space<vmem>>, vector<16xf32>,
          %broadcast_in_dim3A_846 = arith.constant 113 : i32
          %broadcast_in_dim3A_847 = vector.broadcast %broadcast_in_dim3A_846 : i32 to vector<16xi32>
          %gather3A_848 = tpu.vector_load_idx %arg5[%iota3A, %broadcast_in_dim3A_847] : memref<16x128xf32, #tpu.memory_space<vmem>>[vector<16xi32>, vector<16xi32>], vector<16xf32>,
          %swap3A_849 = arith.constant 14 : i32
          %swap3A_850 = arith.index_cast %swap3A_849 : i32 to index
          %swap3A_851 = arith.constant 16 : index
          %swap3A_852 = tpu.vector_load %arg7[%swap3A_850, %swap3A_851] {strides = array<i32>} : memref<16x128xf32, #tpu.memory_space<vmem>>, vector<16xf32>,
          tpu.vector_store %arg7[%swap3A_850, %swap3A_851], %gather3A_848 {strides = array<i32>} : memref<16x128xf32, #tpu.memory_space<vmem>>, vector<16xf32>,
          %broadcast_in_dim3A_853 = arith.constant 114 : i32
          %broadcast_in_dim3A_854 = vector.broadcast %broadcast_in_dim3A_853 : i32 to vector<16xi32>
          %gather3A_855 = tpu.vector_load_idx %arg5[%iota3A, %broadcast_in_dim3A_854] : memref<16x128xf32, #tpu.memory_space<vmem>>[vector<16xi32>, vector<16xi32>], vector<16xf32>,
          %swap3A_856 = arith.constant 14 : i32
          %swap3A_857 = arith.index_cast %swap3A_856 : i32 to index
          %swap3A_858 = arith.constant 32 : index
          %swap3A_859 = tpu.vector_load %arg7[%swap3A_857, %swap3A_858] {strides = array<i32>} : memref<16x128xf32, #tpu.memory_space<vmem>>, vector<16xf32>,
          tpu.vector_store %arg7[%swap3A_857, %swap3A_858], %gather3A_855 {strides = array<i32>} : memref<16x128xf32, #tpu.memory_space<vmem>>, vector<16xf32>,
          %broadcast_in_dim3A_860 = arith.constant 115 : i32
          %broadcast_in_dim3A_861 = vector.broadcast %broadcast_in_dim3A_860 : i32 to vector<16xi32>
          %gather3A_862 = tpu.vector_load_idx %arg5[%iota3A, %broadcast_in_dim3A_861] : memref<16x128xf32, #tpu.memory_space<vmem>>[vector<16xi32>, vector<16xi32>], vector<16xf32>,
          %swap3A_863 = arith.constant 14 : i32
          %swap3A_864 = arith.index_cast %swap3A_863 : i32 to index
          %swap3A_865 = arith.constant 48 : index
          %swap3A_866 = tpu.vector_load %arg7[%swap3A_864, %swap3A_865] {strides = array<i32>} : memref<16x128xf32, #tpu.memory_space<vmem>>, vector<16xf32>,
          tpu.vector_store %arg7[%swap3A_864, %swap3A_865], %gather3A_862 {strides = array<i32>} : memref<16x128xf32, #tpu.memory_space<vmem>>, vector<16xf32>,
          %broadcast_in_dim3A_867 = arith.constant 116 : i32
          %broadcast_in_dim3A_868 = vector.broadcast %broadcast_in_dim3A_867 : i32 to vector<16xi32>
          %gather3A_869 = tpu.vector_load_idx %arg5[%iota3A, %broadcast_in_dim3A_868] : memref<16x128xf32, #tpu.memory_space<vmem>>[vector<16xi32>, vector<16xi32>], vector<16xf32>,
          %swap3A_870 = arith.constant 14 : i32
          %swap3A_871 = arith.index_cast %swap3A_870 : i32 to index
          %swap3A_872 = arith.constant 64 : index
          %swap3A_873 = tpu.vector_load %arg7[%swap3A_871, %swap3A_872] {strides = array<i32>} : memref<16x128xf32, #tpu.memory_space<vmem>>, vector<16xf32>,
          tpu.vector_store %arg7[%swap3A_871, %swap3A_872], %gather3A_869 {strides = array<i32>} : memref<16x128xf32, #tpu.memory_space<vmem>>, vector<16xf32>,
          %broadcast_in_dim3A_874 = arith.constant 117 : i32
          %broadcast_in_dim3A_875 = vector.broadcast %broadcast_in_dim3A_874 : i32 to vector<16xi32>
          %gather3A_876 = tpu.vector_load_idx %arg5[%iota3A, %broadcast_in_dim3A_875] : memref<16x128xf32, #tpu.memory_space<vmem>>[vector<16xi32>, vector<16xi32>], vector<16xf32>,
          %swap3A_877 = arith.constant 14 : i32
          %swap3A_878 = arith.index_cast %swap3A_877 : i32 to index
          %swap3A_879 = arith.constant 80 : index
          %swap3A_880 = tpu.vector_load %arg7[%swap3A_878, %swap3A_879] {strides = array<i32>} : memref<16x128xf32, #tpu.memory_space<vmem>>, vector<16xf32>,
          tpu.vector_store %arg7[%swap3A_878, %swap3A_879], %gather3A_876 {strides = array<i32>} : memref<16x128xf32, #tpu.memory_space<vmem>>, vector<16xf32>,
          %broadcast_in_dim3A_881 = arith.constant 118 : i32
          %broadcast_in_dim3A_882 = vector.broadcast %broadcast_in_dim3A_881 : i32 to vector<16xi32>
          %gather3A_883 = tpu.vector_load_idx %arg5[%iota3A, %broadcast_in_dim3A_882] : memref<16x128xf32, #tpu.memory_space<vmem>>[vector<16xi32>, vector<16xi32>], vector<16xf32>,
          %swap3A_884 = arith.constant 14 : i32
          %swap3A_885 = arith.index_cast %swap3A_884 : i32 to index
          %swap3A_886 = arith.constant 96 : index
          %swap3A_887 = tpu.vector_load %arg7[%swap3A_885, %swap3A_886] {strides = array<i32>} : memref<16x128xf32, #tpu.memory_space<vmem>>, vector<16xf32>,
          tpu.vector_store %arg7[%swap3A_885, %swap3A_886], %gather3A_883 {strides = array<i32>} : memref<16x128xf32, #tpu.memory_space<vmem>>, vector<16xf32>,
          %broadcast_in_dim3A_888 = arith.constant 119 : i32
          %broadcast_in_dim3A_889 = vector.broadcast %broadcast_in_dim3A_888 : i32 to vector<16xi32>
          %gather3A_890 = tpu.vector_load_idx %arg5[%iota3A, %broadcast_in_dim3A_889] : memref<16x128xf32, #tpu.memory_space<vmem>>[vector<16xi32>, vector<16xi32>], vector<16xf32>,
          %swap3A_891 = arith.constant 14 : i32
          %swap3A_892 = arith.index_cast %swap3A_891 : i32 to index
          %swap3A_893 = arith.constant 112 : index
          %swap3A_894 = tpu.vector_load %arg7[%swap3A_892, %swap3A_893] {strides = array<i32>} : memref<16x128xf32, #tpu.memory_space<vmem>>, vector<16xf32>,
          tpu.vector_store %arg7[%swap3A_892, %swap3A_893], %gather3A_890 {strides = array<i32>} : memref<16x128xf32, #tpu.memory_space<vmem>>, vector<16xf32>,
          %broadcast_in_dim3A_895 = arith.constant 120 : i32
          %broadcast_in_dim3A_896 = vector.broadcast %broadcast_in_dim3A_895 : i32 to vector<16xi32>
          %gather3A_897 = tpu.vector_load_idx %arg5[%iota3A, %broadcast_in_dim3A_896] : memref<16x128xf32, #tpu.memory_space<vmem>>[vector<16xi32>, vector<16xi32>], vector<16xf32>,
          %swap3A_898 = arith.constant 15 : i32
          %swap3A_899 = arith.index_cast %swap3A_898 : i32 to index
          %swap3A_900 = arith.constant 0 : index
          %swap3A_901 = tpu.vector_load %arg7[%swap3A_899, %swap3A_900] {strides = array<i32>} : memref<16x128xf32, #tpu.memory_space<vmem>>, vector<16xf32>,
          tpu.vector_store %arg7[%swap3A_899, %swap3A_900], %gather3A_897 {strides = array<i32>} : memref<16x128xf32, #tpu.memory_space<vmem>>, vector<16xf32>,
          %broadcast_in_dim3A_902 = arith.constant 121 : i32
          %broadcast_in_dim3A_903 = vector.broadcast %broadcast_in_dim3A_902 : i32 to vector<16xi32>
          %gather3A_904 = tpu.vector_load_idx %arg5[%iota3A, %broadcast_in_dim3A_903] : memref<16x128xf32, #tpu.memory_space<vmem>>[vector<16xi32>, vector<16xi32>], vector<16xf32>,
          %swap3A_905 = arith.constant 15 : i32
          %swap3A_906 = arith.index_cast %swap3A_905 : i32 to index
          %swap3A_907 = arith.constant 16 : index
          %swap3A_908 = tpu.vector_load %arg7[%swap3A_906, %swap3A_907] {strides = array<i32>} : memref<16x128xf32, #tpu.memory_space<vmem>>, vector<16xf32>,
          tpu.vector_store %arg7[%swap3A_906, %swap3A_907], %gather3A_904 {strides = array<i32>} : memref<16x128xf32, #tpu.memory_space<vmem>>, vector<16xf32>,
          %broadcast_in_dim3A_909 = arith.constant 122 : i32
          %broadcast_in_dim3A_910 = vector.broadcast %broadcast_in_dim3A_909 : i32 to vector<16xi32>
          %gather3A_911 = tpu.vector_load_idx %arg5[%iota3A, %broadcast_in_dim3A_910] : memref<16x128xf32, #tpu.memory_space<vmem>>[vector<16xi32>, vector<16xi32>], vector<16xf32>,
          %swap3A_912 = arith.constant 15 : i32
          %swap3A_913 = arith.index_cast %swap3A_912 : i32 to index
          %swap3A_914 = arith.constant 32 : index
          %swap3A_915 = tpu.vector_load %arg7[%swap3A_913, %swap3A_914] {strides = array<i32>} : memref<16x128xf32, #tpu.memory_space<vmem>>, vector<16xf32>,
          tpu.vector_store %arg7[%swap3A_913, %swap3A_914], %gather3A_911 {strides = array<i32>} : memref<16x128xf32, #tpu.memory_space<vmem>>, vector<16xf32>,
          %broadcast_in_dim3A_916 = arith.constant 123 : i32
          %broadcast_in_dim3A_917 = vector.broadcast %broadcast_in_dim3A_916 : i32 to vector<16xi32>
          %gather3A_918 = tpu.vector_load_idx %arg5[%iota3A, %broadcast_in_dim3A_917] : memref<16x128xf32, #tpu.memory_space<vmem>>[vector<16xi32>, vector<16xi32>], vector<16xf32>,
          %swap3A_919 = arith.constant 15 : i32
          %swap3A_920 = arith.index_cast %swap3A_919 : i32 to index
          %swap3A_921 = arith.constant 48 : index
          %swap3A_922 = tpu.vector_load %arg7[%swap3A_920, %swap3A_921] {strides = array<i32>} : memref<16x128xf32, #tpu.memory_space<vmem>>, vector<16xf32>,
          tpu.vector_store %arg7[%swap3A_920, %swap3A_921], %gather3A_918 {strides = array<i32>} : memref<16x128xf32, #tpu.memory_space<vmem>>, vector<16xf32>,
          %broadcast_in_dim3A_923 = arith.constant 124 : i32
          %broadcast_in_dim3A_924 = vector.broadcast %broadcast_in_dim3A_923 : i32 to vector<16xi32>
          %gather3A_925 = tpu.vector_load_idx %arg5[%iota3A, %broadcast_in_dim3A_924] : memref<16x128xf32, #tpu.memory_space<vmem>>[vector<16xi32>, vector<16xi32>], vector<16xf32>,
          %swap3A_926 = arith.constant 15 : i32
          %swap3A_927 = arith.index_cast %swap3A_926 : i32 to index
          %swap3A_928 = arith.constant 64 : index
          %swap3A_929 = tpu.vector_load %arg7[%swap3A_927, %swap3A_928] {strides = array<i32>} : memref<16x128xf32, #tpu.memory_space<vmem>>, vector<16xf32>,
          tpu.vector_store %arg7[%swap3A_927, %swap3A_928], %gather3A_925 {strides = array<i32>} : memref<16x128xf32, #tpu.memory_space<vmem>>, vector<16xf32>,
          %broadcast_in_dim3A_930 = arith.constant 125 : i32
          %broadcast_in_dim3A_931 = vector.broadcast %broadcast_in_dim3A_930 : i32 to vector<16xi32>
          %gather3A_932 = tpu.vector_load_idx %arg5[%iota3A, %broadcast_in_dim3A_931] : memref<16x128xf32, #tpu.memory_space<vmem>>[vector<16xi32>, vector<16xi32>], vector<16xf32>,
          %swap3A_933 = arith.constant 15 : i32
          %swap3A_934 = arith.index_cast %swap3A_933 : i32 to index
          %swap3A_935 = arith.constant 80 : index
          %swap3A_936 = tpu.vector_load %arg7[%swap3A_934, %swap3A_935] {strides = array<i32>} : memref<16x128xf32, #tpu.memory_space<vmem>>, vector<16xf32>,
          tpu.vector_store %arg7[%swap3A_934, %swap3A_935], %gather3A_932 {strides = array<i32>} : memref<16x128xf32, #tpu.memory_space<vmem>>, vector<16xf32>,
          %broadcast_in_dim3A_937 = arith.constant 126 : i32
          %broadcast_in_dim3A_938 = vector.broadcast %broadcast_in_dim3A_937 : i32 to vector<16xi32>
          %gather3A_939 = tpu.vector_load_idx %arg5[%iota3A, %broadcast_in_dim3A_938] : memref<16x128xf32, #tpu.memory_space<vmem>>[vector<16xi32>, vector<16xi32>], vector<16xf32>,
          %swap3A_940 = arith.constant 15 : i32
          %swap3A_941 = arith.index_cast %swap3A_940 : i32 to index
          %swap3A_942 = arith.constant 96 : index
          %swap3A_943 = tpu.vector_load %arg7[%swap3A_941, %swap3A_942] {strides = array<i32>} : memref<16x128xf32, #tpu.memory_space<vmem>>, vector<16xf32>,
          tpu.vector_store %arg7[%swap3A_941, %swap3A_942], %gather3A_939 {strides = array<i32>} : memref<16x128xf32, #tpu.memory_space<vmem>>, vector<16xf32>,
          %broadcast_in_dim3A_944 = arith.constant 127 : i32
          %broadcast_in_dim3A_945 = vector.broadcast %broadcast_in_dim3A_944 : i32 to vector<16xi32>
          %gather3A_946 = tpu.vector_load_idx %arg5[%iota3A, %broadcast_in_dim3A_945] : memref<16x128xf32, #tpu.memory_space<vmem>>[vector<16xi32>, vector<16xi32>], vector<16xf32>,
          %swap3A_947 = arith.constant 15 : i32
          %swap3A_948 = arith.index_cast %swap3A_947 : i32 to index
          %swap3A_949 = arith.constant 112 : index
          %swap3A_950 = tpu.vector_load %arg7[%swap3A_948, %swap3A_949] {strides = array<i32>} : memref<16x128xf32, #tpu.memory_space<vmem>>, vector<16xf32>,
          tpu.vector_store %arg7[%swap3A_948, %swap3A_949], %gather3A_946 {strides = array<i32>} : memref<16x128xf32, #tpu.memory_space<vmem>>, vector<16xf32>,
          %add3A_951 = arith.addi %mul3A_2, %add3A_42 : i32
          %mul3A_952 = arith.constant 16 : i32
          %mul3A_953 = arith.muli %add3A_951, %mul3A_952 : i32
          %dma_start3A_954 = arith.constant 0 : i32
          %dma_start3A_955 = tpu.memref_slice %arg3[%mul3A_953, %dma_start3A_954] : memref<125000x128xf32, #tpu.memory_space<hbm>> -> memref<16x128xf32, #tpu.memory_space<hbm>>
          %dma_start3A_956 = arith.constant 0 : i32
          %dma_start3A_957 = tpu.memref_slice %arg3[%mul3A_953, %dma_start3A_956] : memref<125000x128xf32, #tpu.memory_space<hbm>> -> memref<16x128xf32, #tpu.memory_space<hbm>>
          tpu.enqueue_dma source(%arg7 : memref<16x128xf32, #tpu.memory_space<vmem>>) target(%dma_start3A_957 : memref<16x128xf32, #tpu.memory_space<hbm>>) target_semaphore(%arg11 : memref<!tpu.dma_semaphore, #tpu.memory_space<semaphore_mem>>)
          %add3A_958 = arith.constant 2 : i32
          %add3A_959 = arith.addi %add3A_42, %add3A_958 : i32
          %lt3A_960 = arith.cmpi slt, %add3A_959, %min3A_5 : i32
          %convert_element_type3A_961 = arith.extui %lt3A_960 : i1 to i32
          %cond3A_962 = arith.constant 0 : i32
          %cond3A_963 = arith.cmpi ne, %convert_element_type3A_961, %cond3A_962 : i32
          scf.if %cond3A_963 {
            %add3A_964 = arith.constant 2 : i32
            %add3A_965 = arith.addi %add3A_42, %add3A_964 : i32
            %add3A_966 = arith.addi %mul3A_2, %add3A_965 : i32
            %mul3A_967 = arith.constant 128 : i32
            %mul3A_968 = arith.muli %add3A_966, %mul3A_967 : i32
            %dma_start3A_969 = arith.constant 0 : i32
            %dma_start3A_970 = tpu.memref_slice %arg2[%dma_start3A_969, %mul3A_968] : memref<16x1000000xf32, #tpu.memory_space<hbm>> -> memref<16x128xf32, #tpu.memory_space<hbm>>
            %dma_start3A_971 = arith.constant 0 : i32
            %dma_start3A_972 = tpu.memref_slice %arg2[%dma_start3A_971, %mul3A_968] : memref<16x1000000xf32, #tpu.memory_space<hbm>> -> memref<16x128xf32, #tpu.memory_space<hbm>>
            tpu.enqueue_dma source(%dma_start3A_972 : memref<16x128xf32, #tpu.memory_space<hbm>>) target(%arg5 : memref<16x128xf32, #tpu.memory_space<vmem>>) target_semaphore(%arg9 : memref<!tpu.dma_semaphore, #tpu.memory_space<semaphore_mem>>)
          } else {
          }
        } else {
        }
      }
      %scan3A_23 = arith.constant 123 : i32
      %ge3A = arith.constant 2 : i32
      %ge3A_24 = arith.cmpi sge, %min3A_5, %ge3A : i32
      %convert_element_type3A_25 = arith.extui %ge3A_24 : i1 to i32
      %cond3A_26 = arith.constant 0 : i32
      %cond3A_27 = arith.cmpi ne, %convert_element_type3A_25, %cond3A_26 : i32
      scf.if %cond3A_27 {
        %sub3A_33 = arith.constant 2 : i32
        %sub3A_34 = arith.subi %min3A_5, %sub3A_33 : i32
        %add3A_35 = arith.addi %mul3A_2, %sub3A_34 : i32
        %mul3A_36 = arith.constant 16 : i32
        %mul3A_37 = arith.muli %add3A_35, %mul3A_36 : i32
        %dma_wait3A = arith.constant 0 : i32
        %dma_wait3A_38 = tpu.memref_slice %arg3[%mul3A_37, %dma_wait3A] : memref<125000x128xf32, #tpu.memory_space<hbm>> -> memref<16x128xf32, #tpu.memory_space<hbm>>
        %dma_wait3A_39 = arith.constant 0 : i32
        %dma_wait3A_40 = tpu.memref_slice %arg3[%mul3A_37, %dma_wait3A_39] : memref<125000x128xf32, #tpu.memory_space<hbm>> -> memref<16x128xf32, #tpu.memory_space<hbm>>
        tpu.wait_dma2 semaphore(%arg11 : memref<!tpu.dma_semaphore, #tpu.memory_space<semaphore_mem>>) src(%arg7 : memref<16x128xf32, #tpu.memory_space<vmem>>) dst(%dma_wait3A_40 : memref<16x128xf32, #tpu.memory_space<hbm>>)
      } else {
      }
      %ge3A_28 = arith.constant 1 : i32
      %ge3A_29 = arith.cmpi sge, %min3A_5, %ge3A_28 : i32
      %convert_element_type3A_30 = arith.extui %ge3A_29 : i1 to i32
      %cond3A_31 = arith.constant 0 : i32
      %cond3A_32 = arith.cmpi ne, %convert_element_type3A_30, %cond3A_31 : i32
      scf.if %cond3A_32 {
        %sub3A_33 = arith.constant 1 : i32
        %sub3A_34 = arith.subi %min3A_5, %sub3A_33 : i32
        %add3A_35 = arith.addi %mul3A_2, %sub3A_34 : i32
        %mul3A_36 = arith.constant 16 : i32
        %mul3A_37 = arith.muli %add3A_35, %mul3A_36 : i32
        %dma_wait3A = arith.constant 0 : i32
        %dma_wait3A_38 = tpu.memref_slice %arg3[%mul3A_37, %dma_wait3A] : memref<125000x128xf32, #tpu.memory_space<hbm>> -> memref<16x128xf32, #tpu.memory_space<hbm>>
        %dma_wait3A_39 = arith.constant 0 : i32
        %dma_wait3A_40 = tpu.memref_slice %arg3[%mul3A_37, %dma_wait3A_39] : memref<125000x128xf32, #tpu.memory_space<hbm>> -> memref<16x128xf32, #tpu.memory_space<hbm>>
        tpu.wait_dma2 semaphore(%arg10 : memref<!tpu.dma_semaphore, #tpu.memory_space<semaphore_mem>>) src(%arg6 : memref<16x128xf32, #tpu.memory_space<vmem>>) dst(%dma_wait3A_40 : memref<16x128xf32, #tpu.memory_space<hbm>>)
      } else {
      }
    } else {
    }
    return
  }
}

</mosaic_0001>

<sc_bundles>
// kernel: kernel.4.cloned.1.call-start
scs
__scs_entry_jumppad:
0x0: {  	(pc) =	sbr.rel $0x88, $3  }
0x1: {  	(tag) =	ssettag $0x0;
	lr =	simm.s32 $0x1  }
0x2: {  	[smem:$0x3F9F] =	sst lr;
	_ =	strace $0xD0000000  }
0x3: {  	_ = 	snop  }
0x4: {  	_ = 	snop  }
0x5: {  	_ = 	snop  }
0x6: {  	_ = 	snop  }
0x7: {  	_ = 	snop  }
__scs_overlays_trampoline_lowered:
0x8: {  	[smem:$0x3FAE] =	sst s0  }
0x9: {  	[smem:$0x3FAF] =	sst s1  }
0xa: {  	[smem:$0x3FB0] =	sst s2  }
0xb: {  	[smem:$0x3FB1] =	sst s3  }
0xc: {  	[smem:$0x3FB2] =	sst s4  }
0xd: {  	[smem:$0x3FB3] =	sst s5  }
0xe: {  	[smem:$0x3FB4] =	sst s6  }
0xf: {  	[smem:$0x3FB5] =	sst s7  }
0x10: {  	[smem:$0x3FB6] =	sst s8  }
0x11: {  	[smem:$0x3FB7] =	sst s9;
	s0 =	simm.s32 @!p0 $0x0  }
0x12: {  	s1 =	sld [smem:$0x3F9D];
	s0 =	simm.s32 @p0 $0x1  }
0x13: {  	[smem:$0x3FB8] =	sst s0;
	s0 =	simm.s32 @!p1 $0x0  }
0x14: {  	s2 =	sld [smem:$0x3F9C];
	s0 =	simm.s32 @p1 $0x1  }
0x15: {  	[smem:$0x3FB9] =	sst s0;
	s0 =	simm.s32 @!p2 $0x0  }
0x16: {  	s3 =	sld [smem:$0x3FDB];
	s0 =	simm.s32 @p2 $0x1  }
0x17: {  	s4 =	simm.s32 $0x1BF5;
	[smem:$0x3FBB] =	sst s0  }
0x18: {  	s0 =	sld [smem:$0x3F9E];
	_ =	swait.ge [sflag:s4], $0x0  }
0x19: {  	s7 =	sld [smem:$0x3F9F]  }
0x1a: {  	s8 =	sadd.s32 $0xFFFFE003, lr  }
0x1b: {  	s9 =	sadd.s32 $0xFFFFFEF7, lr;
	s5 =	simm.s32 $0xFFFFFFFF;
	p2 =	slt.u32 s8, $0xFFFFF086  }
0x1c: {  	p1 =	slt.u32 s9, $0xF7A;
	s5 =	simm.s32 @!p2 $0x0  }
0x1d: {  	s5 =	simm.s32 @p1 $0x1;
	p0 =	seq.s32 s7, s2  }
0x1e: {  	s7 =	smul.u32 @!p0 $0xF7A, s2;
	p2 =	seq.s32 @!p0 s5, $0x0  }
0x1f: {  	s9 =	smul.u32 $0xF7A, s1;
	s8 =	simm.s32 @!p0 $0x1BF5;
	p2 =	por !p2, p0  }
0x20: {  	[sflag:s8] =	ssyncset.s32 @!p0 $0xFFFFF086;
	s6 =	sadd.s32 @!p0 s3, s7;
	s7 =	simm.s32 @!p0 $0x108  }
0x21: {  	s3 =	sadd.s32 s3, s9;
	s6 =	sadd.s32 @!p0 $0x88, s6;
	s7 =	simm.s32 @p2 $0x1082  }
0x22: {  	[simem:s7], [sflag:s8] =	dma.local @!p0 [hbm:s6], $0xF7A  }
0x23: {  	s9 =	sor.u32 $0xD0000000, s2;
	s6 =	simm.s32 $0x108;
	_ =	swait.ge @!p0 [sflag:s8], $0x0  }
0x24: {  	s3 =	sadd.s32 $0x88, s3;
	s6 =	simm.s32 @!p1 $0x1082;
	[sflag:s4] =	ssyncset.s32 $0xFFFFF086  }
0x25: {  	[simem:s6], [sflag:s4] =	dma.local [hbm:s3], $0xF7A  }
0x26: {  	[smem:$0x3F9F] =	sst s1;
	(tag) =	ssettag s2;
	_ =	strace s9  }
0x27: {  	s1 =	sld [smem:$0x3FAF]  }
0x28: {  	s2 =	sld [smem:$0x3FB0]  }
0x29: {  	s4 =	sld [smem:$0x3FB2]  }
0x2a: {  	p0 =	seq.s32 s5, $0x0;
	s5 =	sld [smem:$0x3FB3]  }
0x2b: {  	s6 =	sld [smem:$0x3FB4]  }
0x2c: {  	s7 =	sld [smem:$0x3FB5]  }
0x2d: {  	s3 =	simm.s32 $0x108;
	s8 =	sld [smem:$0x3FB6]  }
0x2e: {  	s3 =	simm.s32 @!p0 $0x1082;
	s9 =	sld [smem:$0x3FB7]  }
0x2f: {  	lr =	sadd.s32 s0, s3;
	s0 =	sld [smem:$0x3FAE]  }
0x30: {  	s3 =	sld [smem:$0x3FB1]  }
0x31: {  	[smem:$0x3FBA] =	sst s10  }
0x32: {  	s10 =	sld [smem:$0x3FB8];
	_ =	sdelay $0x3  }
0x33: {  	p0 =	seq.s32 s10, $0x1;
	s10 =	sld [smem:$0x3FBA];
	_ =	sdelay $0x3  }
0x34: {  	[smem:$0x3FBA] =	sst s10  }
0x35: {  	s10 =	sld [smem:$0x3FB9];
	_ =	sdelay $0x3  }
0x36: {  	p1 =	seq.s32 s10, $0x1;
	s10 =	sld [smem:$0x3FBA];
	_ =	sdelay $0x3  }
0x37: {  	[smem:$0x3FBA] =	sst s10  }
0x38: {  	s10 =	sld [smem:$0x3FBB]  }
0x39: {  	_ = 	snop;
	(pc) =	sbr.ind lr, $3  }
0x3a: {  	_ = 	snop  }
0x3b: {  	_ = 	snop  }
0x3c: {  	p2 =	seq.s32 s10, $0x1;
	s10 =	sld [smem:$0x3FBA]  }
0x3d: {  	_ =	shalt  }
0x3e: {  	_ =	shalt  }
0x3f: {  	_ =	shalt  }
0x40: {  	_ =	shalt  }
0x41: {  	_ =	shalt  }
0x42: {  	_ =	shalt  }
0x43: {  	_ =	shalt  }
0x44: {  	_ =	shalt  }
0x45: {  	_ =	shalt  }
0x46: {  	_ =	shalt  }
0x47: {  	_ =	shalt  }
0x48: {  	_ =	shalt  }
0x49: {  	_ =	shalt  }
0x4a: {  	_ =	shalt  }
0x4b: {  	_ =	shalt  }
0x4c: {  	_ =	shalt  }
0x4d: {  	_ =	shalt  }
0x4e: {  	_ =	shalt  }
0x4f: {  	_ =	shalt  }
0x50: {  	_ =	shalt  }
0x51: {  	_ =	shalt  }
0x52: {  	_ =	shalt  }
0x53: {  	_ =	shalt  }
0x54: {  	_ =	shalt  }
0x55: {  	_ =	shalt  }
0x56: {  	_ =	shalt  }
0x57: {  	_ =	shalt  }
0x58: {  	_ =	shalt  }
0x59: {  	_ =	shalt  }
0x5a: {  	_ =	shalt  }
0x5b: {  	_ =	shalt  }
0x5c: {  	_ =	shalt  }
0x5d: {  	_ =	shalt  }
0x5e: {  	_ =	shalt  }
0x5f: {  	_ =	shalt  }
0x60: {  	_ =	shalt  }
0x61: {  	_ =	shalt  }
0x62: {  	_ =	shalt  }
0x63: {  	_ =	shalt  }
0x64: {  	_ =	shalt  }
0x65: {  	_ =	shalt  }
0x66: {  	_ =	shalt  }
0x67: {  	_ =	shalt  }
0x68: {  	_ =	shalt  }
0x69: {  	_ =	shalt  }
0x6a: {  	_ =	shalt  }
0x6b: {  	_ =	shalt  }
0x6c: {  	_ =	shalt  }
0x6d: {  	_ =	shalt  }
0x6e: {  	_ =	shalt  }
0x6f: {  	_ =	shalt  }
0x70: {  	_ =	shalt  }
0x71: {  	_ =	shalt  }
0x72: {  	_ =	shalt  }
0x73: {  	_ =	shalt  }
0x74: {  	_ =	shalt  }
0x75: {  	_ =	shalt  }
0x76: {  	_ =	shalt  }
0x77: {  	_ =	shalt  }
0x78: {  	_ =	shalt  }
0x79: {  	_ =	shalt  }
0x7a: {  	_ =	shalt  }
0x7b: {  	_ =	shalt  }
0x7c: {  	_ =	shalt  }
0x7d: {  	_ =	shalt  }
0x7e: {  	_ =	shalt  }
0x7f: {  	_ =	shalt  }
0x80: {  	_ =	shalt  }
0x81: {  	_ =	shalt  }
0x82: {  	_ =	shalt  }
0x83: {  	_ =	shalt  }
0x84: {  	_ =	shalt  }
0x85: {  	_ =	shalt  }
0x86: {  	_ =	shalt  }
0x87: {  	_ =	shalt  }
.Lfunc_end0:
.L_simem_size_0:
called_computation_lowered:
.L_overlay_start_0:
0x88: {  	s2 =	sld [smem:$0x3FD9]  }
0x89: {  	s3 =	sld [smem:$0x3FFE];
	_ =	sdelay $0x1  }
0x8a: {  	s1 =	srdreg.scid  }
0x8b: {  	s0 =	sand.u32 $0x1, s1  }
0x8c: {  	s17 =	sshll.u32 s0, $0xA;
	s2 =	sadd.s32 s3, s2  }
0x8d: {  	s2 =	sadd.s32 s2, s17  }
0x8e: {  	[smem:$0x3FC6] =	sst s2  }
0x8f: {  	_ = 	snop  }
0x90: {  	s2 =	sld [smem:$0x3FC8];
	(tm) =	ssettm $0x1  }
0x91: {  	s18 =	sld [smem:$0x3FFB];
	_ =	sdelay $0x3  }
0x92: {  	_ =	strace s18  }
0x93: {  	s3 =	sld [smem:$0x3FFC];
	_ =	sdelay $0x3  }
0x94: {  	_ =	strace s3  }
0x95: {  	s3 =	sld [smem:$0x3FFD];
	_ =	sdelay $0x3  }
0x96: {  	_ =	strace s3  }
0x97: {  	_ =	strace $0x8FFFFFFF  }
0x98: {  	s19 =	sld [smem:$0x3FDB];
	_ =	sdelay $0x1  }
0x99: {  	s4 =	simm.s32 $_scs_section_size  }
0x9a: {  	s5 =	simm.s32 $_size__tile_overlayer_lowered;
	s6 =	simm.s32 $_tile_overlayer_lowered  }
0x9b: {  	s22 =	simm.s32 $0x1BFF;
	s21 =	sshll.u32 s6, $0x1;
	s3 =	sadd.s32 s4, s19  }
0x9c: {  	s7 =	simm.s32 $0x0;
	s20 =	sshll.u32 s5, $0x1;
	s5 =	sadd.s32 s21, s3  }
0x9d: {  	[timem:s7], [sflag:s22] =	dma.local [hbm:s5], s20  }
0x9e: {  	_ =	swait.ge [sflag:s22], s20  }
0x9f: {  	s4 =	ssub.s32 $0x0, s20;
	[sflag:s22] =	ssyncset.done $0x0  }
0xa0: {  	[sflag:s22] =	ssyncadd.s32 s4;
	_ =	sdelay $0x1  }
0xa1: {  	s23 =	simm.s32 $0x1B8B  }
0xa2: {  	_ =	swait.ge [sflag:s23], $0x1  }
0xa3: {  	[sflag:s23] =	ssyncset.done $0x0  }
0xa4: {  	s25 =	simm.s32 $0x1B8E;
	s24 =	sld [smem:$0x3FFE];
	[sflag:s23] =	ssyncadd.s32 $0xFFFFFFFF  }
0xa5: {  	s26 =	simm.s32 $execute0_lowered;
	[smem:$0x3FD2] =	sst s25  }
0xa6: {  	s5 =	sshll.u32 s26, $0x1;
	_ =	strace $0x80000046;
	[dreg:$0x1] =	wrdreg $0xFFFFFFFF  }
0xa7: {  	s28 =	simm.s32 $_size_execute0_lowered;
	s3 =	sadd.s32 s3, s5;
	[dreg:$0x0] =	wrdreg $0x0  }
0xa8: {  	s5 =	sshll.u32 s28, $0x1;
	[dreg:$0x2] =	wrdreg s3  }
0xa9: {  	[dreg:$0x3] =	wrdreg s5  }
0xaa: {  	[dreg:$0x4] =	wrdreg $0xC0  }
0xab: {  	_ =	task [dreg:s7], $0x5FFFF  }
0xac: {  	[dreg:$0x1] =	wrdreg $0xFFFFFFFF  }
0xad: {  	[dreg:$0x0] =	wrdreg $0x60  }
0xae: {  	[dreg:$0x2] =	wrdreg s2  }
0xaf: {  	[dreg:$0x3] =	wrdreg s24  }
0xb0: {  	[dreg:$0x4] =	wrdreg $0x9  }
0xb1: {  	_ =	task.clear_ibuf [dreg:s7], $0x5FFFF;
	_ =	strace $0x90000046  }
0xb2: {  	s29 =	simm.s32 $0x9;
	_ =	strace $0x80000048  }
0xb3: {  	_ =	swait.ge [sflag:s29], $0x1  }
0xb4: {  	[sflag:s29] =	ssyncadd.s32 $0xFFFFFFFF  }
0xb5: {  	_ =	strace $0x90000048  }
0xb6: {  	_ =	sfence  }
0xb7: {  	s30 =	sld [smem:$0x0];
	_ =	sdelay $0x2  }
0xb8: {  	s31 =	sshll.u32 s1, $0xD;
	s1 =	sshrl.u32 s1, $0x2  }
0xb9: {  	s3 =	sand.u32 $0x4000, s31;
	s1 =	sadd.s32 s1, s30  }
0xba: {  	s0 =	sor.u32 s3, s0;
	s1 =	sshll.u32 s1, $0x11  }
0xbb: {  	s0 =	sor.u32 s1, s0  }
0xbc: {  	s0 =	sadd.s32 $0x8F2B, s0  }
0xbd: {  	[sflag:s0] =	ssyncadd.remote.s32 $0x1  }
0xbe: {  	_ =	sfence.sel $0xFFFF  }
0xbf: {  	[dreg:$0x0] =	wrdreg $0xFFFFFFFF;
	(pc) =	sbr.abs _section_cstart, $3  }
0xc0: {  	[dreg:$0x1] =	wrdreg $0xFFFFFFFF  }
0xc1: {  	_ =	task.clear_ibuf [dreg:s7], $0x2FFFF;
	_ =	strace $0x9FFFFFFF  }
0xc2: {  	(tm) =	ssettm $0x7FFFFFFF  }
0xc3: {  	_ =	shalt  }
tec
execute0_lowered:
.L_overlay_start_1:
0x0: {  	(tag) =	ssettag $0x1  }
0x1: {  	v0 =	vlaneseq.u32  }
0x2: {  	v0 =	vmul.u32 $0x80, v0;
	_ =	sdelay $0x1  }
0x3: {  	v1 =	vor.u32 $0x1, v0;
	v3 =	vor.u32 $0x3, v0;
	v4 =	vor.u32 $0x4, v0  }
0x4: {  	v5 =	vor.u32 $0x5, v0;
	v6 =	vor.u32 $0x6, v0;
	v7 =	vor.u32 $0x7, v0  }
0x5: {  	v8 =	vor.u32 $0x8, v0;
	v9 =	vor.u32 $0x9, v0;
	v10 =	vor.u32 $0xA, v0  }
0x6: {  	s7 =	rddreg [dreg:$0x0];
	v11 =	vor.u32 $0xB, v0;
	v12 =	vor.u32 $0xC, v0;
	v13 =	vor.u32 $0xD, v0  }
0x7: {  	s0 =	srdreg.scid;
	s3 =	rddreg [dreg:$0x1];
	v14 =	vor.u32 $0xE, v0;
	v15 =	vor.u32 $0xF, v0;
	v16 =	vor.u32 $0x10, v0  }
0x8: {  	s1 =	rddreg [dreg:$0x2];
	s2 =	simm.s32 $0x0;
	s13 =	simm.s32 $0x800;
	v17 =	vor.u32 $0x11, v0;
	v18 =	vor.u32 $0x12, v0;
	v19 =	vor.u32 $0x13, v0  }
0x9: {  	s14 =	simm.s32 $0x1;
	s8 =	sand.u32 $0x1, s0;
	s0 =	stileid.u32;
	v20 =	vor.u32 $0x14, v0;
	v21 =	vor.u32 $0x15, v0;
	v22 =	vor.u32 $0x16, v0  }
0xa: {  	s15 =	simm.s32 $0x1000;
	s16 =	simm.s32 $0x2;
	s30 =	smul.u32 $0xF5, s0;
	v23 =	vor.u32 $0x17, v0;
	v24 =	vor.u32 $0x18, v0;
	v25 =	vor.u32 $0x19, v0  }
0xb: {  	s17 =	simm.s32 $0x1800;
	s18 =	simm.s32 $0x4;
	s12 =	smul.u32 $0xF50, s8;
	v26 =	vor.u32 $0x1A, v0;
	v27 =	vor.u32 $0x1B, v0;
	v28 =	vor.u32 $0x1C, v0  }
0xc: {  	s4 =	sshll.u32 s8, $0x4;
	s6 =	ssub.s32 $0x2, s8;
	s8 =	smul.u32 $0xF5000, s8;
	v29 =	vor.u32 $0x1D, v0;
	v30 =	vor.u32 $0x1E, v0;
	v31 =	vor.u32 $0x1F, v0  }
0xd: {  	s19 =	simm.s32 $0x3;
	s31 =	smul.u32 $0xF500, s0;
	s4 =	sor.u32 s0, s4;
	v32 =	vor.u32 $0x20, v0;
	v33 =	vor.u32 $0x21, v0;
	v34 =	vor.u32 $0x22, v0  }
0xe: {  	s20 =	simm.s32 $0x0;
	[smem:$0x7FF] =	sst s2;
	v35 =	vor.u32 $0x23, v0;
	v36 =	vor.u32 $0x24, v0;
	v37 =	vor.u32 $0x25, v0;
	s5 =	smul.u32 $0xF5, s4  }
0xf: {  	s10 =	sadd.s32 $0x800, s3;
	s28 =	sshrl.u32 s6, $0x1;
	v38 =	vor.u32 $0x26, v0;
	v39 =	vor.u32 $0x27, v0;
	[tilespmem:$0x1FFE0] =	vst v1;
	v1 =	vor.u32 $0x2, v0;
	s9 =	smul.u32 $0x3D400, s4  }
0x10: {  	v40 =	vor.u32 $0x28, v0;
	v41 =	vor.u32 $0x29, v0;
	v42 =	vor.u32 $0x2A, v0;
	s4 =	smul.u32 $0x7A80, s4;
	s6 =	ssub.s32 s6, s28;
	s8 =	sadd.s32 s8, s10;
	[tilespmem:$0x1FFF0] =	vst v1  }
0x11: {  	v43 =	vor.u32 $0x2B, v0;
	v44 =	vor.u32 $0x2C, v0;
	v45 =	vor.u32 $0x2D, v0;
	s6 =	smax.u32 s6, $0x1;
	_ =	strace $0x80000047;
	s29 =	sshrl.u32 s9, $0x3  }
0x12: {  	v46 =	vor.u32 $0x2E, v0;
	v47 =	vor.u32 $0x2F, v0;
	v48 =	vor.u32 $0x30, v0;
	s5 =	ssub.s32 $0x1E84, s5;
	s4 =	sadd.s32 s7, s4;
	s9 =	sadd.s32 s30, s12  }
.Ltmp0:
0x13: {  	v49 =	vor.u32 $0x31, v0;
	v50 =	vor.u32 $0x32, v0;
	v51 =	vor.u32 $0x33, v0;
	s11 =	sadd.s32 s7, s29;
	s3 =	smin.u32 s5, $0xF5;
	(pc) =	sbr.rel .LBB2_1-.Ltmp0, $4  }
0x14: {  	v52 =	vor.u32 $0x34, v0;
	v53 =	vor.u32 $0x35, v0;
	v54 =	vor.u32 $0x36, v0;
	s12 =	sshll.u32 s9, $0x7;
	s9 =	sshll.u32 s9, $0x8;
	s5 =	sadd.s32 $0x80, s11  }
0x15: {  	v55 =	vor.u32 $0x37, v0;
	v56 =	vor.u32 $0x38, v0;
	v57 =	vor.u32 $0x39, v0;
	s12 =	sadd.s32 s12, s7;
	s9 =	sadd.s32 $0x100, s9;
	s7 =	sadd.s32 s31, s8  }
0x16: {  	v58 =	vor.u32 $0x3A, v0;
	v59 =	vor.u32 $0x3B, v0;
	v60 =	vor.u32 $0x3C, v0;
	s11 =	simm.s32 $0x400;
	s8 =	sadd.s32 $0x100, s12;
	s9 =	sand.u32 $0x1FFF00, s9  }
0x17: {  	v61 =	vor.u32 $0x3D, v0;
	v62 =	vor.u32 $0x3E, v0;
	v63 =	vor.u32 $0x3F, v0;
	s9 =	sadd.s32 s9, s10;
	s10 =	sadd.s32 $0x180, s12;
	s12 =	simm.s32 $0x7A1400  }
.LBB2_7:
0x18: {  	s20 =	sadd.s32 $0x1, s20  }
0x19: {  	_ =	swait.ge [sflag:s18], $0x800;
	p0 =	sne.s32 s20, s6  }
.Ltmp1:
0x1a: {  	[sflag:s18] =	ssyncset.done $0x0;
	(pc) =	sbr.rel @!p0 .LBB2_8-.Ltmp1, $4  }
0x1b: {  	[sflag:s18] =	ssyncadd.s32 $0xFFFFF800  }
0x1c: {  	_ =	swait.ge [sflag:s19], $0x800  }
0x1d: {  	[sflag:s19] =	ssyncset.done $0x0  }
0x1e: {  	[sflag:s19] =	ssyncadd.s32 $0xFFFFF800  }
.LBB2_1:
.Ltmp2:
0x1f: {  	(pc) =	sbr.rel .LBB2_2-.Ltmp2, $4  }
0x20: {  	[tilespmem:s2], [sflag:$0x1] =	stream.strided.gather [hbm4b:s4+s11], $0x800, s12, s11, $0x38;
	[tilespmem:$0x2000] =	vst v63  }
0x21: {  	s21 =	smov.u32 s10;
	s22 =	smov.u32 s9  }
0x22: {  	s23 =	smov.u32 s8;
	s24 =	smov.u32 s7;
	s25 =	simm.s32 $0x0  }
0x23: {  	[tilespmem:s13], [sflag:$0x2] =	stream.strided.gather [hbm4b:s5+s11], $0x800, s12, s11, $0x38;
	[tilespmem:$0x2000] =	vst v63  }
.LBB2_6:
0x24: {  	s25 =	sadd.s32 $0x2, s25  }
0x25: {  	p0 =	sne.s32 s25, $0xF6  }
.Ltmp3:
0x26: {  	_ = 	snop;
	(pc) =	sbr.rel @!p0 .LBB2_7-.Ltmp3, $3  }
0x27: {  	_ =	sdelay $0x1  }
0x28: {  	s24 =	sadd.s32 $0x200, s24  }
0x29: {  	s23 =	sadd.s32 $0x100, s23;
	s22 =	sadd.s32 $0x200, s22;
	s21 =	sadd.s32 $0x100, s21  }
.LBB2_2:
0x2a: {  	p1 =	sge.u32 s25, s3  }
.Ltmp4:
0x2b: {  	_ = 	snop;
	(pc) =	sbr.rel @p1 .LBB2_4-.Ltmp4, $2  }
0x2c: {  	_ =	sdelay $0x2  }
0x2d: {  	p0 =	seq.s32 s25, $0x0  }
0x2e: {  	_ =	swait.ge [sflag:s14], $0x800  }
0x2f: {  	[sflag:s14] =	ssyncset.done $0x0  }
0x30: {  	s26 =	simm.s32 @!p0 $0x3;
	[sflag:s14] =	ssyncadd.s32 $0xFFFFF800  }
0x31: {  	_ =	swait.ge @!p0 [sflag:s26], $0x800  }
0x32: {  	[sflag:s26] =	ssyncset.done @!p0 $0x0  }
0x33: {  	[sflag:s26] =	ssyncadd.s32 @!p0 $0xFFFFF800  }
0x34: {  	v1 =	vld.idx.msk [tilespmem:v0+s2+$0x0], $0xffff;
	_ =	sdelay $0x4  }
0x35: {  	[tilespmem:$0x1000] =	vst v1;
	v1 =	vld [tilespmem:$0x1FFE0];
	_ =	sdelay $0x7  }
0x36: {  	v1 =	vld.idx.msk [tilespmem:v1+s2+$0x0], $0xffff;
	_ =	sdelay $0x4  }
0x37: {  	[tilespmem:$0x1010] =	vst v1;
	v1 =	vld [tilespmem:$0x1FFF0];
	_ =	sdelay $0x7  }
0x38: {  	v1 =	vld.idx.msk [tilespmem:v1+s2+$0x0], $0xffff;
	_ =	sdelay $0x4  }
0x39: {  	[tilespmem:$0x1020] =	vst v1  }
0x3a: {  	v1 =	vld.idx.msk [tilespmem:v3+s2+$0x0], $0xffff;
	_ =	sdelay $0x4  }
0x3b: {  	[tilespmem:$0x1030] =	vst v1  }
0x3c: {  	v1 =	vld.idx.msk [tilespmem:v4+s2+$0x0], $0xffff;
	_ =	sdelay $0x4  }
0x3d: {  	[tilespmem:$0x1040] =	vst v1  }
0x3e: {  	v1 =	vld.idx.msk [tilespmem:v5+s2+$0x0], $0xffff;
	_ =	sdelay $0x4  }
0x3f: {  	[tilespmem:$0x1050] =	vst v1  }
0x40: {  	v1 =	vld.idx.msk [tilespmem:v6+s2+$0x0], $0xffff;
	_ =	sdelay $0x4  }
0x41: {  	[tilespmem:$0x1060] =	vst v1  }
0x42: {  	v1 =	vld.idx.msk [tilespmem:v7+s2+$0x0], $0xffff;
	_ =	sdelay $0x4  }
0x43: {  	[tilespmem:$0x1070] =	vst v1  }
0x44: {  	v1 =	vld.idx.msk [tilespmem:v8+s2+$0x0], $0xffff;
	_ =	sdelay $0x4  }
0x45: {  	[tilespmem:$0x1080] =	vst v1  }
0x46: {  	v1 =	vld.idx.msk [tilespmem:v9+s2+$0x0], $0xffff;
	_ =	sdelay $0x4  }
0x47: {  	[tilespmem:$0x1090] =	vst v1  }
0x48: {  	v1 =	vld.idx.msk [tilespmem:v10+s2+$0x0], $0xffff;
	_ =	sdelay $0x4  }
0x49: {  	[tilespmem:$0x10A0] =	vst v1  }
0x4a: {  	v1 =	vld.idx.msk [tilespmem:v11+s2+$0x0], $0xffff;
	_ =	sdelay $0x4  }
0x4b: {  	[tilespmem:$0x10B0] =	vst v1  }
0x4c: {  	v1 =	vld.idx.msk [tilespmem:v12+s2+$0x0], $0xffff;
	_ =	sdelay $0x4  }
0x4d: {  	[tilespmem:$0x10C0] =	vst v1  }
0x4e: {  	v1 =	vld.idx.msk [tilespmem:v13+s2+$0x0], $0xffff;
	_ =	sdelay $0x4  }
0x4f: {  	[tilespmem:$0x10D0] =	vst v1  }
0x50: {  	v1 =	vld.idx.msk [tilespmem:v14+s2+$0x0], $0xffff;
	_ =	sdelay $0x4  }
0x51: {  	[tilespmem:$0x10E0] =	vst v1  }
0x52: {  	v1 =	vld.idx.msk [tilespmem:v15+s2+$0x0], $0xffff;
	_ =	sdelay $0x4  }
0x53: {  	[tilespmem:$0x10F0] =	vst v1  }
0x54: {  	v1 =	vld.idx.msk [tilespmem:v16+s2+$0x0], $0xffff;
	_ =	sdelay $0x4  }
0x55: {  	[tilespmem:$0x1100] =	vst v1  }
0x56: {  	v1 =	vld.idx.msk [tilespmem:v17+s2+$0x0], $0xffff;
	_ =	sdelay $0x4  }
0x57: {  	[tilespmem:$0x1110] =	vst v1  }
0x58: {  	v1 =	vld.idx.msk [tilespmem:v18+s2+$0x0], $0xffff;
	_ =	sdelay $0x4  }
0x59: {  	[tilespmem:$0x1120] =	vst v1  }
0x5a: {  	v1 =	vld.idx.msk [tilespmem:v19+s2+$0x0], $0xffff;
	_ =	sdelay $0x4  }
0x5b: {  	[tilespmem:$0x1130] =	vst v1  }
0x5c: {  	v1 =	vld.idx.msk [tilespmem:v20+s2+$0x0], $0xffff;
	_ =	sdelay $0x4  }
0x5d: {  	[tilespmem:$0x1140] =	vst v1  }
0x5e: {  	v1 =	vld.idx.msk [tilespmem:v21+s2+$0x0], $0xffff;
	_ =	sdelay $0x4  }
0x5f: {  	[tilespmem:$0x1150] =	vst v1  }
0x60: {  	v1 =	vld.idx.msk [tilespmem:v22+s2+$0x0], $0xffff;
	_ =	sdelay $0x4  }
0x61: {  	[tilespmem:$0x1160] =	vst v1  }
0x62: {  	v1 =	vld.idx.msk [tilespmem:v23+s2+$0x0], $0xffff;
	_ =	sdelay $0x4  }
0x63: {  	[tilespmem:$0x1170] =	vst v1  }
0x64: {  	v1 =	vld.idx.msk [tilespmem:v24+s2+$0x0], $0xffff;
	_ =	sdelay $0x4  }
0x65: {  	[tilespmem:$0x1180] =	vst v1  }
0x66: {  	v1 =	vld.idx.msk [tilespmem:v25+s2+$0x0], $0xffff;
	_ =	sdelay $0x4  }
0x67: {  	[tilespmem:$0x1190] =	vst v1  }
0x68: {  	v1 =	vld.idx.msk [tilespmem:v26+s2+$0x0], $0xffff;
	_ =	sdelay $0x4  }
0x69: {  	[tilespmem:$0x11A0] =	vst v1  }
0x6a: {  	v1 =	vld.idx.msk [tilespmem:v27+s2+$0x0], $0xffff;
	_ =	sdelay $0x4  }
0x6b: {  	[tilespmem:$0x11B0] =	vst v1  }
0x6c: {  	v1 =	vld.idx.msk [tilespmem:v28+s2+$0x0], $0xffff;
	_ =	sdelay $0x4  }
0x6d: {  	[tilespmem:$0x11C0] =	vst v1  }
0x6e: {  	v1 =	vld.idx.msk [tilespmem:v29+s2+$0x0], $0xffff;
	_ =	sdelay $0x4  }
0x6f: {  	[tilespmem:$0x11D0] =	vst v1  }
0x70: {  	v1 =	vld.idx.msk [tilespmem:v30+s2+$0x0], $0xffff;
	_ =	sdelay $0x4  }
0x71: {  	[tilespmem:$0x11E0] =	vst v1  }
0x72: {  	v1 =	vld.idx.msk [tilespmem:v31+s2+$0x0], $0xffff;
	_ =	sdelay $0x4  }
0x73: {  	[tilespmem:$0x11F0] =	vst v1  }
0x74: {  	v1 =	vld.idx.msk [tilespmem:v32+s2+$0x0], $0xffff;
	_ =	sdelay $0x4  }
0x75: {  	[tilespmem:$0x1200] =	vst v1  }
0x76: {  	v1 =	vld.idx.msk [tilespmem:v33+s2+$0x0], $0xffff;
	_ =	sdelay $0x4  }
0x77: {  	[tilespmem:$0x1210] =	vst v1  }
0x78: {  	v1 =	vld.idx.msk [tilespmem:v34+s2+$0x0], $0xffff;
	_ =	sdelay $0x4  }
0x79: {  	[tilespmem:$0x1220] =	vst v1  }
0x7a: {  	v1 =	vld.idx.msk [tilespmem:v35+s2+$0x0], $0xffff;
	_ =	sdelay $0x4  }
0x7b: {  	[tilespmem:$0x1230] =	vst v1  }
0x7c: {  	v1 =	vld.idx.msk [tilespmem:v36+s2+$0x0], $0xffff;
	_ =	sdelay $0x4  }
0x7d: {  	[tilespmem:$0x1240] =	vst v1  }
0x7e: {  	v1 =	vld.idx.msk [tilespmem:v37+s2+$0x0], $0xffff;
	_ =	sdelay $0x4  }
0x7f: {  	[tilespmem:$0x1250] =	vst v1  }
0x80: {  	v1 =	vld.idx.msk [tilespmem:v38+s2+$0x0], $0xffff;
	_ =	sdelay $0x4  }
0x81: {  	[tilespmem:$0x1260] =	vst v1  }
0x82: {  	v1 =	vld.idx.msk [tilespmem:v39+s2+$0x0], $0xffff;
	_ =	sdelay $0x4  }
0x83: {  	[tilespmem:$0x1270] =	vst v1  }
0x84: {  	v1 =	vld.idx.msk [tilespmem:v40+s2+$0x0], $0xffff;
	_ =	sdelay $0x4  }
0x85: {  	[tilespmem:$0x1280] =	vst v1  }
0x86: {  	v1 =	vld.idx.msk [tilespmem:v41+s2+$0x0], $0xffff;
	_ =	sdelay $0x4  }
0x87: {  	[tilespmem:$0x1290] =	vst v1  }
0x88: {  	v1 =	vld.idx.msk [tilespmem:v42+s2+$0x0], $0xffff;
	_ =	sdelay $0x4  }
0x89: {  	[tilespmem:$0x12A0] =	vst v1  }
0x8a: {  	v1 =	vld.idx.msk [tilespmem:v43+s2+$0x0], $0xffff;
	_ =	sdelay $0x4  }
0x8b: {  	[tilespmem:$0x12B0] =	vst v1  }
0x8c: {  	v1 =	vld.idx.msk [tilespmem:v44+s2+$0x0], $0xffff;
	_ =	sdelay $0x4  }
0x8d: {  	[tilespmem:$0x12C0] =	vst v1  }
0x8e: {  	v1 =	vld.idx.msk [tilespmem:v45+s2+$0x0], $0xffff;
	_ =	sdelay $0x4  }
0x8f: {  	[tilespmem:$0x12D0] =	vst v1  }
0x90: {  	v1 =	vld.idx.msk [tilespmem:v46+s2+$0x0], $0xffff;
	_ =	sdelay $0x4  }
0x91: {  	[tilespmem:$0x12E0] =	vst v1  }
0x92: {  	v1 =	vld.idx.msk [tilespmem:v47+s2+$0x0], $0xffff;
	_ =	sdelay $0x4  }
0x93: {  	[tilespmem:$0x12F0] =	vst v1  }
0x94: {  	v1 =	vld.idx.msk [tilespmem:v48+s2+$0x0], $0xffff;
	_ =	sdelay $0x4  }
0x95: {  	[tilespmem:$0x1300] =	vst v1  }
0x96: {  	v1 =	vld.idx.msk [tilespmem:v49+s2+$0x0], $0xffff;
	_ =	sdelay $0x4  }
0x97: {  	[tilespmem:$0x1310] =	vst v1  }
0x98: {  	v1 =	vld.idx.msk [tilespmem:v50+s2+$0x0], $0xffff;
	_ =	sdelay $0x4  }
0x99: {  	[tilespmem:$0x1320] =	vst v1  }
0x9a: {  	v1 =	vld.idx.msk [tilespmem:v51+s2+$0x0], $0xffff;
	_ =	sdelay $0x4  }
0x9b: {  	[tilespmem:$0x1330] =	vst v1  }
0x9c: {  	v1 =	vld.idx.msk [tilespmem:v52+s2+$0x0], $0xffff;
	_ =	sdelay $0x4  }
0x9d: {  	[tilespmem:$0x1340] =	vst v1  }
0x9e: {  	v1 =	vld.idx.msk [tilespmem:v53+s2+$0x0], $0xffff;
	_ =	sdelay $0x4  }
0x9f: {  	[tilespmem:$0x1350] =	vst v1  }
0xa0: {  	v1 =	vld.idx.msk [tilespmem:v54+s2+$0x0], $0xffff;
	_ =	sdelay $0x4  }
0xa1: {  	[tilespmem:$0x1360] =	vst v1  }
0xa2: {  	v1 =	vld.idx.msk [tilespmem:v55+s2+$0x0], $0xffff;
	_ =	sdelay $0x4  }
0xa3: {  	[tilespmem:$0x1370] =	vst v1  }
0xa4: {  	v1 =	vld.idx.msk [tilespmem:v56+s2+$0x0], $0xffff;
	_ =	sdelay $0x4  }
0xa5: {  	[tilespmem:$0x1380] =	vst v1  }
0xa6: {  	v1 =	vld.idx.msk [tilespmem:v57+s2+$0x0], $0xffff;
	_ =	sdelay $0x4  }
0xa7: {  	[tilespmem:$0x1390] =	vst v1  }
0xa8: {  	v1 =	vld.idx.msk [tilespmem:v58+s2+$0x0], $0xffff;
	_ =	sdelay $0x4  }
0xa9: {  	[tilespmem:$0x13A0] =	vst v1  }
0xaa: {  	v1 =	vld.idx.msk [tilespmem:v59+s2+$0x0], $0xffff;
	_ =	sdelay $0x4  }
0xab: {  	[tilespmem:$0x13B0] =	vst v1  }
0xac: {  	v1 =	vld.idx.msk [tilespmem:v60+s2+$0x0], $0xffff;
	_ =	sdelay $0x4  }
0xad: {  	[tilespmem:$0x13C0] =	vst v1  }
0xae: {  	v1 =	vld.idx.msk [tilespmem:v61+s2+$0x0], $0xffff;
	_ =	sdelay $0x4  }
0xaf: {  	[tilespmem:$0x13D0] =	vst v1  }
0xb0: {  	v1 =	vld.idx.msk [tilespmem:v62+s2+$0x0], $0xffff;
	_ =	sdelay $0x4  }
0xb1: {  	[tilespmem:$0x13E0] =	vst v1  }
0xb2: {  	v1 =	vld.idx.msk [tilespmem:v63+s2+$0x0], $0xffff  }
0xb3: {  	v2 =	vor.u32 $0x40, v0;
	_ =	sdelay $0x3  }
0xb4: {  	[tilespmem:$0x13F0] =	vst v1  }
0xb5: {  	v1 =	vld.idx.msk [tilespmem:v2+s2+$0x0], $0xffff  }
0xb6: {  	v2 =	vor.u32 $0x41, v0;
	_ =	sdelay $0x3  }
0xb7: {  	[tilespmem:$0x1400] =	vst v1  }
0xb8: {  	v1 =	vld.idx.msk [tilespmem:v2+s2+$0x0], $0xffff  }
0xb9: {  	v2 =	vor.u32 $0x42, v0;
	_ =	sdelay $0x3  }
0xba: {  	[tilespmem:$0x1410] =	vst v1  }
0xbb: {  	v1 =	vld.idx.msk [tilespmem:v2+s2+$0x0], $0xffff  }
0xbc: {  	v2 =	vor.u32 $0x43, v0;
	_ =	sdelay $0x3  }
0xbd: {  	[tilespmem:$0x1420] =	vst v1  }
0xbe: {  	v1 =	vld.idx.msk [tilespmem:v2+s2+$0x0], $0xffff  }
0xbf: {  	v2 =	vor.u32 $0x44, v0;
	_ =	sdelay $0x3  }
0xc0: {  	[tilespmem:$0x1430] =	vst v1  }
0xc1: {  	v1 =	vld.idx.msk [tilespmem:v2+s2+$0x0], $0xffff  }
0xc2: {  	v2 =	vor.u32 $0x45, v0;
	_ =	sdelay $0x3  }
0xc3: {  	[tilespmem:$0x1440] =	vst v1  }
0xc4: {  	v1 =	vld.idx.msk [tilespmem:v2+s2+$0x0], $0xffff  }
0xc5: {  	v2 =	vor.u32 $0x46, v0;
	_ =	sdelay $0x3  }
0xc6: {  	[tilespmem:$0x1450] =	vst v1  }
0xc7: {  	v1 =	vld.idx.msk [tilespmem:v2+s2+$0x0], $0xffff  }
0xc8: {  	v2 =	vor.u32 $0x47, v0;
	_ =	sdelay $0x3  }
0xc9: {  	[tilespmem:$0x1460] =	vst v1  }
0xca: {  	v1 =	vld.idx.msk [tilespmem:v2+s2+$0x0], $0xffff  }
0xcb: {  	v2 =	vor.u32 $0x48, v0;
	_ =	sdelay $0x3  }
0xcc: {  	[tilespmem:$0x1470] =	vst v1  }
0xcd: {  	v1 =	vld.idx.msk [tilespmem:v2+s2+$0x0], $0xffff  }
0xce: {  	v2 =	vor.u32 $0x49, v0;
	_ =	sdelay $0x3  }
0xcf: {  	[tilespmem:$0x1480] =	vst v1  }
0xd0: {  	v1 =	vld.idx.msk [tilespmem:v2+s2+$0x0], $0xffff  }
0xd1: {  	v2 =	vor.u32 $0x4A, v0;
	_ =	sdelay $0x3  }
0xd2: {  	[tilespmem:$0x1490] =	vst v1  }
0xd3: {  	v1 =	vld.idx.msk [tilespmem:v2+s2+$0x0], $0xffff  }
0xd4: {  	v2 =	vor.u32 $0x4B, v0;
	_ =	sdelay $0x3  }
0xd5: {  	[tilespmem:$0x14A0] =	vst v1  }
0xd6: {  	v1 =	vld.idx.msk [tilespmem:v2+s2+$0x0], $0xffff  }
0xd7: {  	v2 =	vor.u32 $0x4C, v0;
	_ =	sdelay $0x3  }
0xd8: {  	[tilespmem:$0x14B0] =	vst v1  }
0xd9: {  	v1 =	vld.idx.msk [tilespmem:v2+s2+$0x0], $0xffff  }
0xda: {  	v2 =	vor.u32 $0x4D, v0;
	_ =	sdelay $0x3  }
0xdb: {  	[tilespmem:$0x14C0] =	vst v1  }
0xdc: {  	v1 =	vld.idx.msk [tilespmem:v2+s2+$0x0], $0xffff  }
0xdd: {  	v2 =	vor.u32 $0x4E, v0;
	_ =	sdelay $0x3  }
0xde: {  	[tilespmem:$0x14D0] =	vst v1  }
0xdf: {  	v1 =	vld.idx.msk [tilespmem:v2+s2+$0x0], $0xffff  }
0xe0: {  	v2 =	vor.u32 $0x4F, v0;
	_ =	sdelay $0x3  }
0xe1: {  	[tilespmem:$0x14E0] =	vst v1  }
0xe2: {  	v1 =	vld.idx.msk [tilespmem:v2+s2+$0x0], $0xffff  }
0xe3: {  	v2 =	vor.u32 $0x50, v0;
	_ =	sdelay $0x3  }
0xe4: {  	[tilespmem:$0x14F0] =	vst v1  }
0xe5: {  	v1 =	vld.idx.msk [tilespmem:v2+s2+$0x0], $0xffff  }
0xe6: {  	v2 =	vor.u32 $0x51, v0;
	_ =	sdelay $0x3  }
0xe7: {  	[tilespmem:$0x1500] =	vst v1  }
0xe8: {  	v1 =	vld.idx.msk [tilespmem:v2+s2+$0x0], $0xffff  }
0xe9: {  	v2 =	vor.u32 $0x52, v0;
	_ =	sdelay $0x3  }
0xea: {  	[tilespmem:$0x1510] =	vst v1  }
0xeb: {  	v1 =	vld.idx.msk [tilespmem:v2+s2+$0x0], $0xffff  }
0xec: {  	v2 =	vor.u32 $0x53, v0;
	_ =	sdelay $0x3  }
0xed: {  	[tilespmem:$0x1520] =	vst v1  }
0xee: {  	v1 =	vld.idx.msk [tilespmem:v2+s2+$0x0], $0xffff  }
0xef: {  	v2 =	vor.u32 $0x54, v0;
	_ =	sdelay $0x3  }
0xf0: {  	[tilespmem:$0x1530] =	vst v1  }
0xf1: {  	v1 =	vld.idx.msk [tilespmem:v2+s2+$0x0], $0xffff  }
0xf2: {  	v2 =	vor.u32 $0x55, v0;
	_ =	sdelay $0x3  }
0xf3: {  	[tilespmem:$0x1540] =	vst v1  }
0xf4: {  	v1 =	vld.idx.msk [tilespmem:v2+s2+$0x0], $0xffff  }
0xf5: {  	v2 =	vor.u32 $0x56, v0;
	_ =	sdelay $0x3  }
0xf6: {  	[tilespmem:$0x1550] =	vst v1  }
0xf7: {  	v1 =	vld.idx.msk [tilespmem:v2+s2+$0x0], $0xffff  }
0xf8: {  	v2 =	vor.u32 $0x57, v0;
	_ =	sdelay $0x3  }
0xf9: {  	[tilespmem:$0x1560] =	vst v1  }
0xfa: {  	v1 =	vld.idx.msk [tilespmem:v2+s2+$0x0], $0xffff  }
0xfb: {  	v2 =	vor.u32 $0x58, v0;
	_ =	sdelay $0x3  }
0xfc: {  	[tilespmem:$0x1570] =	vst v1  }
0xfd: {  	v1 =	vld.idx.msk [tilespmem:v2+s2+$0x0], $0xffff  }
0xfe: {  	v2 =	vor.u32 $0x59, v0;
	_ =	sdelay $0x3  }
0xff: {  	[tilespmem:$0x1580] =	vst v1  }
0x100: {  	v1 =	vld.idx.msk [tilespmem:v2+s2+$0x0], $0xffff  }
0x101: {  	v2 =	vor.u32 $0x5A, v0;
	_ =	sdelay $0x3  }
0x102: {  	[tilespmem:$0x1590] =	vst v1  }
0x103: {  	v1 =	vld.idx.msk [tilespmem:v2+s2+$0x0], $0xffff  }
0x104: {  	v2 =	vor.u32 $0x5B, v0;
	_ =	sdelay $0x3  }
0x105: {  	[tilespmem:$0x15A0] =	vst v1  }
0x106: {  	v1 =	vld.idx.msk [tilespmem:v2+s2+$0x0], $0xffff  }
0x107: {  	v2 =	vor.u32 $0x5C, v0;
	_ =	sdelay $0x3  }
0x108: {  	[tilespmem:$0x15B0] =	vst v1  }
0x109: {  	v1 =	vld.idx.msk [tilespmem:v2+s2+$0x0], $0xffff  }
0x10a: {  	v2 =	vor.u32 $0x5D, v0;
	_ =	sdelay $0x3  }
0x10b: {  	[tilespmem:$0x15C0] =	vst v1  }
0x10c: {  	v1 =	vld.idx.msk [tilespmem:v2+s2+$0x0], $0xffff  }
0x10d: {  	v2 =	vor.u32 $0x5E, v0;
	_ =	sdelay $0x3  }
0x10e: {  	[tilespmem:$0x15D0] =	vst v1  }
0x10f: {  	v1 =	vld.idx.msk [tilespmem:v2+s2+$0x0], $0xffff  }
0x110: {  	v2 =	vor.u32 $0x5F, v0;
	_ =	sdelay $0x3  }
0x111: {  	[tilespmem:$0x15E0] =	vst v1  }
0x112: {  	v1 =	vld.idx.msk [tilespmem:v2+s2+$0x0], $0xffff  }
0x113: {  	v2 =	vor.u32 $0x60, v0;
	_ =	sdelay $0x3  }
0x114: {  	[tilespmem:$0x15F0] =	vst v1  }
0x115: {  	v1 =	vld.idx.msk [tilespmem:v2+s2+$0x0], $0xffff  }
0x116: {  	v2 =	vor.u32 $0x61, v0;
	_ =	sdelay $0x3  }
0x117: {  	[tilespmem:$0x1600] =	vst v1  }
0x118: {  	v1 =	vld.idx.msk [tilespmem:v2+s2+$0x0], $0xffff  }
0x119: {  	v2 =	vor.u32 $0x62, v0;
	_ =	sdelay $0x3  }
0x11a: {  	[tilespmem:$0x1610] =	vst v1  }
0x11b: {  	v1 =	vld.idx.msk [tilespmem:v2+s2+$0x0], $0xffff  }
0x11c: {  	v2 =	vor.u32 $0x63, v0;
	_ =	sdelay $0x3  }
0x11d: {  	[tilespmem:$0x1620] =	vst v1  }
0x11e: {  	v1 =	vld.idx.msk [tilespmem:v2+s2+$0x0], $0xffff  }
0x11f: {  	v2 =	vor.u32 $0x64, v0;
	_ =	sdelay $0x3  }
0x120: {  	[tilespmem:$0x1630] =	vst v1  }
0x121: {  	v1 =	vld.idx.msk [tilespmem:v2+s2+$0x0], $0xffff  }
0x122: {  	v2 =	vor.u32 $0x65, v0;
	_ =	sdelay $0x3  }
0x123: {  	[tilespmem:$0x1640] =	vst v1  }
0x124: {  	v1 =	vld.idx.msk [tilespmem:v2+s2+$0x0], $0xffff  }
0x125: {  	v2 =	vor.u32 $0x66, v0;
	_ =	sdelay $0x3  }
0x126: {  	[tilespmem:$0x1650] =	vst v1  }
0x127: {  	v1 =	vld.idx.msk [tilespmem:v2+s2+$0x0], $0xffff  }
0x128: {  	v2 =	vor.u32 $0x67, v0;
	_ =	sdelay $0x3  }
0x129: {  	[tilespmem:$0x1660] =	vst v1  }
0x12a: {  	v1 =	vld.idx.msk [tilespmem:v2+s2+$0x0], $0xffff  }
0x12b: {  	v2 =	vor.u32 $0x68, v0;
	_ =	sdelay $0x3  }
0x12c: {  	[tilespmem:$0x1670] =	vst v1  }
0x12d: {  	v1 =	vld.idx.msk [tilespmem:v2+s2+$0x0], $0xffff  }
0x12e: {  	v2 =	vor.u32 $0x69, v0;
	_ =	sdelay $0x3  }
0x12f: {  	[tilespmem:$0x1680] =	vst v1  }
0x130: {  	v1 =	vld.idx.msk [tilespmem:v2+s2+$0x0], $0xffff  }
0x131: {  	v2 =	vor.u32 $0x6A, v0;
	_ =	sdelay $0x3  }
0x132: {  	[tilespmem:$0x1690] =	vst v1  }
0x133: {  	v1 =	vld.idx.msk [tilespmem:v2+s2+$0x0], $0xffff  }
0x134: {  	v2 =	vor.u32 $0x6B, v0;
	_ =	sdelay $0x3  }
0x135: {  	[tilespmem:$0x16A0] =	vst v1  }
0x136: {  	v1 =	vld.idx.msk [tilespmem:v2+s2+$0x0], $0xffff  }
0x137: {  	v2 =	vor.u32 $0x6C, v0;
	_ =	sdelay $0x3  }
0x138: {  	[tilespmem:$0x16B0] =	vst v1  }
0x139: {  	v1 =	vld.idx.msk [tilespmem:v2+s2+$0x0], $0xffff  }
0x13a: {  	v2 =	vor.u32 $0x6D, v0;
	_ =	sdelay $0x3  }
0x13b: {  	[tilespmem:$0x16C0] =	vst v1  }
0x13c: {  	v1 =	vld.idx.msk [tilespmem:v2+s2+$0x0], $0xffff  }
0x13d: {  	v2 =	vor.u32 $0x6E, v0;
	_ =	sdelay $0x3  }
0x13e: {  	[tilespmem:$0x16D0] =	vst v1  }
0x13f: {  	v1 =	vld.idx.msk [tilespmem:v2+s2+$0x0], $0xffff  }
0x140: {  	v2 =	vor.u32 $0x6F, v0;
	_ =	sdelay $0x3  }
0x141: {  	[tilespmem:$0x16E0] =	vst v1  }
0x142: {  	v1 =	vld.idx.msk [tilespmem:v2+s2+$0x0], $0xffff  }
0x143: {  	v2 =	vor.u32 $0x70, v0;
	_ =	sdelay $0x3  }
0x144: {  	[tilespmem:$0x16F0] =	vst v1  }
0x145: {  	v1 =	vld.idx.msk [tilespmem:v2+s2+$0x0], $0xffff  }
0x146: {  	v2 =	vor.u32 $0x71, v0;
	_ =	sdelay $0x3  }
0x147: {  	[tilespmem:$0x1700] =	vst v1  }
0x148: {  	v1 =	vld.idx.msk [tilespmem:v2+s2+$0x0], $0xffff  }
0x149: {  	v2 =	vor.u32 $0x72, v0;
	_ =	sdelay $0x3  }
0x14a: {  	[tilespmem:$0x1710] =	vst v1  }
0x14b: {  	v1 =	vld.idx.msk [tilespmem:v2+s2+$0x0], $0xffff  }
0x14c: {  	v2 =	vor.u32 $0x73, v0;
	_ =	sdelay $0x3  }
0x14d: {  	[tilespmem:$0x1720] =	vst v1  }
0x14e: {  	v1 =	vld.idx.msk [tilespmem:v2+s2+$0x0], $0xffff  }
0x14f: {  	v2 =	vor.u32 $0x74, v0;
	_ =	sdelay $0x3  }
0x150: {  	[tilespmem:$0x1730] =	vst v1  }
0x151: {  	v1 =	vld.idx.msk [tilespmem:v2+s2+$0x0], $0xffff  }
0x152: {  	v2 =	vor.u32 $0x75, v0;
	_ =	sdelay $0x3  }
0x153: {  	[tilespmem:$0x1740] =	vst v1  }
0x154: {  	v1 =	vld.idx.msk [tilespmem:v2+s2+$0x0], $0xffff  }
0x155: {  	v2 =	vor.u32 $0x76, v0;
	_ =	sdelay $0x3  }
0x156: {  	[tilespmem:$0x1750] =	vst v1  }
0x157: {  	v1 =	vld.idx.msk [tilespmem:v2+s2+$0x0], $0xffff  }
0x158: {  	v2 =	vor.u32 $0x77, v0;
	_ =	sdelay $0x3  }
0x159: {  	[tilespmem:$0x1760] =	vst v1  }
0x15a: {  	v1 =	vld.idx.msk [tilespmem:v2+s2+$0x0], $0xffff  }
0x15b: {  	v2 =	vor.u32 $0x78, v0;
	_ =	sdelay $0x3  }
0x15c: {  	[tilespmem:$0x1770] =	vst v1  }
0x15d: {  	v1 =	vld.idx.msk [tilespmem:v2+s2+$0x0], $0xffff  }
0x15e: {  	v2 =	vor.u32 $0x79, v0;
	_ =	sdelay $0x3  }
0x15f: {  	[tilespmem:$0x1780] =	vst v1  }
0x160: {  	v1 =	vld.idx.msk [tilespmem:v2+s2+$0x0], $0xffff  }
0x161: {  	v2 =	vor.u32 $0x7A, v0;
	_ =	sdelay $0x3  }
0x162: {  	[tilespmem:$0x1790] =	vst v1  }
0x163: {  	v1 =	vld.idx.msk [tilespmem:v2+s2+$0x0], $0xffff  }
0x164: {  	v2 =	vor.u32 $0x7B, v0;
	_ =	sdelay $0x3  }
0x165: {  	[tilespmem:$0x17A0] =	vst v1  }
0x166: {  	v1 =	vld.idx.msk [tilespmem:v2+s2+$0x0], $0xffff  }
0x167: {  	v2 =	vor.u32 $0x7C, v0;
	_ =	sdelay $0x3  }
0x168: {  	[tilespmem:$0x17B0] =	vst v1  }
0x169: {  	v1 =	vld.idx.msk [tilespmem:v2+s2+$0x0], $0xffff  }
0x16a: {  	v2 =	vor.u32 $0x7D, v0;
	_ =	sdelay $0x3  }
0x16b: {  	[tilespmem:$0x17C0] =	vst v1  }
0x16c: {  	v1 =	vld.idx.msk [tilespmem:v2+s2+$0x0], $0xffff  }
0x16d: {  	v2 =	vor.u32 $0x7E, v0;
	_ =	sdelay $0x3  }
0x16e: {  	[tilespmem:$0x17D0] =	vst v1  }
0x16f: {  	v1 =	vld.idx.msk [tilespmem:v2+s2+$0x0], $0xffff  }
0x170: {  	v2 =	vor.u32 $0x7F, v0;
	_ =	sdelay $0x3  }
0x171: {  	[tilespmem:$0x17E0] =	vst v1  }
0x172: {  	v1 =	vld.idx.msk [tilespmem:v2+s2+$0x0], $0xffff;
	_ =	sdelay $0x3  }
0x173: {  	s31 =	sadd.s32 $0x2, s25  }
0x174: {  	p1 =	sge.u32 s31, s3;
	[tilespmem:$0x17F0] =	vst v1  }
0x175: {  	[hbm4b:s24+s2] =	stream.linear.scatter [tilespmem:s15], [sflag:$0x3], $0x800, $0x38;
	[tilespmem:$0x2000] =	vst v63  }
0x176: {  	s28 =	simm.s32 @!p1 $0x7A1400;
	s29 =	simm.s32 @!p1 $0x0;
	s26 =	simm.s32 @!p1 $0x400  }
0x177: {  	[tilespmem:s29], [sflag:$0x1] =	stream.strided.gather @!p1 [hbm4b:s23+s26], $0x800, s28, s26, $0x38;
	[tilespmem:$0x2000] =	vst v63  }
.LBB2_4:
0x178: {  	s26 =	sadd.s32 $0x1, s25  }
0x179: {  	p1 =	sge.u32 s26, s3  }
.Ltmp5:
0x17a: {  	_ = 	snop;
	(pc) =	sbr.rel @p1 .LBB2_6-.Ltmp5, $1  }
0x17b: {  	_ =	sdelay $0x3  }
0x17c: {  	_ =	swait.ge [sflag:s16], $0x800  }
0x17d: {  	[sflag:s16] =	ssyncset.done $0x0  }
0x17e: {  	s26 =	simm.s32 @!p0 $0x4;
	[sflag:s16] =	ssyncadd.s32 $0xFFFFF800  }
0x17f: {  	_ =	swait.ge @!p0 [sflag:s26], $0x800  }
0x180: {  	[sflag:s26] =	ssyncset.done @!p0 $0x0  }
0x181: {  	[sflag:s26] =	ssyncadd.s32 @!p0 $0xFFFFF800  }
0x182: {  	v1 =	vld.idx.msk [tilespmem:v0+s13+$0x0], $0xffff;
	_ =	sdelay $0x4  }
0x183: {  	[tilespmem:$0x1800] =	vst v1;
	v1 =	vld [tilespmem:$0x1FFE0];
	_ =	sdelay $0x7  }
0x184: {  	v1 =	vld.idx.msk [tilespmem:v1+s13+$0x0], $0xffff;
	_ =	sdelay $0x4  }
0x185: {  	[tilespmem:$0x1810] =	vst v1;
	v1 =	vld [tilespmem:$0x1FFF0];
	_ =	sdelay $0x7  }
0x186: {  	v1 =	vld.idx.msk [tilespmem:v1+s13+$0x0], $0xffff;
	_ =	sdelay $0x4  }
0x187: {  	[tilespmem:$0x1820] =	vst v1  }
0x188: {  	v1 =	vld.idx.msk [tilespmem:v3+s13+$0x0], $0xffff;
	_ =	sdelay $0x4  }
0x189: {  	[tilespmem:$0x1830] =	vst v1  }
0x18a: {  	v1 =	vld.idx.msk [tilespmem:v4+s13+$0x0], $0xffff;
	_ =	sdelay $0x4  }
0x18b: {  	[tilespmem:$0x1840] =	vst v1  }
0x18c: {  	v1 =	vld.idx.msk [tilespmem:v5+s13+$0x0], $0xffff;
	_ =	sdelay $0x4  }
0x18d: {  	[tilespmem:$0x1850] =	vst v1  }
0x18e: {  	v1 =	vld.idx.msk [tilespmem:v6+s13+$0x0], $0xffff;
	_ =	sdelay $0x4  }
0x18f: {  	[tilespmem:$0x1860] =	vst v1  }
0x190: {  	v1 =	vld.idx.msk [tilespmem:v7+s13+$0x0], $0xffff;
	_ =	sdelay $0x4  }
0x191: {  	[tilespmem:$0x1870] =	vst v1  }
0x192: {  	v1 =	vld.idx.msk [tilespmem:v8+s13+$0x0], $0xffff;
	_ =	sdelay $0x4  }
0x193: {  	[tilespmem:$0x1880] =	vst v1  }
0x194: {  	v1 =	vld.idx.msk [tilespmem:v9+s13+$0x0], $0xffff;
	_ =	sdelay $0x4  }
0x195: {  	[tilespmem:$0x1890] =	vst v1  }
0x196: {  	v1 =	vld.idx.msk [tilespmem:v10+s13+$0x0], $0xffff;
	_ =	sdelay $0x4  }
0x197: {  	[tilespmem:$0x18A0] =	vst v1  }
0x198: {  	v1 =	vld.idx.msk [tilespmem:v11+s13+$0x0], $0xffff;
	_ =	sdelay $0x4  }
0x199: {  	[tilespmem:$0x18B0] =	vst v1  }
0x19a: {  	v1 =	vld.idx.msk [tilespmem:v12+s13+$0x0], $0xffff;
	_ =	sdelay $0x4  }
0x19b: {  	[tilespmem:$0x18C0] =	vst v1  }
0x19c: {  	v1 =	vld.idx.msk [tilespmem:v13+s13+$0x0], $0xffff;
	_ =	sdelay $0x4  }
0x19d: {  	[tilespmem:$0x18D0] =	vst v1  }
0x19e: {  	v1 =	vld.idx.msk [tilespmem:v14+s13+$0x0], $0xffff;
	_ =	sdelay $0x4  }
0x19f: {  	[tilespmem:$0x18E0] =	vst v1  }
0x1a0: {  	v1 =	vld.idx.msk [tilespmem:v15+s13+$0x0], $0xffff;
	_ =	sdelay $0x4  }
0x1a1: {  	[tilespmem:$0x18F0] =	vst v1  }
0x1a2: {  	v1 =	vld.idx.msk [tilespmem:v16+s13+$0x0], $0xffff;
	_ =	sdelay $0x4  }
0x1a3: {  	[tilespmem:$0x1900] =	vst v1  }
0x1a4: {  	v1 =	vld.idx.msk [tilespmem:v17+s13+$0x0], $0xffff;
	_ =	sdelay $0x4  }
0x1a5: {  	[tilespmem:$0x1910] =	vst v1  }
0x1a6: {  	v1 =	vld.idx.msk [tilespmem:v18+s13+$0x0], $0xffff;
	_ =	sdelay $0x4  }
0x1a7: {  	[tilespmem:$0x1920] =	vst v1  }
0x1a8: {  	v1 =	vld.idx.msk [tilespmem:v19+s13+$0x0], $0xffff;
	_ =	sdelay $0x4  }
0x1a9: {  	[tilespmem:$0x1930] =	vst v1  }
0x1aa: {  	v1 =	vld.idx.msk [tilespmem:v20+s13+$0x0], $0xffff;
	_ =	sdelay $0x4  }
0x1ab: {  	[tilespmem:$0x1940] =	vst v1  }
0x1ac: {  	v1 =	vld.idx.msk [tilespmem:v21+s13+$0x0], $0xffff;
	_ =	sdelay $0x4  }
0x1ad: {  	[tilespmem:$0x1950] =	vst v1  }
0x1ae: {  	v1 =	vld.idx.msk [tilespmem:v22+s13+$0x0], $0xffff;
	_ =	sdelay $0x4  }
0x1af: {  	[tilespmem:$0x1960] =	vst v1  }
0x1b0: {  	v1 =	vld.idx.msk [tilespmem:v23+s13+$0x0], $0xffff;
	_ =	sdelay $0x4  }
0x1b1: {  	[tilespmem:$0x1970] =	vst v1  }
0x1b2: {  	v1 =	vld.idx.msk [tilespmem:v24+s13+$0x0], $0xffff;
	_ =	sdelay $0x4  }
0x1b3: {  	[tilespmem:$0x1980] =	vst v1  }
0x1b4: {  	v1 =	vld.idx.msk [tilespmem:v25+s13+$0x0], $0xffff;
	_ =	sdelay $0x4  }
0x1b5: {  	[tilespmem:$0x1990] =	vst v1  }
0x1b6: {  	v1 =	vld.idx.msk [tilespmem:v26+s13+$0x0], $0xffff;
	_ =	sdelay $0x4  }
0x1b7: {  	[tilespmem:$0x19A0] =	vst v1  }
0x1b8: {  	v1 =	vld.idx.msk [tilespmem:v27+s13+$0x0], $0xffff;
	_ =	sdelay $0x4  }
0x1b9: {  	[tilespmem:$0x19B0] =	vst v1  }
0x1ba: {  	v1 =	vld.idx.msk [tilespmem:v28+s13+$0x0], $0xffff;
	_ =	sdelay $0x4  }
0x1bb: {  	[tilespmem:$0x19C0] =	vst v1  }
0x1bc: {  	v1 =	vld.idx.msk [tilespmem:v29+s13+$0x0], $0xffff;
	_ =	sdelay $0x4  }
0x1bd: {  	[tilespmem:$0x19D0] =	vst v1  }
0x1be: {  	v1 =	vld.idx.msk [tilespmem:v30+s13+$0x0], $0xffff;
	_ =	sdelay $0x4  }
0x1bf: {  	[tilespmem:$0x19E0] =	vst v1  }
0x1c0: {  	v1 =	vld.idx.msk [tilespmem:v31+s13+$0x0], $0xffff;
	_ =	sdelay $0x4  }
0x1c1: {  	[tilespmem:$0x19F0] =	vst v1  }
0x1c2: {  	v1 =	vld.idx.msk [tilespmem:v32+s13+$0x0], $0xffff;
	_ =	sdelay $0x4  }
0x1c3: {  	[tilespmem:$0x1A00] =	vst v1  }
0x1c4: {  	v1 =	vld.idx.msk [tilespmem:v33+s13+$0x0], $0xffff;
	_ =	sdelay $0x4  }
0x1c5: {  	[tilespmem:$0x1A10] =	vst v1  }
0x1c6: {  	v1 =	vld.idx.msk [tilespmem:v34+s13+$0x0], $0xffff;
	_ =	sdelay $0x4  }
0x1c7: {  	[tilespmem:$0x1A20] =	vst v1  }
0x1c8: {  	v1 =	vld.idx.msk [tilespmem:v35+s13+$0x0], $0xffff;
	_ =	sdelay $0x4  }
0x1c9: {  	[tilespmem:$0x1A30] =	vst v1  }
0x1ca: {  	v1 =	vld.idx.msk [tilespmem:v36+s13+$0x0], $0xffff;
	_ =	sdelay $0x4  }
0x1cb: {  	[tilespmem:$0x1A40] =	vst v1  }
0x1cc: {  	v1 =	vld.idx.msk [tilespmem:v37+s13+$0x0], $0xffff;
	_ =	sdelay $0x4  }
0x1cd: {  	[tilespmem:$0x1A50] =	vst v1  }
0x1ce: {  	v1 =	vld.idx.msk [tilespmem:v38+s13+$0x0], $0xffff;
	_ =	sdelay $0x4  }
0x1cf: {  	[tilespmem:$0x1A60] =	vst v1  }
0x1d0: {  	v1 =	vld.idx.msk [tilespmem:v39+s13+$0x0], $0xffff;
	_ =	sdelay $0x4  }
0x1d1: {  	[tilespmem:$0x1A70] =	vst v1  }
0x1d2: {  	v1 =	vld.idx.msk [tilespmem:v40+s13+$0x0], $0xffff;
	_ =	sdelay $0x4  }
0x1d3: {  	[tilespmem:$0x1A80] =	vst v1  }
0x1d4: {  	v1 =	vld.idx.msk [tilespmem:v41+s13+$0x0], $0xffff;
	_ =	sdelay $0x4  }
0x1d5: {  	[tilespmem:$0x1A90] =	vst v1  }
0x1d6: {  	v1 =	vld.idx.msk [tilespmem:v42+s13+$0x0], $0xffff;
	_ =	sdelay $0x4  }
0x1d7: {  	[tilespmem:$0x1AA0] =	vst v1  }
0x1d8: {  	v1 =	vld.idx.msk [tilespmem:v43+s13+$0x0], $0xffff;
	_ =	sdelay $0x4  }
0x1d9: {  	[tilespmem:$0x1AB0] =	vst v1  }
0x1da: {  	v1 =	vld.idx.msk [tilespmem:v44+s13+$0x0], $0xffff;
	_ =	sdelay $0x4  }
0x1db: {  	[tilespmem:$0x1AC0] =	vst v1  }
0x1dc: {  	v1 =	vld.idx.msk [tilespmem:v45+s13+$0x0], $0xffff;
	_ =	sdelay $0x4  }
0x1dd: {  	[tilespmem:$0x1AD0] =	vst v1  }
0x1de: {  	v1 =	vld.idx.msk [tilespmem:v46+s13+$0x0], $0xffff;
	_ =	sdelay $0x4  }
0x1df: {  	[tilespmem:$0x1AE0] =	vst v1  }
0x1e0: {  	v1 =	vld.idx.msk [tilespmem:v47+s13+$0x0], $0xffff;
	_ =	sdelay $0x4  }
0x1e1: {  	[tilespmem:$0x1AF0] =	vst v1  }
0x1e2: {  	v1 =	vld.idx.msk [tilespmem:v48+s13+$0x0], $0xffff;
	_ =	sdelay $0x4  }
0x1e3: {  	[tilespmem:$0x1B00] =	vst v1  }
0x1e4: {  	v1 =	vld.idx.msk [tilespmem:v49+s13+$0x0], $0xffff;
	_ =	sdelay $0x4  }
0x1e5: {  	[tilespmem:$0x1B10] =	vst v1  }
0x1e6: {  	v1 =	vld.idx.msk [tilespmem:v50+s13+$0x0], $0xffff;
	_ =	sdelay $0x4  }
0x1e7: {  	[tilespmem:$0x1B20] =	vst v1  }
0x1e8: {  	v1 =	vld.idx.msk [tilespmem:v51+s13+$0x0], $0xffff;
	_ =	sdelay $0x4  }
0x1e9: {  	[tilespmem:$0x1B30] =	vst v1  }
0x1ea: {  	v1 =	vld.idx.msk [tilespmem:v52+s13+$0x0], $0xffff;
	_ =	sdelay $0x4  }
0x1eb: {  	[tilespmem:$0x1B40] =	vst v1  }
0x1ec: {  	v1 =	vld.idx.msk [tilespmem:v53+s13+$0x0], $0xffff;
	_ =	sdelay $0x4  }
0x1ed: {  	[tilespmem:$0x1B50] =	vst v1  }
0x1ee: {  	v1 =	vld.idx.msk [tilespmem:v54+s13+$0x0], $0xffff;
	_ =	sdelay $0x4  }
0x1ef: {  	[tilespmem:$0x1B60] =	vst v1  }
0x1f0: {  	v1 =	vld.idx.msk [tilespmem:v55+s13+$0x0], $0xffff;
	_ =	sdelay $0x4  }
0x1f1: {  	[tilespmem:$0x1B70] =	vst v1  }
0x1f2: {  	v1 =	vld.idx.msk [tilespmem:v56+s13+$0x0], $0xffff;
	_ =	sdelay $0x4  }
0x1f3: {  	[tilespmem:$0x1B80] =	vst v1  }
0x1f4: {  	v1 =	vld.idx.msk [tilespmem:v57+s13+$0x0], $0xffff;
	_ =	sdelay $0x4  }
0x1f5: {  	[tilespmem:$0x1B90] =	vst v1  }
0x1f6: {  	v1 =	vld.idx.msk [tilespmem:v58+s13+$0x0], $0xffff;
	_ =	sdelay $0x4  }
0x1f7: {  	[tilespmem:$0x1BA0] =	vst v1  }
0x1f8: {  	v1 =	vld.idx.msk [tilespmem:v59+s13+$0x0], $0xffff;
	_ =	sdelay $0x4  }
0x1f9: {  	[tilespmem:$0x1BB0] =	vst v1  }
0x1fa: {  	v1 =	vld.idx.msk [tilespmem:v60+s13+$0x0], $0xffff;
	_ =	sdelay $0x4  }
0x1fb: {  	[tilespmem:$0x1BC0] =	vst v1  }
0x1fc: {  	v1 =	vld.idx.msk [tilespmem:v61+s13+$0x0], $0xffff;
	_ =	sdelay $0x4  }
0x1fd: {  	[tilespmem:$0x1BD0] =	vst v1  }
0x1fe: {  	v1 =	vld.idx.msk [tilespmem:v62+s13+$0x0], $0xffff;
	_ =	sdelay $0x4  }
0x1ff: {  	[tilespmem:$0x1BE0] =	vst v1  }
0x200: {  	v1 =	vld.idx.msk [tilespmem:v63+s13+$0x0], $0xffff  }
0x201: {  	v2 =	vor.u32 $0x40, v0;
	_ =	sdelay $0x3  }
0x202: {  	[tilespmem:$0x1BF0] =	vst v1  }
0x203: {  	v1 =	vld.idx.msk [tilespmem:v2+s13+$0x0], $0xffff  }
0x204: {  	v2 =	vor.u32 $0x41, v0;
	_ =	sdelay $0x3  }
0x205: {  	[tilespmem:$0x1C00] =	vst v1  }
0x206: {  	v1 =	vld.idx.msk [tilespmem:v2+s13+$0x0], $0xffff  }
0x207: {  	v2 =	vor.u32 $0x42, v0;
	_ =	sdelay $0x3  }
0x208: {  	[tilespmem:$0x1C10] =	vst v1  }
0x209: {  	v1 =	vld.idx.msk [tilespmem:v2+s13+$0x0], $0xffff  }
0x20a: {  	v2 =	vor.u32 $0x43, v0;
	_ =	sdelay $0x3  }
0x20b: {  	[tilespmem:$0x1C20] =	vst v1  }
0x20c: {  	v1 =	vld.idx.msk [tilespmem:v2+s13+$0x0], $0xffff  }
0x20d: {  	v2 =	vor.u32 $0x44, v0;
	_ =	sdelay $0x3  }
0x20e: {  	[tilespmem:$0x1C30] =	vst v1  }
0x20f: {  	v1 =	vld.idx.msk [tilespmem:v2+s13+$0x0], $0xffff  }
0x210: {  	v2 =	vor.u32 $0x45, v0;
	_ =	sdelay $0x3  }
0x211: {  	[tilespmem:$0x1C40] =	vst v1  }
0x212: {  	v1 =	vld.idx.msk [tilespmem:v2+s13+$0x0], $0xffff  }
0x213: {  	v2 =	vor.u32 $0x46, v0;
	_ =	sdelay $0x3  }
0x214: {  	[tilespmem:$0x1C50] =	vst v1  }
0x215: {  	v1 =	vld.idx.msk [tilespmem:v2+s13+$0x0], $0xffff  }
0x216: {  	v2 =	vor.u32 $0x47, v0;
	_ =	sdelay $0x3  }
0x217: {  	[tilespmem:$0x1C60] =	vst v1  }
0x218: {  	v1 =	vld.idx.msk [tilespmem:v2+s13+$0x0], $0xffff  }
0x219: {  	v2 =	vor.u32 $0x48, v0;
	_ =	sdelay $0x3  }
0x21a: {  	[tilespmem:$0x1C70] =	vst v1  }
0x21b: {  	v1 =	vld.idx.msk [tilespmem:v2+s13+$0x0], $0xffff  }
0x21c: {  	v2 =	vor.u32 $0x49, v0;
	_ =	sdelay $0x3  }
0x21d: {  	[tilespmem:$0x1C80] =	vst v1  }
0x21e: {  	v1 =	vld.idx.msk [tilespmem:v2+s13+$0x0], $0xffff  }
0x21f: {  	v2 =	vor.u32 $0x4A, v0;
	_ =	sdelay $0x3  }
0x220: {  	[tilespmem:$0x1C90] =	vst v1  }
0x221: {  	v1 =	vld.idx.msk [tilespmem:v2+s13+$0x0], $0xffff  }
0x222: {  	v2 =	vor.u32 $0x4B, v0;
	_ =	sdelay $0x3  }
0x223: {  	[tilespmem:$0x1CA0] =	vst v1  }
0x224: {  	v1 =	vld.idx.msk [tilespmem:v2+s13+$0x0], $0xffff  }
0x225: {  	v2 =	vor.u32 $0x4C, v0;
	_ =	sdelay $0x3  }
0x226: {  	[tilespmem:$0x1CB0] =	vst v1  }
0x227: {  	v1 =	vld.idx.msk [tilespmem:v2+s13+$0x0], $0xffff  }
0x228: {  	v2 =	vor.u32 $0x4D, v0;
	_ =	sdelay $0x3  }
0x229: {  	[tilespmem:$0x1CC0] =	vst v1  }
0x22a: {  	v1 =	vld.idx.msk [tilespmem:v2+s13+$0x0], $0xffff  }
0x22b: {  	v2 =	vor.u32 $0x4E, v0;
	_ =	sdelay $0x3  }
0x22c: {  	[tilespmem:$0x1CD0] =	vst v1  }
0x22d: {  	v1 =	vld.idx.msk [tilespmem:v2+s13+$0x0], $0xffff  }
0x22e: {  	v2 =	vor.u32 $0x4F, v0;
	_ =	sdelay $0x3  }
0x22f: {  	[tilespmem:$0x1CE0] =	vst v1  }
0x230: {  	v1 =	vld.idx.msk [tilespmem:v2+s13+$0x0], $0xffff  }
0x231: {  	v2 =	vor.u32 $0x50, v0;
	_ =	sdelay $0x3  }
0x232: {  	[tilespmem:$0x1CF0] =	vst v1  }
0x233: {  	v1 =	vld.idx.msk [tilespmem:v2+s13+$0x0], $0xffff  }
0x234: {  	v2 =	vor.u32 $0x51, v0;
	_ =	sdelay $0x3  }
0x235: {  	[tilespmem:$0x1D00] =	vst v1  }
0x236: {  	v1 =	vld.idx.msk [tilespmem:v2+s13+$0x0], $0xffff  }
0x237: {  	v2 =	vor.u32 $0x52, v0;
	_ =	sdelay $0x3  }
0x238: {  	[tilespmem:$0x1D10] =	vst v1  }
0x239: {  	v1 =	vld.idx.msk [tilespmem:v2+s13+$0x0], $0xffff  }
0x23a: {  	v2 =	vor.u32 $0x53, v0;
	_ =	sdelay $0x3  }
0x23b: {  	[tilespmem:$0x1D20] =	vst v1  }
0x23c: {  	v1 =	vld.idx.msk [tilespmem:v2+s13+$0x0], $0xffff  }
0x23d: {  	v2 =	vor.u32 $0x54, v0;
	_ =	sdelay $0x3  }
0x23e: {  	[tilespmem:$0x1D30] =	vst v1  }
0x23f: {  	v1 =	vld.idx.msk [tilespmem:v2+s13+$0x0], $0xffff  }
0x240: {  	v2 =	vor.u32 $0x55, v0;
	_ =	sdelay $0x3  }
0x241: {  	[tilespmem:$0x1D40] =	vst v1  }
0x242: {  	v1 =	vld.idx.msk [tilespmem:v2+s13+$0x0], $0xffff  }
0x243: {  	v2 =	vor.u32 $0x56, v0;
	_ =	sdelay $0x3  }
0x244: {  	[tilespmem:$0x1D50] =	vst v1  }
0x245: {  	v1 =	vld.idx.msk [tilespmem:v2+s13+$0x0], $0xffff  }
0x246: {  	v2 =	vor.u32 $0x57, v0;
	_ =	sdelay $0x3  }
0x247: {  	[tilespmem:$0x1D60] =	vst v1  }
0x248: {  	v1 =	vld.idx.msk [tilespmem:v2+s13+$0x0], $0xffff  }
0x249: {  	v2 =	vor.u32 $0x58, v0;
	_ =	sdelay $0x3  }
0x24a: {  	[tilespmem:$0x1D70] =	vst v1  }
0x24b: {  	v1 =	vld.idx.msk [tilespmem:v2+s13+$0x0], $0xffff  }
0x24c: {  	v2 =	vor.u32 $0x59, v0;
	_ =	sdelay $0x3  }
0x24d: {  	[tilespmem:$0x1D80] =	vst v1  }
0x24e: {  	v1 =	vld.idx.msk [tilespmem:v2+s13+$0x0], $0xffff  }
0x24f: {  	v2 =	vor.u32 $0x5A, v0;
	_ =	sdelay $0x3  }
0x250: {  	[tilespmem:$0x1D90] =	vst v1  }
0x251: {  	v1 =	vld.idx.msk [tilespmem:v2+s13+$0x0], $0xffff  }
0x252: {  	v2 =	vor.u32 $0x5B, v0;
	_ =	sdelay $0x3  }
0x253: {  	[tilespmem:$0x1DA0] =	vst v1  }
0x254: {  	v1 =	vld.idx.msk [tilespmem:v2+s13+$0x0], $0xffff  }
0x255: {  	v2 =	vor.u32 $0x5C, v0;
	_ =	sdelay $0x3  }
0x256: {  	[tilespmem:$0x1DB0] =	vst v1  }
0x257: {  	v1 =	vld.idx.msk [tilespmem:v2+s13+$0x0], $0xffff  }
0x258: {  	v2 =	vor.u32 $0x5D, v0;
	_ =	sdelay $0x3  }
0x259: {  	[tilespmem:$0x1DC0] =	vst v1  }
0x25a: {  	v1 =	vld.idx.msk [tilespmem:v2+s13+$0x0], $0xffff  }
0x25b: {  	v2 =	vor.u32 $0x5E, v0;
	_ =	sdelay $0x3  }
0x25c: {  	[tilespmem:$0x1DD0] =	vst v1  }
0x25d: {  	v1 =	vld.idx.msk [tilespmem:v2+s13+$0x0], $0xffff  }
0x25e: {  	v2 =	vor.u32 $0x5F, v0;
	_ =	sdelay $0x3  }
0x25f: {  	[tilespmem:$0x1DE0] =	vst v1  }
0x260: {  	v1 =	vld.idx.msk [tilespmem:v2+s13+$0x0], $0xffff  }
0x261: {  	v2 =	vor.u32 $0x60, v0;
	_ =	sdelay $0x3  }
0x262: {  	[tilespmem:$0x1DF0] =	vst v1  }
0x263: {  	v1 =	vld.idx.msk [tilespmem:v2+s13+$0x0], $0xffff  }
0x264: {  	v2 =	vor.u32 $0x61, v0;
	_ =	sdelay $0x3  }
0x265: {  	[tilespmem:$0x1E00] =	vst v1  }
0x266: {  	v1 =	vld.idx.msk [tilespmem:v2+s13+$0x0], $0xffff  }
0x267: {  	v2 =	vor.u32 $0x62, v0;
	_ =	sdelay $0x3  }
0x268: {  	[tilespmem:$0x1E10] =	vst v1  }
0x269: {  	v1 =	vld.idx.msk [tilespmem:v2+s13+$0x0], $0xffff  }
0x26a: {  	v2 =	vor.u32 $0x63, v0;
	_ =	sdelay $0x3  }
0x26b: {  	[tilespmem:$0x1E20] =	vst v1  }
0x26c: {  	v1 =	vld.idx.msk [tilespmem:v2+s13+$0x0], $0xffff  }
0x26d: {  	v2 =	vor.u32 $0x64, v0;
	_ =	sdelay $0x3  }
0x26e: {  	[tilespmem:$0x1E30] =	vst v1  }
0x26f: {  	v1 =	vld.idx.msk [tilespmem:v2+s13+$0x0], $0xffff  }
0x270: {  	v2 =	vor.u32 $0x65, v0;
	_ =	sdelay $0x3  }
0x271: {  	[tilespmem:$0x1E40] =	vst v1  }
0x272: {  	v1 =	vld.idx.msk [tilespmem:v2+s13+$0x0], $0xffff  }
0x273: {  	v2 =	vor.u32 $0x66, v0;
	_ =	sdelay $0x3  }
0x274: {  	[tilespmem:$0x1E50] =	vst v1  }
0x275: {  	v1 =	vld.idx.msk [tilespmem:v2+s13+$0x0], $0xffff  }
0x276: {  	v2 =	vor.u32 $0x67, v0;
	_ =	sdelay $0x3  }
0x277: {  	[tilespmem:$0x1E60] =	vst v1  }
0x278: {  	v1 =	vld.idx.msk [tilespmem:v2+s13+$0x0], $0xffff  }
0x279: {  	v2 =	vor.u32 $0x68, v0;
	_ =	sdelay $0x3  }
0x27a: {  	[tilespmem:$0x1E70] =	vst v1  }
0x27b: {  	v1 =	vld.idx.msk [tilespmem:v2+s13+$0x0], $0xffff  }
0x27c: {  	v2 =	vor.u32 $0x69, v0;
	_ =	sdelay $0x3  }
0x27d: {  	[tilespmem:$0x1E80] =	vst v1  }
0x27e: {  	v1 =	vld.idx.msk [tilespmem:v2+s13+$0x0], $0xffff  }
0x27f: {  	v2 =	vor.u32 $0x6A, v0;
	_ =	sdelay $0x3  }
0x280: {  	[tilespmem:$0x1E90] =	vst v1  }
0x281: {  	v1 =	vld.idx.msk [tilespmem:v2+s13+$0x0], $0xffff  }
0x282: {  	v2 =	vor.u32 $0x6B, v0;
	_ =	sdelay $0x3  }
0x283: {  	[tilespmem:$0x1EA0] =	vst v1  }
0x284: {  	v1 =	vld.idx.msk [tilespmem:v2+s13+$0x0], $0xffff  }
0x285: {  	v2 =	vor.u32 $0x6C, v0;
	_ =	sdelay $0x3  }
0x286: {  	[tilespmem:$0x1EB0] =	vst v1  }
0x287: {  	v1 =	vld.idx.msk [tilespmem:v2+s13+$0x0], $0xffff  }
0x288: {  	v2 =	vor.u32 $0x6D, v0;
	_ =	sdelay $0x3  }
0x289: {  	[tilespmem:$0x1EC0] =	vst v1  }
0x28a: {  	v1 =	vld.idx.msk [tilespmem:v2+s13+$0x0], $0xffff  }
0x28b: {  	v2 =	vor.u32 $0x6E, v0;
	_ =	sdelay $0x3  }
0x28c: {  	[tilespmem:$0x1ED0] =	vst v1  }
0x28d: {  	v1 =	vld.idx.msk [tilespmem:v2+s13+$0x0], $0xffff  }
0x28e: {  	v2 =	vor.u32 $0x6F, v0;
	_ =	sdelay $0x3  }
0x28f: {  	[tilespmem:$0x1EE0] =	vst v1  }
0x290: {  	v1 =	vld.idx.msk [tilespmem:v2+s13+$0x0], $0xffff  }
0x291: {  	v2 =	vor.u32 $0x70, v0;
	_ =	sdelay $0x3  }
0x292: {  	[tilespmem:$0x1EF0] =	vst v1  }
0x293: {  	v1 =	vld.idx.msk [tilespmem:v2+s13+$0x0], $0xffff  }
0x294: {  	v2 =	vor.u32 $0x71, v0;
	_ =	sdelay $0x3  }
0x295: {  	[tilespmem:$0x1F00] =	vst v1  }
0x296: {  	v1 =	vld.idx.msk [tilespmem:v2+s13+$0x0], $0xffff  }
0x297: {  	v2 =	vor.u32 $0x72, v0;
	_ =	sdelay $0x3  }
0x298: {  	[tilespmem:$0x1F10] =	vst v1  }
0x299: {  	v1 =	vld.idx.msk [tilespmem:v2+s13+$0x0], $0xffff  }
0x29a: {  	v2 =	vor.u32 $0x73, v0;
	_ =	sdelay $0x3  }
0x29b: {  	[tilespmem:$0x1F20] =	vst v1  }
0x29c: {  	v1 =	vld.idx.msk [tilespmem:v2+s13+$0x0], $0xffff  }
0x29d: {  	v2 =	vor.u32 $0x74, v0;
	_ =	sdelay $0x3  }
0x29e: {  	[tilespmem:$0x1F30] =	vst v1  }
0x29f: {  	v1 =	vld.idx.msk [tilespmem:v2+s13+$0x0], $0xffff  }
0x2a0: {  	v2 =	vor.u32 $0x75, v0;
	_ =	sdelay $0x3  }
0x2a1: {  	[tilespmem:$0x1F40] =	vst v1  }
0x2a2: {  	v1 =	vld.idx.msk [tilespmem:v2+s13+$0x0], $0xffff  }
0x2a3: {  	v2 =	vor.u32 $0x76, v0;
	_ =	sdelay $0x3  }
0x2a4: {  	[tilespmem:$0x1F50] =	vst v1  }
0x2a5: {  	v1 =	vld.idx.msk [tilespmem:v2+s13+$0x0], $0xffff  }
0x2a6: {  	v2 =	vor.u32 $0x77, v0;
	_ =	sdelay $0x3  }
0x2a7: {  	[tilespmem:$0x1F60] =	vst v1  }
0x2a8: {  	v1 =	vld.idx.msk [tilespmem:v2+s13+$0x0], $0xffff  }
0x2a9: {  	v2 =	vor.u32 $0x78, v0;
	_ =	sdelay $0x3  }
0x2aa: {  	[tilespmem:$0x1F70] =	vst v1  }
0x2ab: {  	v1 =	vld.idx.msk [tilespmem:v2+s13+$0x0], $0xffff  }
0x2ac: {  	v2 =	vor.u32 $0x79, v0;
	_ =	sdelay $0x3  }
0x2ad: {  	[tilespmem:$0x1F80] =	vst v1  }
0x2ae: {  	v1 =	vld.idx.msk [tilespmem:v2+s13+$0x0], $0xffff  }
0x2af: {  	v2 =	vor.u32 $0x7A, v0;
	_ =	sdelay $0x3  }
0x2b0: {  	[tilespmem:$0x1F90] =	vst v1  }
0x2b1: {  	v1 =	vld.idx.msk [tilespmem:v2+s13+$0x0], $0xffff  }
0x2b2: {  	v2 =	vor.u32 $0x7B, v0;
	_ =	sdelay $0x3  }
0x2b3: {  	[tilespmem:$0x1FA0] =	vst v1  }
0x2b4: {  	v1 =	vld.idx.msk [tilespmem:v2+s13+$0x0], $0xffff  }
0x2b5: {  	v2 =	vor.u32 $0x7C, v0;
	_ =	sdelay $0x3  }
0x2b6: {  	[tilespmem:$0x1FB0] =	vst v1  }
0x2b7: {  	v1 =	vld.idx.msk [tilespmem:v2+s13+$0x0], $0xffff  }
0x2b8: {  	v2 =	vor.u32 $0x7D, v0;
	_ =	sdelay $0x3  }
0x2b9: {  	[tilespmem:$0x1FC0] =	vst v1  }
0x2ba: {  	v1 =	vld.idx.msk [tilespmem:v2+s13+$0x0], $0xffff  }
0x2bb: {  	v2 =	vor.u32 $0x7E, v0;
	_ =	sdelay $0x3  }
0x2bc: {  	[tilespmem:$0x1FD0] =	vst v1  }
0x2bd: {  	v1 =	vld.idx.msk [tilespmem:v2+s13+$0x0], $0xffff  }
0x2be: {  	v2 =	vor.u32 $0x7F, v0;
	_ =	sdelay $0x3  }
0x2bf: {  	[tilespmem:$0x1FE0] =	vst v1  }
0x2c0: {  	v1 =	vld.idx.msk [tilespmem:v2+s13+$0x0], $0xffff;
	_ =	sdelay $0x3  }
.Ltmp6:
0x2c1: {  	s31 =	sadd.s32 $0x3, s25;
	(pc) =	sbr.rel .LBB2_6-.Ltmp6, $4  }
0x2c2: {  	p0 =	sge.u32 s31, s3;
	[tilespmem:$0x1FF0] =	vst v1  }
0x2c3: {  	[hbm4b:s22+s2] =	stream.linear.scatter [tilespmem:s17], [sflag:$0x4], $0x800, $0x38;
	[tilespmem:$0x2000] =	vst v63  }
0x2c4: {  	s26 =	simm.s32 @!p0 $0x400;
	s28 =	simm.s32 @!p0 $0x7A1400;
	s29 =	simm.s32 @!p0 $0x800  }
0x2c5: {  	[tilespmem:s29], [sflag:$0x2] =	stream.strided.gather @!p0 [hbm4b:s21+s26], $0x800, s28, s26, $0x38;
	[tilespmem:$0x2000] =	vst v63  }
.LBB2_8:
0x2c6: {  	_ =	sfence.sel $0x180000  }
0x2c7: {  	[bflag:$0x0] =	sbarrier.arrive $0xFFFF  }
0x2c8: {  	p0 =	sne.s32 s0, $0x0;
	_ =	strace $0x90000047  }
0x2c9: {  	s0 =	sadd.s32 @!p0 $0x100000, s1;
	[bflag:$0x2] =	sbarrier.arrive $0xFFFF  }
0x2ca: {  	[sflag:s0] =	ssyncadd.tile.s32 @!p0 $0x1;
	_ =	shalt  }
.Lfunc_end2:
_tile_overlayer_lowered:
.L_overlay_start_2:
0x2cb: {  	(tag) =	ssettag $0x2  }
0x2cc: {  	s0 =	rddreg [dreg:$0x0];
	s2 =	stileid.u32  }
0x2cd: {  	s1 =	rddreg [dreg:$0x1];
	p0 =	sne.s32 s2, $0x0  }
0x2ce: {  	s3 =	rddreg [dreg:$0x2];
	[bflag:$0x3] =	sbarrier.arrive $0xFFFF;
	s2 =	simm.s32 @!p0 $0x1C05  }
0x2cf: {  	[timem:s3], [sflag:s2] =	dma.local @!p0 [hbm:s0], s1  }
0x2d0: {  	s0 =	simm.s32 @!p0 $0x5  }
0x2d1: {  	_ =	swait.ge @!p0 [sflag:s0], s1  }
0x2d2: {  	s1 =	ssub.s32 @!p0 $0x0, s1;
	[sflag:s0] =	ssyncset.done @!p0 $0x0  }
0x2d3: {  	[sflag:s0] =	ssyncadd.s32 @!p0 s1  }
0x2d4: {  	[bflag:$0x3] =	sbarrier.arrive $0xFFFF  }
0x2d5: {  	_ =	shalt  }

// kernel: kernel.7.cloned.1.call-start
scs
__scs_entry_jumppad:
0x0: {  	(pc) =	sbr.rel $0x88, $3  }
0x1: {  	(tag) =	ssettag $0x0;
	lr =	simm.s32 $0x1  }
0x2: {  	[smem:$0x3F9F] =	sst lr;
	_ =	strace $0xD0000000  }
0x3: {  	_ = 	snop  }
0x4: {  	_ = 	snop  }
0x5: {  	_ = 	snop  }
0x6: {  	_ = 	snop  }
0x7: {  	_ = 	snop  }
__scs_overlays_trampoline_lowered:
0x8: {  	[smem:$0x3FAE] =	sst s0  }
0x9: {  	[smem:$0x3FAF] =	sst s1  }
0xa: {  	[smem:$0x3FB0] =	sst s2  }
0xb: {  	[smem:$0x3FB1] =	sst s3  }
0xc: {  	[smem:$0x3FB2] =	sst s4  }
0xd: {  	[smem:$0x3FB3] =	sst s5  }
0xe: {  	[smem:$0x3FB4] =	sst s6  }
0xf: {  	[smem:$0x3FB5] =	sst s7  }
0x10: {  	[smem:$0x3FB6] =	sst s8  }
0x11: {  	[smem:$0x3FB7] =	sst s9;
	s0 =	simm.s32 @!p0 $0x0  }
0x12: {  	s1 =	sld [smem:$0x3F9D];
	s0 =	simm.s32 @p0 $0x1  }
0x13: {  	[smem:$0x3FB8] =	sst s0;
	s0 =	simm.s32 @!p1 $0x0  }
0x14: {  	s2 =	sld [smem:$0x3F9C];
	s0 =	simm.s32 @p1 $0x1  }
0x15: {  	[smem:$0x3FB9] =	sst s0;
	s0 =	simm.s32 @!p2 $0x0  }
0x16: {  	s3 =	sld [smem:$0x3FDB];
	s0 =	simm.s32 @p2 $0x1  }
0x17: {  	s4 =	simm.s32 $0x1BF5;
	[smem:$0x3FBB] =	sst s0  }
0x18: {  	s0 =	sld [smem:$0x3F9E];
	_ =	swait.ge [sflag:s4], $0x0  }
0x19: {  	s7 =	sld [smem:$0x3F9F]  }
0x1a: {  	s8 =	sadd.s32 $0xFFFFE003, lr  }
0x1b: {  	s9 =	sadd.s32 $0xFFFFFEF7, lr;
	s5 =	simm.s32 $0xFFFFFFFF;
	p2 =	slt.u32 s8, $0xFFFFF086  }
0x1c: {  	p1 =	slt.u32 s9, $0xF7A;
	s5 =	simm.s32 @!p2 $0x0  }
0x1d: {  	s5 =	simm.s32 @p1 $0x1;
	p0 =	seq.s32 s7, s2  }
0x1e: {  	s7 =	smul.u32 @!p0 $0xF7A, s2;
	p2 =	seq.s32 @!p0 s5, $0x0  }
0x1f: {  	s9 =	smul.u32 $0xF7A, s1;
	s8 =	simm.s32 @!p0 $0x1BF5;
	p2 =	por !p2, p0  }
0x20: {  	[sflag:s8] =	ssyncset.s32 @!p0 $0xFFFFF086;
	s6 =	sadd.s32 @!p0 s3, s7;
	s7 =	simm.s32 @!p0 $0x108  }
0x21: {  	s3 =	sadd.s32 s3, s9;
	s6 =	sadd.s32 @!p0 $0x88, s6;
	s7 =	simm.s32 @p2 $0x1082  }
0x22: {  	[simem:s7], [sflag:s8] =	dma.local @!p0 [hbm:s6], $0xF7A  }
0x23: {  	s9 =	sor.u32 $0xD0000000, s2;
	s6 =	simm.s32 $0x108;
	_ =	swait.ge @!p0 [sflag:s8], $0x0  }
0x24: {  	s3 =	sadd.s32 $0x88, s3;
	s6 =	simm.s32 @!p1 $0x1082;
	[sflag:s4] =	ssyncset.s32 $0xFFFFF086  }
0x25: {  	[simem:s6], [sflag:s4] =	dma.local [hbm:s3], $0xF7A  }
0x26: {  	[smem:$0x3F9F] =	sst s1;
	(tag) =	ssettag s2;
	_ =	strace s9  }
0x27: {  	s1 =	sld [smem:$0x3FAF]  }
0x28: {  	s2 =	sld [smem:$0x3FB0]  }
0x29: {  	s4 =	sld [smem:$0x3FB2]  }
0x2a: {  	p0 =	seq.s32 s5, $0x0;
	s5 =	sld [smem:$0x3FB3]  }
0x2b: {  	s6 =	sld [smem:$0x3FB4]  }
0x2c: {  	s7 =	sld [smem:$0x3FB5]  }
0x2d: {  	s3 =	simm.s32 $0x108;
	s8 =	sld [smem:$0x3FB6]  }
0x2e: {  	s3 =	simm.s32 @!p0 $0x1082;
	s9 =	sld [smem:$0x3FB7]  }
0x2f: {  	lr =	sadd.s32 s0, s3;
	s0 =	sld [smem:$0x3FAE]  }
0x30: {  	s3 =	sld [smem:$0x3FB1]  }
0x31: {  	[smem:$0x3FBA] =	sst s10  }
0x32: {  	s10 =	sld [smem:$0x3FB8];
	_ =	sdelay $0x3  }
0x33: {  	p0 =	seq.s32 s10, $0x1;
	s10 =	sld [smem:$0x3FBA];
	_ =	sdelay $0x3  }
0x34: {  	[smem:$0x3FBA] =	sst s10  }
0x35: {  	s10 =	sld [smem:$0x3FB9];
	_ =	sdelay $0x3  }
0x36: {  	p1 =	seq.s32 s10, $0x1;
	s10 =	sld [smem:$0x3FBA];
	_ =	sdelay $0x3  }
0x37: {  	[smem:$0x3FBA] =	sst s10  }
0x38: {  	s10 =	sld [smem:$0x3FBB]  }
0x39: {  	_ = 	snop;
	(pc) =	sbr.ind lr, $3  }
0x3a: {  	_ = 	snop  }
0x3b: {  	_ = 	snop  }
0x3c: {  	p2 =	seq.s32 s10, $0x1;
	s10 =	sld [smem:$0x3FBA]  }
0x3d: {  	_ =	shalt  }
0x3e: {  	_ =	shalt  }
0x3f: {  	_ =	shalt  }
0x40: {  	_ =	shalt  }
0x41: {  	_ =	shalt  }
0x42: {  	_ =	shalt  }
0x43: {  	_ =	shalt  }
0x44: {  	_ =	shalt  }
0x45: {  	_ =	shalt  }
0x46: {  	_ =	shalt  }
0x47: {  	_ =	shalt  }
0x48: {  	_ =	shalt  }
0x49: {  	_ =	shalt  }
0x4a: {  	_ =	shalt  }
0x4b: {  	_ =	shalt  }
0x4c: {  	_ =	shalt  }
0x4d: {  	_ =	shalt  }
0x4e: {  	_ =	shalt  }
0x4f: {  	_ =	shalt  }
0x50: {  	_ =	shalt  }
0x51: {  	_ =	shalt  }
0x52: {  	_ =	shalt  }
0x53: {  	_ =	shalt  }
0x54: {  	_ =	shalt  }
0x55: {  	_ =	shalt  }
0x56: {  	_ =	shalt  }
0x57: {  	_ =	shalt  }
0x58: {  	_ =	shalt  }
0x59: {  	_ =	shalt  }
0x5a: {  	_ =	shalt  }
0x5b: {  	_ =	shalt  }
0x5c: {  	_ =	shalt  }
0x5d: {  	_ =	shalt  }
0x5e: {  	_ =	shalt  }
0x5f: {  	_ =	shalt  }
0x60: {  	_ =	shalt  }
0x61: {  	_ =	shalt  }
0x62: {  	_ =	shalt  }
0x63: {  	_ =	shalt  }
0x64: {  	_ =	shalt  }
0x65: {  	_ =	shalt  }
0x66: {  	_ =	shalt  }
0x67: {  	_ =	shalt  }
0x68: {  	_ =	shalt  }
0x69: {  	_ =	shalt  }
0x6a: {  	_ =	shalt  }
0x6b: {  	_ =	shalt  }
0x6c: {  	_ =	shalt  }
0x6d: {  	_ =	shalt  }
0x6e: {  	_ =	shalt  }
0x6f: {  	_ =	shalt  }
0x70: {  	_ =	shalt  }
0x71: {  	_ =	shalt  }
0x72: {  	_ =	shalt  }
0x73: {  	_ =	shalt  }
0x74: {  	_ =	shalt  }
0x75: {  	_ =	shalt  }
0x76: {  	_ =	shalt  }
0x77: {  	_ =	shalt  }
0x78: {  	_ =	shalt  }
0x79: {  	_ =	shalt  }
0x7a: {  	_ =	shalt  }
0x7b: {  	_ =	shalt  }
0x7c: {  	_ =	shalt  }
0x7d: {  	_ =	shalt  }
0x7e: {  	_ =	shalt  }
0x7f: {  	_ =	shalt  }
0x80: {  	_ =	shalt  }
0x81: {  	_ =	shalt  }
0x82: {  	_ =	shalt  }
0x83: {  	_ =	shalt  }
0x84: {  	_ =	shalt  }
0x85: {  	_ =	shalt  }
0x86: {  	_ =	shalt  }
0x87: {  	_ =	shalt  }
.Lfunc_end0:
.L_simem_size_0:
called_computation.1_lowered:
.L_overlay_start_0:
0x88: {  	s2 =	sld [smem:$0x3FD9]  }
0x89: {  	s3 =	sld [smem:$0x3FFE];
	_ =	sdelay $0x1  }
0x8a: {  	s1 =	srdreg.scid  }
0x8b: {  	s0 =	sand.u32 $0x1, s1  }
0x8c: {  	s17 =	sshll.u32 s0, $0xA;
	s2 =	sadd.s32 s3, s2  }
0x8d: {  	s2 =	sadd.s32 s2, s17  }
0x8e: {  	[smem:$0x3FC6] =	sst s2  }
0x8f: {  	_ = 	snop  }
0x90: {  	s2 =	sld [smem:$0x3FC9]  }
0x91: {  	s18 =	sld [smem:$0x3FD0];
	(tm) =	ssettm $0x1  }
0x92: {  	s4 =	sld [smem:$0x3FFB];
	_ =	sdelay $0x3  }
0x93: {  	_ =	strace s4  }
0x94: {  	s4 =	sld [smem:$0x3FFC];
	_ =	sdelay $0x3  }
0x95: {  	_ =	strace s4  }
0x96: {  	s4 =	sld [smem:$0x3FFD];
	_ =	sdelay $0x3  }
0x97: {  	_ =	strace s4  }
0x98: {  	_ =	strace $0x8FFFFFFF  }
0x99: {  	s19 =	sld [smem:$0x3FDB];
	_ =	sdelay $0x1  }
0x9a: {  	s5 =	simm.s32 $_scs_section_size  }
0x9b: {  	s6 =	simm.s32 $_size__tile_overlayer_lowered;
	s7 =	simm.s32 $_tile_overlayer_lowered  }
0x9c: {  	s22 =	simm.s32 $0x1BFF;
	s21 =	sshll.u32 s7, $0x1;
	s4 =	sadd.s32 s5, s19  }
0x9d: {  	s8 =	simm.s32 $0x0;
	s20 =	sshll.u32 s6, $0x1;
	s6 =	sadd.s32 s21, s4  }
0x9e: {  	[timem:s8], [sflag:s22] =	dma.local [hbm:s6], s20  }
0x9f: {  	_ =	swait.ge [sflag:s22], s20  }
0xa0: {  	s5 =	ssub.s32 $0x0, s20;
	[sflag:s22] =	ssyncset.done $0x0  }
0xa1: {  	[sflag:s22] =	ssyncadd.s32 s5;
	_ =	sdelay $0x1  }
0xa2: {  	s23 =	simm.s32 $0x1B8B  }
0xa3: {  	_ =	swait.ge [sflag:s23], $0x1  }
0xa4: {  	[sflag:s23] =	ssyncset.done $0x0  }
0xa5: {  	s25 =	simm.s32 $0x1B8E;
	s24 =	sld [smem:$0x3FFE];
	[sflag:s23] =	ssyncadd.s32 $0xFFFFFFFF  }
0xa6: {  	s26 =	simm.s32 $execute0_lowered;
	[smem:$0x3FD2] =	sst s25  }
0xa7: {  	s6 =	sshll.u32 s26, $0x1;
	_ =	strace $0x80000049;
	[dreg:$0x1] =	wrdreg $0xFFFFFFFF  }
0xa8: {  	s28 =	simm.s32 $_size_execute0_lowered;
	s4 =	sadd.s32 s4, s6;
	[dreg:$0x0] =	wrdreg $0x0  }
0xa9: {  	s6 =	sshll.u32 s28, $0x1;
	[dreg:$0x2] =	wrdreg s4  }
0xaa: {  	[dreg:$0x3] =	wrdreg s6  }
0xab: {  	[dreg:$0x4] =	wrdreg $0xC0  }
0xac: {  	_ =	task [dreg:s8], $0x5FFFF  }
0xad: {  	[dreg:$0x1] =	wrdreg $0xFFFFFFFF  }
0xae: {  	[dreg:$0x0] =	wrdreg $0x60  }
0xaf: {  	[dreg:$0x2] =	wrdreg s24  }
0xb0: {  	[dreg:$0x3] =	wrdreg s2  }
0xb1: {  	[dreg:$0x4] =	wrdreg s18  }
0xb2: {  	[dreg:$0x5] =	wrdreg $0x9  }
0xb3: {  	_ =	task.clear_ibuf [dreg:s8], $0x6FFFF;
	_ =	strace $0x90000049  }
0xb4: {  	s29 =	simm.s32 $0x9;
	_ =	strace $0x8000004B  }
0xb5: {  	_ =	swait.ge [sflag:s29], $0x1  }
0xb6: {  	[sflag:s29] =	ssyncadd.s32 $0xFFFFFFFF  }
0xb7: {  	_ =	strace $0x9000004B  }
0xb8: {  	_ =	sfence  }
0xb9: {  	s30 =	sld [smem:$0x0];
	_ =	sdelay $0x2  }
0xba: {  	s31 =	sshll.u32 s1, $0xD;
	s1 =	sshrl.u32 s1, $0x2  }
0xbb: {  	s3 =	sand.u32 $0x4000, s31;
	s1 =	sadd.s32 s1, s30  }
0xbc: {  	s0 =	sor.u32 s3, s0;
	s1 =	sshll.u32 s1, $0x11  }
0xbd: {  	s0 =	sor.u32 s1, s0  }
0xbe: {  	s0 =	sadd.s32 $0x8F2B, s0  }
0xbf: {  	[sflag:s0] =	ssyncadd.remote.s32 $0x1  }
0xc0: {  	_ =	sfence.sel $0xFFFF  }
0xc1: {  	[dreg:$0x0] =	wrdreg $0xFFFFFFFF;
	(pc) =	sbr.abs _section_cstart, $3  }
0xc2: {  	[dreg:$0x1] =	wrdreg $0xFFFFFFFF  }
0xc3: {  	_ =	task.clear_ibuf [dreg:s8], $0x2FFFF;
	_ =	strace $0x9FFFFFFF  }
0xc4: {  	(tm) =	ssettm $0x7FFFFFFF  }
0xc5: {  	_ =	shalt  }
tec
execute0_lowered:
.L_overlay_start_1:
0x0: {  	(tag) =	ssettag $0x1  }
0x1: {  	s4 =	rddreg [dreg:$0x0]  }
0x2: {  	s5 =	rddreg [dreg:$0x1]  }
0x3: {  	s6 =	rddreg [dreg:$0x2]  }
0x4: {  	s0 =	rddreg [dreg:$0x3]  }
0x5: {  	s2 =	simm.s32 $0x0;
	s3 =	srdreg.scid;
	s1 =	stileid.u32  }
0x6: {  	s11 =	simm.s32 $0x400;
	s12 =	simm.s32 $0x280;
	s13 =	simm.s32 $0x4400  }
0x7: {  	s14 =	simm.s32 $0x300;
	s15 =	simm.s32 $0x8400;
	s16 =	simm.s32 $0x380  }
0x8: {  	s17 =	simm.s32 $0xC400;
	s18 =	simm.s32 $0x1;
	s19 =	simm.s32 $0x1000  }
0x9: {  	s20 =	simm.s32 $0x20000;
	s21 =	simm.s32 $0x10400;
	s22 =	simm.s32 $0x0  }
0xa: {  	[smem:$0x7FF] =	sst s2;
	s3 =	sand.u32 $0x1, s3;
	s9 =	sshll.u32 s1, $0x9  }
0xb: {  	_ =	strace $0x8000004A;
	s7 =	ssub.s32 $0x2, s3;
	s8 =	sshll.u32 s3, $0xD  }
0xc: {  	s3 =	sadd.s32 $0x800, s4;
	s10 =	sshrl.u32 s7, $0x1;
	s8 =	sor.u32 s9, s8  }
0xd: {  	s4 =	sadd.s32 $0x1E8E00, s4;
	s7 =	ssub.s32 s7, s10;
	s9 =	sshrl.u32 s8, $0x3  }
0xe: {  	v0 =	vlaneseq.u32;
	s6 =	sadd.s32 s6, s8;
	s8 =	simm.s32 $0x12400;
	s10 =	simm.s32 $0x80  }
0xf: {  	v0 =	vmul.u32 $0x80, v0;
	s5 =	sadd.s32 s5, s9;
	s7 =	smax.u32 s7, $0x1;
	s9 =	simm.s32 $0x2  }
.LBB2_1:
0x10: {  	[tilespmem:s8], [sflag:$0x2] =	stream.linear.gather [hbm4b:s4+s2], $0x400, $0x38;
	[tilespmem:$0x12800] =	vst v63  }
0x11: {  	_ =	swait.ge [sflag:s9], $0x400  }
0x12: {  	[sflag:s9] =	ssyncset.done $0x0  }
0x13: {  	[sflag:s9] =	ssyncadd.s32 $0xFFFFFC00  }
0x14: {  	[tilespmem:s2], [sflag:$0x2] =	stream.linear.gather [hbm4b:s5+s2], $0x200, $0x38;
	[tilespmem:$0x12800] =	vst v63  }
0x15: {  	_ =	swait.ge [sflag:s9], $0x200  }
0x16: {  	[sflag:s9] =	ssyncset.done $0x0  }
0x17: {  	s23 =	simm.s32 $0x0;
	[sflag:s9] =	ssyncadd.s32 $0xFFFFFE00  }
0x18: {  	s24 =	simm.s32 $0x40;
	v1 =	vld [tilespmem:s23+$0x0]  }
.LBB2_2:
0x19: {  	p0 =	sne.s32 s24, $0x7C0  }
.Ltmp0:
0x1a: {  	_ = 	snop;
	(pc) =	sbr.rel @p0 .LBB2_2-.Ltmp0, $3  }
0x1b: {  	_ =	sdelay $0x1  }
0x1c: {  	s25 =	sshra.s32 s24, $0x2;
	s24 =	sadd.s32 $0x40, s24;
	v2 =	vshra.s32 v1, $0x3  }
0x1d: {  	v1 =	vld [tilespmem:s25+$0x0];
	[tilespmem:s23+$0x200] =	vst v2;
	s23 =	smov.u32 s25  }
0x1e: {  	_ =	sdelay $0x3  }
0x1f: {  	v1 =	vshra.s32 v1, $0x3  }
0x20: {  	[tilespmem:s23+$0x200] =	vst v1;
	s23 =	simm.s32 $0x200  }
0x21: {  	[tilespmem:s11], [sflag:$0x1] =	stream.indirect.gather [hbm4b:s3+s10], $0x80, s23, s10, $0xb8;
	[tilespmem:$0x12800] =	vst v63  }
0x22: {  	_ = 	snop  }
0x23: {  	[tilespmem:s13], [sflag:$0x1] =	stream.indirect.gather [hbm4b:s3+s10], $0x80, s12, s10, $0xb8;
	[tilespmem:$0x12800] =	vst v63  }
0x24: {  	_ = 	snop  }
0x25: {  	[tilespmem:s15], [sflag:$0x1] =	stream.indirect.gather [hbm4b:s3+s10], $0x80, s14, s10, $0xb8;
	[tilespmem:$0x12800] =	vst v63  }
0x26: {  	_ = 	snop  }
0x27: {  	[tilespmem:s17], [sflag:$0x1] =	stream.indirect.gather [hbm4b:s3+s10], $0x80, s16, s10, $0xb8;
	[tilespmem:$0x12800] =	vst v63  }
0x28: {  	_ =	swait.ge [sflag:s18], $0x4000  }
0x29: {  	[sflag:s18] =	ssyncset.done $0x0  }
0x2a: {  	[sflag:s18] =	ssyncadd.s32 $0xFFFFC000  }
0x2b: {  	_ =	swait.ge [sflag:s18], $0x4000  }
0x2c: {  	[sflag:s18] =	ssyncset.done $0x0  }
0x2d: {  	[sflag:s18] =	ssyncadd.s32 $0xFFFFC000  }
0x2e: {  	_ =	swait.ge [sflag:s18], $0x4000  }
0x2f: {  	[sflag:s18] =	ssyncset.done $0x0  }
0x30: {  	[sflag:s18] =	ssyncadd.s32 $0xFFFFC000  }
0x31: {  	_ =	swait.ge [sflag:s18], $0x4000  }
0x32: {  	[sflag:s18] =	ssyncset.done $0x0  }
0x33: {  	[sflag:s18] =	ssyncadd.s32 $0xFFFFC000  }
0x34: {  	s24 =	simm.s32 $0x0;
	v1 =	vld [tilespmem:s23+$0x0]  }
0x35: {  	v2 =	vld [tilespmem:s24+$0x0];
	_ =	sdelay $0x3  }
0x36: {  	v3 =	vmov s24;
	vm0 =	vgt.s32 v1, $0x1E840  }
0x37: {  	v3 =	vshll.u32 v3, $0x7;
	v2 =	vshll.u32 v2, $0x4;
	v4 =	vnsel vm0, $0x1E840, v1  }
0x38: {  	v5 =	vor.u32 v0, v3;
	v2 =	vand.u32 $0x70, v2;
	v3 =	vshll.u32 v4, $0x7  }
0x39: {  	v4 =	vor.u32 v5, v2;
	v6 =	vadd.s32 $0xFF0BE000, v3  }
0x3a: {  	v3 =	vor.u32 v2, v6;
	_ =	sdelay $0x3  }
0x3b: {  	v4 =	vld.idx.msk [tilespmem:v4+s11+$0x0], $0xffff  }
0x3c: {  	v3 =	vld.idx.msk [tilespmem:v3+s8+$0x0], $0xffff  }
0x3d: {  	v7 =	vor.u32 $0x1, v2  }
0x3e: {  	v8 =	vor.u32 v5, v7  }
0x3f: {  	v7 =	vor.u32 v6, v7  }
0x40: {  	s25 =	sand.u32 $0x70, s24;
	s26 =	sand.u32 $0xC00, s24;
	vm0 =	vgt.s32 v1, $0x1E83F  }
0x41: {  	s25 =	sor.u32 s25, s26;
	v1 =	vsel vm0, v3, v4  }
0x42: {  	[tilespmem:s25+$0x10400] =	vst v1  }
0x43: {  	v1 =	vld.idx.msk [tilespmem:v8+s11+$0x0], $0xffff  }
0x44: {  	v3 =	vld.idx.msk [tilespmem:v7+s8+$0x0], $0xffff  }
0x45: {  	v4 =	vor.u32 $0x2, v2  }
0x46: {  	v7 =	vor.u32 v5, v4  }
0x47: {  	v4 =	vor.u32 v6, v4;
	_ =	sdelay $0x1  }
0x48: {  	s26 =	sadd.s32 $0x10400, s25;
	v1 =	vsel vm0, v3, v1  }
0x49: {  	[tilespmem:s26+$0x80] =	vst v1  }
0x4a: {  	v1 =	vld.idx.msk [tilespmem:v7+s11+$0x0], $0xffff  }
0x4b: {  	v3 =	vld.idx.msk [tilespmem:v4+s8+$0x0], $0xffff  }
0x4c: {  	v4 =	vor.u32 $0x3, v2  }
0x4d: {  	v7 =	vor.u32 v5, v4  }
0x4e: {  	v4 =	vor.u32 v6, v4;
	_ =	sdelay $0x1  }
0x4f: {  	v1 =	vsel vm0, v3, v1  }
0x50: {  	[tilespmem:s26+$0x100] =	vst v1  }
0x51: {  	v1 =	vld.idx.msk [tilespmem:v7+s11+$0x0], $0xffff  }
0x52: {  	v3 =	vld.idx.msk [tilespmem:v4+s8+$0x0], $0xffff  }
0x53: {  	v4 =	vor.u32 $0x4, v2  }
0x54: {  	v7 =	vor.u32 v5, v4  }
0x55: {  	v4 =	vor.u32 v6, v4;
	_ =	sdelay $0x1  }
0x56: {  	v1 =	vsel vm0, v3, v1  }
0x57: {  	[tilespmem:s26+$0x180] =	vst v1  }
0x58: {  	v1 =	vld.idx.msk [tilespmem:v7+s11+$0x0], $0xffff  }
0x59: {  	v3 =	vld.idx.msk [tilespmem:v4+s8+$0x0], $0xffff  }
0x5a: {  	v4 =	vor.u32 $0x5, v2  }
0x5b: {  	v7 =	vor.u32 v5, v4  }
0x5c: {  	v4 =	vor.u32 v6, v4;
	_ =	sdelay $0x1  }
0x5d: {  	v1 =	vsel vm0, v3, v1  }
0x5e: {  	[tilespmem:s26+$0x200] =	vst v1  }
0x5f: {  	v1 =	vld.idx.msk [tilespmem:v7+s11+$0x0], $0xffff  }
0x60: {  	v3 =	vld.idx.msk [tilespmem:v4+s8+$0x0], $0xffff  }
0x61: {  	v4 =	vor.u32 $0x6, v2  }
0x62: {  	v7 =	vor.u32 v5, v4  }
0x63: {  	v4 =	vor.u32 v6, v4;
	_ =	sdelay $0x1  }
0x64: {  	v1 =	vsel vm0, v3, v1  }
0x65: {  	[tilespmem:s26+$0x280] =	vst v1  }
0x66: {  	v1 =	vld.idx.msk [tilespmem:v7+s11+$0x0], $0xffff  }
0x67: {  	v3 =	vld.idx.msk [tilespmem:v4+s8+$0x0], $0xffff  }
0x68: {  	v4 =	vor.u32 $0x7, v2  }
0x69: {  	v7 =	vor.u32 v5, v4  }
0x6a: {  	v4 =	vor.u32 v6, v4;
	_ =	sdelay $0x1  }
0x6b: {  	v1 =	vsel vm0, v3, v1  }
0x6c: {  	[tilespmem:s26+$0x300] =	vst v1  }
0x6d: {  	v1 =	vld.idx.msk [tilespmem:v7+s11+$0x0], $0xffff  }
0x6e: {  	v3 =	vld.idx.msk [tilespmem:v4+s8+$0x0], $0xffff  }
0x6f: {  	v4 =	vor.u32 $0x8, v2  }
0x70: {  	v7 =	vor.u32 v5, v4  }
0x71: {  	v4 =	vor.u32 v6, v4  }
0x72: {  	s31 =	sor.u32 s24, s24  }
0x73: {  	s26 =	sor.u32 $0x380, s31;
	v1 =	vsel vm0, v3, v1  }
0x74: {  	[tilespmem:s26+$0x10400] =	vst v1  }
0x75: {  	v1 =	vld.idx.msk [tilespmem:v7+s11+$0x0], $0xffff  }
0x76: {  	v3 =	vld.idx.msk [tilespmem:v4+s8+$0x0], $0xffff  }
0x77: {  	v4 =	vor.u32 $0x9, v2  }
0x78: {  	v7 =	vor.u32 v5, v4  }
0x79: {  	v4 =	vor.u32 v6, v4;
	_ =	sdelay $0x1  }
0x7a: {  	v1 =	vsel vm0, v3, v1  }
0x7b: {  	[tilespmem:s25+$0x11400] =	vst v1  }
0x7c: {  	v1 =	vld.idx.msk [tilespmem:v7+s11+$0x0], $0xffff  }
0x7d: {  	v3 =	vld.idx.msk [tilespmem:v4+s8+$0x0], $0xffff  }
0x7e: {  	v4 =	vor.u32 $0xA, v2  }
0x7f: {  	v7 =	vor.u32 v5, v4  }
0x80: {  	v4 =	vor.u32 v6, v4;
	_ =	sdelay $0x1  }
0x81: {  	v1 =	vsel vm0, v3, v1  }
0x82: {  	[tilespmem:s25+$0x11480] =	vst v1  }
0x83: {  	v1 =	vld.idx.msk [tilespmem:v7+s11+$0x0], $0xffff  }
0x84: {  	v3 =	vld.idx.msk [tilespmem:v4+s8+$0x0], $0xffff  }
0x85: {  	v4 =	vor.u32 $0xB, v2  }
0x86: {  	v7 =	vor.u32 v5, v4  }
0x87: {  	v4 =	vor.u32 v6, v4;
	_ =	sdelay $0x1  }
0x88: {  	v1 =	vsel vm0, v3, v1  }
0x89: {  	[tilespmem:s25+$0x11500] =	vst v1  }
0x8a: {  	v1 =	vld.idx.msk [tilespmem:v7+s11+$0x0], $0xffff  }
0x8b: {  	v3 =	vld.idx.msk [tilespmem:v4+s8+$0x0], $0xffff  }
0x8c: {  	v4 =	vor.u32 $0xC, v2  }
0x8d: {  	v7 =	vor.u32 v5, v4  }
0x8e: {  	v4 =	vor.u32 v6, v4;
	_ =	sdelay $0x1  }
0x8f: {  	v1 =	vsel vm0, v3, v1  }
0x90: {  	[tilespmem:s25+$0x11580] =	vst v1  }
0x91: {  	v1 =	vld.idx.msk [tilespmem:v7+s11+$0x0], $0xffff  }
0x92: {  	v3 =	vld.idx.msk [tilespmem:v4+s8+$0x0], $0xffff  }
0x93: {  	v4 =	vor.u32 $0xD, v2  }
0x94: {  	v7 =	vor.u32 v5, v4  }
0x95: {  	v4 =	vor.u32 v6, v4;
	_ =	sdelay $0x1  }
0x96: {  	v1 =	vsel vm0, v3, v1  }
0x97: {  	[tilespmem:s25+$0x11600] =	vst v1  }
0x98: {  	v1 =	vld.idx.msk [tilespmem:v7+s11+$0x0], $0xffff  }
0x99: {  	v3 =	vld.idx.msk [tilespmem:v4+s8+$0x0], $0xffff;
	_ =	sdelay $0x2  }
0x9a: {  	v4 =	vor.u32 $0xE, v2  }
0x9b: {  	v7 =	vor.u32 v5, v4  }
0x9c: {  	v1 =	vsel vm0, v3, v1;
	v3 =	vor.u32 v6, v4;
	_ =	sdelay $0x2  }
0x9d: {  	v2 =	vor.u32 $0xF, v2;
	[tilespmem:s25+$0x11680] =	vst v1  }
0x9e: {  	s28 =	simm.s32 $0x0;
	s26 =	simm.s32 $0x10;
	v1 =	vor.u32 v5, v2;
	v2 =	vor.u32 v6, v2;
	v4 =	vld.idx.msk [tilespmem:v7+s11+$0x0], $0xffff  }
.LBB2_4:
0x9f: {  	v3 =	vld.idx.msk [tilespmem:v3+s8+$0x0], $0xffff;
	s24 =	sadd.s32 $0x80, s24;
	s23 =	sadd.s32 $0x10, s23;
	s28 =	sadd.s32 $0x10, s28  }
0xa0: {  	p0 =	sne.s32 s26, $0x1F0;
	s29 =	smov.u32 s26;
	s26 =	sadd.s32 $0x10, s26  }
0xa1: {  	_ =	sdelay $0x3  }
0xa2: {  	v3 =	vsel vm0, v3, v4  }
0xa3: {  	[tilespmem:s25+$0x11700] =	vst v3  }
0xa4: {  	v1 =	vld.idx.msk [tilespmem:v1+s11+$0x0], $0xffff  }
0xa5: {  	v2 =	vld.idx.msk [tilespmem:v2+s8+$0x0], $0xffff;
	_ =	sdelay $0x5  }
0xa6: {  	v1 =	vsel vm0, v2, v1  }
0xa7: {  	[tilespmem:s25+$0x11780] =	vst v1  }
0xa8: {  	v1 =	vld [tilespmem:s23+$0x0]  }
0xa9: {  	v2 =	vld [tilespmem:s28+$0x0];
	_ =	sdelay $0x3  }
0xaa: {  	v3 =	vmov s29;
	vm0 =	vgt.s32 v1, $0x1E840  }
0xab: {  	v3 =	vshll.u32 v3, $0x7;
	v4 =	vnsel vm0, $0x1E840, v1;
	v2 =	vshll.u32 v2, $0x4  }
0xac: {  	v17 =	vor.u32 v0, v3;
	v2 =	vand.u32 $0x70, v2;
	v3 =	vshll.u32 v4, $0x7  }
0xad: {  	v4 =	vor.u32 v17, v2;
	v18 =	vadd.s32 $0xFF0BE000, v3;
	v19 =	vor.u32 $0x2, v2  }
0xae: {  	v5 =	vor.u32 $0x3, v2;
	v3 =	vor.u32 v2, v18;
	v20 =	vor.u32 v18, v19  }
0xaf: {  	v21 =	vor.u32 v17, v5;
	v22 =	vor.u32 v18, v5;
	v5 =	vor.u32 $0x4, v2  }
0xb0: {  	v23 =	vor.u32 v17, v5;
	v24 =	vor.u32 v18, v5;
	v5 =	vor.u32 $0x5, v2  }
0xb1: {  	v25 =	vor.u32 v17, v5;
	v26 =	vor.u32 v18, v5;
	v5 =	vor.u32 $0x6, v2  }
0xb2: {  	v27 =	vor.u32 v17, v5;
	v28 =	vor.u32 v18, v5;
	v5 =	vor.u32 $0x7, v2;
	v4 =	vld.idx.msk [tilespmem:v4+s11+$0x0], $0xffff  }
0xb3: {  	v29 =	vor.u32 v17, v5;
	v30 =	vor.u32 v18, v5;
	v5 =	vor.u32 $0x8, v2;
	v3 =	vld.idx.msk [tilespmem:v3+s8+$0x0], $0xffff  }
0xb4: {  	v16 =	vor.u32 v17, v5;
	v15 =	vor.u32 v18, v5;
	v5 =	vor.u32 $0x9, v2  }
0xb5: {  	v6 =	vor.u32 $0x1, v2;
	v14 =	vor.u32 v17, v5;
	v13 =	vor.u32 v18, v5  }
0xb6: {  	v31 =	vor.u32 v17, v6;
	v32 =	vor.u32 v18, v6;
	v5 =	vor.u32 $0xA, v2  }
0xb7: {  	v12 =	vor.u32 v17, v5;
	v11 =	vor.u32 v18, v5;
	v5 =	vor.u32 $0xB, v2  }
0xb8: {  	s30 =	sand.u32 $0xC00, s24;
	s25 =	sand.u32 $0x70, s29;
	vm0 =	vgt.s32 v1, $0x1E83F;
	v10 =	vor.u32 v17, v5;
	v9 =	vor.u32 v18, v5  }
0xb9: {  	s25 =	sor.u32 s25, s30;
	v1 =	vsel vm0, v3, v4;
	v3 =	vor.u32 $0xC, v2;
	v4 =	vor.u32 $0xD, v2  }
0xba: {  	v8 =	vor.u32 v17, v3;
	v7 =	vor.u32 v18, v3;
	v5 =	vor.u32 v17, v4;
	[tilespmem:s25+$0x10400] =	vst v1  }
0xbb: {  	v6 =	vor.u32 v18, v4;
	v1 =	vor.u32 $0xE, v2;
	v2 =	vor.u32 $0xF, v2;
	v31 =	vld.idx.msk [tilespmem:v31+s11+$0x0], $0xffff  }
0xbc: {  	v4 =	vor.u32 v17, v1;
	v3 =	vor.u32 v18, v1;
	v1 =	vor.u32 v17, v2;
	v32 =	vld.idx.msk [tilespmem:v32+s8+$0x0], $0xffff  }
0xbd: {  	v2 =	vor.u32 v18, v2;
	_ =	sdelay $0x1  }
0xbe: {  	v17 =	vor.u32 v17, v19;
	_ =	sdelay $0x2  }
0xbf: {  	s30 =	sadd.s32 $0x10400, s25;
	v18 =	vsel vm0, v32, v31  }
0xc0: {  	[tilespmem:s30+$0x80] =	vst v18  }
0xc1: {  	v17 =	vld.idx.msk [tilespmem:v17+s11+$0x0], $0xffff  }
0xc2: {  	v18 =	vld.idx.msk [tilespmem:v20+s8+$0x0], $0xffff;
	_ =	sdelay $0x5  }
0xc3: {  	v17 =	vsel vm0, v18, v17  }
0xc4: {  	[tilespmem:s30+$0x100] =	vst v17  }
0xc5: {  	v17 =	vld.idx.msk [tilespmem:v21+s11+$0x0], $0xffff  }
0xc6: {  	v18 =	vld.idx.msk [tilespmem:v22+s8+$0x0], $0xffff;
	_ =	sdelay $0x5  }
0xc7: {  	v17 =	vsel vm0, v18, v17  }
0xc8: {  	[tilespmem:s30+$0x180] =	vst v17  }
0xc9: {  	v17 =	vld.idx.msk [tilespmem:v23+s11+$0x0], $0xffff  }
0xca: {  	v18 =	vld.idx.msk [tilespmem:v24+s8+$0x0], $0xffff;
	_ =	sdelay $0x5  }
0xcb: {  	v17 =	vsel vm0, v18, v17  }
0xcc: {  	[tilespmem:s30+$0x200] =	vst v17  }
0xcd: {  	v17 =	vld.idx.msk [tilespmem:v25+s11+$0x0], $0xffff  }
0xce: {  	v18 =	vld.idx.msk [tilespmem:v26+s8+$0x0], $0xffff;
	_ =	sdelay $0x5  }
0xcf: {  	v17 =	vsel vm0, v18, v17  }
0xd0: {  	[tilespmem:s30+$0x280] =	vst v17  }
0xd1: {  	v17 =	vld.idx.msk [tilespmem:v27+s11+$0x0], $0xffff  }
0xd2: {  	v18 =	vld.idx.msk [tilespmem:v28+s8+$0x0], $0xffff;
	_ =	sdelay $0x5  }
0xd3: {  	v17 =	vsel vm0, v18, v17  }
0xd4: {  	[tilespmem:s30+$0x300] =	vst v17  }
0xd5: {  	v17 =	vld.idx.msk [tilespmem:v29+s11+$0x0], $0xffff  }
0xd6: {  	v18 =	vld.idx.msk [tilespmem:v30+s8+$0x0], $0xffff;
	_ =	sdelay $0x4  }
0xd7: {  	s29 =	sor.u32 s24, s29  }
0xd8: {  	s29 =	sor.u32 $0x380, s29;
	v17 =	vsel vm0, v18, v17  }
0xd9: {  	[tilespmem:s29+$0x10400] =	vst v17  }
0xda: {  	v16 =	vld.idx.msk [tilespmem:v16+s11+$0x0], $0xffff  }
0xdb: {  	v15 =	vld.idx.msk [tilespmem:v15+s8+$0x0], $0xffff;
	_ =	sdelay $0x5  }
0xdc: {  	v15 =	vsel vm0, v15, v16  }
0xdd: {  	[tilespmem:s25+$0x11400] =	vst v15  }
0xde: {  	v14 =	vld.idx.msk [tilespmem:v14+s11+$0x0], $0xffff  }
0xdf: {  	v13 =	vld.idx.msk [tilespmem:v13+s8+$0x0], $0xffff;
	_ =	sdelay $0x5  }
0xe0: {  	v13 =	vsel vm0, v13, v14  }
0xe1: {  	[tilespmem:s25+$0x11480] =	vst v13  }
0xe2: {  	v12 =	vld.idx.msk [tilespmem:v12+s11+$0x0], $0xffff  }
0xe3: {  	v11 =	vld.idx.msk [tilespmem:v11+s8+$0x0], $0xffff;
	_ =	sdelay $0x5  }
0xe4: {  	v11 =	vsel vm0, v11, v12  }
0xe5: {  	[tilespmem:s25+$0x11500] =	vst v11  }
0xe6: {  	v10 =	vld.idx.msk [tilespmem:v10+s11+$0x0], $0xffff  }
0xe7: {  	v9 =	vld.idx.msk [tilespmem:v9+s8+$0x0], $0xffff;
	_ =	sdelay $0x5  }
0xe8: {  	v9 =	vsel vm0, v9, v10  }
0xe9: {  	[tilespmem:s25+$0x11580] =	vst v9  }
0xea: {  	v8 =	vld.idx.msk [tilespmem:v8+s11+$0x0], $0xffff  }
0xeb: {  	v7 =	vld.idx.msk [tilespmem:v7+s8+$0x0], $0xffff;
	_ =	sdelay $0x5  }
0xec: {  	v7 =	vsel vm0, v7, v8  }
0xed: {  	[tilespmem:s25+$0x11600] =	vst v7  }
0xee: {  	v5 =	vld.idx.msk [tilespmem:v5+s11+$0x0], $0xffff  }
0xef: {  	v6 =	vld.idx.msk [tilespmem:v6+s8+$0x0], $0xffff;
	_ =	sdelay $0x3  }
.Ltmp1:
0xf0: {  	(pc) =	sbr.rel @p0 .LBB2_4-.Ltmp1, $4  }
0xf1: {  	_ = 	snop  }
0xf2: {  	v5 =	vsel vm0, v6, v5  }
0xf3: {  	[tilespmem:s25+$0x11680] =	vst v5  }
0xf4: {  	v4 =	vld.idx.msk [tilespmem:v4+s11+$0x0], $0xffff  }
0xf5: {  	_ =	sdelay $0x3  }
0xf6: {  	v3 =	vld.idx.msk [tilespmem:v3+s8+$0x0], $0xffff;
	_ =	sdelay $0x4  }
0xf7: {  	v3 =	vsel vm0, v3, v4  }
0xf8: {  	[tilespmem:s25+$0x11700] =	vst v3  }
0xf9: {  	v1 =	vld.idx.msk [tilespmem:v1+s11+$0x0], $0xffff  }
0xfa: {  	v2 =	vld.idx.msk [tilespmem:v2+s8+$0x0], $0xffff;
	_ =	sdelay $0x3  }
0xfb: {  	s22 =	sadd.s32 $0x1, s22  }
0xfc: {  	p0 =	sne.s32 s22, s7;
	v1 =	vsel vm0, v2, v1  }
.Ltmp2:
0xfd: {  	[tilespmem:s25+$0x11780] =	vst v1;
	(pc) =	sbr.rel @p0 .LBB2_1-.Ltmp2, $4  }
0xfe: {  	[hbm4b:s6+s19] =	stream.strided.scatter [tilespmem:s21], [sflag:$0x2], $0x2000, s20, s19, $0x38;
	[tilespmem:$0x12800] =	vst v63  }
0xff: {  	_ =	swait.ge [sflag:s9], $0x2000  }
0x100: {  	[sflag:s9] =	ssyncset.done $0x0  }
0x101: {  	[sflag:s9] =	ssyncadd.s32 $0xFFFFE000  }
0x102: {  	_ =	sfence.sel $0x180000  }
0x103: {  	[bflag:$0x0] =	sbarrier.arrive $0xFFFF  }
0x104: {  	p0 =	sne.s32 s1, $0x0;
	_ =	strace $0x9000004A  }
0x105: {  	s0 =	sadd.s32 @!p0 $0x100000, s0;
	[bflag:$0x2] =	sbarrier.arrive $0xFFFF  }
0x106: {  	[sflag:s0] =	ssyncadd.tile.s32 @!p0 $0x1;
	_ =	shalt  }
.Lfunc_end2:
_tile_overlayer_lowered:
.L_overlay_start_2:
0x107: {  	(tag) =	ssettag $0x2  }
0x108: {  	s0 =	rddreg [dreg:$0x0];
	s2 =	stileid.u32  }
0x109: {  	s1 =	rddreg [dreg:$0x1];
	p0 =	sne.s32 s2, $0x0  }
0x10a: {  	s3 =	rddreg [dreg:$0x2];
	[bflag:$0x3] =	sbarrier.arrive $0xFFFF;
	s2 =	simm.s32 @!p0 $0x1C02  }
0x10b: {  	[timem:s3], [sflag:s2] =	dma.local @!p0 [hbm:s0], s1  }
0x10c: {  	s0 =	simm.s32 @!p0 $0x2  }
0x10d: {  	_ =	swait.ge @!p0 [sflag:s0], s1  }
0x10e: {  	s1 =	ssub.s32 @!p0 $0x0, s1;
	[sflag:s0] =	ssyncset.done @!p0 $0x0  }
0x10f: {  	[sflag:s0] =	ssyncadd.s32 @!p0 s1  }
0x110: {  	[bflag:$0x3] =	sbarrier.arrive $0xFFFF  }
0x111: {  	_ =	shalt  }

</sc_bundles>
